<compile_context>
chip_gen: v7x
topology: tpu7x:2x2x1
jax: 0.10.2.dev20260603
libtpu: 0.0.44.dev20260713+nightly
codegen_flags: <defaults>
</compile_context>

<pallas_src>
import functools

import jax
import jax.numpy as jnp
import numpy as np
from jax import lax
from jax.experimental import pallas as pl
from jax.experimental.pallas import tpu as pltpu
from jax.experimental.pallas import tpu_sc as plsc

NC = 2
NS = 16
L = 16
NW = NC * NS
CH = 128


def _sc_degree(n_pad, jd):
    mesh = plsc.VectorSubcoreMesh(core_axis_name="c", subcore_axis_name="s")
    gstep = 8

    @functools.partial(
        pl.kernel,
        out_type=jax.ShapeDtypeStruct((NC, NS, n_pad), jnp.float32),
        mesh=mesh,
        scratch_types=[
            pltpu.VMEM((gstep, CH), jnp.int32),
            pltpu.VMEM((n_pad,), jnp.float32),
        ],
        compiler_params=pltpu.CompilerParams(needs_layout_passes=False),
    )
    def deg_kernel(dst_hbm, out_hbm, stage_v, deg_v):
        c = lax.axis_index("c")
        s = lax.axis_index("s")
        w = c * NS + s
        zeros16 = jnp.zeros((L,), jnp.float32)

        def zb(i, carry):
            deg_v[pl.ds(i * L, L)] = zeros16
            return carry

        lax.fori_loop(0, n_pad // L, zb, 0)
        ones16 = jnp.ones((L,), jnp.float32)

        def body(r, carry):
            for k in range(CH // L):
                plsc.addupdate_scatter(
                    deg_v, [stage_v[r, pl.ds(k * L, L)]], ones16)
            return carry

        for g in range(0, jd, gstep):
            pltpu.sync_copy(dst_hbm.at[w, pl.ds(g, gstep)], stage_v)
            lax.fori_loop(0, gstep, body, 0)
        pltpu.sync_copy(deg_v, out_hbm.at[c, s])

    return deg_kernel


RD = 4
RB = 2


def _sc_scatter(n_pad, jw, d):
    mesh = plsc.VectorSubcoreMesh(core_axis_name="c", subcore_axis_name="s")
    rt = n_pad // NS

    @functools.partial(
        pl.kernel,
        out_type=jax.ShapeDtypeStruct((NC, n_pad, d), jnp.float32),
        mesh=mesh,
        scratch_types=[
            pltpu.VMEM((RD, CH), jnp.int32),
            pltpu.VMEM((RD, CH), jnp.int32),
            pltpu.VMEM((RB, CH, d), jnp.float32),
            pltpu.VMEM_SHARED((n_pad, d), jnp.float32),
            pltpu.SemaphoreType.DMA,
            pltpu.SemaphoreType.DMA,
            pltpu.SemaphoreType.DMA,
            pltpu.SemaphoreType.DMA,
        ],
    )
    def scat_kernel(hp_hbm, src_hbm, dst_hbm, out_hbm,
                    su_v, du_v, rows_v, acc_sh, gsem, ssem, us_sem, ud_sem):
        c = lax.axis_index("c")
        s = lax.axis_index("s")

        zeros16 = jnp.zeros((L,), jnp.float32)

        def zb(i, carry):
            for k in range(d // L):
                rows_v[1, i, pl.ds(k * L, L)] = zeros16
            return carry

        lax.fori_loop(0, CH, zb, 0)

        def zb2(i, carry):
            pltpu.sync_copy(
                rows_v.at[1],
                acc_sh.at[pl.ds(pl.multiple_of(s * rt + i * CH, 8), CH)])
            return carry

        lax.fori_loop(0, rt // CH, zb2, 0)
        if rt % CH:
            pltpu.sync_copy(
                rows_v.at[1, pl.ds(0, rt % CH)],
                acc_sh.at[pl.ds(
                    pl.multiple_of(s * rt + (rt // CH) * CH, 8), rt % CH)])
        plsc.subcore_barrier()

        def stage(j):
            r = lax.rem(j, RD)
            pltpu.async_copy(src_hbm.at[c, s, j], su_v.at[r], us_sem)
            pltpu.async_copy(dst_hbm.at[c, s, j], du_v.at[r], ud_sem)

        def wait_stage(j):
            r = lax.rem(j, RD)
            pltpu.make_async_copy(src_hbm.at[c, s, j], su_v.at[r],
                                  us_sem).wait()
            pltpu.make_async_copy(dst_hbm.at[c, s, j], du_v.at[r],
                                  ud_sem).wait()

        for t in range(min(RD - 1, jw)):
            stage(t)
        wait_stage(0)
        pltpu.async_copy(hp_hbm.at[su_v.at[0]], rows_v.at[0], gsem)

        def body(j, carry):
            b = lax.rem(j, 2)
            r = lax.rem(j, RD)
            pltpu.make_async_copy(hp_hbm.at[su_v.at[r]],
                                  rows_v.at[b], gsem).wait()
            pltpu.async_copy(rows_v.at[b], acc_sh.at[du_v.at[r]], ssem,
                             add=True)

            @pl.when(j >= 1)
            def _():
                rp = lax.rem(j + RD - 1, RD)
                pltpu.make_async_copy(rows_v.at[1 - b],
                                      acc_sh.at[du_v.at[rp]], ssem).wait()

            @pl.when(j + 1 < jw)
            def _():
                wait_stage(j + 1)
                rn = lax.rem(j + 1, RD)
                pltpu.async_copy(hp_hbm.at[su_v.at[rn]],
                                 rows_v.at[1 - b], gsem)

            @pl.when(j + RD - 1 < jw)
            def _():
                stage(j + RD - 1)

            return carry

        lax.fori_loop(0, jw, body, 0)
        pltpu.make_async_copy(rows_v.at[(jw - 1) % 2],
                              acc_sh.at[du_v.at[(jw - 1) % RD]], ssem).wait()
        plsc.subcore_barrier()
        pltpu.sync_copy(
            acc_sh.at[pl.ds(pl.multiple_of(s * rt, 8), rt)],
            out_hbm.at[c, pl.ds(pl.multiple_of(s * rt, 8), rt)])

    return scat_kernel


def _tc_dinv(deg_p, n_pad):

    def body(dp_ref, o_ref):
        deg = jnp.sum(dp_ref[...], axis=(0, 1)) + 1.0
        o_ref[...] = lax.rsqrt(deg).reshape(1, n_pad)

    return pl.pallas_call(
        body,
        grid=(1,),
        in_specs=[pl.BlockSpec((NC, NS, n_pad), lambda i: (0, 0, 0))],
        out_specs=pl.BlockSpec((1, n_pad), lambda i: (0, 0)),
        out_shape=jax.ShapeDtypeStruct((1, n_pad), jnp.float32),
    )(deg_p)


def _tc_matmul(x, w, blk):
    n, d = x.shape

    def body(x_ref, w_ref, o_ref):
        o_ref[...] = jnp.dot(x_ref[...], w_ref[...],
                             preferred_element_type=jnp.float32)

    return pl.pallas_call(
        body,
        grid=(n // blk,),
        in_specs=[
            pl.BlockSpec((blk, d), lambda i: (i, 0)),
            pl.BlockSpec((d, d), lambda i: (0, 0)),
        ],
        out_specs=pl.BlockSpec((blk, d), lambda i: (i, 0)),
        out_shape=jax.ShapeDtypeStruct((n, d), jnp.float32),
    )(x, w)


def _tc_scale(dinv, h, blk):
    n, d = h.shape

    def body(dv_ref, h_ref, o_ref):
        o_ref[...] = h_ref[...] * dv_ref[...]

    return pl.pallas_call(
        body,
        grid=(n // blk,),
        in_specs=[
            pl.BlockSpec((blk, 1), lambda i: (i, 0)),
            pl.BlockSpec((blk, d), lambda i: (i, 0)),
        ],
        out_specs=pl.BlockSpec((blk, d), lambda i: (i, 0)),
        out_shape=jax.ShapeDtypeStruct((n, d), jnp.float32),
    )(dinv, h)


def _tc_mid(dinv, p, hp, b, a, w, blk):
    n, d = hp.shape

    def body(dv_ref, p_ref, hp_ref, b_ref, a_ref, w_ref, o_ref):
        dc = dv_ref[...]
        t = dc * (p_ref[0] + p_ref[1] + hp_ref[...]) + b_ref[...]
        u = jnp.where(t >= 0, t, a_ref[...] * t)
        h = jnp.dot(u, w_ref[...], preferred_element_type=jnp.float32)
        o_ref[...] = h * dc

    return pl.pallas_call(
        body,
        grid=(n // blk,),
        in_specs=[
            pl.BlockSpec((blk, 1), lambda i: (i, 0)),
            pl.BlockSpec((NC, blk, d), lambda i: (0, i, 0)),
            pl.BlockSpec((blk, d), lambda i: (i, 0)),
            pl.BlockSpec((1, d), lambda i: (0, 0)),
            pl.BlockSpec((1, 1), lambda i: (0, 0)),
            pl.BlockSpec((d, d), lambda i: (0, 0)),
        ],
        out_specs=pl.BlockSpec((blk, d), lambda i: (i, 0)),
        out_shape=jax.ShapeDtypeStruct((n, d), jnp.float32),
    )(dinv, p, hp, b, a, w)


def _tc_last(dinv, p, hp, b, a, blk):
    n, d = hp.shape

    def body(dv_ref, p_ref, hp_ref, b_ref, a_ref, o_ref):
        t = dv_ref[...] * (p_ref[0] + p_ref[1] + hp_ref[...]) + b_ref[...]
        o_ref[...] = jnp.where(t >= 0, t, a_ref[...] * t)

    return pl.pallas_call(
        body,
        grid=(n // blk,),
        in_specs=[
            pl.BlockSpec((blk, 1), lambda i: (i, 0)),
            pl.BlockSpec((NC, blk, d), lambda i: (0, i, 0)),
            pl.BlockSpec((blk, d), lambda i: (i, 0)),
            pl.BlockSpec((1, d), lambda i: (0, 0)),
            pl.BlockSpec((1, 1), lambda i: (0, 0)),
        ],
        out_specs=pl.BlockSpec((blk, d), lambda i: (i, 0)),
        out_shape=jax.ShapeDtypeStruct((n, d), jnp.float32),
    )(dinv, p, hp, b, a)


def kernel(x, edge_index, W1, b1, a1, W2, b2, a2):
    n, d = x.shape
    e = edge_index.shape[1]
    src = edge_index[0].astype(jnp.int32)
    dst = edge_index[1].astype(jnp.int32)

    nch = -(-e // (CH * NW * 8)) * NW * 8
    ep = nch * CH
    jw = nch // NW
    n_pad = (n // 128 + 2) * 128

    ar = np.arange(ep - e, dtype=np.int32)
    pad_src = jnp.asarray(ar % np.int32(n))
    pad_dst = jnp.asarray(n + ar % np.int32(n_pad - n))
    srcp = jnp.concatenate([src, pad_src])
    dstp = jnp.concatenate([dst, pad_dst])
    dst_w = dstp.reshape(NW, jw, CH)
    src_cs = srcp.reshape(NC, NS, jw, CH)
    dst_cs = dstp.reshape(NC, NS, jw, CH)

    blk = 1000 if n % 1000 == 0 else 8
    assert n % blk == 0

    deg_p = _sc_degree(n_pad, jw)(dst_w)
    h1 = _tc_matmul(x, W1, blk)
    dinv = jnp.swapaxes(_tc_dinv(deg_p, n_pad), 0, 1)[:n]

    scat = _sc_scatter(n_pad, jw, d)
    hp1 = _tc_scale(dinv, h1, blk)
    p1 = scat(hp1, src_cs, dst_cs)
    hp2 = _tc_mid(dinv, p1, hp1, b1.reshape(1, d), a1.reshape(1, 1), W2, blk)
    p2 = scat(hp2, src_cs, dst_cs)
    return _tc_last(dinv, p2, hp2, b2.reshape(1, d), a2.reshape(1, 1), blk)

# --- scband reference (transcript-rebuilt; emitter-appended) ---
"""Pipeline reference for scband-gcnencoder-5205500363413 (READ-ONLY COPY).

The authoritative reference and input builder live on the scoring server;
editing this copy changes nothing except your own understanding.
"""

import jax, jax.numpy as jnp
import numpy as np

N_NODES = 10000
D = 128
N_EDGES = 320000


def _gcn_conv(x, src, dst, W, b):
    N = x.shape[0]
    loop = jnp.arange(N, dtype=src.dtype)
    src2 = jnp.concatenate([src, loop])
    dst2 = jnp.concatenate([dst, loop])
    deg = jnp.zeros((N,), dtype=x.dtype).at[dst2].add(1.0)
    dinv = jnp.where(deg > 0, deg ** -0.5, 0.0)
    norm = dinv[src2] * dinv[dst2]
    h = x @ W
    msg = jnp.take(h, src2, axis=0) * norm[:, None]
    out = jnp.zeros((N, h.shape[1]), dtype=x.dtype).at[dst2].add(msg)
    return out + b


def _prelu(x, a):
    return jnp.where(x >= 0, x, a * x)


def setup_inputs(seed: int = 0) -> dict:
    key = jax.random.key(seed)
    k = jax.random.split(key, 8)
    x = jax.random.normal(k[0], (N_NODES, D), dtype=jnp.float32)
    edge_index = jax.random.randint(k[1], (2, N_EDGES), 0, N_NODES, dtype=jnp.int64)
    glorot = (6.0 / (D + D)) ** 0.5
    W1 = jax.random.uniform(k[2], (D, D), dtype=jnp.float32, minval=-glorot, maxval=glorot)
    b1 = jnp.zeros((D,), dtype=jnp.float32)
    a1 = jnp.full((1,), 0.25, dtype=jnp.float32)
    W2 = jax.random.uniform(k[3], (D, D), dtype=jnp.float32, minval=-glorot, maxval=glorot)
    b2 = jnp.zeros((D,), dtype=jnp.float32)
    a2 = jnp.full((1,), 0.25, dtype=jnp.float32)
    return {"x": x, "edge_index": edge_index, "W1": W1, "b1": b1, "a1": a1, "W2": W2, "b2": b2, "a2": a2}


def reference(x, edge_index, W1, b1, a1, W2, b2, a2):
    src = edge_index[0]
    dst = edge_index[1]
    # layer 1: GCNConv -> PReLU -> dropout (identity in eval mode)
    h = _gcn_conv(x, src, dst, W1, b1)
    h = _prelu(h, a1)
    # layer 2: GCNConv -> PReLU
    h = _gcn_conv(h, src, dst, W2, b2)
    h = _prelu(h, a2)
    return h

if __name__ == "__main__":
    import jax
    _d = setup_inputs()
    print(jax.jit(kernel)(*tuple(_d.values())))

</pallas_src>

<mosaic_0001>
#map = affine_map<(d0, d1) -> (0, 0, 0)>
module attributes {stable_mosaic.version = 14 : i64} {
  func.func @deg_kernel(%arg0: i32, %arg1: i32, %arg2: memref<32x80x128xi32, #tpu.memory_space<hbm>>, %arg3: memref<2x16x10240xf32, #tpu.memory_space<hbm>>, %arg4: memref<8x128xi32, #tpu.memory_space<vmem>>, %arg5: memref<10240xf32, #tpu.memory_space<vmem>>) attributes {dimension_semantics = [#tpu.dimension_semantics<core_parallel>, #tpu.dimension_semantics<subcore_parallel>], iteration_bounds = array<i64: 2, 16>, scalar_prefetch = 0 : i64, scratch_operands = 2 : i64, tpu.core_type = #tpu.core_type<sc_vector_subcore>, window_params = [{transform_indices = #map}, {transform_indices = #map}]} {
    %mul3A = arith.constant 16 : i32
    %mul3A_0 = arith.muli %arg0, %mul3A : i32
    %add3A = arith.addi %mul3A_0, %arg1 : i32
    %broadcast_in_dim3A = arith.constant 0.000000e+00 : f32
    %broadcast_in_dim3A_1 = vector.broadcast %broadcast_in_dim3A : f32 to vector<16xf32>
    %scan3A = arith.constant 0 : i32
    %scan3A_2 = arith.constant 0 : i32
    %scan3A_3 = arith.constant 640 : i32
    %scan3A_4 = arith.addi %scan3A_2, %scan3A_3 : i32
    %scan3A_5 = arith.constant 1 : i32
    scf.for %scan3A_69 = %scan3A_2 to %scan3A_4 step %scan3A_5  : i32 {
      %mul3A_70 = arith.constant 16 : i32
      %mul3A_71 = arith.muli %scan3A_69, %mul3A_70 : i32
      %swap3A = arith.index_cast %mul3A_71 : i32 to index
      %swap3A_72 = tpu.vector_load %arg5[%swap3A] {strides = array<i32>} : memref<10240xf32, #tpu.memory_space<vmem>>, vector<16xf32>,
      tpu.vector_store %arg5[%swap3A], %broadcast_in_dim3A_1 {strides = array<i32>} : memref<10240xf32, #tpu.memory_space<vmem>>, vector<16xf32>,
    }
    %scan3A_6 = arith.constant 640 : i32
    %broadcast_in_dim3A_7 = arith.constant 1.000000e+00 : f32
    %broadcast_in_dim3A_8 = vector.broadcast %broadcast_in_dim3A_7 : f32 to vector<16xf32>
    "tpu.region"() ({
      %run_scoped3A = tpu.sem_alloc : memref<!tpu.dma_semaphore, #tpu.memory_space<semaphore_mem>>
      %dma_start3A = arith.constant 0 : i32
      %dma_start3A_69 = arith.constant 0 : i32
      %dma_start3A_70 = tpu.memref_slice %arg2[%add3A, %dma_start3A, %dma_start3A_69] : memref<32x80x128xi32, #tpu.memory_space<hbm>> -> memref<1x8x128xi32, #tpu.memory_space<hbm>>
      %dma_start3A_71 = tpu.memref_squeeze %dma_start3A_70 : memref<1x8x128xi32, #tpu.memory_space<hbm>> -> memref<8x128xi32, #tpu.memory_space<hbm>>
      %dma_start3A_72 = arith.constant 0 : i32
      %dma_start3A_73 = arith.constant 0 : i32
      %dma_start3A_74 = tpu.memref_slice %arg2[%add3A, %dma_start3A_72, %dma_start3A_73] : memref<32x80x128xi32, #tpu.memory_space<hbm>> -> memref<1x8x128xi32, #tpu.memory_space<hbm>>
      %dma_start3A_75 = tpu.memref_squeeze %dma_start3A_74 : memref<1x8x128xi32, #tpu.memory_space<hbm>> -> memref<8x128xi32, #tpu.memory_space<hbm>>
      tpu.enqueue_dma source(%dma_start3A_75 : memref<8x128xi32, #tpu.memory_space<hbm>>) target(%arg4 : memref<8x128xi32, #tpu.memory_space<vmem>>) target_semaphore(%run_scoped3A : memref<!tpu.dma_semaphore, #tpu.memory_space<semaphore_mem>>)
      %dma_wait3A = arith.constant 0 : i32
      %dma_wait3A_76 = arith.constant 0 : i32
      %dma_wait3A_77 = tpu.memref_slice %arg2[%add3A, %dma_wait3A, %dma_wait3A_76] : memref<32x80x128xi32, #tpu.memory_space<hbm>> -> memref<1x8x128xi32, #tpu.memory_space<hbm>>
      %dma_wait3A_78 = tpu.memref_squeeze %dma_wait3A_77 : memref<1x8x128xi32, #tpu.memory_space<hbm>> -> memref<8x128xi32, #tpu.memory_space<hbm>>
      %dma_wait3A_79 = arith.constant 0 : i32
      %dma_wait3A_80 = arith.constant 0 : i32
      %dma_wait3A_81 = tpu.memref_slice %arg2[%add3A, %dma_wait3A_79, %dma_wait3A_80] : memref<32x80x128xi32, #tpu.memory_space<hbm>> -> memref<1x8x128xi32, #tpu.memory_space<hbm>>
      %dma_wait3A_82 = tpu.memref_squeeze %dma_wait3A_81 : memref<1x8x128xi32, #tpu.memory_space<hbm>> -> memref<8x128xi32, #tpu.memory_space<hbm>>
      tpu.wait_dma2 semaphore(%run_scoped3A : memref<!tpu.dma_semaphore, #tpu.memory_space<semaphore_mem>>) src(%dma_wait3A_82 : memref<8x128xi32, #tpu.memory_space<hbm>>) dst(%arg4 : memref<8x128xi32, #tpu.memory_space<vmem>>)
      tpu.yield
    }) : () -> ()
    %scan3A_9 = arith.constant 0 : i32
    %scan3A_10 = arith.constant 0 : i32
    %scan3A_11 = arith.constant 8 : i32
    %scan3A_12 = arith.addi %scan3A_10, %scan3A_11 : i32
    %scan3A_13 = arith.constant 1 : i32
    scf.for %scan3A_69 = %scan3A_10 to %scan3A_12 step %scan3A_13  : i32 {
      %get3A = arith.index_cast %scan3A_69 : i32 to index
      %get3A_70 = arith.constant 0 : index
      %get3A_71 = tpu.vector_load %arg4[%get3A, %get3A_70] {strides = array<i32>} : memref<8x128xi32, #tpu.memory_space<vmem>>, vector<16xi32>,
      tpu.vector_store_idx %arg5[%get3A_71], %broadcast_in_dim3A_8 {add = true} : memref<10240xf32, #tpu.memory_space<vmem>>[vector<16xi32>], vector<16xf32>,
      %get3A_72 = arith.index_cast %scan3A_69 : i32 to index
      %get3A_73 = arith.constant 16 : index
      %get3A_74 = tpu.vector_load %arg4[%get3A_72, %get3A_73] {strides = array<i32>} : memref<8x128xi32, #tpu.memory_space<vmem>>, vector<16xi32>,
      tpu.vector_store_idx %arg5[%get3A_74], %broadcast_in_dim3A_8 {add = true} : memref<10240xf32, #tpu.memory_space<vmem>>[vector<16xi32>], vector<16xf32>,
      %get3A_75 = arith.index_cast %scan3A_69 : i32 to index
      %get3A_76 = arith.constant 32 : index
      %get3A_77 = tpu.vector_load %arg4[%get3A_75, %get3A_76] {strides = array<i32>} : memref<8x128xi32, #tpu.memory_space<vmem>>, vector<16xi32>,
      tpu.vector_store_idx %arg5[%get3A_77], %broadcast_in_dim3A_8 {add = true} : memref<10240xf32, #tpu.memory_space<vmem>>[vector<16xi32>], vector<16xf32>,
      %get3A_78 = arith.index_cast %scan3A_69 : i32 to index
      %get3A_79 = arith.constant 48 : index
      %get3A_80 = tpu.vector_load %arg4[%get3A_78, %get3A_79] {strides = array<i32>} : memref<8x128xi32, #tpu.memory_space<vmem>>, vector<16xi32>,
      tpu.vector_store_idx %arg5[%get3A_80], %broadcast_in_dim3A_8 {add = true} : memref<10240xf32, #tpu.memory_space<vmem>>[vector<16xi32>], vector<16xf32>,
      %get3A_81 = arith.index_cast %scan3A_69 : i32 to index
      %get3A_82 = arith.constant 64 : index
      %get3A_83 = tpu.vector_load %arg4[%get3A_81, %get3A_82] {strides = array<i32>} : memref<8x128xi32, #tpu.memory_space<vmem>>, vector<16xi32>,
      tpu.vector_store_idx %arg5[%get3A_83], %broadcast_in_dim3A_8 {add = true} : memref<10240xf32, #tpu.memory_space<vmem>>[vector<16xi32>], vector<16xf32>,
      %get3A_84 = arith.index_cast %scan3A_69 : i32 to index
      %get3A_85 = arith.constant 80 : index
      %get3A_86 = tpu.vector_load %arg4[%get3A_84, %get3A_85] {strides = array<i32>} : memref<8x128xi32, #tpu.memory_space<vmem>>, vector<16xi32>,
      tpu.vector_store_idx %arg5[%get3A_86], %broadcast_in_dim3A_8 {add = true} : memref<10240xf32, #tpu.memory_space<vmem>>[vector<16xi32>], vector<16xf32>,
      %get3A_87 = arith.index_cast %scan3A_69 : i32 to index
      %get3A_88 = arith.constant 96 : index
      %get3A_89 = tpu.vector_load %arg4[%get3A_87, %get3A_88] {strides = array<i32>} : memref<8x128xi32, #tpu.memory_space<vmem>>, vector<16xi32>,
      tpu.vector_store_idx %arg5[%get3A_89], %broadcast_in_dim3A_8 {add = true} : memref<10240xf32, #tpu.memory_space<vmem>>[vector<16xi32>], vector<16xf32>,
      %get3A_90 = arith.index_cast %scan3A_69 : i32 to index
      %get3A_91 = arith.constant 112 : index
      %get3A_92 = tpu.vector_load %arg4[%get3A_90, %get3A_91] {strides = array<i32>} : memref<8x128xi32, #tpu.memory_space<vmem>>, vector<16xi32>,
      tpu.vector_store_idx %arg5[%get3A_92], %broadcast_in_dim3A_8 {add = true} : memref<10240xf32, #tpu.memory_space<vmem>>[vector<16xi32>], vector<16xf32>,
    }
    %scan3A_14 = arith.constant 8 : i32
    "tpu.region"() ({
      %run_scoped3A = tpu.sem_alloc : memref<!tpu.dma_semaphore, #tpu.memory_space<semaphore_mem>>
      %dma_start3A = arith.constant 8 : i32
      %dma_start3A_69 = arith.constant 0 : i32
      %dma_start3A_70 = tpu.memref_slice %arg2[%add3A, %dma_start3A, %dma_start3A_69] : memref<32x80x128xi32, #tpu.memory_space<hbm>> -> memref<1x8x128xi32, #tpu.memory_space<hbm>>
      %dma_start3A_71 = tpu.memref_squeeze %dma_start3A_70 : memref<1x8x128xi32, #tpu.memory_space<hbm>> -> memref<8x128xi32, #tpu.memory_space<hbm>>
      %dma_start3A_72 = arith.constant 8 : i32
      %dma_start3A_73 = arith.constant 0 : i32
      %dma_start3A_74 = tpu.memref_slice %arg2[%add3A, %dma_start3A_72, %dma_start3A_73] : memref<32x80x128xi32, #tpu.memory_space<hbm>> -> memref<1x8x128xi32, #tpu.memory_space<hbm>>
      %dma_start3A_75 = tpu.memref_squeeze %dma_start3A_74 : memref<1x8x128xi32, #tpu.memory_space<hbm>> -> memref<8x128xi32, #tpu.memory_space<hbm>>
      tpu.enqueue_dma source(%dma_start3A_75 : memref<8x128xi32, #tpu.memory_space<hbm>>) target(%arg4 : memref<8x128xi32, #tpu.memory_space<vmem>>) target_semaphore(%run_scoped3A : memref<!tpu.dma_semaphore, #tpu.memory_space<semaphore_mem>>)
      %dma_wait3A = arith.constant 8 : i32
      %dma_wait3A_76 = arith.constant 0 : i32
      %dma_wait3A_77 = tpu.memref_slice %arg2[%add3A, %dma_wait3A, %dma_wait3A_76] : memref<32x80x128xi32, #tpu.memory_space<hbm>> -> memref<1x8x128xi32, #tpu.memory_space<hbm>>
      %dma_wait3A_78 = tpu.memref_squeeze %dma_wait3A_77 : memref<1x8x128xi32, #tpu.memory_space<hbm>> -> memref<8x128xi32, #tpu.memory_space<hbm>>
      %dma_wait3A_79 = arith.constant 8 : i32
      %dma_wait3A_80 = arith.constant 0 : i32
      %dma_wait3A_81 = tpu.memref_slice %arg2[%add3A, %dma_wait3A_79, %dma_wait3A_80] : memref<32x80x128xi32, #tpu.memory_space<hbm>> -> memref<1x8x128xi32, #tpu.memory_space<hbm>>
      %dma_wait3A_82 = tpu.memref_squeeze %dma_wait3A_81 : memref<1x8x128xi32, #tpu.memory_space<hbm>> -> memref<8x128xi32, #tpu.memory_space<hbm>>
      tpu.wait_dma2 semaphore(%run_scoped3A : memref<!tpu.dma_semaphore, #tpu.memory_space<semaphore_mem>>) src(%dma_wait3A_82 : memref<8x128xi32, #tpu.memory_space<hbm>>) dst(%arg4 : memref<8x128xi32, #tpu.memory_space<vmem>>)
      tpu.yield
    }) : () -> ()
    %scan3A_15 = arith.constant 0 : i32
    %scan3A_16 = arith.constant 0 : i32
    %scan3A_17 = arith.constant 8 : i32
    %scan3A_18 = arith.addi %scan3A_16, %scan3A_17 : i32
    %scan3A_19 = arith.constant 1 : i32
    scf.for %scan3A_69 = %scan3A_16 to %scan3A_18 step %scan3A_19  : i32 {
      %get3A = arith.index_cast %scan3A_69 : i32 to index
      %get3A_70 = arith.constant 0 : index
      %get3A_71 = tpu.vector_load %arg4[%get3A, %get3A_70] {strides = array<i32>} : memref<8x128xi32, #tpu.memory_space<vmem>>, vector<16xi32>,
      tpu.vector_store_idx %arg5[%get3A_71], %broadcast_in_dim3A_8 {add = true} : memref<10240xf32, #tpu.memory_space<vmem>>[vector<16xi32>], vector<16xf32>,
      %get3A_72 = arith.index_cast %scan3A_69 : i32 to index
      %get3A_73 = arith.constant 16 : index
      %get3A_74 = tpu.vector_load %arg4[%get3A_72, %get3A_73] {strides = array<i32>} : memref<8x128xi32, #tpu.memory_space<vmem>>, vector<16xi32>,
      tpu.vector_store_idx %arg5[%get3A_74], %broadcast_in_dim3A_8 {add = true} : memref<10240xf32, #tpu.memory_space<vmem>>[vector<16xi32>], vector<16xf32>,
      %get3A_75 = arith.index_cast %scan3A_69 : i32 to index
      %get3A_76 = arith.constant 32 : index
      %get3A_77 = tpu.vector_load %arg4[%get3A_75, %get3A_76] {strides = array<i32>} : memref<8x128xi32, #tpu.memory_space<vmem>>, vector<16xi32>,
      tpu.vector_store_idx %arg5[%get3A_77], %broadcast_in_dim3A_8 {add = true} : memref<10240xf32, #tpu.memory_space<vmem>>[vector<16xi32>], vector<16xf32>,
      %get3A_78 = arith.index_cast %scan3A_69 : i32 to index
      %get3A_79 = arith.constant 48 : index
      %get3A_80 = tpu.vector_load %arg4[%get3A_78, %get3A_79] {strides = array<i32>} : memref<8x128xi32, #tpu.memory_space<vmem>>, vector<16xi32>,
      tpu.vector_store_idx %arg5[%get3A_80], %broadcast_in_dim3A_8 {add = true} : memref<10240xf32, #tpu.memory_space<vmem>>[vector<16xi32>], vector<16xf32>,
      %get3A_81 = arith.index_cast %scan3A_69 : i32 to index
      %get3A_82 = arith.constant 64 : index
      %get3A_83 = tpu.vector_load %arg4[%get3A_81, %get3A_82] {strides = array<i32>} : memref<8x128xi32, #tpu.memory_space<vmem>>, vector<16xi32>,
      tpu.vector_store_idx %arg5[%get3A_83], %broadcast_in_dim3A_8 {add = true} : memref<10240xf32, #tpu.memory_space<vmem>>[vector<16xi32>], vector<16xf32>,
      %get3A_84 = arith.index_cast %scan3A_69 : i32 to index
      %get3A_85 = arith.constant 80 : index
      %get3A_86 = tpu.vector_load %arg4[%get3A_84, %get3A_85] {strides = array<i32>} : memref<8x128xi32, #tpu.memory_space<vmem>>, vector<16xi32>,
      tpu.vector_store_idx %arg5[%get3A_86], %broadcast_in_dim3A_8 {add = true} : memref<10240xf32, #tpu.memory_space<vmem>>[vector<16xi32>], vector<16xf32>,
      %get3A_87 = arith.index_cast %scan3A_69 : i32 to index
      %get3A_88 = arith.constant 96 : index
      %get3A_89 = tpu.vector_load %arg4[%get3A_87, %get3A_88] {strides = array<i32>} : memref<8x128xi32, #tpu.memory_space<vmem>>, vector<16xi32>,
      tpu.vector_store_idx %arg5[%get3A_89], %broadcast_in_dim3A_8 {add = true} : memref<10240xf32, #tpu.memory_space<vmem>>[vector<16xi32>], vector<16xf32>,
      %get3A_90 = arith.index_cast %scan3A_69 : i32 to index
      %get3A_91 = arith.constant 112 : index
      %get3A_92 = tpu.vector_load %arg4[%get3A_90, %get3A_91] {strides = array<i32>} : memref<8x128xi32, #tpu.memory_space<vmem>>, vector<16xi32>,
      tpu.vector_store_idx %arg5[%get3A_92], %broadcast_in_dim3A_8 {add = true} : memref<10240xf32, #tpu.memory_space<vmem>>[vector<16xi32>], vector<16xf32>,
    }
    %scan3A_20 = arith.constant 8 : i32
    "tpu.region"() ({
      %run_scoped3A = tpu.sem_alloc : memref<!tpu.dma_semaphore, #tpu.memory_space<semaphore_mem>>
      %dma_start3A = arith.constant 16 : i32
      %dma_start3A_69 = arith.constant 0 : i32
      %dma_start3A_70 = tpu.memref_slice %arg2[%add3A, %dma_start3A, %dma_start3A_69] : memref<32x80x128xi32, #tpu.memory_space<hbm>> -> memref<1x8x128xi32, #tpu.memory_space<hbm>>
      %dma_start3A_71 = tpu.memref_squeeze %dma_start3A_70 : memref<1x8x128xi32, #tpu.memory_space<hbm>> -> memref<8x128xi32, #tpu.memory_space<hbm>>
      %dma_start3A_72 = arith.constant 16 : i32
      %dma_start3A_73 = arith.constant 0 : i32
      %dma_start3A_74 = tpu.memref_slice %arg2[%add3A, %dma_start3A_72, %dma_start3A_73] : memref<32x80x128xi32, #tpu.memory_space<hbm>> -> memref<1x8x128xi32, #tpu.memory_space<hbm>>
      %dma_start3A_75 = tpu.memref_squeeze %dma_start3A_74 : memref<1x8x128xi32, #tpu.memory_space<hbm>> -> memref<8x128xi32, #tpu.memory_space<hbm>>
      tpu.enqueue_dma source(%dma_start3A_75 : memref<8x128xi32, #tpu.memory_space<hbm>>) target(%arg4 : memref<8x128xi32, #tpu.memory_space<vmem>>) target_semaphore(%run_scoped3A : memref<!tpu.dma_semaphore, #tpu.memory_space<semaphore_mem>>)
      %dma_wait3A = arith.constant 16 : i32
      %dma_wait3A_76 = arith.constant 0 : i32
      %dma_wait3A_77 = tpu.memref_slice %arg2[%add3A, %dma_wait3A, %dma_wait3A_76] : memref<32x80x128xi32, #tpu.memory_space<hbm>> -> memref<1x8x128xi32, #tpu.memory_space<hbm>>
      %dma_wait3A_78 = tpu.memref_squeeze %dma_wait3A_77 : memref<1x8x128xi32, #tpu.memory_space<hbm>> -> memref<8x128xi32, #tpu.memory_space<hbm>>
      %dma_wait3A_79 = arith.constant 16 : i32
      %dma_wait3A_80 = arith.constant 0 : i32
      %dma_wait3A_81 = tpu.memref_slice %arg2[%add3A, %dma_wait3A_79, %dma_wait3A_80] : memref<32x80x128xi32, #tpu.memory_space<hbm>> -> memref<1x8x128xi32, #tpu.memory_space<hbm>>
      %dma_wait3A_82 = tpu.memref_squeeze %dma_wait3A_81 : memref<1x8x128xi32, #tpu.memory_space<hbm>> -> memref<8x128xi32, #tpu.memory_space<hbm>>
      tpu.wait_dma2 semaphore(%run_scoped3A : memref<!tpu.dma_semaphore, #tpu.memory_space<semaphore_mem>>) src(%dma_wait3A_82 : memref<8x128xi32, #tpu.memory_space<hbm>>) dst(%arg4 : memref<8x128xi32, #tpu.memory_space<vmem>>)
      tpu.yield
    }) : () -> ()
    %scan3A_21 = arith.constant 0 : i32
    %scan3A_22 = arith.constant 0 : i32
    %scan3A_23 = arith.constant 8 : i32
    %scan3A_24 = arith.addi %scan3A_22, %scan3A_23 : i32
    %scan3A_25 = arith.constant 1 : i32
    scf.for %scan3A_69 = %scan3A_22 to %scan3A_24 step %scan3A_25  : i32 {
      %get3A = arith.index_cast %scan3A_69 : i32 to index
      %get3A_70 = arith.constant 0 : index
      %get3A_71 = tpu.vector_load %arg4[%get3A, %get3A_70] {strides = array<i32>} : memref<8x128xi32, #tpu.memory_space<vmem>>, vector<16xi32>,
      tpu.vector_store_idx %arg5[%get3A_71], %broadcast_in_dim3A_8 {add = true} : memref<10240xf32, #tpu.memory_space<vmem>>[vector<16xi32>], vector<16xf32>,
      %get3A_72 = arith.index_cast %scan3A_69 : i32 to index
      %get3A_73 = arith.constant 16 : index
      %get3A_74 = tpu.vector_load %arg4[%get3A_72, %get3A_73] {strides = array<i32>} : memref<8x128xi32, #tpu.memory_space<vmem>>, vector<16xi32>,
      tpu.vector_store_idx %arg5[%get3A_74], %broadcast_in_dim3A_8 {add = true} : memref<10240xf32, #tpu.memory_space<vmem>>[vector<16xi32>], vector<16xf32>,
      %get3A_75 = arith.index_cast %scan3A_69 : i32 to index
      %get3A_76 = arith.constant 32 : index
      %get3A_77 = tpu.vector_load %arg4[%get3A_75, %get3A_76] {strides = array<i32>} : memref<8x128xi32, #tpu.memory_space<vmem>>, vector<16xi32>,
      tpu.vector_store_idx %arg5[%get3A_77], %broadcast_in_dim3A_8 {add = true} : memref<10240xf32, #tpu.memory_space<vmem>>[vector<16xi32>], vector<16xf32>,
      %get3A_78 = arith.index_cast %scan3A_69 : i32 to index
      %get3A_79 = arith.constant 48 : index
      %get3A_80 = tpu.vector_load %arg4[%get3A_78, %get3A_79] {strides = array<i32>} : memref<8x128xi32, #tpu.memory_space<vmem>>, vector<16xi32>,
      tpu.vector_store_idx %arg5[%get3A_80], %broadcast_in_dim3A_8 {add = true} : memref<10240xf32, #tpu.memory_space<vmem>>[vector<16xi32>], vector<16xf32>,
      %get3A_81 = arith.index_cast %scan3A_69 : i32 to index
      %get3A_82 = arith.constant 64 : index
      %get3A_83 = tpu.vector_load %arg4[%get3A_81, %get3A_82] {strides = array<i32>} : memref<8x128xi32, #tpu.memory_space<vmem>>, vector<16xi32>,
      tpu.vector_store_idx %arg5[%get3A_83], %broadcast_in_dim3A_8 {add = true} : memref<10240xf32, #tpu.memory_space<vmem>>[vector<16xi32>], vector<16xf32>,
      %get3A_84 = arith.index_cast %scan3A_69 : i32 to index
      %get3A_85 = arith.constant 80 : index
      %get3A_86 = tpu.vector_load %arg4[%get3A_84, %get3A_85] {strides = array<i32>} : memref<8x128xi32, #tpu.memory_space<vmem>>, vector<16xi32>,
      tpu.vector_store_idx %arg5[%get3A_86], %broadcast_in_dim3A_8 {add = true} : memref<10240xf32, #tpu.memory_space<vmem>>[vector<16xi32>], vector<16xf32>,
      %get3A_87 = arith.index_cast %scan3A_69 : i32 to index
      %get3A_88 = arith.constant 96 : index
      %get3A_89 = tpu.vector_load %arg4[%get3A_87, %get3A_88] {strides = array<i32>} : memref<8x128xi32, #tpu.memory_space<vmem>>, vector<16xi32>,
      tpu.vector_store_idx %arg5[%get3A_89], %broadcast_in_dim3A_8 {add = true} : memref<10240xf32, #tpu.memory_space<vmem>>[vector<16xi32>], vector<16xf32>,
      %get3A_90 = arith.index_cast %scan3A_69 : i32 to index
      %get3A_91 = arith.constant 112 : index
      %get3A_92 = tpu.vector_load %arg4[%get3A_90, %get3A_91] {strides = array<i32>} : memref<8x128xi32, #tpu.memory_space<vmem>>, vector<16xi32>,
      tpu.vector_store_idx %arg5[%get3A_92], %broadcast_in_dim3A_8 {add = true} : memref<10240xf32, #tpu.memory_space<vmem>>[vector<16xi32>], vector<16xf32>,
    }
    %scan3A_26 = arith.constant 8 : i32
    "tpu.region"() ({
      %run_scoped3A = tpu.sem_alloc : memref<!tpu.dma_semaphore, #tpu.memory_space<semaphore_mem>>
      %dma_start3A = arith.constant 24 : i32
      %dma_start3A_69 = arith.constant 0 : i32
      %dma_start3A_70 = tpu.memref_slice %arg2[%add3A, %dma_start3A, %dma_start3A_69] : memref<32x80x128xi32, #tpu.memory_space<hbm>> -> memref<1x8x128xi32, #tpu.memory_space<hbm>>
      %dma_start3A_71 = tpu.memref_squeeze %dma_start3A_70 : memref<1x8x128xi32, #tpu.memory_space<hbm>> -> memref<8x128xi32, #tpu.memory_space<hbm>>
      %dma_start3A_72 = arith.constant 24 : i32
      %dma_start3A_73 = arith.constant 0 : i32
      %dma_start3A_74 = tpu.memref_slice %arg2[%add3A, %dma_start3A_72, %dma_start3A_73] : memref<32x80x128xi32, #tpu.memory_space<hbm>> -> memref<1x8x128xi32, #tpu.memory_space<hbm>>
      %dma_start3A_75 = tpu.memref_squeeze %dma_start3A_74 : memref<1x8x128xi32, #tpu.memory_space<hbm>> -> memref<8x128xi32, #tpu.memory_space<hbm>>
      tpu.enqueue_dma source(%dma_start3A_75 : memref<8x128xi32, #tpu.memory_space<hbm>>) target(%arg4 : memref<8x128xi32, #tpu.memory_space<vmem>>) target_semaphore(%run_scoped3A : memref<!tpu.dma_semaphore, #tpu.memory_space<semaphore_mem>>)
      %dma_wait3A = arith.constant 24 : i32
      %dma_wait3A_76 = arith.constant 0 : i32
      %dma_wait3A_77 = tpu.memref_slice %arg2[%add3A, %dma_wait3A, %dma_wait3A_76] : memref<32x80x128xi32, #tpu.memory_space<hbm>> -> memref<1x8x128xi32, #tpu.memory_space<hbm>>
      %dma_wait3A_78 = tpu.memref_squeeze %dma_wait3A_77 : memref<1x8x128xi32, #tpu.memory_space<hbm>> -> memref<8x128xi32, #tpu.memory_space<hbm>>
      %dma_wait3A_79 = arith.constant 24 : i32
      %dma_wait3A_80 = arith.constant 0 : i32
      %dma_wait3A_81 = tpu.memref_slice %arg2[%add3A, %dma_wait3A_79, %dma_wait3A_80] : memref<32x80x128xi32, #tpu.memory_space<hbm>> -> memref<1x8x128xi32, #tpu.memory_space<hbm>>
      %dma_wait3A_82 = tpu.memref_squeeze %dma_wait3A_81 : memref<1x8x128xi32, #tpu.memory_space<hbm>> -> memref<8x128xi32, #tpu.memory_space<hbm>>
      tpu.wait_dma2 semaphore(%run_scoped3A : memref<!tpu.dma_semaphore, #tpu.memory_space<semaphore_mem>>) src(%dma_wait3A_82 : memref<8x128xi32, #tpu.memory_space<hbm>>) dst(%arg4 : memref<8x128xi32, #tpu.memory_space<vmem>>)
      tpu.yield
    }) : () -> ()
    %scan3A_27 = arith.constant 0 : i32
    %scan3A_28 = arith.constant 0 : i32
    %scan3A_29 = arith.constant 8 : i32
    %scan3A_30 = arith.addi %scan3A_28, %scan3A_29 : i32
    %scan3A_31 = arith.constant 1 : i32
    scf.for %scan3A_69 = %scan3A_28 to %scan3A_30 step %scan3A_31  : i32 {
      %get3A = arith.index_cast %scan3A_69 : i32 to index
      %get3A_70 = arith.constant 0 : index
      %get3A_71 = tpu.vector_load %arg4[%get3A, %get3A_70] {strides = array<i32>} : memref<8x128xi32, #tpu.memory_space<vmem>>, vector<16xi32>,
      tpu.vector_store_idx %arg5[%get3A_71], %broadcast_in_dim3A_8 {add = true} : memref<10240xf32, #tpu.memory_space<vmem>>[vector<16xi32>], vector<16xf32>,
      %get3A_72 = arith.index_cast %scan3A_69 : i32 to index
      %get3A_73 = arith.constant 16 : index
      %get3A_74 = tpu.vector_load %arg4[%get3A_72, %get3A_73] {strides = array<i32>} : memref<8x128xi32, #tpu.memory_space<vmem>>, vector<16xi32>,
      tpu.vector_store_idx %arg5[%get3A_74], %broadcast_in_dim3A_8 {add = true} : memref<10240xf32, #tpu.memory_space<vmem>>[vector<16xi32>], vector<16xf32>,
      %get3A_75 = arith.index_cast %scan3A_69 : i32 to index
      %get3A_76 = arith.constant 32 : index
      %get3A_77 = tpu.vector_load %arg4[%get3A_75, %get3A_76] {strides = array<i32>} : memref<8x128xi32, #tpu.memory_space<vmem>>, vector<16xi32>,
      tpu.vector_store_idx %arg5[%get3A_77], %broadcast_in_dim3A_8 {add = true} : memref<10240xf32, #tpu.memory_space<vmem>>[vector<16xi32>], vector<16xf32>,
      %get3A_78 = arith.index_cast %scan3A_69 : i32 to index
      %get3A_79 = arith.constant 48 : index
      %get3A_80 = tpu.vector_load %arg4[%get3A_78, %get3A_79] {strides = array<i32>} : memref<8x128xi32, #tpu.memory_space<vmem>>, vector<16xi32>,
      tpu.vector_store_idx %arg5[%get3A_80], %broadcast_in_dim3A_8 {add = true} : memref<10240xf32, #tpu.memory_space<vmem>>[vector<16xi32>], vector<16xf32>,
      %get3A_81 = arith.index_cast %scan3A_69 : i32 to index
      %get3A_82 = arith.constant 64 : index
      %get3A_83 = tpu.vector_load %arg4[%get3A_81, %get3A_82] {strides = array<i32>} : memref<8x128xi32, #tpu.memory_space<vmem>>, vector<16xi32>,
      tpu.vector_store_idx %arg5[%get3A_83], %broadcast_in_dim3A_8 {add = true} : memref<10240xf32, #tpu.memory_space<vmem>>[vector<16xi32>], vector<16xf32>,
      %get3A_84 = arith.index_cast %scan3A_69 : i32 to index
      %get3A_85 = arith.constant 80 : index
      %get3A_86 = tpu.vector_load %arg4[%get3A_84, %get3A_85] {strides = array<i32>} : memref<8x128xi32, #tpu.memory_space<vmem>>, vector<16xi32>,
      tpu.vector_store_idx %arg5[%get3A_86], %broadcast_in_dim3A_8 {add = true} : memref<10240xf32, #tpu.memory_space<vmem>>[vector<16xi32>], vector<16xf32>,
      %get3A_87 = arith.index_cast %scan3A_69 : i32 to index
      %get3A_88 = arith.constant 96 : index
      %get3A_89 = tpu.vector_load %arg4[%get3A_87, %get3A_88] {strides = array<i32>} : memref<8x128xi32, #tpu.memory_space<vmem>>, vector<16xi32>,
      tpu.vector_store_idx %arg5[%get3A_89], %broadcast_in_dim3A_8 {add = true} : memref<10240xf32, #tpu.memory_space<vmem>>[vector<16xi32>], vector<16xf32>,
      %get3A_90 = arith.index_cast %scan3A_69 : i32 to index
      %get3A_91 = arith.constant 112 : index
      %get3A_92 = tpu.vector_load %arg4[%get3A_90, %get3A_91] {strides = array<i32>} : memref<8x128xi32, #tpu.memory_space<vmem>>, vector<16xi32>,
      tpu.vector_store_idx %arg5[%get3A_92], %broadcast_in_dim3A_8 {add = true} : memref<10240xf32, #tpu.memory_space<vmem>>[vector<16xi32>], vector<16xf32>,
    }
    %scan3A_32 = arith.constant 8 : i32
    "tpu.region"() ({
      %run_scoped3A = tpu.sem_alloc : memref<!tpu.dma_semaphore, #tpu.memory_space<semaphore_mem>>
      %dma_start3A = arith.constant 32 : i32
      %dma_start3A_69 = arith.constant 0 : i32
      %dma_start3A_70 = tpu.memref_slice %arg2[%add3A, %dma_start3A, %dma_start3A_69] : memref<32x80x128xi32, #tpu.memory_space<hbm>> -> memref<1x8x128xi32, #tpu.memory_space<hbm>>
      %dma_start3A_71 = tpu.memref_squeeze %dma_start3A_70 : memref<1x8x128xi32, #tpu.memory_space<hbm>> -> memref<8x128xi32, #tpu.memory_space<hbm>>
      %dma_start3A_72 = arith.constant 32 : i32
      %dma_start3A_73 = arith.constant 0 : i32
      %dma_start3A_74 = tpu.memref_slice %arg2[%add3A, %dma_start3A_72, %dma_start3A_73] : memref<32x80x128xi32, #tpu.memory_space<hbm>> -> memref<1x8x128xi32, #tpu.memory_space<hbm>>
      %dma_start3A_75 = tpu.memref_squeeze %dma_start3A_74 : memref<1x8x128xi32, #tpu.memory_space<hbm>> -> memref<8x128xi32, #tpu.memory_space<hbm>>
      tpu.enqueue_dma source(%dma_start3A_75 : memref<8x128xi32, #tpu.memory_space<hbm>>) target(%arg4 : memref<8x128xi32, #tpu.memory_space<vmem>>) target_semaphore(%run_scoped3A : memref<!tpu.dma_semaphore, #tpu.memory_space<semaphore_mem>>)
      %dma_wait3A = arith.constant 32 : i32
      %dma_wait3A_76 = arith.constant 0 : i32
      %dma_wait3A_77 = tpu.memref_slice %arg2[%add3A, %dma_wait3A, %dma_wait3A_76] : memref<32x80x128xi32, #tpu.memory_space<hbm>> -> memref<1x8x128xi32, #tpu.memory_space<hbm>>
      %dma_wait3A_78 = tpu.memref_squeeze %dma_wait3A_77 : memref<1x8x128xi32, #tpu.memory_space<hbm>> -> memref<8x128xi32, #tpu.memory_space<hbm>>
      %dma_wait3A_79 = arith.constant 32 : i32
      %dma_wait3A_80 = arith.constant 0 : i32
      %dma_wait3A_81 = tpu.memref_slice %arg2[%add3A, %dma_wait3A_79, %dma_wait3A_80] : memref<32x80x128xi32, #tpu.memory_space<hbm>> -> memref<1x8x128xi32, #tpu.memory_space<hbm>>
      %dma_wait3A_82 = tpu.memref_squeeze %dma_wait3A_81 : memref<1x8x128xi32, #tpu.memory_space<hbm>> -> memref<8x128xi32, #tpu.memory_space<hbm>>
      tpu.wait_dma2 semaphore(%run_scoped3A : memref<!tpu.dma_semaphore, #tpu.memory_space<semaphore_mem>>) src(%dma_wait3A_82 : memref<8x128xi32, #tpu.memory_space<hbm>>) dst(%arg4 : memref<8x128xi32, #tpu.memory_space<vmem>>)
      tpu.yield
    }) : () -> ()
    %scan3A_33 = arith.constant 0 : i32
    %scan3A_34 = arith.constant 0 : i32
    %scan3A_35 = arith.constant 8 : i32
    %scan3A_36 = arith.addi %scan3A_34, %scan3A_35 : i32
    %scan3A_37 = arith.constant 1 : i32
    scf.for %scan3A_69 = %scan3A_34 to %scan3A_36 step %scan3A_37  : i32 {
      %get3A = arith.index_cast %scan3A_69 : i32 to index
      %get3A_70 = arith.constant 0 : index
      %get3A_71 = tpu.vector_load %arg4[%get3A, %get3A_70] {strides = array<i32>} : memref<8x128xi32, #tpu.memory_space<vmem>>, vector<16xi32>,
      tpu.vector_store_idx %arg5[%get3A_71], %broadcast_in_dim3A_8 {add = true} : memref<10240xf32, #tpu.memory_space<vmem>>[vector<16xi32>], vector<16xf32>,
      %get3A_72 = arith.index_cast %scan3A_69 : i32 to index
      %get3A_73 = arith.constant 16 : index
      %get3A_74 = tpu.vector_load %arg4[%get3A_72, %get3A_73] {strides = array<i32>} : memref<8x128xi32, #tpu.memory_space<vmem>>, vector<16xi32>,
      tpu.vector_store_idx %arg5[%get3A_74], %broadcast_in_dim3A_8 {add = true} : memref<10240xf32, #tpu.memory_space<vmem>>[vector<16xi32>], vector<16xf32>,
      %get3A_75 = arith.index_cast %scan3A_69 : i32 to index
      %get3A_76 = arith.constant 32 : index
      %get3A_77 = tpu.vector_load %arg4[%get3A_75, %get3A_76] {strides = array<i32>} : memref<8x128xi32, #tpu.memory_space<vmem>>, vector<16xi32>,
      tpu.vector_store_idx %arg5[%get3A_77], %broadcast_in_dim3A_8 {add = true} : memref<10240xf32, #tpu.memory_space<vmem>>[vector<16xi32>], vector<16xf32>,
      %get3A_78 = arith.index_cast %scan3A_69 : i32 to index
      %get3A_79 = arith.constant 48 : index
      %get3A_80 = tpu.vector_load %arg4[%get3A_78, %get3A_79] {strides = array<i32>} : memref<8x128xi32, #tpu.memory_space<vmem>>, vector<16xi32>,
      tpu.vector_store_idx %arg5[%get3A_80], %broadcast_in_dim3A_8 {add = true} : memref<10240xf32, #tpu.memory_space<vmem>>[vector<16xi32>], vector<16xf32>,
      %get3A_81 = arith.index_cast %scan3A_69 : i32 to index
      %get3A_82 = arith.constant 64 : index
      %get3A_83 = tpu.vector_load %arg4[%get3A_81, %get3A_82] {strides = array<i32>} : memref<8x128xi32, #tpu.memory_space<vmem>>, vector<16xi32>,
      tpu.vector_store_idx %arg5[%get3A_83], %broadcast_in_dim3A_8 {add = true} : memref<10240xf32, #tpu.memory_space<vmem>>[vector<16xi32>], vector<16xf32>,
      %get3A_84 = arith.index_cast %scan3A_69 : i32 to index
      %get3A_85 = arith.constant 80 : index
      %get3A_86 = tpu.vector_load %arg4[%get3A_84, %get3A_85] {strides = array<i32>} : memref<8x128xi32, #tpu.memory_space<vmem>>, vector<16xi32>,
      tpu.vector_store_idx %arg5[%get3A_86], %broadcast_in_dim3A_8 {add = true} : memref<10240xf32, #tpu.memory_space<vmem>>[vector<16xi32>], vector<16xf32>,
      %get3A_87 = arith.index_cast %scan3A_69 : i32 to index
      %get3A_88 = arith.constant 96 : index
      %get3A_89 = tpu.vector_load %arg4[%get3A_87, %get3A_88] {strides = array<i32>} : memref<8x128xi32, #tpu.memory_space<vmem>>, vector<16xi32>,
      tpu.vector_store_idx %arg5[%get3A_89], %broadcast_in_dim3A_8 {add = true} : memref<10240xf32, #tpu.memory_space<vmem>>[vector<16xi32>], vector<16xf32>,
      %get3A_90 = arith.index_cast %scan3A_69 : i32 to index
      %get3A_91 = arith.constant 112 : index
      %get3A_92 = tpu.vector_load %arg4[%get3A_90, %get3A_91] {strides = array<i32>} : memref<8x128xi32, #tpu.memory_space<vmem>>, vector<16xi32>,
      tpu.vector_store_idx %arg5[%get3A_92], %broadcast_in_dim3A_8 {add = true} : memref<10240xf32, #tpu.memory_space<vmem>>[vector<16xi32>], vector<16xf32>,
    }
    %scan3A_38 = arith.constant 8 : i32
    "tpu.region"() ({
      %run_scoped3A = tpu.sem_alloc : memref<!tpu.dma_semaphore, #tpu.memory_space<semaphore_mem>>
      %dma_start3A = arith.constant 40 : i32
      %dma_start3A_69 = arith.constant 0 : i32
      %dma_start3A_70 = tpu.memref_slice %arg2[%add3A, %dma_start3A, %dma_start3A_69] : memref<32x80x128xi32, #tpu.memory_space<hbm>> -> memref<1x8x128xi32, #tpu.memory_space<hbm>>
      %dma_start3A_71 = tpu.memref_squeeze %dma_start3A_70 : memref<1x8x128xi32, #tpu.memory_space<hbm>> -> memref<8x128xi32, #tpu.memory_space<hbm>>
      %dma_start3A_72 = arith.constant 40 : i32
      %dma_start3A_73 = arith.constant 0 : i32
      %dma_start3A_74 = tpu.memref_slice %arg2[%add3A, %dma_start3A_72, %dma_start3A_73] : memref<32x80x128xi32, #tpu.memory_space<hbm>> -> memref<1x8x128xi32, #tpu.memory_space<hbm>>
      %dma_start3A_75 = tpu.memref_squeeze %dma_start3A_74 : memref<1x8x128xi32, #tpu.memory_space<hbm>> -> memref<8x128xi32, #tpu.memory_space<hbm>>
      tpu.enqueue_dma source(%dma_start3A_75 : memref<8x128xi32, #tpu.memory_space<hbm>>) target(%arg4 : memref<8x128xi32, #tpu.memory_space<vmem>>) target_semaphore(%run_scoped3A : memref<!tpu.dma_semaphore, #tpu.memory_space<semaphore_mem>>)
      %dma_wait3A = arith.constant 40 : i32
      %dma_wait3A_76 = arith.constant 0 : i32
      %dma_wait3A_77 = tpu.memref_slice %arg2[%add3A, %dma_wait3A, %dma_wait3A_76] : memref<32x80x128xi32, #tpu.memory_space<hbm>> -> memref<1x8x128xi32, #tpu.memory_space<hbm>>
      %dma_wait3A_78 = tpu.memref_squeeze %dma_wait3A_77 : memref<1x8x128xi32, #tpu.memory_space<hbm>> -> memref<8x128xi32, #tpu.memory_space<hbm>>
      %dma_wait3A_79 = arith.constant 40 : i32
      %dma_wait3A_80 = arith.constant 0 : i32
      %dma_wait3A_81 = tpu.memref_slice %arg2[%add3A, %dma_wait3A_79, %dma_wait3A_80] : memref<32x80x128xi32, #tpu.memory_space<hbm>> -> memref<1x8x128xi32, #tpu.memory_space<hbm>>
      %dma_wait3A_82 = tpu.memref_squeeze %dma_wait3A_81 : memref<1x8x128xi32, #tpu.memory_space<hbm>> -> memref<8x128xi32, #tpu.memory_space<hbm>>
      tpu.wait_dma2 semaphore(%run_scoped3A : memref<!tpu.dma_semaphore, #tpu.memory_space<semaphore_mem>>) src(%dma_wait3A_82 : memref<8x128xi32, #tpu.memory_space<hbm>>) dst(%arg4 : memref<8x128xi32, #tpu.memory_space<vmem>>)
      tpu.yield
    }) : () -> ()
    %scan3A_39 = arith.constant 0 : i32
    %scan3A_40 = arith.constant 0 : i32
    %scan3A_41 = arith.constant 8 : i32
    %scan3A_42 = arith.addi %scan3A_40, %scan3A_41 : i32
    %scan3A_43 = arith.constant 1 : i32
    scf.for %scan3A_69 = %scan3A_40 to %scan3A_42 step %scan3A_43  : i32 {
      %get3A = arith.index_cast %scan3A_69 : i32 to index
      %get3A_70 = arith.constant 0 : index
      %get3A_71 = tpu.vector_load %arg4[%get3A, %get3A_70] {strides = array<i32>} : memref<8x128xi32, #tpu.memory_space<vmem>>, vector<16xi32>,
      tpu.vector_store_idx %arg5[%get3A_71], %broadcast_in_dim3A_8 {add = true} : memref<10240xf32, #tpu.memory_space<vmem>>[vector<16xi32>], vector<16xf32>,
      %get3A_72 = arith.index_cast %scan3A_69 : i32 to index
      %get3A_73 = arith.constant 16 : index
      %get3A_74 = tpu.vector_load %arg4[%get3A_72, %get3A_73] {strides = array<i32>} : memref<8x128xi32, #tpu.memory_space<vmem>>, vector<16xi32>,
      tpu.vector_store_idx %arg5[%get3A_74], %broadcast_in_dim3A_8 {add = true} : memref<10240xf32, #tpu.memory_space<vmem>>[vector<16xi32>], vector<16xf32>,
      %get3A_75 = arith.index_cast %scan3A_69 : i32 to index
      %get3A_76 = arith.constant 32 : index
      %get3A_77 = tpu.vector_load %arg4[%get3A_75, %get3A_76] {strides = array<i32>} : memref<8x128xi32, #tpu.memory_space<vmem>>, vector<16xi32>,
      tpu.vector_store_idx %arg5[%get3A_77], %broadcast_in_dim3A_8 {add = true} : memref<10240xf32, #tpu.memory_space<vmem>>[vector<16xi32>], vector<16xf32>,
      %get3A_78 = arith.index_cast %scan3A_69 : i32 to index
      %get3A_79 = arith.constant 48 : index
      %get3A_80 = tpu.vector_load %arg4[%get3A_78, %get3A_79] {strides = array<i32>} : memref<8x128xi32, #tpu.memory_space<vmem>>, vector<16xi32>,
      tpu.vector_store_idx %arg5[%get3A_80], %broadcast_in_dim3A_8 {add = true} : memref<10240xf32, #tpu.memory_space<vmem>>[vector<16xi32>], vector<16xf32>,
      %get3A_81 = arith.index_cast %scan3A_69 : i32 to index
      %get3A_82 = arith.constant 64 : index
      %get3A_83 = tpu.vector_load %arg4[%get3A_81, %get3A_82] {strides = array<i32>} : memref<8x128xi32, #tpu.memory_space<vmem>>, vector<16xi32>,
      tpu.vector_store_idx %arg5[%get3A_83], %broadcast_in_dim3A_8 {add = true} : memref<10240xf32, #tpu.memory_space<vmem>>[vector<16xi32>], vector<16xf32>,
      %get3A_84 = arith.index_cast %scan3A_69 : i32 to index
      %get3A_85 = arith.constant 80 : index
      %get3A_86 = tpu.vector_load %arg4[%get3A_84, %get3A_85] {strides = array<i32>} : memref<8x128xi32, #tpu.memory_space<vmem>>, vector<16xi32>,
      tpu.vector_store_idx %arg5[%get3A_86], %broadcast_in_dim3A_8 {add = true} : memref<10240xf32, #tpu.memory_space<vmem>>[vector<16xi32>], vector<16xf32>,
      %get3A_87 = arith.index_cast %scan3A_69 : i32 to index
      %get3A_88 = arith.constant 96 : index
      %get3A_89 = tpu.vector_load %arg4[%get3A_87, %get3A_88] {strides = array<i32>} : memref<8x128xi32, #tpu.memory_space<vmem>>, vector<16xi32>,
      tpu.vector_store_idx %arg5[%get3A_89], %broadcast_in_dim3A_8 {add = true} : memref<10240xf32, #tpu.memory_space<vmem>>[vector<16xi32>], vector<16xf32>,
      %get3A_90 = arith.index_cast %scan3A_69 : i32 to index
      %get3A_91 = arith.constant 112 : index
      %get3A_92 = tpu.vector_load %arg4[%get3A_90, %get3A_91] {strides = array<i32>} : memref<8x128xi32, #tpu.memory_space<vmem>>, vector<16xi32>,
      tpu.vector_store_idx %arg5[%get3A_92], %broadcast_in_dim3A_8 {add = true} : memref<10240xf32, #tpu.memory_space<vmem>>[vector<16xi32>], vector<16xf32>,
    }
    %scan3A_44 = arith.constant 8 : i32
    "tpu.region"() ({
      %run_scoped3A = tpu.sem_alloc : memref<!tpu.dma_semaphore, #tpu.memory_space<semaphore_mem>>
      %dma_start3A = arith.constant 48 : i32
      %dma_start3A_69 = arith.constant 0 : i32
      %dma_start3A_70 = tpu.memref_slice %arg2[%add3A, %dma_start3A, %dma_start3A_69] : memref<32x80x128xi32, #tpu.memory_space<hbm>> -> memref<1x8x128xi32, #tpu.memory_space<hbm>>
      %dma_start3A_71 = tpu.memref_squeeze %dma_start3A_70 : memref<1x8x128xi32, #tpu.memory_space<hbm>> -> memref<8x128xi32, #tpu.memory_space<hbm>>
      %dma_start3A_72 = arith.constant 48 : i32
      %dma_start3A_73 = arith.constant 0 : i32
      %dma_start3A_74 = tpu.memref_slice %arg2[%add3A, %dma_start3A_72, %dma_start3A_73] : memref<32x80x128xi32, #tpu.memory_space<hbm>> -> memref<1x8x128xi32, #tpu.memory_space<hbm>>
      %dma_start3A_75 = tpu.memref_squeeze %dma_start3A_74 : memref<1x8x128xi32, #tpu.memory_space<hbm>> -> memref<8x128xi32, #tpu.memory_space<hbm>>
      tpu.enqueue_dma source(%dma_start3A_75 : memref<8x128xi32, #tpu.memory_space<hbm>>) target(%arg4 : memref<8x128xi32, #tpu.memory_space<vmem>>) target_semaphore(%run_scoped3A : memref<!tpu.dma_semaphore, #tpu.memory_space<semaphore_mem>>)
      %dma_wait3A = arith.constant 48 : i32
      %dma_wait3A_76 = arith.constant 0 : i32
      %dma_wait3A_77 = tpu.memref_slice %arg2[%add3A, %dma_wait3A, %dma_wait3A_76] : memref<32x80x128xi32, #tpu.memory_space<hbm>> -> memref<1x8x128xi32, #tpu.memory_space<hbm>>
      %dma_wait3A_78 = tpu.memref_squeeze %dma_wait3A_77 : memref<1x8x128xi32, #tpu.memory_space<hbm>> -> memref<8x128xi32, #tpu.memory_space<hbm>>
      %dma_wait3A_79 = arith.constant 48 : i32
      %dma_wait3A_80 = arith.constant 0 : i32
      %dma_wait3A_81 = tpu.memref_slice %arg2[%add3A, %dma_wait3A_79, %dma_wait3A_80] : memref<32x80x128xi32, #tpu.memory_space<hbm>> -> memref<1x8x128xi32, #tpu.memory_space<hbm>>
      %dma_wait3A_82 = tpu.memref_squeeze %dma_wait3A_81 : memref<1x8x128xi32, #tpu.memory_space<hbm>> -> memref<8x128xi32, #tpu.memory_space<hbm>>
      tpu.wait_dma2 semaphore(%run_scoped3A : memref<!tpu.dma_semaphore, #tpu.memory_space<semaphore_mem>>) src(%dma_wait3A_82 : memref<8x128xi32, #tpu.memory_space<hbm>>) dst(%arg4 : memref<8x128xi32, #tpu.memory_space<vmem>>)
      tpu.yield
    }) : () -> ()
    %scan3A_45 = arith.constant 0 : i32
    %scan3A_46 = arith.constant 0 : i32
    %scan3A_47 = arith.constant 8 : i32
    %scan3A_48 = arith.addi %scan3A_46, %scan3A_47 : i32
    %scan3A_49 = arith.constant 1 : i32
    scf.for %scan3A_69 = %scan3A_46 to %scan3A_48 step %scan3A_49  : i32 {
      %get3A = arith.index_cast %scan3A_69 : i32 to index
      %get3A_70 = arith.constant 0 : index
      %get3A_71 = tpu.vector_load %arg4[%get3A, %get3A_70] {strides = array<i32>} : memref<8x128xi32, #tpu.memory_space<vmem>>, vector<16xi32>,
      tpu.vector_store_idx %arg5[%get3A_71], %broadcast_in_dim3A_8 {add = true} : memref<10240xf32, #tpu.memory_space<vmem>>[vector<16xi32>], vector<16xf32>,
      %get3A_72 = arith.index_cast %scan3A_69 : i32 to index
      %get3A_73 = arith.constant 16 : index
      %get3A_74 = tpu.vector_load %arg4[%get3A_72, %get3A_73] {strides = array<i32>} : memref<8x128xi32, #tpu.memory_space<vmem>>, vector<16xi32>,
      tpu.vector_store_idx %arg5[%get3A_74], %broadcast_in_dim3A_8 {add = true} : memref<10240xf32, #tpu.memory_space<vmem>>[vector<16xi32>], vector<16xf32>,
      %get3A_75 = arith.index_cast %scan3A_69 : i32 to index
      %get3A_76 = arith.constant 32 : index
      %get3A_77 = tpu.vector_load %arg4[%get3A_75, %get3A_76] {strides = array<i32>} : memref<8x128xi32, #tpu.memory_space<vmem>>, vector<16xi32>,
      tpu.vector_store_idx %arg5[%get3A_77], %broadcast_in_dim3A_8 {add = true} : memref<10240xf32, #tpu.memory_space<vmem>>[vector<16xi32>], vector<16xf32>,
      %get3A_78 = arith.index_cast %scan3A_69 : i32 to index
      %get3A_79 = arith.constant 48 : index
      %get3A_80 = tpu.vector_load %arg4[%get3A_78, %get3A_79] {strides = array<i32>} : memref<8x128xi32, #tpu.memory_space<vmem>>, vector<16xi32>,
      tpu.vector_store_idx %arg5[%get3A_80], %broadcast_in_dim3A_8 {add = true} : memref<10240xf32, #tpu.memory_space<vmem>>[vector<16xi32>], vector<16xf32>,
      %get3A_81 = arith.index_cast %scan3A_69 : i32 to index
      %get3A_82 = arith.constant 64 : index
      %get3A_83 = tpu.vector_load %arg4[%get3A_81, %get3A_82] {strides = array<i32>} : memref<8x128xi32, #tpu.memory_space<vmem>>, vector<16xi32>,
      tpu.vector_store_idx %arg5[%get3A_83], %broadcast_in_dim3A_8 {add = true} : memref<10240xf32, #tpu.memory_space<vmem>>[vector<16xi32>], vector<16xf32>,
      %get3A_84 = arith.index_cast %scan3A_69 : i32 to index
      %get3A_85 = arith.constant 80 : index
      %get3A_86 = tpu.vector_load %arg4[%get3A_84, %get3A_85] {strides = array<i32>} : memref<8x128xi32, #tpu.memory_space<vmem>>, vector<16xi32>,
      tpu.vector_store_idx %arg5[%get3A_86], %broadcast_in_dim3A_8 {add = true} : memref<10240xf32, #tpu.memory_space<vmem>>[vector<16xi32>], vector<16xf32>,
      %get3A_87 = arith.index_cast %scan3A_69 : i32 to index
      %get3A_88 = arith.constant 96 : index
      %get3A_89 = tpu.vector_load %arg4[%get3A_87, %get3A_88] {strides = array<i32>} : memref<8x128xi32, #tpu.memory_space<vmem>>, vector<16xi32>,
      tpu.vector_store_idx %arg5[%get3A_89], %broadcast_in_dim3A_8 {add = true} : memref<10240xf32, #tpu.memory_space<vmem>>[vector<16xi32>], vector<16xf32>,
      %get3A_90 = arith.index_cast %scan3A_69 : i32 to index
      %get3A_91 = arith.constant 112 : index
      %get3A_92 = tpu.vector_load %arg4[%get3A_90, %get3A_91] {strides = array<i32>} : memref<8x128xi32, #tpu.memory_space<vmem>>, vector<16xi32>,
      tpu.vector_store_idx %arg5[%get3A_92], %broadcast_in_dim3A_8 {add = true} : memref<10240xf32, #tpu.memory_space<vmem>>[vector<16xi32>], vector<16xf32>,
    }
    %scan3A_50 = arith.constant 8 : i32
    "tpu.region"() ({
      %run_scoped3A = tpu.sem_alloc : memref<!tpu.dma_semaphore, #tpu.memory_space<semaphore_mem>>
      %dma_start3A = arith.constant 56 : i32
      %dma_start3A_69 = arith.constant 0 : i32
      %dma_start3A_70 = tpu.memref_slice %arg2[%add3A, %dma_start3A, %dma_start3A_69] : memref<32x80x128xi32, #tpu.memory_space<hbm>> -> memref<1x8x128xi32, #tpu.memory_space<hbm>>
      %dma_start3A_71 = tpu.memref_squeeze %dma_start3A_70 : memref<1x8x128xi32, #tpu.memory_space<hbm>> -> memref<8x128xi32, #tpu.memory_space<hbm>>
      %dma_start3A_72 = arith.constant 56 : i32
      %dma_start3A_73 = arith.constant 0 : i32
      %dma_start3A_74 = tpu.memref_slice %arg2[%add3A, %dma_start3A_72, %dma_start3A_73] : memref<32x80x128xi32, #tpu.memory_space<hbm>> -> memref<1x8x128xi32, #tpu.memory_space<hbm>>
      %dma_start3A_75 = tpu.memref_squeeze %dma_start3A_74 : memref<1x8x128xi32, #tpu.memory_space<hbm>> -> memref<8x128xi32, #tpu.memory_space<hbm>>
      tpu.enqueue_dma source(%dma_start3A_75 : memref<8x128xi32, #tpu.memory_space<hbm>>) target(%arg4 : memref<8x128xi32, #tpu.memory_space<vmem>>) target_semaphore(%run_scoped3A : memref<!tpu.dma_semaphore, #tpu.memory_space<semaphore_mem>>)
      %dma_wait3A = arith.constant 56 : i32
      %dma_wait3A_76 = arith.constant 0 : i32
      %dma_wait3A_77 = tpu.memref_slice %arg2[%add3A, %dma_wait3A, %dma_wait3A_76] : memref<32x80x128xi32, #tpu.memory_space<hbm>> -> memref<1x8x128xi32, #tpu.memory_space<hbm>>
      %dma_wait3A_78 = tpu.memref_squeeze %dma_wait3A_77 : memref<1x8x128xi32, #tpu.memory_space<hbm>> -> memref<8x128xi32, #tpu.memory_space<hbm>>
      %dma_wait3A_79 = arith.constant 56 : i32
      %dma_wait3A_80 = arith.constant 0 : i32
      %dma_wait3A_81 = tpu.memref_slice %arg2[%add3A, %dma_wait3A_79, %dma_wait3A_80] : memref<32x80x128xi32, #tpu.memory_space<hbm>> -> memref<1x8x128xi32, #tpu.memory_space<hbm>>
      %dma_wait3A_82 = tpu.memref_squeeze %dma_wait3A_81 : memref<1x8x128xi32, #tpu.memory_space<hbm>> -> memref<8x128xi32, #tpu.memory_space<hbm>>
      tpu.wait_dma2 semaphore(%run_scoped3A : memref<!tpu.dma_semaphore, #tpu.memory_space<semaphore_mem>>) src(%dma_wait3A_82 : memref<8x128xi32, #tpu.memory_space<hbm>>) dst(%arg4 : memref<8x128xi32, #tpu.memory_space<vmem>>)
      tpu.yield
    }) : () -> ()
    %scan3A_51 = arith.constant 0 : i32
    %scan3A_52 = arith.constant 0 : i32
    %scan3A_53 = arith.constant 8 : i32
    %scan3A_54 = arith.addi %scan3A_52, %scan3A_53 : i32
    %scan3A_55 = arith.constant 1 : i32
    scf.for %scan3A_69 = %scan3A_52 to %scan3A_54 step %scan3A_55  : i32 {
      %get3A = arith.index_cast %scan3A_69 : i32 to index
      %get3A_70 = arith.constant 0 : index
      %get3A_71 = tpu.vector_load %arg4[%get3A, %get3A_70] {strides = array<i32>} : memref<8x128xi32, #tpu.memory_space<vmem>>, vector<16xi32>,
      tpu.vector_store_idx %arg5[%get3A_71], %broadcast_in_dim3A_8 {add = true} : memref<10240xf32, #tpu.memory_space<vmem>>[vector<16xi32>], vector<16xf32>,
      %get3A_72 = arith.index_cast %scan3A_69 : i32 to index
      %get3A_73 = arith.constant 16 : index
      %get3A_74 = tpu.vector_load %arg4[%get3A_72, %get3A_73] {strides = array<i32>} : memref<8x128xi32, #tpu.memory_space<vmem>>, vector<16xi32>,
      tpu.vector_store_idx %arg5[%get3A_74], %broadcast_in_dim3A_8 {add = true} : memref<10240xf32, #tpu.memory_space<vmem>>[vector<16xi32>], vector<16xf32>,
      %get3A_75 = arith.index_cast %scan3A_69 : i32 to index
      %get3A_76 = arith.constant 32 : index
      %get3A_77 = tpu.vector_load %arg4[%get3A_75, %get3A_76] {strides = array<i32>} : memref<8x128xi32, #tpu.memory_space<vmem>>, vector<16xi32>,
      tpu.vector_store_idx %arg5[%get3A_77], %broadcast_in_dim3A_8 {add = true} : memref<10240xf32, #tpu.memory_space<vmem>>[vector<16xi32>], vector<16xf32>,
      %get3A_78 = arith.index_cast %scan3A_69 : i32 to index
      %get3A_79 = arith.constant 48 : index
      %get3A_80 = tpu.vector_load %arg4[%get3A_78, %get3A_79] {strides = array<i32>} : memref<8x128xi32, #tpu.memory_space<vmem>>, vector<16xi32>,
      tpu.vector_store_idx %arg5[%get3A_80], %broadcast_in_dim3A_8 {add = true} : memref<10240xf32, #tpu.memory_space<vmem>>[vector<16xi32>], vector<16xf32>,
      %get3A_81 = arith.index_cast %scan3A_69 : i32 to index
      %get3A_82 = arith.constant 64 : index
      %get3A_83 = tpu.vector_load %arg4[%get3A_81, %get3A_82] {strides = array<i32>} : memref<8x128xi32, #tpu.memory_space<vmem>>, vector<16xi32>,
      tpu.vector_store_idx %arg5[%get3A_83], %broadcast_in_dim3A_8 {add = true} : memref<10240xf32, #tpu.memory_space<vmem>>[vector<16xi32>], vector<16xf32>,
      %get3A_84 = arith.index_cast %scan3A_69 : i32 to index
      %get3A_85 = arith.constant 80 : index
      %get3A_86 = tpu.vector_load %arg4[%get3A_84, %get3A_85] {strides = array<i32>} : memref<8x128xi32, #tpu.memory_space<vmem>>, vector<16xi32>,
      tpu.vector_store_idx %arg5[%get3A_86], %broadcast_in_dim3A_8 {add = true} : memref<10240xf32, #tpu.memory_space<vmem>>[vector<16xi32>], vector<16xf32>,
      %get3A_87 = arith.index_cast %scan3A_69 : i32 to index
      %get3A_88 = arith.constant 96 : index
      %get3A_89 = tpu.vector_load %arg4[%get3A_87, %get3A_88] {strides = array<i32>} : memref<8x128xi32, #tpu.memory_space<vmem>>, vector<16xi32>,
      tpu.vector_store_idx %arg5[%get3A_89], %broadcast_in_dim3A_8 {add = true} : memref<10240xf32, #tpu.memory_space<vmem>>[vector<16xi32>], vector<16xf32>,
      %get3A_90 = arith.index_cast %scan3A_69 : i32 to index
      %get3A_91 = arith.constant 112 : index
      %get3A_92 = tpu.vector_load %arg4[%get3A_90, %get3A_91] {strides = array<i32>} : memref<8x128xi32, #tpu.memory_space<vmem>>, vector<16xi32>,
      tpu.vector_store_idx %arg5[%get3A_92], %broadcast_in_dim3A_8 {add = true} : memref<10240xf32, #tpu.memory_space<vmem>>[vector<16xi32>], vector<16xf32>,
    }
    %scan3A_56 = arith.constant 8 : i32
    "tpu.region"() ({
      %run_scoped3A = tpu.sem_alloc : memref<!tpu.dma_semaphore, #tpu.memory_space<semaphore_mem>>
      %dma_start3A = arith.constant 64 : i32
      %dma_start3A_69 = arith.constant 0 : i32
      %dma_start3A_70 = tpu.memref_slice %arg2[%add3A, %dma_start3A, %dma_start3A_69] : memref<32x80x128xi32, #tpu.memory_space<hbm>> -> memref<1x8x128xi32, #tpu.memory_space<hbm>>
      %dma_start3A_71 = tpu.memref_squeeze %dma_start3A_70 : memref<1x8x128xi32, #tpu.memory_space<hbm>> -> memref<8x128xi32, #tpu.memory_space<hbm>>
      %dma_start3A_72 = arith.constant 64 : i32
      %dma_start3A_73 = arith.constant 0 : i32
      %dma_start3A_74 = tpu.memref_slice %arg2[%add3A, %dma_start3A_72, %dma_start3A_73] : memref<32x80x128xi32, #tpu.memory_space<hbm>> -> memref<1x8x128xi32, #tpu.memory_space<hbm>>
      %dma_start3A_75 = tpu.memref_squeeze %dma_start3A_74 : memref<1x8x128xi32, #tpu.memory_space<hbm>> -> memref<8x128xi32, #tpu.memory_space<hbm>>
      tpu.enqueue_dma source(%dma_start3A_75 : memref<8x128xi32, #tpu.memory_space<hbm>>) target(%arg4 : memref<8x128xi32, #tpu.memory_space<vmem>>) target_semaphore(%run_scoped3A : memref<!tpu.dma_semaphore, #tpu.memory_space<semaphore_mem>>)
      %dma_wait3A = arith.constant 64 : i32
      %dma_wait3A_76 = arith.constant 0 : i32
      %dma_wait3A_77 = tpu.memref_slice %arg2[%add3A, %dma_wait3A, %dma_wait3A_76] : memref<32x80x128xi32, #tpu.memory_space<hbm>> -> memref<1x8x128xi32, #tpu.memory_space<hbm>>
      %dma_wait3A_78 = tpu.memref_squeeze %dma_wait3A_77 : memref<1x8x128xi32, #tpu.memory_space<hbm>> -> memref<8x128xi32, #tpu.memory_space<hbm>>
      %dma_wait3A_79 = arith.constant 64 : i32
      %dma_wait3A_80 = arith.constant 0 : i32
      %dma_wait3A_81 = tpu.memref_slice %arg2[%add3A, %dma_wait3A_79, %dma_wait3A_80] : memref<32x80x128xi32, #tpu.memory_space<hbm>> -> memref<1x8x128xi32, #tpu.memory_space<hbm>>
      %dma_wait3A_82 = tpu.memref_squeeze %dma_wait3A_81 : memref<1x8x128xi32, #tpu.memory_space<hbm>> -> memref<8x128xi32, #tpu.memory_space<hbm>>
      tpu.wait_dma2 semaphore(%run_scoped3A : memref<!tpu.dma_semaphore, #tpu.memory_space<semaphore_mem>>) src(%dma_wait3A_82 : memref<8x128xi32, #tpu.memory_space<hbm>>) dst(%arg4 : memref<8x128xi32, #tpu.memory_space<vmem>>)
      tpu.yield
    }) : () -> ()
    %scan3A_57 = arith.constant 0 : i32
    %scan3A_58 = arith.constant 0 : i32
    %scan3A_59 = arith.constant 8 : i32
    %scan3A_60 = arith.addi %scan3A_58, %scan3A_59 : i32
    %scan3A_61 = arith.constant 1 : i32
    scf.for %scan3A_69 = %scan3A_58 to %scan3A_60 step %scan3A_61  : i32 {
      %get3A = arith.index_cast %scan3A_69 : i32 to index
      %get3A_70 = arith.constant 0 : index
      %get3A_71 = tpu.vector_load %arg4[%get3A, %get3A_70] {strides = array<i32>} : memref<8x128xi32, #tpu.memory_space<vmem>>, vector<16xi32>,
      tpu.vector_store_idx %arg5[%get3A_71], %broadcast_in_dim3A_8 {add = true} : memref<10240xf32, #tpu.memory_space<vmem>>[vector<16xi32>], vector<16xf32>,
      %get3A_72 = arith.index_cast %scan3A_69 : i32 to index
      %get3A_73 = arith.constant 16 : index
      %get3A_74 = tpu.vector_load %arg4[%get3A_72, %get3A_73] {strides = array<i32>} : memref<8x128xi32, #tpu.memory_space<vmem>>, vector<16xi32>,
      tpu.vector_store_idx %arg5[%get3A_74], %broadcast_in_dim3A_8 {add = true} : memref<10240xf32, #tpu.memory_space<vmem>>[vector<16xi32>], vector<16xf32>,
      %get3A_75 = arith.index_cast %scan3A_69 : i32 to index
      %get3A_76 = arith.constant 32 : index
      %get3A_77 = tpu.vector_load %arg4[%get3A_75, %get3A_76] {strides = array<i32>} : memref<8x128xi32, #tpu.memory_space<vmem>>, vector<16xi32>,
      tpu.vector_store_idx %arg5[%get3A_77], %broadcast_in_dim3A_8 {add = true} : memref<10240xf32, #tpu.memory_space<vmem>>[vector<16xi32>], vector<16xf32>,
      %get3A_78 = arith.index_cast %scan3A_69 : i32 to index
      %get3A_79 = arith.constant 48 : index
      %get3A_80 = tpu.vector_load %arg4[%get3A_78, %get3A_79] {strides = array<i32>} : memref<8x128xi32, #tpu.memory_space<vmem>>, vector<16xi32>,
      tpu.vector_store_idx %arg5[%get3A_80], %broadcast_in_dim3A_8 {add = true} : memref<10240xf32, #tpu.memory_space<vmem>>[vector<16xi32>], vector<16xf32>,
      %get3A_81 = arith.index_cast %scan3A_69 : i32 to index
      %get3A_82 = arith.constant 64 : index
      %get3A_83 = tpu.vector_load %arg4[%get3A_81, %get3A_82] {strides = array<i32>} : memref<8x128xi32, #tpu.memory_space<vmem>>, vector<16xi32>,
      tpu.vector_store_idx %arg5[%get3A_83], %broadcast_in_dim3A_8 {add = true} : memref<10240xf32, #tpu.memory_space<vmem>>[vector<16xi32>], vector<16xf32>,
      %get3A_84 = arith.index_cast %scan3A_69 : i32 to index
      %get3A_85 = arith.constant 80 : index
      %get3A_86 = tpu.vector_load %arg4[%get3A_84, %get3A_85] {strides = array<i32>} : memref<8x128xi32, #tpu.memory_space<vmem>>, vector<16xi32>,
      tpu.vector_store_idx %arg5[%get3A_86], %broadcast_in_dim3A_8 {add = true} : memref<10240xf32, #tpu.memory_space<vmem>>[vector<16xi32>], vector<16xf32>,
      %get3A_87 = arith.index_cast %scan3A_69 : i32 to index
      %get3A_88 = arith.constant 96 : index
      %get3A_89 = tpu.vector_load %arg4[%get3A_87, %get3A_88] {strides = array<i32>} : memref<8x128xi32, #tpu.memory_space<vmem>>, vector<16xi32>,
      tpu.vector_store_idx %arg5[%get3A_89], %broadcast_in_dim3A_8 {add = true} : memref<10240xf32, #tpu.memory_space<vmem>>[vector<16xi32>], vector<16xf32>,
      %get3A_90 = arith.index_cast %scan3A_69 : i32 to index
      %get3A_91 = arith.constant 112 : index
      %get3A_92 = tpu.vector_load %arg4[%get3A_90, %get3A_91] {strides = array<i32>} : memref<8x128xi32, #tpu.memory_space<vmem>>, vector<16xi32>,
      tpu.vector_store_idx %arg5[%get3A_92], %broadcast_in_dim3A_8 {add = true} : memref<10240xf32, #tpu.memory_space<vmem>>[vector<16xi32>], vector<16xf32>,
    }
    %scan3A_62 = arith.constant 8 : i32
    "tpu.region"() ({
      %run_scoped3A = tpu.sem_alloc : memref<!tpu.dma_semaphore, #tpu.memory_space<semaphore_mem>>
      %dma_start3A = arith.constant 72 : i32
      %dma_start3A_69 = arith.constant 0 : i32
      %dma_start3A_70 = tpu.memref_slice %arg2[%add3A, %dma_start3A, %dma_start3A_69] : memref<32x80x128xi32, #tpu.memory_space<hbm>> -> memref<1x8x128xi32, #tpu.memory_space<hbm>>
      %dma_start3A_71 = tpu.memref_squeeze %dma_start3A_70 : memref<1x8x128xi32, #tpu.memory_space<hbm>> -> memref<8x128xi32, #tpu.memory_space<hbm>>
      %dma_start3A_72 = arith.constant 72 : i32
      %dma_start3A_73 = arith.constant 0 : i32
      %dma_start3A_74 = tpu.memref_slice %arg2[%add3A, %dma_start3A_72, %dma_start3A_73] : memref<32x80x128xi32, #tpu.memory_space<hbm>> -> memref<1x8x128xi32, #tpu.memory_space<hbm>>
      %dma_start3A_75 = tpu.memref_squeeze %dma_start3A_74 : memref<1x8x128xi32, #tpu.memory_space<hbm>> -> memref<8x128xi32, #tpu.memory_space<hbm>>
      tpu.enqueue_dma source(%dma_start3A_75 : memref<8x128xi32, #tpu.memory_space<hbm>>) target(%arg4 : memref<8x128xi32, #tpu.memory_space<vmem>>) target_semaphore(%run_scoped3A : memref<!tpu.dma_semaphore, #tpu.memory_space<semaphore_mem>>)
      %dma_wait3A = arith.constant 72 : i32
      %dma_wait3A_76 = arith.constant 0 : i32
      %dma_wait3A_77 = tpu.memref_slice %arg2[%add3A, %dma_wait3A, %dma_wait3A_76] : memref<32x80x128xi32, #tpu.memory_space<hbm>> -> memref<1x8x128xi32, #tpu.memory_space<hbm>>
      %dma_wait3A_78 = tpu.memref_squeeze %dma_wait3A_77 : memref<1x8x128xi32, #tpu.memory_space<hbm>> -> memref<8x128xi32, #tpu.memory_space<hbm>>
      %dma_wait3A_79 = arith.constant 72 : i32
      %dma_wait3A_80 = arith.constant 0 : i32
      %dma_wait3A_81 = tpu.memref_slice %arg2[%add3A, %dma_wait3A_79, %dma_wait3A_80] : memref<32x80x128xi32, #tpu.memory_space<hbm>> -> memref<1x8x128xi32, #tpu.memory_space<hbm>>
      %dma_wait3A_82 = tpu.memref_squeeze %dma_wait3A_81 : memref<1x8x128xi32, #tpu.memory_space<hbm>> -> memref<8x128xi32, #tpu.memory_space<hbm>>
      tpu.wait_dma2 semaphore(%run_scoped3A : memref<!tpu.dma_semaphore, #tpu.memory_space<semaphore_mem>>) src(%dma_wait3A_82 : memref<8x128xi32, #tpu.memory_space<hbm>>) dst(%arg4 : memref<8x128xi32, #tpu.memory_space<vmem>>)
      tpu.yield
    }) : () -> ()
    %scan3A_63 = arith.constant 0 : i32
    %scan3A_64 = arith.constant 0 : i32
    %scan3A_65 = arith.constant 8 : i32
    %scan3A_66 = arith.addi %scan3A_64, %scan3A_65 : i32
    %scan3A_67 = arith.constant 1 : i32
    scf.for %scan3A_69 = %scan3A_64 to %scan3A_66 step %scan3A_67  : i32 {
      %get3A = arith.index_cast %scan3A_69 : i32 to index
      %get3A_70 = arith.constant 0 : index
      %get3A_71 = tpu.vector_load %arg4[%get3A, %get3A_70] {strides = array<i32>} : memref<8x128xi32, #tpu.memory_space<vmem>>, vector<16xi32>,
      tpu.vector_store_idx %arg5[%get3A_71], %broadcast_in_dim3A_8 {add = true} : memref<10240xf32, #tpu.memory_space<vmem>>[vector<16xi32>], vector<16xf32>,
      %get3A_72 = arith.index_cast %scan3A_69 : i32 to index
      %get3A_73 = arith.constant 16 : index
      %get3A_74 = tpu.vector_load %arg4[%get3A_72, %get3A_73] {strides = array<i32>} : memref<8x128xi32, #tpu.memory_space<vmem>>, vector<16xi32>,
      tpu.vector_store_idx %arg5[%get3A_74], %broadcast_in_dim3A_8 {add = true} : memref<10240xf32, #tpu.memory_space<vmem>>[vector<16xi32>], vector<16xf32>,
      %get3A_75 = arith.index_cast %scan3A_69 : i32 to index
      %get3A_76 = arith.constant 32 : index
      %get3A_77 = tpu.vector_load %arg4[%get3A_75, %get3A_76] {strides = array<i32>} : memref<8x128xi32, #tpu.memory_space<vmem>>, vector<16xi32>,
      tpu.vector_store_idx %arg5[%get3A_77], %broadcast_in_dim3A_8 {add = true} : memref<10240xf32, #tpu.memory_space<vmem>>[vector<16xi32>], vector<16xf32>,
      %get3A_78 = arith.index_cast %scan3A_69 : i32 to index
      %get3A_79 = arith.constant 48 : index
      %get3A_80 = tpu.vector_load %arg4[%get3A_78, %get3A_79] {strides = array<i32>} : memref<8x128xi32, #tpu.memory_space<vmem>>, vector<16xi32>,
      tpu.vector_store_idx %arg5[%get3A_80], %broadcast_in_dim3A_8 {add = true} : memref<10240xf32, #tpu.memory_space<vmem>>[vector<16xi32>], vector<16xf32>,
      %get3A_81 = arith.index_cast %scan3A_69 : i32 to index
      %get3A_82 = arith.constant 64 : index
      %get3A_83 = tpu.vector_load %arg4[%get3A_81, %get3A_82] {strides = array<i32>} : memref<8x128xi32, #tpu.memory_space<vmem>>, vector<16xi32>,
      tpu.vector_store_idx %arg5[%get3A_83], %broadcast_in_dim3A_8 {add = true} : memref<10240xf32, #tpu.memory_space<vmem>>[vector<16xi32>], vector<16xf32>,
      %get3A_84 = arith.index_cast %scan3A_69 : i32 to index
      %get3A_85 = arith.constant 80 : index
      %get3A_86 = tpu.vector_load %arg4[%get3A_84, %get3A_85] {strides = array<i32>} : memref<8x128xi32, #tpu.memory_space<vmem>>, vector<16xi32>,
      tpu.vector_store_idx %arg5[%get3A_86], %broadcast_in_dim3A_8 {add = true} : memref<10240xf32, #tpu.memory_space<vmem>>[vector<16xi32>], vector<16xf32>,
      %get3A_87 = arith.index_cast %scan3A_69 : i32 to index
      %get3A_88 = arith.constant 96 : index
      %get3A_89 = tpu.vector_load %arg4[%get3A_87, %get3A_88] {strides = array<i32>} : memref<8x128xi32, #tpu.memory_space<vmem>>, vector<16xi32>,
      tpu.vector_store_idx %arg5[%get3A_89], %broadcast_in_dim3A_8 {add = true} : memref<10240xf32, #tpu.memory_space<vmem>>[vector<16xi32>], vector<16xf32>,
      %get3A_90 = arith.index_cast %scan3A_69 : i32 to index
      %get3A_91 = arith.constant 112 : index
      %get3A_92 = tpu.vector_load %arg4[%get3A_90, %get3A_91] {strides = array<i32>} : memref<8x128xi32, #tpu.memory_space<vmem>>, vector<16xi32>,
      tpu.vector_store_idx %arg5[%get3A_92], %broadcast_in_dim3A_8 {add = true} : memref<10240xf32, #tpu.memory_space<vmem>>[vector<16xi32>], vector<16xf32>,
    }
    %scan3A_68 = arith.constant 8 : i32
    "tpu.region"() ({
      %run_scoped3A = tpu.sem_alloc : memref<!tpu.dma_semaphore, #tpu.memory_space<semaphore_mem>>
      %dma_start3A = arith.constant 0 : i32
      %dma_start3A_69 = tpu.memref_slice %arg3[%arg0, %arg1, %dma_start3A] : memref<2x16x10240xf32, #tpu.memory_space<hbm>> -> memref<1x1x10240xf32, #tpu.memory_space<hbm>>
      %dma_start3A_70 = tpu.memref_squeeze %dma_start3A_69 : memref<1x1x10240xf32, #tpu.memory_space<hbm>> -> memref<10240xf32, #tpu.memory_space<hbm>>
      %dma_start3A_71 = arith.constant 0 : i32
      %dma_start3A_72 = tpu.memref_slice %arg3[%arg0, %arg1, %dma_start3A_71] : memref<2x16x10240xf32, #tpu.memory_space<hbm>> -> memref<1x1x10240xf32, #tpu.memory_space<hbm>>
      %dma_start3A_73 = tpu.memref_squeeze %dma_start3A_72 : memref<1x1x10240xf32, #tpu.memory_space<hbm>> -> memref<10240xf32, #tpu.memory_space<hbm>>
      tpu.enqueue_dma source(%arg5 : memref<10240xf32, #tpu.memory_space<vmem>>) target(%dma_start3A_73 : memref<10240xf32, #tpu.memory_space<hbm>>) target_semaphore(%run_scoped3A : memref<!tpu.dma_semaphore, #tpu.memory_space<semaphore_mem>>)
      %dma_wait3A = arith.constant 0 : i32
      %dma_wait3A_74 = tpu.memref_slice %arg3[%arg0, %arg1, %dma_wait3A] : memref<2x16x10240xf32, #tpu.memory_space<hbm>> -> memref<1x1x10240xf32, #tpu.memory_space<hbm>>
      %dma_wait3A_75 = tpu.memref_squeeze %dma_wait3A_74 : memref<1x1x10240xf32, #tpu.memory_space<hbm>> -> memref<10240xf32, #tpu.memory_space<hbm>>
      %dma_wait3A_76 = arith.constant 0 : i32
      %dma_wait3A_77 = tpu.memref_slice %arg3[%arg0, %arg1, %dma_wait3A_76] : memref<2x16x10240xf32, #tpu.memory_space<hbm>> -> memref<1x1x10240xf32, #tpu.memory_space<hbm>>
      %dma_wait3A_78 = tpu.memref_squeeze %dma_wait3A_77 : memref<1x1x10240xf32, #tpu.memory_space<hbm>> -> memref<10240xf32, #tpu.memory_space<hbm>>
      tpu.wait_dma2 semaphore(%run_scoped3A : memref<!tpu.dma_semaphore, #tpu.memory_space<semaphore_mem>>) src(%arg5 : memref<10240xf32, #tpu.memory_space<vmem>>) dst(%dma_wait3A_78 : memref<10240xf32, #tpu.memory_space<hbm>>)
      tpu.yield
    }) : () -> ()
    return
  }
}

#map = affine_map<(d0, d1) -> (0, 0)>
#map1 = affine_map<(d0, d1) -> (0, 0, 0, 0)>
#map2 = affine_map<(d0, d1) -> (0, 0, 0)>
module attributes {stable_mosaic.version = 14 : i64} {
  func.func @scat_kernel(%arg0: i32, %arg1: i32, %arg2: memref<10000x128xf32, #tpu.memory_space<hbm>>, %arg3: memref<2x16x80x128xi32, #tpu.memory_space<hbm>>, %arg4: memref<2x16x80x128xi32, #tpu.memory_space<hbm>>, %arg5: memref<2x10240x128xf32, #tpu.memory_space<hbm>>, %arg6: memref<4x128xi32, #tpu.memory_space<vmem>>, %arg7: memref<4x128xi32, #tpu.memory_space<vmem>>, %arg8: memref<2x128x128xf32, #tpu.memory_space<vmem>>, %arg9: memref<10240x128xf32, #tpu.memory_space<vmem_shared>>, %arg10: memref<!tpu.dma_semaphore, #tpu.memory_space<semaphore_mem>>, %arg11: memref<!tpu.dma_semaphore, #tpu.memory_space<semaphore_mem>>, %arg12: memref<!tpu.dma_semaphore, #tpu.memory_space<semaphore_mem>>, %arg13: memref<!tpu.dma_semaphore, #tpu.memory_space<semaphore_mem>>) attributes {dimension_semantics = [#tpu.dimension_semantics<core_parallel>, #tpu.dimension_semantics<subcore_parallel>], iteration_bounds = array<i64: 2, 16>, scalar_prefetch = 0 : i64, scratch_operands = 8 : i64, tpu.core_type = #tpu.core_type<sc_vector_subcore>, window_params = [{transform_indices = #map}, {transform_indices = #map1}, {transform_indices = #map1}, {transform_indices = #map2}]} {
    %broadcast_in_dim3A = arith.constant 0.000000e+00 : f32
    %broadcast_in_dim3A_0 = vector.broadcast %broadcast_in_dim3A : f32 to vector<16xf32>
    %scan3A = arith.constant 0 : i32
    %scan3A_1 = arith.constant 0 : i32
    %scan3A_2 = arith.constant 128 : i32
    %scan3A_3 = arith.addi %scan3A_1, %scan3A_2 : i32
    %scan3A_4 = arith.constant 1 : i32
    scf.for %scan3A_160 = %scan3A_1 to %scan3A_3 step %scan3A_4  : i32 {
      %swap3A = arith.constant 1 : i32
      %swap3A_161 = arith.index_cast %swap3A : i32 to index
      %swap3A_162 = arith.index_cast %scan3A_160 : i32 to index
      %swap3A_163 = arith.constant 0 : index
      %swap3A_164 = tpu.vector_load %arg8[%swap3A_161, %swap3A_162, %swap3A_163] {strides = array<i32>} : memref<2x128x128xf32, #tpu.memory_space<vmem>>, vector<1x1x16xf32>,
      %swap3A_165 = vector.shape_cast %swap3A_164 : vector<1x1x16xf32> to vector<16xf32>
      %swap3A_166 = vector.shape_cast %broadcast_in_dim3A_0 : vector<16xf32> to vector<1x1x16xf32>
      tpu.vector_store %arg8[%swap3A_161, %swap3A_162, %swap3A_163], %swap3A_166 {strides = array<i32>} : memref<2x128x128xf32, #tpu.memory_space<vmem>>, vector<1x1x16xf32>,
      %swap3A_167 = arith.constant 1 : i32
      %swap3A_168 = arith.index_cast %swap3A_167 : i32 to index
      %swap3A_169 = arith.index_cast %scan3A_160 : i32 to index
      %swap3A_170 = arith.constant 16 : index
      %swap3A_171 = tpu.vector_load %arg8[%swap3A_168, %swap3A_169, %swap3A_170] {strides = array<i32>} : memref<2x128x128xf32, #tpu.memory_space<vmem>>, vector<1x1x16xf32>,
      %swap3A_172 = vector.shape_cast %swap3A_171 : vector<1x1x16xf32> to vector<16xf32>
      %swap3A_173 = vector.shape_cast %broadcast_in_dim3A_0 : vector<16xf32> to vector<1x1x16xf32>
      tpu.vector_store %arg8[%swap3A_168, %swap3A_169, %swap3A_170], %swap3A_173 {strides = array<i32>} : memref<2x128x128xf32, #tpu.memory_space<vmem>>, vector<1x1x16xf32>,
      %swap3A_174 = arith.constant 1 : i32
      %swap3A_175 = arith.index_cast %swap3A_174 : i32 to index
      %swap3A_176 = arith.index_cast %scan3A_160 : i32 to index
      %swap3A_177 = arith.constant 32 : index
      %swap3A_178 = tpu.vector_load %arg8[%swap3A_175, %swap3A_176, %swap3A_177] {strides = array<i32>} : memref<2x128x128xf32, #tpu.memory_space<vmem>>, vector<1x1x16xf32>,
      %swap3A_179 = vector.shape_cast %swap3A_178 : vector<1x1x16xf32> to vector<16xf32>
      %swap3A_180 = vector.shape_cast %broadcast_in_dim3A_0 : vector<16xf32> to vector<1x1x16xf32>
      tpu.vector_store %arg8[%swap3A_175, %swap3A_176, %swap3A_177], %swap3A_180 {strides = array<i32>} : memref<2x128x128xf32, #tpu.memory_space<vmem>>, vector<1x1x16xf32>,
      %swap3A_181 = arith.constant 1 : i32
      %swap3A_182 = arith.index_cast %swap3A_181 : i32 to index
      %swap3A_183 = arith.index_cast %scan3A_160 : i32 to index
      %swap3A_184 = arith.constant 48 : index
      %swap3A_185 = tpu.vector_load %arg8[%swap3A_182, %swap3A_183, %swap3A_184] {strides = array<i32>} : memref<2x128x128xf32, #tpu.memory_space<vmem>>, vector<1x1x16xf32>,
      %swap3A_186 = vector.shape_cast %swap3A_185 : vector<1x1x16xf32> to vector<16xf32>
      %swap3A_187 = vector.shape_cast %broadcast_in_dim3A_0 : vector<16xf32> to vector<1x1x16xf32>
      tpu.vector_store %arg8[%swap3A_182, %swap3A_183, %swap3A_184], %swap3A_187 {strides = array<i32>} : memref<2x128x128xf32, #tpu.memory_space<vmem>>, vector<1x1x16xf32>,
      %swap3A_188 = arith.constant 1 : i32
      %swap3A_189 = arith.index_cast %swap3A_188 : i32 to index
      %swap3A_190 = arith.index_cast %scan3A_160 : i32 to index
      %swap3A_191 = arith.constant 64 : index
      %swap3A_192 = tpu.vector_load %arg8[%swap3A_189, %swap3A_190, %swap3A_191] {strides = array<i32>} : memref<2x128x128xf32, #tpu.memory_space<vmem>>, vector<1x1x16xf32>,
      %swap3A_193 = vector.shape_cast %swap3A_192 : vector<1x1x16xf32> to vector<16xf32>
      %swap3A_194 = vector.shape_cast %broadcast_in_dim3A_0 : vector<16xf32> to vector<1x1x16xf32>
      tpu.vector_store %arg8[%swap3A_189, %swap3A_190, %swap3A_191], %swap3A_194 {strides = array<i32>} : memref<2x128x128xf32, #tpu.memory_space<vmem>>, vector<1x1x16xf32>,
      %swap3A_195 = arith.constant 1 : i32
      %swap3A_196 = arith.index_cast %swap3A_195 : i32 to index
      %swap3A_197 = arith.index_cast %scan3A_160 : i32 to index
      %swap3A_198 = arith.constant 80 : index
      %swap3A_199 = tpu.vector_load %arg8[%swap3A_196, %swap3A_197, %swap3A_198] {strides = array<i32>} : memref<2x128x128xf32, #tpu.memory_space<vmem>>, vector<1x1x16xf32>,
      %swap3A_200 = vector.shape_cast %swap3A_199 : vector<1x1x16xf32> to vector<16xf32>
      %swap3A_201 = vector.shape_cast %broadcast_in_dim3A_0 : vector<16xf32> to vector<1x1x16xf32>
      tpu.vector_store %arg8[%swap3A_196, %swap3A_197, %swap3A_198], %swap3A_201 {strides = array<i32>} : memref<2x128x128xf32, #tpu.memory_space<vmem>>, vector<1x1x16xf32>,
      %swap3A_202 = arith.constant 1 : i32
      %swap3A_203 = arith.index_cast %swap3A_202 : i32 to index
      %swap3A_204 = arith.index_cast %scan3A_160 : i32 to index
      %swap3A_205 = arith.constant 96 : index
      %swap3A_206 = tpu.vector_load %arg8[%swap3A_203, %swap3A_204, %swap3A_205] {strides = array<i32>} : memref<2x128x128xf32, #tpu.memory_space<vmem>>, vector<1x1x16xf32>,
      %swap3A_207 = vector.shape_cast %swap3A_206 : vector<1x1x16xf32> to vector<16xf32>
      %swap3A_208 = vector.shape_cast %broadcast_in_dim3A_0 : vector<16xf32> to vector<1x1x16xf32>
      tpu.vector_store %arg8[%swap3A_203, %swap3A_204, %swap3A_205], %swap3A_208 {strides = array<i32>} : memref<2x128x128xf32, #tpu.memory_space<vmem>>, vector<1x1x16xf32>,
      %swap3A_209 = arith.constant 1 : i32
      %swap3A_210 = arith.index_cast %swap3A_209 : i32 to index
      %swap3A_211 = arith.index_cast %scan3A_160 : i32 to index
      %swap3A_212 = arith.constant 112 : index
      %swap3A_213 = tpu.vector_load %arg8[%swap3A_210, %swap3A_211, %swap3A_212] {strides = array<i32>} : memref<2x128x128xf32, #tpu.memory_space<vmem>>, vector<1x1x16xf32>,
      %swap3A_214 = vector.shape_cast %swap3A_213 : vector<1x1x16xf32> to vector<16xf32>
      %swap3A_215 = vector.shape_cast %broadcast_in_dim3A_0 : vector<16xf32> to vector<1x1x16xf32>
      tpu.vector_store %arg8[%swap3A_210, %swap3A_211, %swap3A_212], %swap3A_215 {strides = array<i32>} : memref<2x128x128xf32, #tpu.memory_space<vmem>>, vector<1x1x16xf32>,
    }
    %scan3A_5 = arith.constant 128 : i32
    %scan3A_6 = arith.constant 0 : i32
    %scan3A_7 = arith.constant 0 : i32
    %scan3A_8 = arith.constant 5 : i32
    %scan3A_9 = arith.addi %scan3A_7, %scan3A_8 : i32
    %scan3A_10 = arith.constant 1 : i32
    scf.for %scan3A_160 = %scan3A_7 to %scan3A_9 step %scan3A_10  : i32 {
      %mul3A_161 = arith.constant 640 : i32
      %mul3A_162 = arith.muli %arg1, %mul3A_161 : i32
      %mul3A_163 = arith.constant 128 : i32
      %mul3A_164 = arith.muli %scan3A_160, %mul3A_163 : i32
      %add3A = arith.addi %mul3A_162, %mul3A_164 : i32
      %multiple_of3A_165 = tpu.assume_multiple %add3A, 8 : i32
      %run_scoped3A = arith.constant 1 : i32
      "tpu.region"() ({
        %run_scoped3A_166 = tpu.sem_alloc : memref<!tpu.dma_semaphore, #tpu.memory_space<semaphore_mem>>
        %dma_start3A_167 = arith.constant 0 : i32
        %dma_start3A_168 = arith.constant 0 : i32
        %dma_start3A_169 = tpu.memref_slice %arg8[%run_scoped3A, %dma_start3A_167, %dma_start3A_168] : memref<2x128x128xf32, #tpu.memory_space<vmem>> -> memref<1x128x128xf32, #tpu.memory_space<vmem>>
        %dma_start3A_170 = tpu.memref_squeeze %dma_start3A_169 : memref<1x128x128xf32, #tpu.memory_space<vmem>> -> memref<128x128xf32, #tpu.memory_space<vmem>>
        %dma_start3A_171 = arith.constant 0 : i32
        %dma_start3A_172 = tpu.memref_slice %arg9[%multiple_of3A_165, %dma_start3A_171] : memref<10240x128xf32, #tpu.memory_space<vmem_shared>> -> memref<128x128xf32, #tpu.memory_space<vmem_shared>>
        %dma_start3A_173 = arith.constant 0 : i32
        %dma_start3A_174 = tpu.memref_slice %arg9[%multiple_of3A_165, %dma_start3A_173] : memref<10240x128xf32, #tpu.memory_space<vmem_shared>> -> memref<128x128xf32, #tpu.memory_space<vmem_shared>>
        %dma_start3A_175 = arith.constant 0 : i32
        %dma_start3A_176 = arith.constant 0 : i32
        %dma_start3A_177 = tpu.memref_slice %arg8[%run_scoped3A, %dma_start3A_175, %dma_start3A_176] : memref<2x128x128xf32, #tpu.memory_space<vmem>> -> memref<1x128x128xf32, #tpu.memory_space<vmem>>
        %dma_start3A_178 = tpu.memref_squeeze %dma_start3A_177 : memref<1x128x128xf32, #tpu.memory_space<vmem>> -> memref<128x128xf32, #tpu.memory_space<vmem>>
        tpu.enqueue_dma source(%dma_start3A_178 : memref<128x128xf32, #tpu.memory_space<vmem>>) target(%dma_start3A_174 : memref<128x128xf32, #tpu.memory_space<vmem_shared>>) target_semaphore(%run_scoped3A_166 : memref<!tpu.dma_semaphore, #tpu.memory_space<semaphore_mem>>)
        %dma_wait3A_179 = arith.constant 0 : i32
        %dma_wait3A_180 = arith.constant 0 : i32
        %dma_wait3A_181 = tpu.memref_slice %arg8[%run_scoped3A, %dma_wait3A_179, %dma_wait3A_180] : memref<2x128x128xf32, #tpu.memory_space<vmem>> -> memref<1x128x128xf32, #tpu.memory_space<vmem>>
        %dma_wait3A_182 = tpu.memref_squeeze %dma_wait3A_181 : memref<1x128x128xf32, #tpu.memory_space<vmem>> -> memref<128x128xf32, #tpu.memory_space<vmem>>
        %dma_wait3A_183 = arith.constant 0 : i32
        %dma_wait3A_184 = tpu.memref_slice %arg9[%multiple_of3A_165, %dma_wait3A_183] : memref<10240x128xf32, #tpu.memory_space<vmem_shared>> -> memref<128x128xf32, #tpu.memory_space<vmem_shared>>
        %dma_wait3A_185 = arith.constant 0 : i32
        %dma_wait3A_186 = tpu.memref_slice %arg9[%multiple_of3A_165, %dma_wait3A_185] : memref<10240x128xf32, #tpu.memory_space<vmem_shared>> -> memref<128x128xf32, #tpu.memory_space<vmem_shared>>
        %dma_wait3A_187 = arith.constant 0 : i32
        %dma_wait3A_188 = arith.constant 0 : i32
        %dma_wait3A_189 = tpu.memref_slice %arg8[%run_scoped3A, %dma_wait3A_187, %dma_wait3A_188] : memref<2x128x128xf32, #tpu.memory_space<vmem>> -> memref<1x128x128xf32, #tpu.memory_space<vmem>>
        %dma_wait3A_190 = tpu.memref_squeeze %dma_wait3A_189 : memref<1x128x128xf32, #tpu.memory_space<vmem>> -> memref<128x128xf32, #tpu.memory_space<vmem>>
        tpu.wait_dma2 semaphore(%run_scoped3A_166 : memref<!tpu.dma_semaphore, #tpu.memory_space<semaphore_mem>>) src(%dma_wait3A_190 : memref<128x128xf32, #tpu.memory_space<vmem>>) dst(%dma_wait3A_186 : memref<128x128xf32, #tpu.memory_space<vmem_shared>>)
        tpu.yield
      }) : () -> ()
    }
    %scan3A_11 = arith.constant 5 : i32
    %barrier3A = arith.constant 0 : index
    tpu.barrier barrier_id(%barrier3A)
    %rem3A = arith.constant 0 : i32
    %rem3A_12 = arith.constant 4 : i32
    %rem3A_13 = arith.remsi %rem3A, %rem3A_12 : i32
    %dma_start3A = arith.constant 0 : i32
    %dma_start3A_14 = arith.constant 0 : i32
    %dma_start3A_15 = tpu.memref_slice %arg6[%rem3A_13, %dma_start3A_14] : memref<4x128xi32, #tpu.memory_space<vmem>> -> memref<1x128xi32, #tpu.memory_space<vmem>>
    %dma_start3A_16 = tpu.memref_squeeze %dma_start3A_15 : memref<1x128xi32, #tpu.memory_space<vmem>> -> memref<128xi32, #tpu.memory_space<vmem>>
    %dma_start3A_17 = arith.constant 0 : i32
    %dma_start3A_18 = tpu.memref_slice %arg3[%arg0, %arg1, %dma_start3A, %dma_start3A_17] : memref<2x16x80x128xi32, #tpu.memory_space<hbm>> -> memref<1x1x1x128xi32, #tpu.memory_space<hbm>>
    %dma_start3A_19 = tpu.memref_squeeze %dma_start3A_18 : memref<1x1x1x128xi32, #tpu.memory_space<hbm>> -> memref<128xi32, #tpu.memory_space<hbm>>
    %dma_start3A_20 = arith.constant 0 : i32
    %dma_start3A_21 = tpu.memref_slice %arg6[%rem3A_13, %dma_start3A_20] : memref<4x128xi32, #tpu.memory_space<vmem>> -> memref<1x128xi32, #tpu.memory_space<vmem>>
    %dma_start3A_22 = tpu.memref_squeeze %dma_start3A_21 : memref<1x128xi32, #tpu.memory_space<vmem>> -> memref<128xi32, #tpu.memory_space<vmem>>
    %dma_start3A_23 = arith.constant 0 : i32
    %dma_start3A_24 = tpu.memref_slice %arg3[%arg0, %arg1, %dma_start3A, %dma_start3A_23] : memref<2x16x80x128xi32, #tpu.memory_space<hbm>> -> memref<1x1x1x128xi32, #tpu.memory_space<hbm>>
    %dma_start3A_25 = tpu.memref_squeeze %dma_start3A_24 : memref<1x1x1x128xi32, #tpu.memory_space<hbm>> -> memref<128xi32, #tpu.memory_space<hbm>>
    tpu.enqueue_dma source(%dma_start3A_25 : memref<128xi32, #tpu.memory_space<hbm>>) target(%dma_start3A_22 : memref<128xi32, #tpu.memory_space<vmem>>) target_semaphore(%arg12 : memref<!tpu.dma_semaphore, #tpu.memory_space<semaphore_mem>>)
    %dma_start3A_26 = arith.constant 0 : i32
    %dma_start3A_27 = arith.constant 0 : i32
    %dma_start3A_28 = tpu.memref_slice %arg7[%rem3A_13, %dma_start3A_27] : memref<4x128xi32, #tpu.memory_space<vmem>> -> memref<1x128xi32, #tpu.memory_space<vmem>>
    %dma_start3A_29 = tpu.memref_squeeze %dma_start3A_28 : memref<1x128xi32, #tpu.memory_space<vmem>> -> memref<128xi32, #tpu.memory_space<vmem>>
    %dma_start3A_30 = arith.constant 0 : i32
    %dma_start3A_31 = tpu.memref_slice %arg4[%arg0, %arg1, %dma_start3A_26, %dma_start3A_30] : memref<2x16x80x128xi32, #tpu.memory_space<hbm>> -> memref<1x1x1x128xi32, #tpu.memory_space<hbm>>
    %dma_start3A_32 = tpu.memref_squeeze %dma_start3A_31 : memref<1x1x1x128xi32, #tpu.memory_space<hbm>> -> memref<128xi32, #tpu.memory_space<hbm>>
    %dma_start3A_33 = arith.constant 0 : i32
    %dma_start3A_34 = tpu.memref_slice %arg7[%rem3A_13, %dma_start3A_33] : memref<4x128xi32, #tpu.memory_space<vmem>> -> memref<1x128xi32, #tpu.memory_space<vmem>>
    %dma_start3A_35 = tpu.memref_squeeze %dma_start3A_34 : memref<1x128xi32, #tpu.memory_space<vmem>> -> memref<128xi32, #tpu.memory_space<vmem>>
    %dma_start3A_36 = arith.constant 0 : i32
    %dma_start3A_37 = tpu.memref_slice %arg4[%arg0, %arg1, %dma_start3A_26, %dma_start3A_36] : memref<2x16x80x128xi32, #tpu.memory_space<hbm>> -> memref<1x1x1x128xi32, #tpu.memory_space<hbm>>
    %dma_start3A_38 = tpu.memref_squeeze %dma_start3A_37 : memref<1x1x1x128xi32, #tpu.memory_space<hbm>> -> memref<128xi32, #tpu.memory_space<hbm>>
    tpu.enqueue_dma source(%dma_start3A_38 : memref<128xi32, #tpu.memory_space<hbm>>) target(%dma_start3A_35 : memref<128xi32, #tpu.memory_space<vmem>>) target_semaphore(%arg13 : memref<!tpu.dma_semaphore, #tpu.memory_space<semaphore_mem>>)
    %rem3A_39 = arith.constant 1 : i32
    %rem3A_40 = arith.constant 4 : i32
    %rem3A_41 = arith.remsi %rem3A_39, %rem3A_40 : i32
    %dma_start3A_42 = arith.constant 1 : i32
    %dma_start3A_43 = arith.constant 0 : i32
    %dma_start3A_44 = tpu.memref_slice %arg6[%rem3A_41, %dma_start3A_43] : memref<4x128xi32, #tpu.memory_space<vmem>> -> memref<1x128xi32, #tpu.memory_space<vmem>>
    %dma_start3A_45 = tpu.memref_squeeze %dma_start3A_44 : memref<1x128xi32, #tpu.memory_space<vmem>> -> memref<128xi32, #tpu.memory_space<vmem>>
    %dma_start3A_46 = arith.constant 0 : i32
    %dma_start3A_47 = tpu.memref_slice %arg3[%arg0, %arg1, %dma_start3A_42, %dma_start3A_46] : memref<2x16x80x128xi32, #tpu.memory_space<hbm>> -> memref<1x1x1x128xi32, #tpu.memory_space<hbm>>
    %dma_start3A_48 = tpu.memref_squeeze %dma_start3A_47 : memref<1x1x1x128xi32, #tpu.memory_space<hbm>> -> memref<128xi32, #tpu.memory_space<hbm>>
    %dma_start3A_49 = arith.constant 0 : i32
    %dma_start3A_50 = tpu.memref_slice %arg6[%rem3A_41, %dma_start3A_49] : memref<4x128xi32, #tpu.memory_space<vmem>> -> memref<1x128xi32, #tpu.memory_space<vmem>>
    %dma_start3A_51 = tpu.memref_squeeze %dma_start3A_50 : memref<1x128xi32, #tpu.memory_space<vmem>> -> memref<128xi32, #tpu.memory_space<vmem>>
    %dma_start3A_52 = arith.constant 0 : i32
    %dma_start3A_53 = tpu.memref_slice %arg3[%arg0, %arg1, %dma_start3A_42, %dma_start3A_52] : memref<2x16x80x128xi32, #tpu.memory_space<hbm>> -> memref<1x1x1x128xi32, #tpu.memory_space<hbm>>
    %dma_start3A_54 = tpu.memref_squeeze %dma_start3A_53 : memref<1x1x1x128xi32, #tpu.memory_space<hbm>> -> memref<128xi32, #tpu.memory_space<hbm>>
    tpu.enqueue_dma source(%dma_start3A_54 : memref<128xi32, #tpu.memory_space<hbm>>) target(%dma_start3A_51 : memref<128xi32, #tpu.memory_space<vmem>>) target_semaphore(%arg12 : memref<!tpu.dma_semaphore, #tpu.memory_space<semaphore_mem>>)
    %dma_start3A_55 = arith.constant 1 : i32
    %dma_start3A_56 = arith.constant 0 : i32
    %dma_start3A_57 = tpu.memref_slice %arg7[%rem3A_41, %dma_start3A_56] : memref<4x128xi32, #tpu.memory_space<vmem>> -> memref<1x128xi32, #tpu.memory_space<vmem>>
    %dma_start3A_58 = tpu.memref_squeeze %dma_start3A_57 : memref<1x128xi32, #tpu.memory_space<vmem>> -> memref<128xi32, #tpu.memory_space<vmem>>
    %dma_start3A_59 = arith.constant 0 : i32
    %dma_start3A_60 = tpu.memref_slice %arg4[%arg0, %arg1, %dma_start3A_55, %dma_start3A_59] : memref<2x16x80x128xi32, #tpu.memory_space<hbm>> -> memref<1x1x1x128xi32, #tpu.memory_space<hbm>>
    %dma_start3A_61 = tpu.memref_squeeze %dma_start3A_60 : memref<1x1x1x128xi32, #tpu.memory_space<hbm>> -> memref<128xi32, #tpu.memory_space<hbm>>
    %dma_start3A_62 = arith.constant 0 : i32
    %dma_start3A_63 = tpu.memref_slice %arg7[%rem3A_41, %dma_start3A_62] : memref<4x128xi32, #tpu.memory_space<vmem>> -> memref<1x128xi32, #tpu.memory_space<vmem>>
    %dma_start3A_64 = tpu.memref_squeeze %dma_start3A_63 : memref<1x128xi32, #tpu.memory_space<vmem>> -> memref<128xi32, #tpu.memory_space<vmem>>
    %dma_start3A_65 = arith.constant 0 : i32
    %dma_start3A_66 = tpu.memref_slice %arg4[%arg0, %arg1, %dma_start3A_55, %dma_start3A_65] : memref<2x16x80x128xi32, #tpu.memory_space<hbm>> -> memref<1x1x1x128xi32, #tpu.memory_space<hbm>>
    %dma_start3A_67 = tpu.memref_squeeze %dma_start3A_66 : memref<1x1x1x128xi32, #tpu.memory_space<hbm>> -> memref<128xi32, #tpu.memory_space<hbm>>
    tpu.enqueue_dma source(%dma_start3A_67 : memref<128xi32, #tpu.memory_space<hbm>>) target(%dma_start3A_64 : memref<128xi32, #tpu.memory_space<vmem>>) target_semaphore(%arg13 : memref<!tpu.dma_semaphore, #tpu.memory_space<semaphore_mem>>)
    %rem3A_68 = arith.constant 2 : i32
    %rem3A_69 = arith.constant 4 : i32
    %rem3A_70 = arith.remsi %rem3A_68, %rem3A_69 : i32
    %dma_start3A_71 = arith.constant 2 : i32
    %dma_start3A_72 = arith.constant 0 : i32
    %dma_start3A_73 = tpu.memref_slice %arg6[%rem3A_70, %dma_start3A_72] : memref<4x128xi32, #tpu.memory_space<vmem>> -> memref<1x128xi32, #tpu.memory_space<vmem>>
    %dma_start3A_74 = tpu.memref_squeeze %dma_start3A_73 : memref<1x128xi32, #tpu.memory_space<vmem>> -> memref<128xi32, #tpu.memory_space<vmem>>
    %dma_start3A_75 = arith.constant 0 : i32
    %dma_start3A_76 = tpu.memref_slice %arg3[%arg0, %arg1, %dma_start3A_71, %dma_start3A_75] : memref<2x16x80x128xi32, #tpu.memory_space<hbm>> -> memref<1x1x1x128xi32, #tpu.memory_space<hbm>>
    %dma_start3A_77 = tpu.memref_squeeze %dma_start3A_76 : memref<1x1x1x128xi32, #tpu.memory_space<hbm>> -> memref<128xi32, #tpu.memory_space<hbm>>
    %dma_start3A_78 = arith.constant 0 : i32
    %dma_start3A_79 = tpu.memref_slice %arg6[%rem3A_70, %dma_start3A_78] : memref<4x128xi32, #tpu.memory_space<vmem>> -> memref<1x128xi32, #tpu.memory_space<vmem>>
    %dma_start3A_80 = tpu.memref_squeeze %dma_start3A_79 : memref<1x128xi32, #tpu.memory_space<vmem>> -> memref<128xi32, #tpu.memory_space<vmem>>
    %dma_start3A_81 = arith.constant 0 : i32
    %dma_start3A_82 = tpu.memref_slice %arg3[%arg0, %arg1, %dma_start3A_71, %dma_start3A_81] : memref<2x16x80x128xi32, #tpu.memory_space<hbm>> -> memref<1x1x1x128xi32, #tpu.memory_space<hbm>>
    %dma_start3A_83 = tpu.memref_squeeze %dma_start3A_82 : memref<1x1x1x128xi32, #tpu.memory_space<hbm>> -> memref<128xi32, #tpu.memory_space<hbm>>
    tpu.enqueue_dma source(%dma_start3A_83 : memref<128xi32, #tpu.memory_space<hbm>>) target(%dma_start3A_80 : memref<128xi32, #tpu.memory_space<vmem>>) target_semaphore(%arg12 : memref<!tpu.dma_semaphore, #tpu.memory_space<semaphore_mem>>)
    %dma_start3A_84 = arith.constant 2 : i32
    %dma_start3A_85 = arith.constant 0 : i32
    %dma_start3A_86 = tpu.memref_slice %arg7[%rem3A_70, %dma_start3A_85] : memref<4x128xi32, #tpu.memory_space<vmem>> -> memref<1x128xi32, #tpu.memory_space<vmem>>
    %dma_start3A_87 = tpu.memref_squeeze %dma_start3A_86 : memref<1x128xi32, #tpu.memory_space<vmem>> -> memref<128xi32, #tpu.memory_space<vmem>>
    %dma_start3A_88 = arith.constant 0 : i32
    %dma_start3A_89 = tpu.memref_slice %arg4[%arg0, %arg1, %dma_start3A_84, %dma_start3A_88] : memref<2x16x80x128xi32, #tpu.memory_space<hbm>> -> memref<1x1x1x128xi32, #tpu.memory_space<hbm>>
    %dma_start3A_90 = tpu.memref_squeeze %dma_start3A_89 : memref<1x1x1x128xi32, #tpu.memory_space<hbm>> -> memref<128xi32, #tpu.memory_space<hbm>>
    %dma_start3A_91 = arith.constant 0 : i32
    %dma_start3A_92 = tpu.memref_slice %arg7[%rem3A_70, %dma_start3A_91] : memref<4x128xi32, #tpu.memory_space<vmem>> -> memref<1x128xi32, #tpu.memory_space<vmem>>
    %dma_start3A_93 = tpu.memref_squeeze %dma_start3A_92 : memref<1x128xi32, #tpu.memory_space<vmem>> -> memref<128xi32, #tpu.memory_space<vmem>>
    %dma_start3A_94 = arith.constant 0 : i32
    %dma_start3A_95 = tpu.memref_slice %arg4[%arg0, %arg1, %dma_start3A_84, %dma_start3A_94] : memref<2x16x80x128xi32, #tpu.memory_space<hbm>> -> memref<1x1x1x128xi32, #tpu.memory_space<hbm>>
    %dma_start3A_96 = tpu.memref_squeeze %dma_start3A_95 : memref<1x1x1x128xi32, #tpu.memory_space<hbm>> -> memref<128xi32, #tpu.memory_space<hbm>>
    tpu.enqueue_dma source(%dma_start3A_96 : memref<128xi32, #tpu.memory_space<hbm>>) target(%dma_start3A_93 : memref<128xi32, #tpu.memory_space<vmem>>) target_semaphore(%arg13 : memref<!tpu.dma_semaphore, #tpu.memory_space<semaphore_mem>>)
    %rem3A_97 = arith.constant 0 : i32
    %rem3A_98 = arith.constant 4 : i32
    %rem3A_99 = arith.remsi %rem3A_97, %rem3A_98 : i32
    %dma_wait3A = arith.constant 0 : i32
    %dma_wait3A_100 = arith.constant 0 : i32
    %dma_wait3A_101 = tpu.memref_slice %arg6[%rem3A_99, %dma_wait3A_100] : memref<4x128xi32, #tpu.memory_space<vmem>> -> memref<1x128xi32, #tpu.memory_space<vmem>>
    %dma_wait3A_102 = tpu.memref_squeeze %dma_wait3A_101 : memref<1x128xi32, #tpu.memory_space<vmem>> -> memref<128xi32, #tpu.memory_space<vmem>>
    %dma_wait3A_103 = arith.constant 0 : i32
    %dma_wait3A_104 = tpu.memref_slice %arg3[%arg0, %arg1, %dma_wait3A, %dma_wait3A_103] : memref<2x16x80x128xi32, #tpu.memory_space<hbm>> -> memref<1x1x1x128xi32, #tpu.memory_space<hbm>>
    %dma_wait3A_105 = tpu.memref_squeeze %dma_wait3A_104 : memref<1x1x1x128xi32, #tpu.memory_space<hbm>> -> memref<128xi32, #tpu.memory_space<hbm>>
    %dma_wait3A_106 = arith.constant 0 : i32
    %dma_wait3A_107 = tpu.memref_slice %arg6[%rem3A_99, %dma_wait3A_106] : memref<4x128xi32, #tpu.memory_space<vmem>> -> memref<1x128xi32, #tpu.memory_space<vmem>>
    %dma_wait3A_108 = tpu.memref_squeeze %dma_wait3A_107 : memref<1x128xi32, #tpu.memory_space<vmem>> -> memref<128xi32, #tpu.memory_space<vmem>>
    %dma_wait3A_109 = arith.constant 0 : i32
    %dma_wait3A_110 = tpu.memref_slice %arg3[%arg0, %arg1, %dma_wait3A, %dma_wait3A_109] : memref<2x16x80x128xi32, #tpu.memory_space<hbm>> -> memref<1x1x1x128xi32, #tpu.memory_space<hbm>>
    %dma_wait3A_111 = tpu.memref_squeeze %dma_wait3A_110 : memref<1x1x1x128xi32, #tpu.memory_space<hbm>> -> memref<128xi32, #tpu.memory_space<hbm>>
    tpu.wait_dma2 semaphore(%arg12 : memref<!tpu.dma_semaphore, #tpu.memory_space<semaphore_mem>>) src(%dma_wait3A_111 : memref<128xi32, #tpu.memory_space<hbm>>) dst(%dma_wait3A_108 : memref<128xi32, #tpu.memory_space<vmem>>)
    %dma_wait3A_112 = arith.constant 0 : i32
    %dma_wait3A_113 = arith.constant 0 : i32
    %dma_wait3A_114 = tpu.memref_slice %arg7[%rem3A_99, %dma_wait3A_113] : memref<4x128xi32, #tpu.memory_space<vmem>> -> memref<1x128xi32, #tpu.memory_space<vmem>>
    %dma_wait3A_115 = tpu.memref_squeeze %dma_wait3A_114 : memref<1x128xi32, #tpu.memory_space<vmem>> -> memref<128xi32, #tpu.memory_space<vmem>>
    %dma_wait3A_116 = arith.constant 0 : i32
    %dma_wait3A_117 = tpu.memref_slice %arg4[%arg0, %arg1, %dma_wait3A_112, %dma_wait3A_116] : memref<2x16x80x128xi32, #tpu.memory_space<hbm>> -> memref<1x1x1x128xi32, #tpu.memory_space<hbm>>
    %dma_wait3A_118 = tpu.memref_squeeze %dma_wait3A_117 : memref<1x1x1x128xi32, #tpu.memory_space<hbm>> -> memref<128xi32, #tpu.memory_space<hbm>>
    %dma_wait3A_119 = arith.constant 0 : i32
    %dma_wait3A_120 = tpu.memref_slice %arg7[%rem3A_99, %dma_wait3A_119] : memref<4x128xi32, #tpu.memory_space<vmem>> -> memref<1x128xi32, #tpu.memory_space<vmem>>
    %dma_wait3A_121 = tpu.memref_squeeze %dma_wait3A_120 : memref<1x128xi32, #tpu.memory_space<vmem>> -> memref<128xi32, #tpu.memory_space<vmem>>
    %dma_wait3A_122 = arith.constant 0 : i32
    %dma_wait3A_123 = tpu.memref_slice %arg4[%arg0, %arg1, %dma_wait3A_112, %dma_wait3A_122] : memref<2x16x80x128xi32, #tpu.memory_space<hbm>> -> memref<1x1x1x128xi32, #tpu.memory_space<hbm>>
    %dma_wait3A_124 = tpu.memref_squeeze %dma_wait3A_123 : memref<1x1x1x128xi32, #tpu.memory_space<hbm>> -> memref<128xi32, #tpu.memory_space<hbm>>
    tpu.wait_dma2 semaphore(%arg13 : memref<!tpu.dma_semaphore, #tpu.memory_space<semaphore_mem>>) src(%dma_wait3A_124 : memref<128xi32, #tpu.memory_space<hbm>>) dst(%dma_wait3A_121 : memref<128xi32, #tpu.memory_space<vmem>>)
    %dma_start3A_125 = arith.constant 0 : i32
    %dma_start3A_126 = arith.constant 0 : i32
    %dma_start3A_127 = arith.constant 0 : i32
    %dma_start3A_128 = arith.constant 0 : i32
    %dma_start3A_129 = tpu.memref_slice %arg8[%dma_start3A_126, %dma_start3A_127, %dma_start3A_128] : memref<2x128x128xf32, #tpu.memory_space<vmem>> -> memref<1x128x128xf32, #tpu.memory_space<vmem>>
    %dma_start3A_130 = tpu.memref_squeeze %dma_start3A_129 : memref<1x128x128xf32, #tpu.memory_space<vmem>> -> memref<128x128xf32, #tpu.memory_space<vmem>>
    %dma_start3A_131 = arith.constant 0 : i32
    %dma_start3A_132 = tpu.memref_slice %arg6[%dma_start3A_125, %dma_start3A_131] : memref<4x128xi32, #tpu.memory_space<vmem>> -> memref<1x128xi32, #tpu.memory_space<vmem>>
    %dma_start3A_133 = tpu.memref_squeeze %dma_start3A_132 : memref<1x128xi32, #tpu.memory_space<vmem>> -> memref<128xi32, #tpu.memory_space<vmem>>
    %dma_start3A_134 = arith.constant 0 : i32
    %dma_start3A_135 = arith.constant 0 : i32
    %dma_start3A_136 = tpu.memref_slice %arg2[%dma_start3A_134, %dma_start3A_135] : memref<10000x128xf32, #tpu.memory_space<hbm>> -> memref<10000x128xf32, #tpu.memory_space<hbm>>
    tpu.enqueue_indirect_dma source(%dma_start3A_136 : memref<10000x128xf32, #tpu.memory_space<hbm>>) target(%dma_start3A_130 : memref<128x128xf32, #tpu.memory_space<vmem>>) offsets(%dma_start3A_133 : memref<128xi32, #tpu.memory_space<vmem>>) semaphore(%arg10 : memref<!tpu.dma_semaphore, #tpu.memory_space<semaphore_mem>>)
    %scan3A_137 = arith.constant 0 : i32
    %scan3A_138 = arith.constant 0 : i32
    %scan3A_139 = arith.constant 80 : i32
    %scan3A_140 = arith.addi %scan3A_138, %scan3A_139 : i32
    %scan3A_141 = arith.constant 1 : i32
    scf.for %scan3A_160 = %scan3A_138 to %scan3A_140 step %scan3A_141  : i32 {
      %rem3A_161 = arith.constant 2 : i32
      %rem3A_162 = arith.remsi %scan3A_160, %rem3A_161 : i32
      %rem3A_163 = arith.constant 4 : i32
      %rem3A_164 = arith.remsi %scan3A_160, %rem3A_163 : i32
      %dma_wait3A_165 = arith.constant 0 : i32
      %dma_wait3A_166 = arith.constant 0 : i32
      %dma_wait3A_167 = tpu.memref_slice %arg8[%rem3A_162, %dma_wait3A_165, %dma_wait3A_166] : memref<2x128x128xf32, #tpu.memory_space<vmem>> -> memref<1x128x128xf32, #tpu.memory_space<vmem>>
      %dma_wait3A_168 = tpu.memref_squeeze %dma_wait3A_167 : memref<1x128x128xf32, #tpu.memory_space<vmem>> -> memref<128x128xf32, #tpu.memory_space<vmem>>
      %dma_wait3A_169 = arith.constant 0 : i32
      %dma_wait3A_170 = tpu.memref_slice %arg6[%rem3A_164, %dma_wait3A_169] : memref<4x128xi32, #tpu.memory_space<vmem>> -> memref<1x128xi32, #tpu.memory_space<vmem>>
      %dma_wait3A_171 = tpu.memref_squeeze %dma_wait3A_170 : memref<1x128xi32, #tpu.memory_space<vmem>> -> memref<128xi32, #tpu.memory_space<vmem>>
      %dma_wait3A_172 = arith.constant 0 : i32
      %dma_wait3A_173 = arith.constant 0 : i32
      %dma_wait3A_174 = tpu.memref_slice %arg2[%dma_wait3A_172, %dma_wait3A_173] : memref<10000x128xf32, #tpu.memory_space<hbm>> -> memref<10000x128xf32, #tpu.memory_space<hbm>>
      tpu.wait_indirect_dma semaphore(%arg10 : memref<!tpu.dma_semaphore, #tpu.memory_space<semaphore_mem>>) src(%dma_wait3A_174 : memref<10000x128xf32, #tpu.memory_space<hbm>>) dst(%dma_wait3A_168 : memref<128x128xf32, #tpu.memory_space<vmem>>)
      %dma_start3A_175 = arith.constant 0 : i32
      %dma_start3A_176 = arith.constant 0 : i32
      %dma_start3A_177 = tpu.memref_slice %arg8[%rem3A_162, %dma_start3A_175, %dma_start3A_176] : memref<2x128x128xf32, #tpu.memory_space<vmem>> -> memref<1x128x128xf32, #tpu.memory_space<vmem>>
      %dma_start3A_178 = tpu.memref_squeeze %dma_start3A_177 : memref<1x128x128xf32, #tpu.memory_space<vmem>> -> memref<128x128xf32, #tpu.memory_space<vmem>>
      %dma_start3A_179 = arith.constant 0 : i32
      %dma_start3A_180 = tpu.memref_slice %arg7[%rem3A_164, %dma_start3A_179] : memref<4x128xi32, #tpu.memory_space<vmem>> -> memref<1x128xi32, #tpu.memory_space<vmem>>
      %dma_start3A_181 = tpu.memref_squeeze %dma_start3A_180 : memref<1x128xi32, #tpu.memory_space<vmem>> -> memref<128xi32, #tpu.memory_space<vmem>>
      %dma_start3A_182 = arith.constant 0 : i32
      %dma_start3A_183 = arith.constant 0 : i32
      %dma_start3A_184 = tpu.memref_slice %arg9[%dma_start3A_182, %dma_start3A_183] : memref<10240x128xf32, #tpu.memory_space<vmem_shared>> -> memref<10240x128xf32, #tpu.memory_space<vmem_shared>>
      tpu.enqueue_indirect_dma source(%dma_start3A_178 : memref<128x128xf32, #tpu.memory_space<vmem>>) target(%dma_start3A_184 : memref<10240x128xf32, #tpu.memory_space<vmem_shared>>) offsets(%dma_start3A_181 : memref<128xi32, #tpu.memory_space<vmem>>) semaphore(%arg11 : memref<!tpu.dma_semaphore, #tpu.memory_space<semaphore_mem>>) {add = true}
      %ge3A = arith.constant 1 : i32
      %ge3A_185 = arith.cmpi sge, %scan3A_160, %ge3A : i32
      %convert_element_type3A = arith.extui %ge3A_185 : i1 to i32
      %cond3A = arith.constant 0 : i32
      %cond3A_186 = arith.cmpi ne, %convert_element_type3A, %cond3A : i32
      scf.if %cond3A_186 {
        %add3A_200 = arith.constant 4 : i32
        %add3A_201 = arith.addi %scan3A_160, %add3A_200 : i32
        %sub3A_202 = arith.constant 1 : i32
        %sub3A_203 = arith.subi %add3A_201, %sub3A_202 : i32
        %rem3A_204 = arith.constant 4 : i32
        %rem3A_205 = arith.remsi %sub3A_203, %rem3A_204 : i32
        %sub3A_206 = arith.constant 1 : i32
        %sub3A_207 = arith.subi %sub3A_206, %rem3A_162 : i32
        %dma_wait3A_208 = arith.constant 0 : i32
        %dma_wait3A_209 = arith.constant 0 : i32
        %dma_wait3A_210 = tpu.memref_slice %arg8[%sub3A_207, %dma_wait3A_208, %dma_wait3A_209] : memref<2x128x128xf32, #tpu.memory_space<vmem>> -> memref<1x128x128xf32, #tpu.memory_space<vmem>>
        %dma_wait3A_211 = tpu.memref_squeeze %dma_wait3A_210 : memref<1x128x128xf32, #tpu.memory_space<vmem>> -> memref<128x128xf32, #tpu.memory_space<vmem>>
        %dma_wait3A_212 = arith.constant 0 : i32
        %dma_wait3A_213 = tpu.memref_slice %arg7[%rem3A_205, %dma_wait3A_212] : memref<4x128xi32, #tpu.memory_space<vmem>> -> memref<1x128xi32, #tpu.memory_space<vmem>>
        %dma_wait3A_214 = tpu.memref_squeeze %dma_wait3A_213 : memref<1x128xi32, #tpu.memory_space<vmem>> -> memref<128xi32, #tpu.memory_space<vmem>>
        %dma_wait3A_215 = arith.constant 0 : i32
        %dma_wait3A_216 = arith.constant 0 : i32
        %dma_wait3A_217 = tpu.memref_slice %arg9[%dma_wait3A_215, %dma_wait3A_216] : memref<10240x128xf32, #tpu.memory_space<vmem_shared>> -> memref<10240x128xf32, #tpu.memory_space<vmem_shared>>
        tpu.wait_indirect_dma semaphore(%arg11 : memref<!tpu.dma_semaphore, #tpu.memory_space<semaphore_mem>>) src(%dma_wait3A_211 : memref<128x128xf32, #tpu.memory_space<vmem>>) dst(%dma_wait3A_217 : memref<10240x128xf32, #tpu.memory_space<vmem_shared>>)
      } else {
      }
      %add3A = arith.constant 1 : i32
      %add3A_187 = arith.addi %scan3A_160, %add3A : i32
      %lt3A = arith.constant 80 : i32
      %lt3A_188 = arith.cmpi slt, %add3A_187, %lt3A : i32
      %convert_element_type3A_189 = arith.extui %lt3A_188 : i1 to i32
      %cond3A_190 = arith.constant 0 : i32
      %cond3A_191 = arith.cmpi ne, %convert_element_type3A_189, %cond3A_190 : i32
      scf.if %cond3A_191 {
        %add3A_200 = arith.constant 1 : i32
        %add3A_201 = arith.addi %scan3A_160, %add3A_200 : i32
        %rem3A_202 = arith.constant 4 : i32
        %rem3A_203 = arith.remsi %add3A_201, %rem3A_202 : i32
        %dma_wait3A_204 = arith.constant 0 : i32
        %dma_wait3A_205 = tpu.memref_slice %arg6[%rem3A_203, %dma_wait3A_204] : memref<4x128xi32, #tpu.memory_space<vmem>> -> memref<1x128xi32, #tpu.memory_space<vmem>>
        %dma_wait3A_206 = tpu.memref_squeeze %dma_wait3A_205 : memref<1x128xi32, #tpu.memory_space<vmem>> -> memref<128xi32, #tpu.memory_space<vmem>>
        %dma_wait3A_207 = arith.constant 0 : i32
        %dma_wait3A_208 = tpu.memref_slice %arg3[%arg0, %arg1, %add3A_201, %dma_wait3A_207] : memref<2x16x80x128xi32, #tpu.memory_space<hbm>> -> memref<1x1x1x128xi32, #tpu.memory_space<hbm>>
        %dma_wait3A_209 = tpu.memref_squeeze %dma_wait3A_208 : memref<1x1x1x128xi32, #tpu.memory_space<hbm>> -> memref<128xi32, #tpu.memory_space<hbm>>
        %dma_wait3A_210 = arith.constant 0 : i32
        %dma_wait3A_211 = tpu.memref_slice %arg6[%rem3A_203, %dma_wait3A_210] : memref<4x128xi32, #tpu.memory_space<vmem>> -> memref<1x128xi32, #tpu.memory_space<vmem>>
        %dma_wait3A_212 = tpu.memref_squeeze %dma_wait3A_211 : memref<1x128xi32, #tpu.memory_space<vmem>> -> memref<128xi32, #tpu.memory_space<vmem>>
        %dma_wait3A_213 = arith.constant 0 : i32
        %dma_wait3A_214 = tpu.memref_slice %arg3[%arg0, %arg1, %add3A_201, %dma_wait3A_213] : memref<2x16x80x128xi32, #tpu.memory_space<hbm>> -> memref<1x1x1x128xi32, #tpu.memory_space<hbm>>
        %dma_wait3A_215 = tpu.memref_squeeze %dma_wait3A_214 : memref<1x1x1x128xi32, #tpu.memory_space<hbm>> -> memref<128xi32, #tpu.memory_space<hbm>>
        tpu.wait_dma2 semaphore(%arg12 : memref<!tpu.dma_semaphore, #tpu.memory_space<semaphore_mem>>) src(%dma_wait3A_215 : memref<128xi32, #tpu.memory_space<hbm>>) dst(%dma_wait3A_212 : memref<128xi32, #tpu.memory_space<vmem>>)
        %dma_wait3A_216 = arith.constant 0 : i32
        %dma_wait3A_217 = tpu.memref_slice %arg7[%rem3A_203, %dma_wait3A_216] : memref<4x128xi32, #tpu.memory_space<vmem>> -> memref<1x128xi32, #tpu.memory_space<vmem>>
        %dma_wait3A_218 = tpu.memref_squeeze %dma_wait3A_217 : memref<1x128xi32, #tpu.memory_space<vmem>> -> memref<128xi32, #tpu.memory_space<vmem>>
        %dma_wait3A_219 = arith.constant 0 : i32
        %dma_wait3A_220 = tpu.memref_slice %arg4[%arg0, %arg1, %add3A_201, %dma_wait3A_219] : memref<2x16x80x128xi32, #tpu.memory_space<hbm>> -> memref<1x1x1x128xi32, #tpu.memory_space<hbm>>
        %dma_wait3A_221 = tpu.memref_squeeze %dma_wait3A_220 : memref<1x1x1x128xi32, #tpu.memory_space<hbm>> -> memref<128xi32, #tpu.memory_space<hbm>>
        %dma_wait3A_222 = arith.constant 0 : i32
        %dma_wait3A_223 = tpu.memref_slice %arg7[%rem3A_203, %dma_wait3A_222] : memref<4x128xi32, #tpu.memory_space<vmem>> -> memref<1x128xi32, #tpu.memory_space<vmem>>
        %dma_wait3A_224 = tpu.memref_squeeze %dma_wait3A_223 : memref<1x128xi32, #tpu.memory_space<vmem>> -> memref<128xi32, #tpu.memory_space<vmem>>
        %dma_wait3A_225 = arith.constant 0 : i32
        %dma_wait3A_226 = tpu.memref_slice %arg4[%arg0, %arg1, %add3A_201, %dma_wait3A_225] : memref<2x16x80x128xi32, #tpu.memory_space<hbm>> -> memref<1x1x1x128xi32, #tpu.memory_space<hbm>>
        %dma_wait3A_227 = tpu.memref_squeeze %dma_wait3A_226 : memref<1x1x1x128xi32, #tpu.memory_space<hbm>> -> memref<128xi32, #tpu.memory_space<hbm>>
        tpu.wait_dma2 semaphore(%arg13 : memref<!tpu.dma_semaphore, #tpu.memory_space<semaphore_mem>>) src(%dma_wait3A_227 : memref<128xi32, #tpu.memory_space<hbm>>) dst(%dma_wait3A_224 : memref<128xi32, #tpu.memory_space<vmem>>)
        %add3A_228 = arith.constant 1 : i32
        %add3A_229 = arith.addi %scan3A_160, %add3A_228 : i32
        %rem3A_230 = arith.constant 4 : i32
        %rem3A_231 = arith.remsi %add3A_229, %rem3A_230 : i32
        %sub3A_232 = arith.constant 1 : i32
        %sub3A_233 = arith.subi %sub3A_232, %rem3A_162 : i32
        %dma_start3A_234 = arith.constant 0 : i32
        %dma_start3A_235 = arith.constant 0 : i32
        %dma_start3A_236 = tpu.memref_slice %arg8[%sub3A_233, %dma_start3A_234, %dma_start3A_235] : memref<2x128x128xf32, #tpu.memory_space<vmem>> -> memref<1x128x128xf32, #tpu.memory_space<vmem>>
        %dma_start3A_237 = tpu.memref_squeeze %dma_start3A_236 : memref<1x128x128xf32, #tpu.memory_space<vmem>> -> memref<128x128xf32, #tpu.memory_space<vmem>>
        %dma_start3A_238 = arith.constant 0 : i32
        %dma_start3A_239 = tpu.memref_slice %arg6[%rem3A_231, %dma_start3A_238] : memref<4x128xi32, #tpu.memory_space<vmem>> -> memref<1x128xi32, #tpu.memory_space<vmem>>
        %dma_start3A_240 = tpu.memref_squeeze %dma_start3A_239 : memref<1x128xi32, #tpu.memory_space<vmem>> -> memref<128xi32, #tpu.memory_space<vmem>>
        %dma_start3A_241 = arith.constant 0 : i32
        %dma_start3A_242 = arith.constant 0 : i32
        %dma_start3A_243 = tpu.memref_slice %arg2[%dma_start3A_241, %dma_start3A_242] : memref<10000x128xf32, #tpu.memory_space<hbm>> -> memref<10000x128xf32, #tpu.memory_space<hbm>>
        tpu.enqueue_indirect_dma source(%dma_start3A_243 : memref<10000x128xf32, #tpu.memory_space<hbm>>) target(%dma_start3A_237 : memref<128x128xf32, #tpu.memory_space<vmem>>) offsets(%dma_start3A_240 : memref<128xi32, #tpu.memory_space<vmem>>) semaphore(%arg10 : memref<!tpu.dma_semaphore, #tpu.memory_space<semaphore_mem>>)
      } else {
      }
      %add3A_192 = arith.constant 4 : i32
      %add3A_193 = arith.addi %scan3A_160, %add3A_192 : i32
      %sub3A = arith.constant 1 : i32
      %sub3A_194 = arith.subi %add3A_193, %sub3A : i32
      %lt3A_195 = arith.constant 80 : i32
      %lt3A_196 = arith.cmpi slt, %sub3A_194, %lt3A_195 : i32
      %convert_element_type3A_197 = arith.extui %lt3A_196 : i1 to i32
      %cond3A_198 = arith.constant 0 : i32
      %cond3A_199 = arith.cmpi ne, %convert_element_type3A_197, %cond3A_198 : i32
      scf.if %cond3A_199 {
        %add3A_200 = arith.constant 4 : i32
        %add3A_201 = arith.addi %scan3A_160, %add3A_200 : i32
        %sub3A_202 = arith.constant 1 : i32
        %sub3A_203 = arith.subi %add3A_201, %sub3A_202 : i32
        %rem3A_204 = arith.constant 4 : i32
        %rem3A_205 = arith.remsi %sub3A_203, %rem3A_204 : i32
        %dma_start3A_206 = arith.constant 0 : i32
        %dma_start3A_207 = tpu.memref_slice %arg6[%rem3A_205, %dma_start3A_206] : memref<4x128xi32, #tpu.memory_space<vmem>> -> memref<1x128xi32, #tpu.memory_space<vmem>>
        %dma_start3A_208 = tpu.memref_squeeze %dma_start3A_207 : memref<1x128xi32, #tpu.memory_space<vmem>> -> memref<128xi32, #tpu.memory_space<vmem>>
        %dma_start3A_209 = arith.constant 0 : i32
        %dma_start3A_210 = tpu.memref_slice %arg3[%arg0, %arg1, %sub3A_203, %dma_start3A_209] : memref<2x16x80x128xi32, #tpu.memory_space<hbm>> -> memref<1x1x1x128xi32, #tpu.memory_space<hbm>>
        %dma_start3A_211 = tpu.memref_squeeze %dma_start3A_210 : memref<1x1x1x128xi32, #tpu.memory_space<hbm>> -> memref<128xi32, #tpu.memory_space<hbm>>
        %dma_start3A_212 = arith.constant 0 : i32
        %dma_start3A_213 = tpu.memref_slice %arg6[%rem3A_205, %dma_start3A_212] : memref<4x128xi32, #tpu.memory_space<vmem>> -> memref<1x128xi32, #tpu.memory_space<vmem>>
        %dma_start3A_214 = tpu.memref_squeeze %dma_start3A_213 : memref<1x128xi32, #tpu.memory_space<vmem>> -> memref<128xi32, #tpu.memory_space<vmem>>
        %dma_start3A_215 = arith.constant 0 : i32
        %dma_start3A_216 = tpu.memref_slice %arg3[%arg0, %arg1, %sub3A_203, %dma_start3A_215] : memref<2x16x80x128xi32, #tpu.memory_space<hbm>> -> memref<1x1x1x128xi32, #tpu.memory_space<hbm>>
        %dma_start3A_217 = tpu.memref_squeeze %dma_start3A_216 : memref<1x1x1x128xi32, #tpu.memory_space<hbm>> -> memref<128xi32, #tpu.memory_space<hbm>>
        tpu.enqueue_dma source(%dma_start3A_217 : memref<128xi32, #tpu.memory_space<hbm>>) target(%dma_start3A_214 : memref<128xi32, #tpu.memory_space<vmem>>) target_semaphore(%arg12 : memref<!tpu.dma_semaphore, #tpu.memory_space<semaphore_mem>>)
        %dma_start3A_218 = arith.constant 0 : i32
        %dma_start3A_219 = tpu.memref_slice %arg7[%rem3A_205, %dma_start3A_218] : memref<4x128xi32, #tpu.memory_space<vmem>> -> memref<1x128xi32, #tpu.memory_space<vmem>>
        %dma_start3A_220 = tpu.memref_squeeze %dma_start3A_219 : memref<1x128xi32, #tpu.memory_space<vmem>> -> memref<128xi32, #tpu.memory_space<vmem>>
        %dma_start3A_221 = arith.constant 0 : i32
        %dma_start3A_222 = tpu.memref_slice %arg4[%arg0, %arg1, %sub3A_203, %dma_start3A_221] : memref<2x16x80x128xi32, #tpu.memory_space<hbm>> -> memref<1x1x1x128xi32, #tpu.memory_space<hbm>>
        %dma_start3A_223 = tpu.memref_squeeze %dma_start3A_222 : memref<1x1x1x128xi32, #tpu.memory_space<hbm>> -> memref<128xi32, #tpu.memory_space<hbm>>
        %dma_start3A_224 = arith.constant 0 : i32
        %dma_start3A_225 = tpu.memref_slice %arg7[%rem3A_205, %dma_start3A_224] : memref<4x128xi32, #tpu.memory_space<vmem>> -> memref<1x128xi32, #tpu.memory_space<vmem>>
        %dma_start3A_226 = tpu.memref_squeeze %dma_start3A_225 : memref<1x128xi32, #tpu.memory_space<vmem>> -> memref<128xi32, #tpu.memory_space<vmem>>
        %dma_start3A_227 = arith.constant 0 : i32
        %dma_start3A_228 = tpu.memref_slice %arg4[%arg0, %arg1, %sub3A_203, %dma_start3A_227] : memref<2x16x80x128xi32, #tpu.memory_space<hbm>> -> memref<1x1x1x128xi32, #tpu.memory_space<hbm>>
        %dma_start3A_229 = tpu.memref_squeeze %dma_start3A_228 : memref<1x1x1x128xi32, #tpu.memory_space<hbm>> -> memref<128xi32, #tpu.memory_space<hbm>>
        tpu.enqueue_dma source(%dma_start3A_229 : memref<128xi32, #tpu.memory_space<hbm>>) target(%dma_start3A_226 : memref<128xi32, #tpu.memory_space<vmem>>) target_semaphore(%arg13 : memref<!tpu.dma_semaphore, #tpu.memory_space<semaphore_mem>>)
      } else {
      }
    }
    %scan3A_142 = arith.constant 80 : i32
    %dma_wait3A_143 = arith.constant 1 : i32
    %dma_wait3A_144 = arith.constant 3 : i32
    %dma_wait3A_145 = arith.constant 0 : i32
    %dma_wait3A_146 = arith.constant 0 : i32
    %dma_wait3A_147 = tpu.memref_slice %arg8[%dma_wait3A_143, %dma_wait3A_145, %dma_wait3A_146] : memref<2x128x128xf32, #tpu.memory_space<vmem>> -> memref<1x128x128xf32, #tpu.memory_space<vmem>>
    %dma_wait3A_148 = tpu.memref_squeeze %dma_wait3A_147 : memref<1x128x128xf32, #tpu.memory_space<vmem>> -> memref<128x128xf32, #tpu.memory_space<vmem>>
    %dma_wait3A_149 = arith.constant 0 : i32
    %dma_wait3A_150 = tpu.memref_slice %arg7[%dma_wait3A_144, %dma_wait3A_149] : memref<4x128xi32, #tpu.memory_space<vmem>> -> memref<1x128xi32, #tpu.memory_space<vmem>>
    %dma_wait3A_151 = tpu.memref_squeeze %dma_wait3A_150 : memref<1x128xi32, #tpu.memory_space<vmem>> -> memref<128xi32, #tpu.memory_space<vmem>>
    %dma_wait3A_152 = arith.constant 0 : i32
    %dma_wait3A_153 = arith.constant 0 : i32
    %dma_wait3A_154 = tpu.memref_slice %arg9[%dma_wait3A_152, %dma_wait3A_153] : memref<10240x128xf32, #tpu.memory_space<vmem_shared>> -> memref<10240x128xf32, #tpu.memory_space<vmem_shared>>
    tpu.wait_indirect_dma semaphore(%arg11 : memref<!tpu.dma_semaphore, #tpu.memory_space<semaphore_mem>>) src(%dma_wait3A_148 : memref<128x128xf32, #tpu.memory_space<vmem>>) dst(%dma_wait3A_154 : memref<10240x128xf32, #tpu.memory_space<vmem_shared>>)
    %barrier3A_155 = arith.constant 0 : index
    tpu.barrier barrier_id(%barrier3A_155)
    %mul3A = arith.constant 640 : i32
    %mul3A_156 = arith.muli %arg1, %mul3A : i32
    %multiple_of3A = tpu.assume_multiple %mul3A_156, 8 : i32
    %mul3A_157 = arith.constant 640 : i32
    %mul3A_158 = arith.muli %arg1, %mul3A_157 : i32
    %multiple_of3A_159 = tpu.assume_multiple %mul3A_158, 8 : i32
    "tpu.region"() ({
      %run_scoped3A = tpu.sem_alloc : memref<!tpu.dma_semaphore, #tpu.memory_space<semaphore_mem>>
      %dma_start3A_160 = arith.constant 0 : i32
      %dma_start3A_161 = tpu.memref_slice %arg5[%arg0, %multiple_of3A_159, %dma_start3A_160] : memref<2x10240x128xf32, #tpu.memory_space<hbm>> -> memref<1x640x128xf32, #tpu.memory_space<hbm>>
      %dma_start3A_162 = tpu.memref_squeeze %dma_start3A_161 : memref<1x640x128xf32, #tpu.memory_space<hbm>> -> memref<640x128xf32, #tpu.memory_space<hbm>>
      %dma_start3A_163 = arith.constant 0 : i32
      %dma_start3A_164 = tpu.memref_slice %arg9[%multiple_of3A, %dma_start3A_163] : memref<10240x128xf32, #tpu.memory_space<vmem_shared>> -> memref<640x128xf32, #tpu.memory_space<vmem_shared>>
      tpu.enqueue_dma source(%dma_start3A_164 : memref<640x128xf32, #tpu.memory_space<vmem_shared>>) target(%dma_start3A_162 : memref<640x128xf32, #tpu.memory_space<hbm>>) target_semaphore(%run_scoped3A : memref<!tpu.dma_semaphore, #tpu.memory_space<semaphore_mem>>)
      %dma_wait3A_165 = arith.constant 0 : i32
      %dma_wait3A_166 = tpu.memref_slice %arg5[%arg0, %multiple_of3A_159, %dma_wait3A_165] : memref<2x10240x128xf32, #tpu.memory_space<hbm>> -> memref<1x640x128xf32, #tpu.memory_space<hbm>>
      %dma_wait3A_167 = tpu.memref_squeeze %dma_wait3A_166 : memref<1x640x128xf32, #tpu.memory_space<hbm>> -> memref<640x128xf32, #tpu.memory_space<hbm>>
      %dma_wait3A_168 = arith.constant 0 : i32
      %dma_wait3A_169 = tpu.memref_slice %arg9[%multiple_of3A, %dma_wait3A_168] : memref<10240x128xf32, #tpu.memory_space<vmem_shared>> -> memref<640x128xf32, #tpu.memory_space<vmem_shared>>
      tpu.wait_dma2 semaphore(%run_scoped3A : memref<!tpu.dma_semaphore, #tpu.memory_space<semaphore_mem>>) src(%dma_wait3A_169 : memref<640x128xf32, #tpu.memory_space<vmem_shared>>) dst(%dma_wait3A_167 : memref<640x128xf32, #tpu.memory_space<hbm>>)
      tpu.yield
    }) : () -> ()
    return
  }
}

#map = affine_map<(d0, d1) -> (0, 0)>
#map1 = affine_map<(d0, d1) -> (0, 0, 0, 0)>
#map2 = affine_map<(d0, d1) -> (0, 0, 0)>
module attributes {stable_mosaic.version = 14 : i64} {
  func.func @scat_kernel(%arg0: i32, %arg1: i32, %arg2: memref<10000x128xf32, #tpu.memory_space<hbm>>, %arg3: memref<2x16x80x128xi32, #tpu.memory_space<hbm>>, %arg4: memref<2x16x80x128xi32, #tpu.memory_space<hbm>>, %arg5: memref<2x10240x128xf32, #tpu.memory_space<hbm>>, %arg6: memref<4x128xi32, #tpu.memory_space<vmem>>, %arg7: memref<4x128xi32, #tpu.memory_space<vmem>>, %arg8: memref<2x128x128xf32, #tpu.memory_space<vmem>>, %arg9: memref<10240x128xf32, #tpu.memory_space<vmem_shared>>, %arg10: memref<!tpu.dma_semaphore, #tpu.memory_space<semaphore_mem>>, %arg11: memref<!tpu.dma_semaphore, #tpu.memory_space<semaphore_mem>>, %arg12: memref<!tpu.dma_semaphore, #tpu.memory_space<semaphore_mem>>, %arg13: memref<!tpu.dma_semaphore, #tpu.memory_space<semaphore_mem>>) attributes {dimension_semantics = [#tpu.dimension_semantics<core_parallel>, #tpu.dimension_semantics<subcore_parallel>], iteration_bounds = array<i64: 2, 16>, scalar_prefetch = 0 : i64, scratch_operands = 8 : i64, tpu.core_type = #tpu.core_type<sc_vector_subcore>, window_params = [{transform_indices = #map}, {transform_indices = #map1}, {transform_indices = #map1}, {transform_indices = #map2}]} {
    %broadcast_in_dim3A = arith.constant 0.000000e+00 : f32
    %broadcast_in_dim3A_0 = vector.broadcast %broadcast_in_dim3A : f32 to vector<16xf32>
    %scan3A = arith.constant 0 : i32
    %scan3A_1 = arith.constant 0 : i32
    %scan3A_2 = arith.constant 128 : i32
    %scan3A_3 = arith.addi %scan3A_1, %scan3A_2 : i32
    %scan3A_4 = arith.constant 1 : i32
    scf.for %scan3A_160 = %scan3A_1 to %scan3A_3 step %scan3A_4  : i32 {
      %swap3A = arith.constant 1 : i32
      %swap3A_161 = arith.index_cast %swap3A : i32 to index
      %swap3A_162 = arith.index_cast %scan3A_160 : i32 to index
      %swap3A_163 = arith.constant 0 : index
      %swap3A_164 = tpu.vector_load %arg8[%swap3A_161, %swap3A_162, %swap3A_163] {strides = array<i32>} : memref<2x128x128xf32, #tpu.memory_space<vmem>>, vector<1x1x16xf32>,
      %swap3A_165 = vector.shape_cast %swap3A_164 : vector<1x1x16xf32> to vector<16xf32>
      %swap3A_166 = vector.shape_cast %broadcast_in_dim3A_0 : vector<16xf32> to vector<1x1x16xf32>
      tpu.vector_store %arg8[%swap3A_161, %swap3A_162, %swap3A_163], %swap3A_166 {strides = array<i32>} : memref<2x128x128xf32, #tpu.memory_space<vmem>>, vector<1x1x16xf32>,
      %swap3A_167 = arith.constant 1 : i32
      %swap3A_168 = arith.index_cast %swap3A_167 : i32 to index
      %swap3A_169 = arith.index_cast %scan3A_160 : i32 to index
      %swap3A_170 = arith.constant 16 : index
      %swap3A_171 = tpu.vector_load %arg8[%swap3A_168, %swap3A_169, %swap3A_170] {strides = array<i32>} : memref<2x128x128xf32, #tpu.memory_space<vmem>>, vector<1x1x16xf32>,
      %swap3A_172 = vector.shape_cast %swap3A_171 : vector<1x1x16xf32> to vector<16xf32>
      %swap3A_173 = vector.shape_cast %broadcast_in_dim3A_0 : vector<16xf32> to vector<1x1x16xf32>
      tpu.vector_store %arg8[%swap3A_168, %swap3A_169, %swap3A_170], %swap3A_173 {strides = array<i32>} : memref<2x128x128xf32, #tpu.memory_space<vmem>>, vector<1x1x16xf32>,
      %swap3A_174 = arith.constant 1 : i32
      %swap3A_175 = arith.index_cast %swap3A_174 : i32 to index
      %swap3A_176 = arith.index_cast %scan3A_160 : i32 to index
      %swap3A_177 = arith.constant 32 : index
      %swap3A_178 = tpu.vector_load %arg8[%swap3A_175, %swap3A_176, %swap3A_177] {strides = array<i32>} : memref<2x128x128xf32, #tpu.memory_space<vmem>>, vector<1x1x16xf32>,
      %swap3A_179 = vector.shape_cast %swap3A_178 : vector<1x1x16xf32> to vector<16xf32>
      %swap3A_180 = vector.shape_cast %broadcast_in_dim3A_0 : vector<16xf32> to vector<1x1x16xf32>
      tpu.vector_store %arg8[%swap3A_175, %swap3A_176, %swap3A_177], %swap3A_180 {strides = array<i32>} : memref<2x128x128xf32, #tpu.memory_space<vmem>>, vector<1x1x16xf32>,
      %swap3A_181 = arith.constant 1 : i32
      %swap3A_182 = arith.index_cast %swap3A_181 : i32 to index
      %swap3A_183 = arith.index_cast %scan3A_160 : i32 to index
      %swap3A_184 = arith.constant 48 : index
      %swap3A_185 = tpu.vector_load %arg8[%swap3A_182, %swap3A_183, %swap3A_184] {strides = array<i32>} : memref<2x128x128xf32, #tpu.memory_space<vmem>>, vector<1x1x16xf32>,
      %swap3A_186 = vector.shape_cast %swap3A_185 : vector<1x1x16xf32> to vector<16xf32>
      %swap3A_187 = vector.shape_cast %broadcast_in_dim3A_0 : vector<16xf32> to vector<1x1x16xf32>
      tpu.vector_store %arg8[%swap3A_182, %swap3A_183, %swap3A_184], %swap3A_187 {strides = array<i32>} : memref<2x128x128xf32, #tpu.memory_space<vmem>>, vector<1x1x16xf32>,
      %swap3A_188 = arith.constant 1 : i32
      %swap3A_189 = arith.index_cast %swap3A_188 : i32 to index
      %swap3A_190 = arith.index_cast %scan3A_160 : i32 to index
      %swap3A_191 = arith.constant 64 : index
      %swap3A_192 = tpu.vector_load %arg8[%swap3A_189, %swap3A_190, %swap3A_191] {strides = array<i32>} : memref<2x128x128xf32, #tpu.memory_space<vmem>>, vector<1x1x16xf32>,
      %swap3A_193 = vector.shape_cast %swap3A_192 : vector<1x1x16xf32> to vector<16xf32>
      %swap3A_194 = vector.shape_cast %broadcast_in_dim3A_0 : vector<16xf32> to vector<1x1x16xf32>
      tpu.vector_store %arg8[%swap3A_189, %swap3A_190, %swap3A_191], %swap3A_194 {strides = array<i32>} : memref<2x128x128xf32, #tpu.memory_space<vmem>>, vector<1x1x16xf32>,
      %swap3A_195 = arith.constant 1 : i32
      %swap3A_196 = arith.index_cast %swap3A_195 : i32 to index
      %swap3A_197 = arith.index_cast %scan3A_160 : i32 to index
      %swap3A_198 = arith.constant 80 : index
      %swap3A_199 = tpu.vector_load %arg8[%swap3A_196, %swap3A_197, %swap3A_198] {strides = array<i32>} : memref<2x128x128xf32, #tpu.memory_space<vmem>>, vector<1x1x16xf32>,
      %swap3A_200 = vector.shape_cast %swap3A_199 : vector<1x1x16xf32> to vector<16xf32>
      %swap3A_201 = vector.shape_cast %broadcast_in_dim3A_0 : vector<16xf32> to vector<1x1x16xf32>
      tpu.vector_store %arg8[%swap3A_196, %swap3A_197, %swap3A_198], %swap3A_201 {strides = array<i32>} : memref<2x128x128xf32, #tpu.memory_space<vmem>>, vector<1x1x16xf32>,
      %swap3A_202 = arith.constant 1 : i32
      %swap3A_203 = arith.index_cast %swap3A_202 : i32 to index
      %swap3A_204 = arith.index_cast %scan3A_160 : i32 to index
      %swap3A_205 = arith.constant 96 : index
      %swap3A_206 = tpu.vector_load %arg8[%swap3A_203, %swap3A_204, %swap3A_205] {strides = array<i32>} : memref<2x128x128xf32, #tpu.memory_space<vmem>>, vector<1x1x16xf32>,
      %swap3A_207 = vector.shape_cast %swap3A_206 : vector<1x1x16xf32> to vector<16xf32>
      %swap3A_208 = vector.shape_cast %broadcast_in_dim3A_0 : vector<16xf32> to vector<1x1x16xf32>
      tpu.vector_store %arg8[%swap3A_203, %swap3A_204, %swap3A_205], %swap3A_208 {strides = array<i32>} : memref<2x128x128xf32, #tpu.memory_space<vmem>>, vector<1x1x16xf32>,
      %swap3A_209 = arith.constant 1 : i32
      %swap3A_210 = arith.index_cast %swap3A_209 : i32 to index
      %swap3A_211 = arith.index_cast %scan3A_160 : i32 to index
      %swap3A_212 = arith.constant 112 : index
      %swap3A_213 = tpu.vector_load %arg8[%swap3A_210, %swap3A_211, %swap3A_212] {strides = array<i32>} : memref<2x128x128xf32, #tpu.memory_space<vmem>>, vector<1x1x16xf32>,
      %swap3A_214 = vector.shape_cast %swap3A_213 : vector<1x1x16xf32> to vector<16xf32>
      %swap3A_215 = vector.shape_cast %broadcast_in_dim3A_0 : vector<16xf32> to vector<1x1x16xf32>
      tpu.vector_store %arg8[%swap3A_210, %swap3A_211, %swap3A_212], %swap3A_215 {strides = array<i32>} : memref<2x128x128xf32, #tpu.memory_space<vmem>>, vector<1x1x16xf32>,
    }
    %scan3A_5 = arith.constant 128 : i32
    %scan3A_6 = arith.constant 0 : i32
    %scan3A_7 = arith.constant 0 : i32
    %scan3A_8 = arith.constant 5 : i32
    %scan3A_9 = arith.addi %scan3A_7, %scan3A_8 : i32
    %scan3A_10 = arith.constant 1 : i32
    scf.for %scan3A_160 = %scan3A_7 to %scan3A_9 step %scan3A_10  : i32 {
      %mul3A_161 = arith.constant 640 : i32
      %mul3A_162 = arith.muli %arg1, %mul3A_161 : i32
      %mul3A_163 = arith.constant 128 : i32
      %mul3A_164 = arith.muli %scan3A_160, %mul3A_163 : i32
      %add3A = arith.addi %mul3A_162, %mul3A_164 : i32
      %multiple_of3A_165 = tpu.assume_multiple %add3A, 8 : i32
      %run_scoped3A = arith.constant 1 : i32
      "tpu.region"() ({
        %run_scoped3A_166 = tpu.sem_alloc : memref<!tpu.dma_semaphore, #tpu.memory_space<semaphore_mem>>
        %dma_start3A_167 = arith.constant 0 : i32
        %dma_start3A_168 = arith.constant 0 : i32
        %dma_start3A_169 = tpu.memref_slice %arg8[%run_scoped3A, %dma_start3A_167, %dma_start3A_168] : memref<2x128x128xf32, #tpu.memory_space<vmem>> -> memref<1x128x128xf32, #tpu.memory_space<vmem>>
        %dma_start3A_170 = tpu.memref_squeeze %dma_start3A_169 : memref<1x128x128xf32, #tpu.memory_space<vmem>> -> memref<128x128xf32, #tpu.memory_space<vmem>>
        %dma_start3A_171 = arith.constant 0 : i32
        %dma_start3A_172 = tpu.memref_slice %arg9[%multiple_of3A_165, %dma_start3A_171] : memref<10240x128xf32, #tpu.memory_space<vmem_shared>> -> memref<128x128xf32, #tpu.memory_space<vmem_shared>>
        %dma_start3A_173 = arith.constant 0 : i32
        %dma_start3A_174 = tpu.memref_slice %arg9[%multiple_of3A_165, %dma_start3A_173] : memref<10240x128xf32, #tpu.memory_space<vmem_shared>> -> memref<128x128xf32, #tpu.memory_space<vmem_shared>>
        %dma_start3A_175 = arith.constant 0 : i32
        %dma_start3A_176 = arith.constant 0 : i32
        %dma_start3A_177 = tpu.memref_slice %arg8[%run_scoped3A, %dma_start3A_175, %dma_start3A_176] : memref<2x128x128xf32, #tpu.memory_space<vmem>> -> memref<1x128x128xf32, #tpu.memory_space<vmem>>
        %dma_start3A_178 = tpu.memref_squeeze %dma_start3A_177 : memref<1x128x128xf32, #tpu.memory_space<vmem>> -> memref<128x128xf32, #tpu.memory_space<vmem>>
        tpu.enqueue_dma source(%dma_start3A_178 : memref<128x128xf32, #tpu.memory_space<vmem>>) target(%dma_start3A_174 : memref<128x128xf32, #tpu.memory_space<vmem_shared>>) target_semaphore(%run_scoped3A_166 : memref<!tpu.dma_semaphore, #tpu.memory_space<semaphore_mem>>)
        %dma_wait3A_179 = arith.constant 0 : i32
        %dma_wait3A_180 = arith.constant 0 : i32
        %dma_wait3A_181 = tpu.memref_slice %arg8[%run_scoped3A, %dma_wait3A_179, %dma_wait3A_180] : memref<2x128x128xf32, #tpu.memory_space<vmem>> -> memref<1x128x128xf32, #tpu.memory_space<vmem>>
        %dma_wait3A_182 = tpu.memref_squeeze %dma_wait3A_181 : memref<1x128x128xf32, #tpu.memory_space<vmem>> -> memref<128x128xf32, #tpu.memory_space<vmem>>
        %dma_wait3A_183 = arith.constant 0 : i32
        %dma_wait3A_184 = tpu.memref_slice %arg9[%multiple_of3A_165, %dma_wait3A_183] : memref<10240x128xf32, #tpu.memory_space<vmem_shared>> -> memref<128x128xf32, #tpu.memory_space<vmem_shared>>
        %dma_wait3A_185 = arith.constant 0 : i32
        %dma_wait3A_186 = tpu.memref_slice %arg9[%multiple_of3A_165, %dma_wait3A_185] : memref<10240x128xf32, #tpu.memory_space<vmem_shared>> -> memref<128x128xf32, #tpu.memory_space<vmem_shared>>
        %dma_wait3A_187 = arith.constant 0 : i32
        %dma_wait3A_188 = arith.constant 0 : i32
        %dma_wait3A_189 = tpu.memref_slice %arg8[%run_scoped3A, %dma_wait3A_187, %dma_wait3A_188] : memref<2x128x128xf32, #tpu.memory_space<vmem>> -> memref<1x128x128xf32, #tpu.memory_space<vmem>>
        %dma_wait3A_190 = tpu.memref_squeeze %dma_wait3A_189 : memref<1x128x128xf32, #tpu.memory_space<vmem>> -> memref<128x128xf32, #tpu.memory_space<vmem>>
        tpu.wait_dma2 semaphore(%run_scoped3A_166 : memref<!tpu.dma_semaphore, #tpu.memory_space<semaphore_mem>>) src(%dma_wait3A_190 : memref<128x128xf32, #tpu.memory_space<vmem>>) dst(%dma_wait3A_186 : memref<128x128xf32, #tpu.memory_space<vmem_shared>>)
        tpu.yield
      }) : () -> ()
    }
    %scan3A_11 = arith.constant 5 : i32
    %barrier3A = arith.constant 0 : index
    tpu.barrier barrier_id(%barrier3A)
    %rem3A = arith.constant 0 : i32
    %rem3A_12 = arith.constant 4 : i32
    %rem3A_13 = arith.remsi %rem3A, %rem3A_12 : i32
    %dma_start3A = arith.constant 0 : i32
    %dma_start3A_14 = arith.constant 0 : i32
    %dma_start3A_15 = tpu.memref_slice %arg6[%rem3A_13, %dma_start3A_14] : memref<4x128xi32, #tpu.memory_space<vmem>> -> memref<1x128xi32, #tpu.memory_space<vmem>>
    %dma_start3A_16 = tpu.memref_squeeze %dma_start3A_15 : memref<1x128xi32, #tpu.memory_space<vmem>> -> memref<128xi32, #tpu.memory_space<vmem>>
    %dma_start3A_17 = arith.constant 0 : i32
    %dma_start3A_18 = tpu.memref_slice %arg3[%arg0, %arg1, %dma_start3A, %dma_start3A_17] : memref<2x16x80x128xi32, #tpu.memory_space<hbm>> -> memref<1x1x1x128xi32, #tpu.memory_space<hbm>>
    %dma_start3A_19 = tpu.memref_squeeze %dma_start3A_18 : memref<1x1x1x128xi32, #tpu.memory_space<hbm>> -> memref<128xi32, #tpu.memory_space<hbm>>
    %dma_start3A_20 = arith.constant 0 : i32
    %dma_start3A_21 = tpu.memref_slice %arg6[%rem3A_13, %dma_start3A_20] : memref<4x128xi32, #tpu.memory_space<vmem>> -> memref<1x128xi32, #tpu.memory_space<vmem>>
    %dma_start3A_22 = tpu.memref_squeeze %dma_start3A_21 : memref<1x128xi32, #tpu.memory_space<vmem>> -> memref<128xi32, #tpu.memory_space<vmem>>
    %dma_start3A_23 = arith.constant 0 : i32
    %dma_start3A_24 = tpu.memref_slice %arg3[%arg0, %arg1, %dma_start3A, %dma_start3A_23] : memref<2x16x80x128xi32, #tpu.memory_space<hbm>> -> memref<1x1x1x128xi32, #tpu.memory_space<hbm>>
    %dma_start3A_25 = tpu.memref_squeeze %dma_start3A_24 : memref<1x1x1x128xi32, #tpu.memory_space<hbm>> -> memref<128xi32, #tpu.memory_space<hbm>>
    tpu.enqueue_dma source(%dma_start3A_25 : memref<128xi32, #tpu.memory_space<hbm>>) target(%dma_start3A_22 : memref<128xi32, #tpu.memory_space<vmem>>) target_semaphore(%arg12 : memref<!tpu.dma_semaphore, #tpu.memory_space<semaphore_mem>>)
    %dma_start3A_26 = arith.constant 0 : i32
    %dma_start3A_27 = arith.constant 0 : i32
    %dma_start3A_28 = tpu.memref_slice %arg7[%rem3A_13, %dma_start3A_27] : memref<4x128xi32, #tpu.memory_space<vmem>> -> memref<1x128xi32, #tpu.memory_space<vmem>>
    %dma_start3A_29 = tpu.memref_squeeze %dma_start3A_28 : memref<1x128xi32, #tpu.memory_space<vmem>> -> memref<128xi32, #tpu.memory_space<vmem>>
    %dma_start3A_30 = arith.constant 0 : i32
    %dma_start3A_31 = tpu.memref_slice %arg4[%arg0, %arg1, %dma_start3A_26, %dma_start3A_30] : memref<2x16x80x128xi32, #tpu.memory_space<hbm>> -> memref<1x1x1x128xi32, #tpu.memory_space<hbm>>
    %dma_start3A_32 = tpu.memref_squeeze %dma_start3A_31 : memref<1x1x1x128xi32, #tpu.memory_space<hbm>> -> memref<128xi32, #tpu.memory_space<hbm>>
    %dma_start3A_33 = arith.constant 0 : i32
    %dma_start3A_34 = tpu.memref_slice %arg7[%rem3A_13, %dma_start3A_33] : memref<4x128xi32, #tpu.memory_space<vmem>> -> memref<1x128xi32, #tpu.memory_space<vmem>>
    %dma_start3A_35 = tpu.memref_squeeze %dma_start3A_34 : memref<1x128xi32, #tpu.memory_space<vmem>> -> memref<128xi32, #tpu.memory_space<vmem>>
    %dma_start3A_36 = arith.constant 0 : i32
    %dma_start3A_37 = tpu.memref_slice %arg4[%arg0, %arg1, %dma_start3A_26, %dma_start3A_36] : memref<2x16x80x128xi32, #tpu.memory_space<hbm>> -> memref<1x1x1x128xi32, #tpu.memory_space<hbm>>
    %dma_start3A_38 = tpu.memref_squeeze %dma_start3A_37 : memref<1x1x1x128xi32, #tpu.memory_space<hbm>> -> memref<128xi32, #tpu.memory_space<hbm>>
    tpu.enqueue_dma source(%dma_start3A_38 : memref<128xi32, #tpu.memory_space<hbm>>) target(%dma_start3A_35 : memref<128xi32, #tpu.memory_space<vmem>>) target_semaphore(%arg13 : memref<!tpu.dma_semaphore, #tpu.memory_space<semaphore_mem>>)
    %rem3A_39 = arith.constant 1 : i32
    %rem3A_40 = arith.constant 4 : i32
    %rem3A_41 = arith.remsi %rem3A_39, %rem3A_40 : i32
    %dma_start3A_42 = arith.constant 1 : i32
    %dma_start3A_43 = arith.constant 0 : i32
    %dma_start3A_44 = tpu.memref_slice %arg6[%rem3A_41, %dma_start3A_43] : memref<4x128xi32, #tpu.memory_space<vmem>> -> memref<1x128xi32, #tpu.memory_space<vmem>>
    %dma_start3A_45 = tpu.memref_squeeze %dma_start3A_44 : memref<1x128xi32, #tpu.memory_space<vmem>> -> memref<128xi32, #tpu.memory_space<vmem>>
    %dma_start3A_46 = arith.constant 0 : i32
    %dma_start3A_47 = tpu.memref_slice %arg3[%arg0, %arg1, %dma_start3A_42, %dma_start3A_46] : memref<2x16x80x128xi32, #tpu.memory_space<hbm>> -> memref<1x1x1x128xi32, #tpu.memory_space<hbm>>
    %dma_start3A_48 = tpu.memref_squeeze %dma_start3A_47 : memref<1x1x1x128xi32, #tpu.memory_space<hbm>> -> memref<128xi32, #tpu.memory_space<hbm>>
    %dma_start3A_49 = arith.constant 0 : i32
    %dma_start3A_50 = tpu.memref_slice %arg6[%rem3A_41, %dma_start3A_49] : memref<4x128xi32, #tpu.memory_space<vmem>> -> memref<1x128xi32, #tpu.memory_space<vmem>>
    %dma_start3A_51 = tpu.memref_squeeze %dma_start3A_50 : memref<1x128xi32, #tpu.memory_space<vmem>> -> memref<128xi32, #tpu.memory_space<vmem>>
    %dma_start3A_52 = arith.constant 0 : i32
    %dma_start3A_53 = tpu.memref_slice %arg3[%arg0, %arg1, %dma_start3A_42, %dma_start3A_52] : memref<2x16x80x128xi32, #tpu.memory_space<hbm>> -> memref<1x1x1x128xi32, #tpu.memory_space<hbm>>
    %dma_start3A_54 = tpu.memref_squeeze %dma_start3A_53 : memref<1x1x1x128xi32, #tpu.memory_space<hbm>> -> memref<128xi32, #tpu.memory_space<hbm>>
    tpu.enqueue_dma source(%dma_start3A_54 : memref<128xi32, #tpu.memory_space<hbm>>) target(%dma_start3A_51 : memref<128xi32, #tpu.memory_space<vmem>>) target_semaphore(%arg12 : memref<!tpu.dma_semaphore, #tpu.memory_space<semaphore_mem>>)
    %dma_start3A_55 = arith.constant 1 : i32
    %dma_start3A_56 = arith.constant 0 : i32
    %dma_start3A_57 = tpu.memref_slice %arg7[%rem3A_41, %dma_start3A_56] : memref<4x128xi32, #tpu.memory_space<vmem>> -> memref<1x128xi32, #tpu.memory_space<vmem>>
    %dma_start3A_58 = tpu.memref_squeeze %dma_start3A_57 : memref<1x128xi32, #tpu.memory_space<vmem>> -> memref<128xi32, #tpu.memory_space<vmem>>
    %dma_start3A_59 = arith.constant 0 : i32
    %dma_start3A_60 = tpu.memref_slice %arg4[%arg0, %arg1, %dma_start3A_55, %dma_start3A_59] : memref<2x16x80x128xi32, #tpu.memory_space<hbm>> -> memref<1x1x1x128xi32, #tpu.memory_space<hbm>>
    %dma_start3A_61 = tpu.memref_squeeze %dma_start3A_60 : memref<1x1x1x128xi32, #tpu.memory_space<hbm>> -> memref<128xi32, #tpu.memory_space<hbm>>
    %dma_start3A_62 = arith.constant 0 : i32
    %dma_start3A_63 = tpu.memref_slice %arg7[%rem3A_41, %dma_start3A_62] : memref<4x128xi32, #tpu.memory_space<vmem>> -> memref<1x128xi32, #tpu.memory_space<vmem>>
    %dma_start3A_64 = tpu.memref_squeeze %dma_start3A_63 : memref<1x128xi32, #tpu.memory_space<vmem>> -> memref<128xi32, #tpu.memory_space<vmem>>
    %dma_start3A_65 = arith.constant 0 : i32
    %dma_start3A_66 = tpu.memref_slice %arg4[%arg0, %arg1, %dma_start3A_55, %dma_start3A_65] : memref<2x16x80x128xi32, #tpu.memory_space<hbm>> -> memref<1x1x1x128xi32, #tpu.memory_space<hbm>>
    %dma_start3A_67 = tpu.memref_squeeze %dma_start3A_66 : memref<1x1x1x128xi32, #tpu.memory_space<hbm>> -> memref<128xi32, #tpu.memory_space<hbm>>
    tpu.enqueue_dma source(%dma_start3A_67 : memref<128xi32, #tpu.memory_space<hbm>>) target(%dma_start3A_64 : memref<128xi32, #tpu.memory_space<vmem>>) target_semaphore(%arg13 : memref<!tpu.dma_semaphore, #tpu.memory_space<semaphore_mem>>)
    %rem3A_68 = arith.constant 2 : i32
    %rem3A_69 = arith.constant 4 : i32
    %rem3A_70 = arith.remsi %rem3A_68, %rem3A_69 : i32
    %dma_start3A_71 = arith.constant 2 : i32
    %dma_start3A_72 = arith.constant 0 : i32
    %dma_start3A_73 = tpu.memref_slice %arg6[%rem3A_70, %dma_start3A_72] : memref<4x128xi32, #tpu.memory_space<vmem>> -> memref<1x128xi32, #tpu.memory_space<vmem>>
    %dma_start3A_74 = tpu.memref_squeeze %dma_start3A_73 : memref<1x128xi32, #tpu.memory_space<vmem>> -> memref<128xi32, #tpu.memory_space<vmem>>
    %dma_start3A_75 = arith.constant 0 : i32
    %dma_start3A_76 = tpu.memref_slice %arg3[%arg0, %arg1, %dma_start3A_71, %dma_start3A_75] : memref<2x16x80x128xi32, #tpu.memory_space<hbm>> -> memref<1x1x1x128xi32, #tpu.memory_space<hbm>>
    %dma_start3A_77 = tpu.memref_squeeze %dma_start3A_76 : memref<1x1x1x128xi32, #tpu.memory_space<hbm>> -> memref<128xi32, #tpu.memory_space<hbm>>
    %dma_start3A_78 = arith.constant 0 : i32
    %dma_start3A_79 = tpu.memref_slice %arg6[%rem3A_70, %dma_start3A_78] : memref<4x128xi32, #tpu.memory_space<vmem>> -> memref<1x128xi32, #tpu.memory_space<vmem>>
    %dma_start3A_80 = tpu.memref_squeeze %dma_start3A_79 : memref<1x128xi32, #tpu.memory_space<vmem>> -> memref<128xi32, #tpu.memory_space<vmem>>
    %dma_start3A_81 = arith.constant 0 : i32
    %dma_start3A_82 = tpu.memref_slice %arg3[%arg0, %arg1, %dma_start3A_71, %dma_start3A_81] : memref<2x16x80x128xi32, #tpu.memory_space<hbm>> -> memref<1x1x1x128xi32, #tpu.memory_space<hbm>>
    %dma_start3A_83 = tpu.memref_squeeze %dma_start3A_82 : memref<1x1x1x128xi32, #tpu.memory_space<hbm>> -> memref<128xi32, #tpu.memory_space<hbm>>
    tpu.enqueue_dma source(%dma_start3A_83 : memref<128xi32, #tpu.memory_space<hbm>>) target(%dma_start3A_80 : memref<128xi32, #tpu.memory_space<vmem>>) target_semaphore(%arg12 : memref<!tpu.dma_semaphore, #tpu.memory_space<semaphore_mem>>)
    %dma_start3A_84 = arith.constant 2 : i32
    %dma_start3A_85 = arith.constant 0 : i32
    %dma_start3A_86 = tpu.memref_slice %arg7[%rem3A_70, %dma_start3A_85] : memref<4x128xi32, #tpu.memory_space<vmem>> -> memref<1x128xi32, #tpu.memory_space<vmem>>
    %dma_start3A_87 = tpu.memref_squeeze %dma_start3A_86 : memref<1x128xi32, #tpu.memory_space<vmem>> -> memref<128xi32, #tpu.memory_space<vmem>>
    %dma_start3A_88 = arith.constant 0 : i32
    %dma_start3A_89 = tpu.memref_slice %arg4[%arg0, %arg1, %dma_start3A_84, %dma_start3A_88] : memref<2x16x80x128xi32, #tpu.memory_space<hbm>> -> memref<1x1x1x128xi32, #tpu.memory_space<hbm>>
    %dma_start3A_90 = tpu.memref_squeeze %dma_start3A_89 : memref<1x1x1x128xi32, #tpu.memory_space<hbm>> -> memref<128xi32, #tpu.memory_space<hbm>>
    %dma_start3A_91 = arith.constant 0 : i32
    %dma_start3A_92 = tpu.memref_slice %arg7[%rem3A_70, %dma_start3A_91] : memref<4x128xi32, #tpu.memory_space<vmem>> -> memref<1x128xi32, #tpu.memory_space<vmem>>
    %dma_start3A_93 = tpu.memref_squeeze %dma_start3A_92 : memref<1x128xi32, #tpu.memory_space<vmem>> -> memref<128xi32, #tpu.memory_space<vmem>>
    %dma_start3A_94 = arith.constant 0 : i32
    %dma_start3A_95 = tpu.memref_slice %arg4[%arg0, %arg1, %dma_start3A_84, %dma_start3A_94] : memref<2x16x80x128xi32, #tpu.memory_space<hbm>> -> memref<1x1x1x128xi32, #tpu.memory_space<hbm>>
    %dma_start3A_96 = tpu.memref_squeeze %dma_start3A_95 : memref<1x1x1x128xi32, #tpu.memory_space<hbm>> -> memref<128xi32, #tpu.memory_space<hbm>>
    tpu.enqueue_dma source(%dma_start3A_96 : memref<128xi32, #tpu.memory_space<hbm>>) target(%dma_start3A_93 : memref<128xi32, #tpu.memory_space<vmem>>) target_semaphore(%arg13 : memref<!tpu.dma_semaphore, #tpu.memory_space<semaphore_mem>>)
    %rem3A_97 = arith.constant 0 : i32
    %rem3A_98 = arith.constant 4 : i32
    %rem3A_99 = arith.remsi %rem3A_97, %rem3A_98 : i32
    %dma_wait3A = arith.constant 0 : i32
    %dma_wait3A_100 = arith.constant 0 : i32
    %dma_wait3A_101 = tpu.memref_slice %arg6[%rem3A_99, %dma_wait3A_100] : memref<4x128xi32, #tpu.memory_space<vmem>> -> memref<1x128xi32, #tpu.memory_space<vmem>>
    %dma_wait3A_102 = tpu.memref_squeeze %dma_wait3A_101 : memref<1x128xi32, #tpu.memory_space<vmem>> -> memref<128xi32, #tpu.memory_space<vmem>>
    %dma_wait3A_103 = arith.constant 0 : i32
    %dma_wait3A_104 = tpu.memref_slice %arg3[%arg0, %arg1, %dma_wait3A, %dma_wait3A_103] : memref<2x16x80x128xi32, #tpu.memory_space<hbm>> -> memref<1x1x1x128xi32, #tpu.memory_space<hbm>>
    %dma_wait3A_105 = tpu.memref_squeeze %dma_wait3A_104 : memref<1x1x1x128xi32, #tpu.memory_space<hbm>> -> memref<128xi32, #tpu.memory_space<hbm>>
    %dma_wait3A_106 = arith.constant 0 : i32
    %dma_wait3A_107 = tpu.memref_slice %arg6[%rem3A_99, %dma_wait3A_106] : memref<4x128xi32, #tpu.memory_space<vmem>> -> memref<1x128xi32, #tpu.memory_space<vmem>>
    %dma_wait3A_108 = tpu.memref_squeeze %dma_wait3A_107 : memref<1x128xi32, #tpu.memory_space<vmem>> -> memref<128xi32, #tpu.memory_space<vmem>>
    %dma_wait3A_109 = arith.constant 0 : i32
    %dma_wait3A_110 = tpu.memref_slice %arg3[%arg0, %arg1, %dma_wait3A, %dma_wait3A_109] : memref<2x16x80x128xi32, #tpu.memory_space<hbm>> -> memref<1x1x1x128xi32, #tpu.memory_space<hbm>>
    %dma_wait3A_111 = tpu.memref_squeeze %dma_wait3A_110 : memref<1x1x1x128xi32, #tpu.memory_space<hbm>> -> memref<128xi32, #tpu.memory_space<hbm>>
    tpu.wait_dma2 semaphore(%arg12 : memref<!tpu.dma_semaphore, #tpu.memory_space<semaphore_mem>>) src(%dma_wait3A_111 : memref<128xi32, #tpu.memory_space<hbm>>) dst(%dma_wait3A_108 : memref<128xi32, #tpu.memory_space<vmem>>)
    %dma_wait3A_112 = arith.constant 0 : i32
    %dma_wait3A_113 = arith.constant 0 : i32
    %dma_wait3A_114 = tpu.memref_slice %arg7[%rem3A_99, %dma_wait3A_113] : memref<4x128xi32, #tpu.memory_space<vmem>> -> memref<1x128xi32, #tpu.memory_space<vmem>>
    %dma_wait3A_115 = tpu.memref_squeeze %dma_wait3A_114 : memref<1x128xi32, #tpu.memory_space<vmem>> -> memref<128xi32, #tpu.memory_space<vmem>>
    %dma_wait3A_116 = arith.constant 0 : i32
    %dma_wait3A_117 = tpu.memref_slice %arg4[%arg0, %arg1, %dma_wait3A_112, %dma_wait3A_116] : memref<2x16x80x128xi32, #tpu.memory_space<hbm>> -> memref<1x1x1x128xi32, #tpu.memory_space<hbm>>
    %dma_wait3A_118 = tpu.memref_squeeze %dma_wait3A_117 : memref<1x1x1x128xi32, #tpu.memory_space<hbm>> -> memref<128xi32, #tpu.memory_space<hbm>>
    %dma_wait3A_119 = arith.constant 0 : i32
    %dma_wait3A_120 = tpu.memref_slice %arg7[%rem3A_99, %dma_wait3A_119] : memref<4x128xi32, #tpu.memory_space<vmem>> -> memref<1x128xi32, #tpu.memory_space<vmem>>
    %dma_wait3A_121 = tpu.memref_squeeze %dma_wait3A_120 : memref<1x128xi32, #tpu.memory_space<vmem>> -> memref<128xi32, #tpu.memory_space<vmem>>
    %dma_wait3A_122 = arith.constant 0 : i32
    %dma_wait3A_123 = tpu.memref_slice %arg4[%arg0, %arg1, %dma_wait3A_112, %dma_wait3A_122] : memref<2x16x80x128xi32, #tpu.memory_space<hbm>> -> memref<1x1x1x128xi32, #tpu.memory_space<hbm>>
    %dma_wait3A_124 = tpu.memref_squeeze %dma_wait3A_123 : memref<1x1x1x128xi32, #tpu.memory_space<hbm>> -> memref<128xi32, #tpu.memory_space<hbm>>
    tpu.wait_dma2 semaphore(%arg13 : memref<!tpu.dma_semaphore, #tpu.memory_space<semaphore_mem>>) src(%dma_wait3A_124 : memref<128xi32, #tpu.memory_space<hbm>>) dst(%dma_wait3A_121 : memref<128xi32, #tpu.memory_space<vmem>>)
    %dma_start3A_125 = arith.constant 0 : i32
    %dma_start3A_126 = arith.constant 0 : i32
    %dma_start3A_127 = arith.constant 0 : i32
    %dma_start3A_128 = arith.constant 0 : i32
    %dma_start3A_129 = tpu.memref_slice %arg8[%dma_start3A_126, %dma_start3A_127, %dma_start3A_128] : memref<2x128x128xf32, #tpu.memory_space<vmem>> -> memref<1x128x128xf32, #tpu.memory_space<vmem>>
    %dma_start3A_130 = tpu.memref_squeeze %dma_start3A_129 : memref<1x128x128xf32, #tpu.memory_space<vmem>> -> memref<128x128xf32, #tpu.memory_space<vmem>>
    %dma_start3A_131 = arith.constant 0 : i32
    %dma_start3A_132 = tpu.memref_slice %arg6[%dma_start3A_125, %dma_start3A_131] : memref<4x128xi32, #tpu.memory_space<vmem>> -> memref<1x128xi32, #tpu.memory_space<vmem>>
    %dma_start3A_133 = tpu.memref_squeeze %dma_start3A_132 : memref<1x128xi32, #tpu.memory_space<vmem>> -> memref<128xi32, #tpu.memory_space<vmem>>
    %dma_start3A_134 = arith.constant 0 : i32
    %dma_start3A_135 = arith.constant 0 : i32
    %dma_start3A_136 = tpu.memref_slice %arg2[%dma_start3A_134, %dma_start3A_135] : memref<10000x128xf32, #tpu.memory_space<hbm>> -> memref<10000x128xf32, #tpu.memory_space<hbm>>
    tpu.enqueue_indirect_dma source(%dma_start3A_136 : memref<10000x128xf32, #tpu.memory_space<hbm>>) target(%dma_start3A_130 : memref<128x128xf32, #tpu.memory_space<vmem>>) offsets(%dma_start3A_133 : memref<128xi32, #tpu.memory_space<vmem>>) semaphore(%arg10 : memref<!tpu.dma_semaphore, #tpu.memory_space<semaphore_mem>>)
    %scan3A_137 = arith.constant 0 : i32
    %scan3A_138 = arith.constant 0 : i32
    %scan3A_139 = arith.constant 80 : i32
    %scan3A_140 = arith.addi %scan3A_138, %scan3A_139 : i32
    %scan3A_141 = arith.constant 1 : i32
    scf.for %scan3A_160 = %scan3A_138 to %scan3A_140 step %scan3A_141  : i32 {
      %rem3A_161 = arith.constant 2 : i32
      %rem3A_162 = arith.remsi %scan3A_160, %rem3A_161 : i32
      %rem3A_163 = arith.constant 4 : i32
      %rem3A_164 = arith.remsi %scan3A_160, %rem3A_163 : i32
      %dma_wait3A_165 = arith.constant 0 : i32
      %dma_wait3A_166 = arith.constant 0 : i32
      %dma_wait3A_167 = tpu.memref_slice %arg8[%rem3A_162, %dma_wait3A_165, %dma_wait3A_166] : memref<2x128x128xf32, #tpu.memory_space<vmem>> -> memref<1x128x128xf32, #tpu.memory_space<vmem>>
      %dma_wait3A_168 = tpu.memref_squeeze %dma_wait3A_167 : memref<1x128x128xf32, #tpu.memory_space<vmem>> -> memref<128x128xf32, #tpu.memory_space<vmem>>
      %dma_wait3A_169 = arith.constant 0 : i32
      %dma_wait3A_170 = tpu.memref_slice %arg6[%rem3A_164, %dma_wait3A_169] : memref<4x128xi32, #tpu.memory_space<vmem>> -> memref<1x128xi32, #tpu.memory_space<vmem>>
      %dma_wait3A_171 = tpu.memref_squeeze %dma_wait3A_170 : memref<1x128xi32, #tpu.memory_space<vmem>> -> memref<128xi32, #tpu.memory_space<vmem>>
      %dma_wait3A_172 = arith.constant 0 : i32
      %dma_wait3A_173 = arith.constant 0 : i32
      %dma_wait3A_174 = tpu.memref_slice %arg2[%dma_wait3A_172, %dma_wait3A_173] : memref<10000x128xf32, #tpu.memory_space<hbm>> -> memref<10000x128xf32, #tpu.memory_space<hbm>>
      tpu.wait_indirect_dma semaphore(%arg10 : memref<!tpu.dma_semaphore, #tpu.memory_space<semaphore_mem>>) src(%dma_wait3A_174 : memref<10000x128xf32, #tpu.memory_space<hbm>>) dst(%dma_wait3A_168 : memref<128x128xf32, #tpu.memory_space<vmem>>)
      %dma_start3A_175 = arith.constant 0 : i32
      %dma_start3A_176 = arith.constant 0 : i32
      %dma_start3A_177 = tpu.memref_slice %arg8[%rem3A_162, %dma_start3A_175, %dma_start3A_176] : memref<2x128x128xf32, #tpu.memory_space<vmem>> -> memref<1x128x128xf32, #tpu.memory_space<vmem>>
      %dma_start3A_178 = tpu.memref_squeeze %dma_start3A_177 : memref<1x128x128xf32, #tpu.memory_space<vmem>> -> memref<128x128xf32, #tpu.memory_space<vmem>>
      %dma_start3A_179 = arith.constant 0 : i32
      %dma_start3A_180 = tpu.memref_slice %arg7[%rem3A_164, %dma_start3A_179] : memref<4x128xi32, #tpu.memory_space<vmem>> -> memref<1x128xi32, #tpu.memory_space<vmem>>
      %dma_start3A_181 = tpu.memref_squeeze %dma_start3A_180 : memref<1x128xi32, #tpu.memory_space<vmem>> -> memref<128xi32, #tpu.memory_space<vmem>>
      %dma_start3A_182 = arith.constant 0 : i32
      %dma_start3A_183 = arith.constant 0 : i32
      %dma_start3A_184 = tpu.memref_slice %arg9[%dma_start3A_182, %dma_start3A_183] : memref<10240x128xf32, #tpu.memory_space<vmem_shared>> -> memref<10240x128xf32, #tpu.memory_space<vmem_shared>>
      tpu.enqueue_indirect_dma source(%dma_start3A_178 : memref<128x128xf32, #tpu.memory_space<vmem>>) target(%dma_start3A_184 : memref<10240x128xf32, #tpu.memory_space<vmem_shared>>) offsets(%dma_start3A_181 : memref<128xi32, #tpu.memory_space<vmem>>) semaphore(%arg11 : memref<!tpu.dma_semaphore, #tpu.memory_space<semaphore_mem>>) {add = true}
      %ge3A = arith.constant 1 : i32
      %ge3A_185 = arith.cmpi sge, %scan3A_160, %ge3A : i32
      %convert_element_type3A = arith.extui %ge3A_185 : i1 to i32
      %cond3A = arith.constant 0 : i32
      %cond3A_186 = arith.cmpi ne, %convert_element_type3A, %cond3A : i32
      scf.if %cond3A_186 {
        %add3A_200 = arith.constant 4 : i32
        %add3A_201 = arith.addi %scan3A_160, %add3A_200 : i32
        %sub3A_202 = arith.constant 1 : i32
        %sub3A_203 = arith.subi %add3A_201, %sub3A_202 : i32
        %rem3A_204 = arith.constant 4 : i32
        %rem3A_205 = arith.remsi %sub3A_203, %rem3A_204 : i32
        %sub3A_206 = arith.constant 1 : i32
        %sub3A_207 = arith.subi %sub3A_206, %rem3A_162 : i32
        %dma_wait3A_208 = arith.constant 0 : i32
        %dma_wait3A_209 = arith.constant 0 : i32
        %dma_wait3A_210 = tpu.memref_slice %arg8[%sub3A_207, %dma_wait3A_208, %dma_wait3A_209] : memref<2x128x128xf32, #tpu.memory_space<vmem>> -> memref<1x128x128xf32, #tpu.memory_space<vmem>>
        %dma_wait3A_211 = tpu.memref_squeeze %dma_wait3A_210 : memref<1x128x128xf32, #tpu.memory_space<vmem>> -> memref<128x128xf32, #tpu.memory_space<vmem>>
        %dma_wait3A_212 = arith.constant 0 : i32
        %dma_wait3A_213 = tpu.memref_slice %arg7[%rem3A_205, %dma_wait3A_212] : memref<4x128xi32, #tpu.memory_space<vmem>> -> memref<1x128xi32, #tpu.memory_space<vmem>>
        %dma_wait3A_214 = tpu.memref_squeeze %dma_wait3A_213 : memref<1x128xi32, #tpu.memory_space<vmem>> -> memref<128xi32, #tpu.memory_space<vmem>>
        %dma_wait3A_215 = arith.constant 0 : i32
        %dma_wait3A_216 = arith.constant 0 : i32
        %dma_wait3A_217 = tpu.memref_slice %arg9[%dma_wait3A_215, %dma_wait3A_216] : memref<10240x128xf32, #tpu.memory_space<vmem_shared>> -> memref<10240x128xf32, #tpu.memory_space<vmem_shared>>
        tpu.wait_indirect_dma semaphore(%arg11 : memref<!tpu.dma_semaphore, #tpu.memory_space<semaphore_mem>>) src(%dma_wait3A_211 : memref<128x128xf32, #tpu.memory_space<vmem>>) dst(%dma_wait3A_217 : memref<10240x128xf32, #tpu.memory_space<vmem_shared>>)
      } else {
      }
      %add3A = arith.constant 1 : i32
      %add3A_187 = arith.addi %scan3A_160, %add3A : i32
      %lt3A = arith.constant 80 : i32
      %lt3A_188 = arith.cmpi slt, %add3A_187, %lt3A : i32
      %convert_element_type3A_189 = arith.extui %lt3A_188 : i1 to i32
      %cond3A_190 = arith.constant 0 : i32
      %cond3A_191 = arith.cmpi ne, %convert_element_type3A_189, %cond3A_190 : i32
      scf.if %cond3A_191 {
        %add3A_200 = arith.constant 1 : i32
        %add3A_201 = arith.addi %scan3A_160, %add3A_200 : i32
        %rem3A_202 = arith.constant 4 : i32
        %rem3A_203 = arith.remsi %add3A_201, %rem3A_202 : i32
        %dma_wait3A_204 = arith.constant 0 : i32
        %dma_wait3A_205 = tpu.memref_slice %arg6[%rem3A_203, %dma_wait3A_204] : memref<4x128xi32, #tpu.memory_space<vmem>> -> memref<1x128xi32, #tpu.memory_space<vmem>>
        %dma_wait3A_206 = tpu.memref_squeeze %dma_wait3A_205 : memref<1x128xi32, #tpu.memory_space<vmem>> -> memref<128xi32, #tpu.memory_space<vmem>>
        %dma_wait3A_207 = arith.constant 0 : i32
        %dma_wait3A_208 = tpu.memref_slice %arg3[%arg0, %arg1, %add3A_201, %dma_wait3A_207] : memref<2x16x80x128xi32, #tpu.memory_space<hbm>> -> memref<1x1x1x128xi32, #tpu.memory_space<hbm>>
        %dma_wait3A_209 = tpu.memref_squeeze %dma_wait3A_208 : memref<1x1x1x128xi32, #tpu.memory_space<hbm>> -> memref<128xi32, #tpu.memory_space<hbm>>
        %dma_wait3A_210 = arith.constant 0 : i32
        %dma_wait3A_211 = tpu.memref_slice %arg6[%rem3A_203, %dma_wait3A_210] : memref<4x128xi32, #tpu.memory_space<vmem>> -> memref<1x128xi32, #tpu.memory_space<vmem>>
        %dma_wait3A_212 = tpu.memref_squeeze %dma_wait3A_211 : memref<1x128xi32, #tpu.memory_space<vmem>> -> memref<128xi32, #tpu.memory_space<vmem>>
        %dma_wait3A_213 = arith.constant 0 : i32
        %dma_wait3A_214 = tpu.memref_slice %arg3[%arg0, %arg1, %add3A_201, %dma_wait3A_213] : memref<2x16x80x128xi32, #tpu.memory_space<hbm>> -> memref<1x1x1x128xi32, #tpu.memory_space<hbm>>
        %dma_wait3A_215 = tpu.memref_squeeze %dma_wait3A_214 : memref<1x1x1x128xi32, #tpu.memory_space<hbm>> -> memref<128xi32, #tpu.memory_space<hbm>>
        tpu.wait_dma2 semaphore(%arg12 : memref<!tpu.dma_semaphore, #tpu.memory_space<semaphore_mem>>) src(%dma_wait3A_215 : memref<128xi32, #tpu.memory_space<hbm>>) dst(%dma_wait3A_212 : memref<128xi32, #tpu.memory_space<vmem>>)
        %dma_wait3A_216 = arith.constant 0 : i32
        %dma_wait3A_217 = tpu.memref_slice %arg7[%rem3A_203, %dma_wait3A_216] : memref<4x128xi32, #tpu.memory_space<vmem>> -> memref<1x128xi32, #tpu.memory_space<vmem>>
        %dma_wait3A_218 = tpu.memref_squeeze %dma_wait3A_217 : memref<1x128xi32, #tpu.memory_space<vmem>> -> memref<128xi32, #tpu.memory_space<vmem>>
        %dma_wait3A_219 = arith.constant 0 : i32
        %dma_wait3A_220 = tpu.memref_slice %arg4[%arg0, %arg1, %add3A_201, %dma_wait3A_219] : memref<2x16x80x128xi32, #tpu.memory_space<hbm>> -> memref<1x1x1x128xi32, #tpu.memory_space<hbm>>
        %dma_wait3A_221 = tpu.memref_squeeze %dma_wait3A_220 : memref<1x1x1x128xi32, #tpu.memory_space<hbm>> -> memref<128xi32, #tpu.memory_space<hbm>>
        %dma_wait3A_222 = arith.constant 0 : i32
        %dma_wait3A_223 = tpu.memref_slice %arg7[%rem3A_203, %dma_wait3A_222] : memref<4x128xi32, #tpu.memory_space<vmem>> -> memref<1x128xi32, #tpu.memory_space<vmem>>
        %dma_wait3A_224 = tpu.memref_squeeze %dma_wait3A_223 : memref<1x128xi32, #tpu.memory_space<vmem>> -> memref<128xi32, #tpu.memory_space<vmem>>
        %dma_wait3A_225 = arith.constant 0 : i32
        %dma_wait3A_226 = tpu.memref_slice %arg4[%arg0, %arg1, %add3A_201, %dma_wait3A_225] : memref<2x16x80x128xi32, #tpu.memory_space<hbm>> -> memref<1x1x1x128xi32, #tpu.memory_space<hbm>>
        %dma_wait3A_227 = tpu.memref_squeeze %dma_wait3A_226 : memref<1x1x1x128xi32, #tpu.memory_space<hbm>> -> memref<128xi32, #tpu.memory_space<hbm>>
        tpu.wait_dma2 semaphore(%arg13 : memref<!tpu.dma_semaphore, #tpu.memory_space<semaphore_mem>>) src(%dma_wait3A_227 : memref<128xi32, #tpu.memory_space<hbm>>) dst(%dma_wait3A_224 : memref<128xi32, #tpu.memory_space<vmem>>)
        %add3A_228 = arith.constant 1 : i32
        %add3A_229 = arith.addi %scan3A_160, %add3A_228 : i32
        %rem3A_230 = arith.constant 4 : i32
        %rem3A_231 = arith.remsi %add3A_229, %rem3A_230 : i32
        %sub3A_232 = arith.constant 1 : i32
        %sub3A_233 = arith.subi %sub3A_232, %rem3A_162 : i32
        %dma_start3A_234 = arith.constant 0 : i32
        %dma_start3A_235 = arith.constant 0 : i32
        %dma_start3A_236 = tpu.memref_slice %arg8[%sub3A_233, %dma_start3A_234, %dma_start3A_235] : memref<2x128x128xf32, #tpu.memory_space<vmem>> -> memref<1x128x128xf32, #tpu.memory_space<vmem>>
        %dma_start3A_237 = tpu.memref_squeeze %dma_start3A_236 : memref<1x128x128xf32, #tpu.memory_space<vmem>> -> memref<128x128xf32, #tpu.memory_space<vmem>>
        %dma_start3A_238 = arith.constant 0 : i32
        %dma_start3A_239 = tpu.memref_slice %arg6[%rem3A_231, %dma_start3A_238] : memref<4x128xi32, #tpu.memory_space<vmem>> -> memref<1x128xi32, #tpu.memory_space<vmem>>
        %dma_start3A_240 = tpu.memref_squeeze %dma_start3A_239 : memref<1x128xi32, #tpu.memory_space<vmem>> -> memref<128xi32, #tpu.memory_space<vmem>>
        %dma_start3A_241 = arith.constant 0 : i32
        %dma_start3A_242 = arith.constant 0 : i32
        %dma_start3A_243 = tpu.memref_slice %arg2[%dma_start3A_241, %dma_start3A_242] : memref<10000x128xf32, #tpu.memory_space<hbm>> -> memref<10000x128xf32, #tpu.memory_space<hbm>>
        tpu.enqueue_indirect_dma source(%dma_start3A_243 : memref<10000x128xf32, #tpu.memory_space<hbm>>) target(%dma_start3A_237 : memref<128x128xf32, #tpu.memory_space<vmem>>) offsets(%dma_start3A_240 : memref<128xi32, #tpu.memory_space<vmem>>) semaphore(%arg10 : memref<!tpu.dma_semaphore, #tpu.memory_space<semaphore_mem>>)
      } else {
      }
      %add3A_192 = arith.constant 4 : i32
      %add3A_193 = arith.addi %scan3A_160, %add3A_192 : i32
      %sub3A = arith.constant 1 : i32
      %sub3A_194 = arith.subi %add3A_193, %sub3A : i32
      %lt3A_195 = arith.constant 80 : i32
      %lt3A_196 = arith.cmpi slt, %sub3A_194, %lt3A_195 : i32
      %convert_element_type3A_197 = arith.extui %lt3A_196 : i1 to i32
      %cond3A_198 = arith.constant 0 : i32
      %cond3A_199 = arith.cmpi ne, %convert_element_type3A_197, %cond3A_198 : i32
      scf.if %cond3A_199 {
        %add3A_200 = arith.constant 4 : i32
        %add3A_201 = arith.addi %scan3A_160, %add3A_200 : i32
        %sub3A_202 = arith.constant 1 : i32
        %sub3A_203 = arith.subi %add3A_201, %sub3A_202 : i32
        %rem3A_204 = arith.constant 4 : i32
        %rem3A_205 = arith.remsi %sub3A_203, %rem3A_204 : i32
        %dma_start3A_206 = arith.constant 0 : i32
        %dma_start3A_207 = tpu.memref_slice %arg6[%rem3A_205, %dma_start3A_206] : memref<4x128xi32, #tpu.memory_space<vmem>> -> memref<1x128xi32, #tpu.memory_space<vmem>>
        %dma_start3A_208 = tpu.memref_squeeze %dma_start3A_207 : memref<1x128xi32, #tpu.memory_space<vmem>> -> memref<128xi32, #tpu.memory_space<vmem>>
        %dma_start3A_209 = arith.constant 0 : i32
        %dma_start3A_210 = tpu.memref_slice %arg3[%arg0, %arg1, %sub3A_203, %dma_start3A_209] : memref<2x16x80x128xi32, #tpu.memory_space<hbm>> -> memref<1x1x1x128xi32, #tpu.memory_space<hbm>>
        %dma_start3A_211 = tpu.memref_squeeze %dma_start3A_210 : memref<1x1x1x128xi32, #tpu.memory_space<hbm>> -> memref<128xi32, #tpu.memory_space<hbm>>
        %dma_start3A_212 = arith.constant 0 : i32
        %dma_start3A_213 = tpu.memref_slice %arg6[%rem3A_205, %dma_start3A_212] : memref<4x128xi32, #tpu.memory_space<vmem>> -> memref<1x128xi32, #tpu.memory_space<vmem>>
        %dma_start3A_214 = tpu.memref_squeeze %dma_start3A_213 : memref<1x128xi32, #tpu.memory_space<vmem>> -> memref<128xi32, #tpu.memory_space<vmem>>
        %dma_start3A_215 = arith.constant 0 : i32
        %dma_start3A_216 = tpu.memref_slice %arg3[%arg0, %arg1, %sub3A_203, %dma_start3A_215] : memref<2x16x80x128xi32, #tpu.memory_space<hbm>> -> memref<1x1x1x128xi32, #tpu.memory_space<hbm>>
        %dma_start3A_217 = tpu.memref_squeeze %dma_start3A_216 : memref<1x1x1x128xi32, #tpu.memory_space<hbm>> -> memref<128xi32, #tpu.memory_space<hbm>>
        tpu.enqueue_dma source(%dma_start3A_217 : memref<128xi32, #tpu.memory_space<hbm>>) target(%dma_start3A_214 : memref<128xi32, #tpu.memory_space<vmem>>) target_semaphore(%arg12 : memref<!tpu.dma_semaphore, #tpu.memory_space<semaphore_mem>>)
        %dma_start3A_218 = arith.constant 0 : i32
        %dma_start3A_219 = tpu.memref_slice %arg7[%rem3A_205, %dma_start3A_218] : memref<4x128xi32, #tpu.memory_space<vmem>> -> memref<1x128xi32, #tpu.memory_space<vmem>>
        %dma_start3A_220 = tpu.memref_squeeze %dma_start3A_219 : memref<1x128xi32, #tpu.memory_space<vmem>> -> memref<128xi32, #tpu.memory_space<vmem>>
        %dma_start3A_221 = arith.constant 0 : i32
        %dma_start3A_222 = tpu.memref_slice %arg4[%arg0, %arg1, %sub3A_203, %dma_start3A_221] : memref<2x16x80x128xi32, #tpu.memory_space<hbm>> -> memref<1x1x1x128xi32, #tpu.memory_space<hbm>>
        %dma_start3A_223 = tpu.memref_squeeze %dma_start3A_222 : memref<1x1x1x128xi32, #tpu.memory_space<hbm>> -> memref<128xi32, #tpu.memory_space<hbm>>
        %dma_start3A_224 = arith.constant 0 : i32
        %dma_start3A_225 = tpu.memref_slice %arg7[%rem3A_205, %dma_start3A_224] : memref<4x128xi32, #tpu.memory_space<vmem>> -> memref<1x128xi32, #tpu.memory_space<vmem>>
        %dma_start3A_226 = tpu.memref_squeeze %dma_start3A_225 : memref<1x128xi32, #tpu.memory_space<vmem>> -> memref<128xi32, #tpu.memory_space<vmem>>
        %dma_start3A_227 = arith.constant 0 : i32
        %dma_start3A_228 = tpu.memref_slice %arg4[%arg0, %arg1, %sub3A_203, %dma_start3A_227] : memref<2x16x80x128xi32, #tpu.memory_space<hbm>> -> memref<1x1x1x128xi32, #tpu.memory_space<hbm>>
        %dma_start3A_229 = tpu.memref_squeeze %dma_start3A_228 : memref<1x1x1x128xi32, #tpu.memory_space<hbm>> -> memref<128xi32, #tpu.memory_space<hbm>>
        tpu.enqueue_dma source(%dma_start3A_229 : memref<128xi32, #tpu.memory_space<hbm>>) target(%dma_start3A_226 : memref<128xi32, #tpu.memory_space<vmem>>) target_semaphore(%arg13 : memref<!tpu.dma_semaphore, #tpu.memory_space<semaphore_mem>>)
      } else {
      }
    }
    %scan3A_142 = arith.constant 80 : i32
    %dma_wait3A_143 = arith.constant 1 : i32
    %dma_wait3A_144 = arith.constant 3 : i32
    %dma_wait3A_145 = arith.constant 0 : i32
    %dma_wait3A_146 = arith.constant 0 : i32
    %dma_wait3A_147 = tpu.memref_slice %arg8[%dma_wait3A_143, %dma_wait3A_145, %dma_wait3A_146] : memref<2x128x128xf32, #tpu.memory_space<vmem>> -> memref<1x128x128xf32, #tpu.memory_space<vmem>>
    %dma_wait3A_148 = tpu.memref_squeeze %dma_wait3A_147 : memref<1x128x128xf32, #tpu.memory_space<vmem>> -> memref<128x128xf32, #tpu.memory_space<vmem>>
    %dma_wait3A_149 = arith.constant 0 : i32
    %dma_wait3A_150 = tpu.memref_slice %arg7[%dma_wait3A_144, %dma_wait3A_149] : memref<4x128xi32, #tpu.memory_space<vmem>> -> memref<1x128xi32, #tpu.memory_space<vmem>>
    %dma_wait3A_151 = tpu.memref_squeeze %dma_wait3A_150 : memref<1x128xi32, #tpu.memory_space<vmem>> -> memref<128xi32, #tpu.memory_space<vmem>>
    %dma_wait3A_152 = arith.constant 0 : i32
    %dma_wait3A_153 = arith.constant 0 : i32
    %dma_wait3A_154 = tpu.memref_slice %arg9[%dma_wait3A_152, %dma_wait3A_153] : memref<10240x128xf32, #tpu.memory_space<vmem_shared>> -> memref<10240x128xf32, #tpu.memory_space<vmem_shared>>
    tpu.wait_indirect_dma semaphore(%arg11 : memref<!tpu.dma_semaphore, #tpu.memory_space<semaphore_mem>>) src(%dma_wait3A_148 : memref<128x128xf32, #tpu.memory_space<vmem>>) dst(%dma_wait3A_154 : memref<10240x128xf32, #tpu.memory_space<vmem_shared>>)
    %barrier3A_155 = arith.constant 0 : index
    tpu.barrier barrier_id(%barrier3A_155)
    %mul3A = arith.constant 640 : i32
    %mul3A_156 = arith.muli %arg1, %mul3A : i32
    %multiple_of3A = tpu.assume_multiple %mul3A_156, 8 : i32
    %mul3A_157 = arith.constant 640 : i32
    %mul3A_158 = arith.muli %arg1, %mul3A_157 : i32
    %multiple_of3A_159 = tpu.assume_multiple %mul3A_158, 8 : i32
    "tpu.region"() ({
      %run_scoped3A = tpu.sem_alloc : memref<!tpu.dma_semaphore, #tpu.memory_space<semaphore_mem>>
      %dma_start3A_160 = arith.constant 0 : i32
      %dma_start3A_161 = tpu.memref_slice %arg5[%arg0, %multiple_of3A_159, %dma_start3A_160] : memref<2x10240x128xf32, #tpu.memory_space<hbm>> -> memref<1x640x128xf32, #tpu.memory_space<hbm>>
      %dma_start3A_162 = tpu.memref_squeeze %dma_start3A_161 : memref<1x640x128xf32, #tpu.memory_space<hbm>> -> memref<640x128xf32, #tpu.memory_space<hbm>>
      %dma_start3A_163 = arith.constant 0 : i32
      %dma_start3A_164 = tpu.memref_slice %arg9[%multiple_of3A, %dma_start3A_163] : memref<10240x128xf32, #tpu.memory_space<vmem_shared>> -> memref<640x128xf32, #tpu.memory_space<vmem_shared>>
      tpu.enqueue_dma source(%dma_start3A_164 : memref<640x128xf32, #tpu.memory_space<vmem_shared>>) target(%dma_start3A_162 : memref<640x128xf32, #tpu.memory_space<hbm>>) target_semaphore(%run_scoped3A : memref<!tpu.dma_semaphore, #tpu.memory_space<semaphore_mem>>)
      %dma_wait3A_165 = arith.constant 0 : i32
      %dma_wait3A_166 = tpu.memref_slice %arg5[%arg0, %multiple_of3A_159, %dma_wait3A_165] : memref<2x10240x128xf32, #tpu.memory_space<hbm>> -> memref<1x640x128xf32, #tpu.memory_space<hbm>>
      %dma_wait3A_167 = tpu.memref_squeeze %dma_wait3A_166 : memref<1x640x128xf32, #tpu.memory_space<hbm>> -> memref<640x128xf32, #tpu.memory_space<hbm>>
      %dma_wait3A_168 = arith.constant 0 : i32
      %dma_wait3A_169 = tpu.memref_slice %arg9[%multiple_of3A, %dma_wait3A_168] : memref<10240x128xf32, #tpu.memory_space<vmem_shared>> -> memref<640x128xf32, #tpu.memory_space<vmem_shared>>
      tpu.wait_dma2 semaphore(%run_scoped3A : memref<!tpu.dma_semaphore, #tpu.memory_space<semaphore_mem>>) src(%dma_wait3A_169 : memref<640x128xf32, #tpu.memory_space<vmem_shared>>) dst(%dma_wait3A_167 : memref<640x128xf32, #tpu.memory_space<hbm>>)
      tpu.yield
    }) : () -> ()
    return
  }
}

module attributes {stable_mosaic.version = 14 : i64} {
  func.func @body(%arg0: i32, %arg1: memref<1000x128xf32, #tpu.memory_space<vmem>>, %arg2: memref<128x128xf32, #tpu.memory_space<vmem>>, %arg3: memref<1000x128xf32, #tpu.memory_space<vmem>>) attributes {dimension_semantics = [#tpu.dimension_semantics<arbitrary>], iteration_bounds = array<i64: 10>, scalar_prefetch = 0 : i64, scratch_operands = 0 : i64, tpu.core_type = #tpu.core_type<tc>, window_params = [{transform_indices = @transform_0, window_bounds = array<i64: 1000, 128>}, {pipeline_mode = #tpu.pipeline_mode<synchronous>, transform_indices = @transform_1, window_bounds = array<i64: 128, 128>}, {transform_indices = @transform_2, window_bounds = array<i64: 1000, 128>}]} {
    %get3A = arith.constant 0 : index
    %get3A_0 = arith.constant 0 : index
    %get3A_1 = vector.load %arg1[%get3A, %get3A_0] : memref<1000x128xf32, #tpu.memory_space<vmem>>, vector<1000x128xf32>
    %get3A_2 = arith.constant 0 : index
    %get3A_3 = arith.constant 0 : index
    %get3A_4 = vector.load %arg2[%get3A_2, %get3A_3] : memref<128x128xf32, #tpu.memory_space<vmem>>, vector<128x128xf32>
    %dot_general3A = arith.constant dense<0.000000e+00> : vector<1000x128xf32>
    %dot_general3A_5 = tpu.matmul %get3A_1, %get3A_4, %dot_general3A {dimension_numbers = #tpu.dot_dimension_numbers<[1], [0], [0], [1], [0, 0, 1, 1], [], []>, transpose_lhs_hint = false} : vector<1000x128xf32>, vector<128x128xf32>, vector<1000x128xf32> -> vector<1000x128xf32>
    %swap3A = arith.constant 0 : index
    %swap3A_6 = arith.constant 0 : index
    %swap3A_7 = vector.load %arg3[%swap3A, %swap3A_6] : memref<1000x128xf32, #tpu.memory_space<vmem>>, vector<1000x128xf32>
    tpu.vector_store %arg3[%swap3A, %swap3A_6], %dot_general3A_5 {strides = array<i32>} : memref<1000x128xf32, #tpu.memory_space<vmem>>, vector<1000x128xf32>,
    return
  }
  func.func @transform_0(%arg0: i32) -> (i32, i32) {
    %c0_i32 = arith.constant 0 : i32
    %c0_i32_0 = arith.constant 0 : i32
    return %arg0, %c0_i32 : i32, i32
  }
  func.func @transform_1(%arg0: i32) -> (i32, i32) {
    %c0_i32 = arith.constant 0 : i32
    %c0_i32_0 = arith.constant 0 : i32
    %c0_i32_1 = arith.constant 0 : i32
    return %c0_i32, %c0_i32_0 : i32, i32
  }
  func.func @transform_2(%arg0: i32) -> (i32, i32) {
    %c0_i32 = arith.constant 0 : i32
    %c0_i32_0 = arith.constant 0 : i32
    return %arg0, %c0_i32 : i32, i32
  }
}

module attributes {stable_mosaic.version = 14 : i64} {
  func.func @body(%arg0: i32, %arg1: memref<2x16x10240xf32, #tpu.memory_space<vmem>>, %arg2: memref<1x10240xf32, #tpu.memory_space<vmem>>) attributes {dimension_semantics = [#tpu.dimension_semantics<arbitrary>], iteration_bounds = array<i64: 1>, scalar_prefetch = 0 : i64, scratch_operands = 0 : i64, tpu.core_type = #tpu.core_type<tc>, window_params = [{pipeline_mode = #tpu.pipeline_mode<synchronous>, transform_indices = @transform_0, window_bounds = array<i64: 2, 16, 10240>}, {pipeline_mode = #tpu.pipeline_mode<synchronous>, transform_indices = @transform_1, window_bounds = array<i64: 1, 10240>}]} {
    %get3A = arith.constant 0 : index
    %get3A_0 = arith.constant 0 : index
    %get3A_1 = arith.constant 0 : index
    %get3A_2 = vector.load %arg1[%get3A, %get3A_0, %get3A_1] : memref<2x16x10240xf32, #tpu.memory_space<vmem>>, vector<2x16x10240xf32>
    %reduce_sum3A = arith.constant dense<0.000000e+00> : vector<10240xf32>
    %reduce_sum3A_3 = vector.multi_reduction <add>, %get3A_2, %reduce_sum3A [0, 1] : vector<2x16x10240xf32> to vector<10240xf32>
    %add3A = arith.constant 1.000000e+00 : f32
    %add3A_4 = vector.broadcast %add3A : f32 to vector<10240xf32>
    %add3A_5 = arith.addf %reduce_sum3A_3, %add3A_4 : vector<10240xf32>
    %rsqrt3A = math.rsqrt %add3A_5 : vector<10240xf32>
    %reshape3A = vector.shape_cast %rsqrt3A : vector<10240xf32> to vector<1x10240xf32>
    %swap3A = arith.constant 0 : index
    %swap3A_6 = arith.constant 0 : index
    %swap3A_7 = vector.load %arg2[%swap3A, %swap3A_6] : memref<1x10240xf32, #tpu.memory_space<vmem>>, vector<1x10240xf32>
    tpu.vector_store %arg2[%swap3A, %swap3A_6], %reshape3A {strides = array<i32>} : memref<1x10240xf32, #tpu.memory_space<vmem>>, vector<1x10240xf32>,
    return
  }
  func.func @transform_0(%arg0: i32) -> (i32, i32, i32) {
    %c0_i32 = arith.constant 0 : i32
    %c0_i32_0 = arith.constant 0 : i32
    %c0_i32_1 = arith.constant 0 : i32
    %c0_i32_2 = arith.constant 0 : i32
    return %c0_i32, %c0_i32_0, %c0_i32_1 : i32, i32, i32
  }
  func.func @transform_1(%arg0: i32) -> (i32, i32) {
    %c0_i32 = arith.constant 0 : i32
    %c0_i32_0 = arith.constant 0 : i32
    %c0_i32_1 = arith.constant 0 : i32
    return %c0_i32, %c0_i32_0 : i32, i32
  }
}

module attributes {stable_mosaic.version = 14 : i64} {
  func.func @body(%arg0: i32, %arg1: memref<1000x1xf32, #tpu.memory_space<vmem>>, %arg2: memref<1000x128xf32, #tpu.memory_space<vmem>>, %arg3: memref<1000x128xf32, #tpu.memory_space<vmem>>) attributes {dimension_semantics = [#tpu.dimension_semantics<arbitrary>], iteration_bounds = array<i64: 10>, scalar_prefetch = 0 : i64, scratch_operands = 0 : i64, tpu.core_type = #tpu.core_type<tc>, window_params = [{transform_indices = @transform_0, window_bounds = array<i64: 1000, 1>}, {transform_indices = @transform_1, window_bounds = array<i64: 1000, 128>}, {transform_indices = @transform_2, window_bounds = array<i64: 1000, 128>}]} {
    %get3A = arith.constant 0 : index
    %get3A_0 = arith.constant 0 : index
    %get3A_1 = vector.load %arg2[%get3A, %get3A_0] : memref<1000x128xf32, #tpu.memory_space<vmem>>, vector<1000x128xf32>
    %get3A_2 = arith.constant 0 : index
    %get3A_3 = arith.constant 0 : index
    %get3A_4 = vector.load %arg1[%get3A_2, %get3A_3] : memref<1000x1xf32, #tpu.memory_space<vmem>>, vector<1000x1xf32>
    %mul3A = vector.broadcast %get3A_4 : vector<1000x1xf32> to vector<1000x128xf32>
    %mul3A_5 = arith.mulf %get3A_1, %mul3A : vector<1000x128xf32>
    %swap3A = arith.constant 0 : index
    %swap3A_6 = arith.constant 0 : index
    %swap3A_7 = vector.load %arg3[%swap3A, %swap3A_6] : memref<1000x128xf32, #tpu.memory_space<vmem>>, vector<1000x128xf32>
    tpu.vector_store %arg3[%swap3A, %swap3A_6], %mul3A_5 {strides = array<i32>} : memref<1000x128xf32, #tpu.memory_space<vmem>>, vector<1000x128xf32>,
    return
  }
  func.func @transform_0(%arg0: i32) -> (i32, i32) {
    %c0_i32 = arith.constant 0 : i32
    %c0_i32_0 = arith.constant 0 : i32
    return %arg0, %c0_i32 : i32, i32
  }
  func.func @transform_1(%arg0: i32) -> (i32, i32) {
    %c0_i32 = arith.constant 0 : i32
    %c0_i32_0 = arith.constant 0 : i32
    return %arg0, %c0_i32 : i32, i32
  }
  func.func @transform_2(%arg0: i32) -> (i32, i32) {
    %c0_i32 = arith.constant 0 : i32
    %c0_i32_0 = arith.constant 0 : i32
    return %arg0, %c0_i32 : i32, i32
  }
}

module attributes {stable_mosaic.version = 14 : i64} {
  func.func @body(%arg0: i32, %arg1: memref<1000x1xf32, #tpu.memory_space<vmem>>, %arg2: memref<2x1000x128xf32, #tpu.memory_space<vmem>>, %arg3: memref<1000x128xf32, #tpu.memory_space<vmem>>, %arg4: memref<1x128xf32, #tpu.memory_space<vmem>>, %arg5: memref<1x1xf32, #tpu.memory_space<vmem>>, %arg6: memref<128x128xf32, #tpu.memory_space<vmem>>, %arg7: memref<1000x128xf32, #tpu.memory_space<vmem>>) attributes {dimension_semantics = [#tpu.dimension_semantics<arbitrary>], iteration_bounds = array<i64: 10>, scalar_prefetch = 0 : i64, scratch_operands = 0 : i64, tpu.core_type = #tpu.core_type<tc>, window_params = [{transform_indices = @transform_0, window_bounds = array<i64: 1000, 1>}, {transform_indices = @transform_1, window_bounds = array<i64: 2, 1000, 128>}, {transform_indices = @transform_2, window_bounds = array<i64: 1000, 128>}, {pipeline_mode = #tpu.pipeline_mode<synchronous>, transform_indices = @transform_3, window_bounds = array<i64: 1, 128>}, {pipeline_mode = #tpu.pipeline_mode<synchronous>, transform_indices = @transform_4, window_bounds = array<i64: 1, 1>}, {pipeline_mode = #tpu.pipeline_mode<synchronous>, transform_indices = @transform_5, window_bounds = array<i64: 128, 128>}, {transform_indices = @transform_6, window_bounds = array<i64: 1000, 128>}]} {
    %get3A = arith.constant 0 : index
    %get3A_0 = arith.constant 0 : index
    %get3A_1 = vector.load %arg1[%get3A, %get3A_0] : memref<1000x1xf32, #tpu.memory_space<vmem>>, vector<1000x1xf32>
    %get3A_2 = arith.constant 0 : index
    %get3A_3 = arith.constant 0 : index
    %get3A_4 = arith.constant 0 : index
    %get3A_5 = vector.load %arg2[%get3A_2, %get3A_3, %get3A_4] : memref<2x1000x128xf32, #tpu.memory_space<vmem>>, vector<1x1000x128xf32>
    %get3A_6 = vector.shape_cast %get3A_5 : vector<1x1000x128xf32> to vector<1000x128xf32>
    %get3A_7 = arith.constant 1 : index
    %get3A_8 = arith.constant 0 : index
    %get3A_9 = arith.constant 0 : index
    %get3A_10 = vector.load %arg2[%get3A_7, %get3A_8, %get3A_9] : memref<2x1000x128xf32, #tpu.memory_space<vmem>>, vector<1x1000x128xf32>
    %get3A_11 = vector.shape_cast %get3A_10 : vector<1x1000x128xf32> to vector<1000x128xf32>
    %add3A = arith.addf %get3A_6, %get3A_11 : vector<1000x128xf32>
    %get3A_12 = arith.constant 0 : index
    %get3A_13 = arith.constant 0 : index
    %get3A_14 = vector.load %arg3[%get3A_12, %get3A_13] : memref<1000x128xf32, #tpu.memory_space<vmem>>, vector<1000x128xf32>
    %add3A_15 = arith.addf %add3A, %get3A_14 : vector<1000x128xf32>
    %mul3A = vector.broadcast %get3A_1 : vector<1000x1xf32> to vector<1000x128xf32>
    %mul3A_16 = arith.mulf %mul3A, %add3A_15 : vector<1000x128xf32>
    %get3A_17 = arith.constant 0 : index
    %get3A_18 = arith.constant 0 : index
    %get3A_19 = vector.load %arg4[%get3A_17, %get3A_18] : memref<1x128xf32, #tpu.memory_space<vmem>>, vector<1x128xf32>
    %add3A_20 = vector.broadcast %get3A_19 : vector<1x128xf32> to vector<1000x128xf32>
    %add3A_21 = arith.addf %mul3A_16, %add3A_20 : vector<1000x128xf32>
    %ge3A = arith.constant 0.000000e+00 : f32
    %ge3A_22 = vector.broadcast %ge3A : f32 to vector<1000x128xf32>
    %ge3A_23 = arith.cmpf oge, %add3A_21, %ge3A_22 : vector<1000x128xf32>
    %get3A_24 = arith.constant 0 : index
    %get3A_25 = arith.constant 0 : index
    %get3A_26 = vector.load %arg5[%get3A_24, %get3A_25] : memref<1x1xf32, #tpu.memory_space<vmem>>, vector<1x1xf32>
    %mul3A_27 = vector.broadcast %get3A_26 : vector<1x1xf32> to vector<1000x128xf32>
    %mul3A_28 = arith.mulf %mul3A_27, %add3A_21 : vector<1000x128xf32>
    %select_n3A = arith.select %ge3A_23, %add3A_21, %mul3A_28 : vector<1000x128xi1>, vector<1000x128xf32>
    %get3A_29 = arith.constant 0 : index
    %get3A_30 = arith.constant 0 : index
    %get3A_31 = vector.load %arg6[%get3A_29, %get3A_30] : memref<128x128xf32, #tpu.memory_space<vmem>>, vector<128x128xf32>
    %dot_general3A = arith.constant dense<0.000000e+00> : vector<1000x128xf32>
    %dot_general3A_32 = tpu.matmul %select_n3A, %get3A_31, %dot_general3A {dimension_numbers = #tpu.dot_dimension_numbers<[1], [0], [0], [1], [0, 0, 1, 1], [], []>, transpose_lhs_hint = false} : vector<1000x128xf32>, vector<128x128xf32>, vector<1000x128xf32> -> vector<1000x128xf32>
    %mul3A_33 = vector.broadcast %get3A_1 : vector<1000x1xf32> to vector<1000x128xf32>
    %mul3A_34 = arith.mulf %dot_general3A_32, %mul3A_33 : vector<1000x128xf32>
    %swap3A = arith.constant 0 : index
    %swap3A_35 = arith.constant 0 : index
    %swap3A_36 = vector.load %arg7[%swap3A, %swap3A_35] : memref<1000x128xf32, #tpu.memory_space<vmem>>, vector<1000x128xf32>
    tpu.vector_store %arg7[%swap3A, %swap3A_35], %mul3A_34 {strides = array<i32>} : memref<1000x128xf32, #tpu.memory_space<vmem>>, vector<1000x128xf32>,
    return
  }
  func.func @transform_0(%arg0: i32) -> (i32, i32) {
    %c0_i32 = arith.constant 0 : i32
    %c0_i32_0 = arith.constant 0 : i32
    return %arg0, %c0_i32 : i32, i32
  }
  func.func @transform_1(%arg0: i32) -> (i32, i32, i32) {
    %c0_i32 = arith.constant 0 : i32
    %c0_i32_0 = arith.constant 0 : i32
    %c0_i32_1 = arith.constant 0 : i32
    return %c0_i32, %arg0, %c0_i32_0 : i32, i32, i32
  }
  func.func @transform_2(%arg0: i32) -> (i32, i32) {
    %c0_i32 = arith.constant 0 : i32
    %c0_i32_0 = arith.constant 0 : i32
    return %arg0, %c0_i32 : i32, i32
  }
  func.func @transform_3(%arg0: i32) -> (i32, i32) {
    %c0_i32 = arith.constant 0 : i32
    %c0_i32_0 = arith.constant 0 : i32
    %c0_i32_1 = arith.constant 0 : i32
    return %c0_i32, %c0_i32_0 : i32, i32
  }
  func.func @transform_4(%arg0: i32) -> (i32, i32) {
    %c0_i32 = arith.constant 0 : i32
    %c0_i32_0 = arith.constant 0 : i32
    %c0_i32_1 = arith.constant 0 : i32
    return %c0_i32, %c0_i32_0 : i32, i32
  }
  func.func @transform_5(%arg0: i32) -> (i32, i32) {
    %c0_i32 = arith.constant 0 : i32
    %c0_i32_0 = arith.constant 0 : i32
    %c0_i32_1 = arith.constant 0 : i32
    return %c0_i32, %c0_i32_0 : i32, i32
  }
  func.func @transform_6(%arg0: i32) -> (i32, i32) {
    %c0_i32 = arith.constant 0 : i32
    %c0_i32_0 = arith.constant 0 : i32
    return %arg0, %c0_i32 : i32, i32
  }
}

module attributes {stable_mosaic.version = 14 : i64} {
  func.func @body(%arg0: i32, %arg1: memref<1000x1xf32, #tpu.memory_space<vmem>>, %arg2: memref<2x1000x128xf32, #tpu.memory_space<vmem>>, %arg3: memref<1000x128xf32, #tpu.memory_space<vmem>>, %arg4: memref<1x128xf32, #tpu.memory_space<vmem>>, %arg5: memref<1x1xf32, #tpu.memory_space<vmem>>, %arg6: memref<1000x128xf32, #tpu.memory_space<vmem>>) attributes {dimension_semantics = [#tpu.dimension_semantics<arbitrary>], iteration_bounds = array<i64: 10>, scalar_prefetch = 0 : i64, scratch_operands = 0 : i64, tpu.core_type = #tpu.core_type<tc>, window_params = [{transform_indices = @transform_0, window_bounds = array<i64: 1000, 1>}, {transform_indices = @transform_1, window_bounds = array<i64: 2, 1000, 128>}, {transform_indices = @transform_2, window_bounds = array<i64: 1000, 128>}, {pipeline_mode = #tpu.pipeline_mode<synchronous>, transform_indices = @transform_3, window_bounds = array<i64: 1, 128>}, {pipeline_mode = #tpu.pipeline_mode<synchronous>, transform_indices = @transform_4, window_bounds = array<i64: 1, 1>}, {transform_indices = @transform_5, window_bounds = array<i64: 1000, 128>}]} {
    %get3A = arith.constant 0 : index
    %get3A_0 = arith.constant 0 : index
    %get3A_1 = vector.load %arg1[%get3A, %get3A_0] : memref<1000x1xf32, #tpu.memory_space<vmem>>, vector<1000x1xf32>
    %get3A_2 = arith.constant 0 : index
    %get3A_3 = arith.constant 0 : index
    %get3A_4 = arith.constant 0 : index
    %get3A_5 = vector.load %arg2[%get3A_2, %get3A_3, %get3A_4] : memref<2x1000x128xf32, #tpu.memory_space<vmem>>, vector<1x1000x128xf32>
    %get3A_6 = vector.shape_cast %get3A_5 : vector<1x1000x128xf32> to vector<1000x128xf32>
    %get3A_7 = arith.constant 1 : index
    %get3A_8 = arith.constant 0 : index
    %get3A_9 = arith.constant 0 : index
    %get3A_10 = vector.load %arg2[%get3A_7, %get3A_8, %get3A_9] : memref<2x1000x128xf32, #tpu.memory_space<vmem>>, vector<1x1000x128xf32>
    %get3A_11 = vector.shape_cast %get3A_10 : vector<1x1000x128xf32> to vector<1000x128xf32>
    %add3A = arith.addf %get3A_6, %get3A_11 : vector<1000x128xf32>
    %get3A_12 = arith.constant 0 : index
    %get3A_13 = arith.constant 0 : index
    %get3A_14 = vector.load %arg3[%get3A_12, %get3A_13] : memref<1000x128xf32, #tpu.memory_space<vmem>>, vector<1000x128xf32>
    %add3A_15 = arith.addf %add3A, %get3A_14 : vector<1000x128xf32>
    %mul3A = vector.broadcast %get3A_1 : vector<1000x1xf32> to vector<1000x128xf32>
    %mul3A_16 = arith.mulf %mul3A, %add3A_15 : vector<1000x128xf32>
    %get3A_17 = arith.constant 0 : index
    %get3A_18 = arith.constant 0 : index
    %get3A_19 = vector.load %arg4[%get3A_17, %get3A_18] : memref<1x128xf32, #tpu.memory_space<vmem>>, vector<1x128xf32>
    %add3A_20 = vector.broadcast %get3A_19 : vector<1x128xf32> to vector<1000x128xf32>
    %add3A_21 = arith.addf %mul3A_16, %add3A_20 : vector<1000x128xf32>
    %ge3A = arith.constant 0.000000e+00 : f32
    %ge3A_22 = vector.broadcast %ge3A : f32 to vector<1000x128xf32>
    %ge3A_23 = arith.cmpf oge, %add3A_21, %ge3A_22 : vector<1000x128xf32>
    %get3A_24 = arith.constant 0 : index
    %get3A_25 = arith.constant 0 : index
    %get3A_26 = vector.load %arg5[%get3A_24, %get3A_25] : memref<1x1xf32, #tpu.memory_space<vmem>>, vector<1x1xf32>
    %mul3A_27 = vector.broadcast %get3A_26 : vector<1x1xf32> to vector<1000x128xf32>
    %mul3A_28 = arith.mulf %mul3A_27, %add3A_21 : vector<1000x128xf32>
    %select_n3A = arith.select %ge3A_23, %add3A_21, %mul3A_28 : vector<1000x128xi1>, vector<1000x128xf32>
    %swap3A = arith.constant 0 : index
    %swap3A_29 = arith.constant 0 : index
    %swap3A_30 = vector.load %arg6[%swap3A, %swap3A_29] : memref<1000x128xf32, #tpu.memory_space<vmem>>, vector<1000x128xf32>
    tpu.vector_store %arg6[%swap3A, %swap3A_29], %select_n3A {strides = array<i32>} : memref<1000x128xf32, #tpu.memory_space<vmem>>, vector<1000x128xf32>,
    return
  }
  func.func @transform_0(%arg0: i32) -> (i32, i32) {
    %c0_i32 = arith.constant 0 : i32
    %c0_i32_0 = arith.constant 0 : i32
    return %arg0, %c0_i32 : i32, i32
  }
  func.func @transform_1(%arg0: i32) -> (i32, i32, i32) {
    %c0_i32 = arith.constant 0 : i32
    %c0_i32_0 = arith.constant 0 : i32
    %c0_i32_1 = arith.constant 0 : i32
    return %c0_i32, %arg0, %c0_i32_0 : i32, i32, i32
  }
  func.func @transform_2(%arg0: i32) -> (i32, i32) {
    %c0_i32 = arith.constant 0 : i32
    %c0_i32_0 = arith.constant 0 : i32
    return %arg0, %c0_i32 : i32, i32
  }
  func.func @transform_3(%arg0: i32) -> (i32, i32) {
    %c0_i32 = arith.constant 0 : i32
    %c0_i32_0 = arith.constant 0 : i32
    %c0_i32_1 = arith.constant 0 : i32
    return %c0_i32, %c0_i32_0 : i32, i32
  }
  func.func @transform_4(%arg0: i32) -> (i32, i32) {
    %c0_i32 = arith.constant 0 : i32
    %c0_i32_0 = arith.constant 0 : i32
    %c0_i32_1 = arith.constant 0 : i32
    return %c0_i32, %c0_i32_0 : i32, i32
  }
  func.func @transform_5(%arg0: i32) -> (i32, i32) {
    %c0_i32 = arith.constant 0 : i32
    %c0_i32_0 = arith.constant 0 : i32
    return %arg0, %c0_i32 : i32, i32
  }
}

</mosaic_0001>

<sc_bundles>
// kernel: kernel.10.cloned.1.call-start
scs
__scs_entry_jumppad:
0x0: {  	(pc) =	sbr.rel $0x88, $3  }
0x1: {  	(tag) =	ssettag $0x0;
	lr =	simm.s32 $0x1  }
0x2: {  	[smem:$0x3F99] =	sst lr;
	_ =	strace $0xD0000000  }
0x3: {  	_ = 	snop  }
0x4: {  	_ = 	snop  }
0x5: {  	_ = 	snop  }
0x6: {  	_ = 	snop  }
0x7: {  	_ = 	snop  }
__scs_overlays_trampoline_lowered:
0x8: {  	[smem:$0x3FA8] =	sst s0  }
0x9: {  	[smem:$0x3FA9] =	sst s1  }
0xa: {  	[smem:$0x3FAA] =	sst s2  }
0xb: {  	[smem:$0x3FAB] =	sst s3  }
0xc: {  	[smem:$0x3FAC] =	sst s4  }
0xd: {  	[smem:$0x3FAD] =	sst s5  }
0xe: {  	[smem:$0x3FAE] =	sst s6  }
0xf: {  	[smem:$0x3FAF] =	sst s7  }
0x10: {  	[smem:$0x3FB0] =	sst s8  }
0x11: {  	[smem:$0x3FB1] =	sst s9;
	s0 =	simm.s32 @!p0 $0x0  }
0x12: {  	s1 =	sld [smem:$0x3F97];
	s0 =	simm.s32 @p0 $0x1  }
0x13: {  	[smem:$0x3FB2] =	sst s0;
	s0 =	simm.s32 @!p1 $0x0  }
0x14: {  	s2 =	sld [smem:$0x3F96];
	s0 =	simm.s32 @p1 $0x1  }
0x15: {  	[smem:$0x3FB3] =	sst s0;
	s0 =	simm.s32 @!p2 $0x0  }
0x16: {  	s3 =	sld [smem:$0x3FDB];
	s0 =	simm.s32 @p2 $0x1  }
0x17: {  	s4 =	simm.s32 $0x1BF5;
	[smem:$0x3FB5] =	sst s0  }
0x18: {  	s0 =	sld [smem:$0x3F98];
	_ =	swait.ge [sflag:s4], $0x0  }
0x19: {  	s7 =	sld [smem:$0x3F99]  }
0x1a: {  	s8 =	sadd.s32 $0xFFFFE003, lr  }
0x1b: {  	s9 =	sadd.s32 $0xFFFFFEF7, lr;
	s5 =	simm.s32 $0xFFFFFFFF;
	p2 =	slt.u32 s8, $0xFFFFF086  }
0x1c: {  	p1 =	slt.u32 s9, $0xF7A;
	s5 =	simm.s32 @!p2 $0x0  }
0x1d: {  	s5 =	simm.s32 @p1 $0x1;
	p0 =	seq.s32 s7, s2  }
0x1e: {  	s7 =	smul.u32 @!p0 $0xF7A, s2;
	p2 =	seq.s32 @!p0 s5, $0x0  }
0x1f: {  	s9 =	smul.u32 $0xF7A, s1;
	s8 =	simm.s32 @!p0 $0x1BF5;
	p2 =	por !p2, p0  }
0x20: {  	[sflag:s8] =	ssyncset.s32 @!p0 $0xFFFFF086;
	s6 =	sadd.s32 @!p0 s3, s7;
	s7 =	simm.s32 @!p0 $0x108  }
0x21: {  	s3 =	sadd.s32 s3, s9;
	s6 =	sadd.s32 @!p0 $0x88, s6;
	s7 =	simm.s32 @p2 $0x1082  }
0x22: {  	[simem:s7], [sflag:s8] =	dma.local @!p0 [hbm:s6], $0xF7A  }
0x23: {  	s9 =	sor.u32 $0xD0000000, s2;
	s6 =	simm.s32 $0x108;
	_ =	swait.ge @!p0 [sflag:s8], $0x0  }
0x24: {  	s3 =	sadd.s32 $0x88, s3;
	s6 =	simm.s32 @!p1 $0x1082;
	[sflag:s4] =	ssyncset.s32 $0xFFFFF086  }
0x25: {  	[simem:s6], [sflag:s4] =	dma.local [hbm:s3], $0xF7A  }
0x26: {  	[smem:$0x3F99] =	sst s1;
	(tag) =	ssettag s2;
	_ =	strace s9  }
0x27: {  	s1 =	sld [smem:$0x3FA9]  }
0x28: {  	s2 =	sld [smem:$0x3FAA]  }
0x29: {  	s4 =	sld [smem:$0x3FAC]  }
0x2a: {  	p0 =	seq.s32 s5, $0x0;
	s5 =	sld [smem:$0x3FAD]  }
0x2b: {  	s6 =	sld [smem:$0x3FAE]  }
0x2c: {  	s7 =	sld [smem:$0x3FAF]  }
0x2d: {  	s3 =	simm.s32 $0x108;
	s8 =	sld [smem:$0x3FB0]  }
0x2e: {  	s3 =	simm.s32 @!p0 $0x1082;
	s9 =	sld [smem:$0x3FB1]  }
0x2f: {  	lr =	sadd.s32 s0, s3;
	s0 =	sld [smem:$0x3FA8]  }
0x30: {  	s3 =	sld [smem:$0x3FAB]  }
0x31: {  	[smem:$0x3FB4] =	sst s10  }
0x32: {  	s10 =	sld [smem:$0x3FB2];
	_ =	sdelay $0x3  }
0x33: {  	p0 =	seq.s32 s10, $0x1;
	s10 =	sld [smem:$0x3FB4];
	_ =	sdelay $0x3  }
0x34: {  	[smem:$0x3FB4] =	sst s10  }
0x35: {  	s10 =	sld [smem:$0x3FB3];
	_ =	sdelay $0x3  }
0x36: {  	p1 =	seq.s32 s10, $0x1;
	s10 =	sld [smem:$0x3FB4];
	_ =	sdelay $0x3  }
0x37: {  	[smem:$0x3FB4] =	sst s10  }
0x38: {  	s10 =	sld [smem:$0x3FB5]  }
0x39: {  	_ = 	snop;
	(pc) =	sbr.ind lr, $3  }
0x3a: {  	_ = 	snop  }
0x3b: {  	_ = 	snop  }
0x3c: {  	p2 =	seq.s32 s10, $0x1;
	s10 =	sld [smem:$0x3FB4]  }
0x3d: {  	_ =	shalt  }
0x3e: {  	_ =	shalt  }
0x3f: {  	_ =	shalt  }
0x40: {  	_ =	shalt  }
0x41: {  	_ =	shalt  }
0x42: {  	_ =	shalt  }
0x43: {  	_ =	shalt  }
0x44: {  	_ =	shalt  }
0x45: {  	_ =	shalt  }
0x46: {  	_ =	shalt  }
0x47: {  	_ =	shalt  }
0x48: {  	_ =	shalt  }
0x49: {  	_ =	shalt  }
0x4a: {  	_ =	shalt  }
0x4b: {  	_ =	shalt  }
0x4c: {  	_ =	shalt  }
0x4d: {  	_ =	shalt  }
0x4e: {  	_ =	shalt  }
0x4f: {  	_ =	shalt  }
0x50: {  	_ =	shalt  }
0x51: {  	_ =	shalt  }
0x52: {  	_ =	shalt  }
0x53: {  	_ =	shalt  }
0x54: {  	_ =	shalt  }
0x55: {  	_ =	shalt  }
0x56: {  	_ =	shalt  }
0x57: {  	_ =	shalt  }
0x58: {  	_ =	shalt  }
0x59: {  	_ =	shalt  }
0x5a: {  	_ =	shalt  }
0x5b: {  	_ =	shalt  }
0x5c: {  	_ =	shalt  }
0x5d: {  	_ =	shalt  }
0x5e: {  	_ =	shalt  }
0x5f: {  	_ =	shalt  }
0x60: {  	_ =	shalt  }
0x61: {  	_ =	shalt  }
0x62: {  	_ =	shalt  }
0x63: {  	_ =	shalt  }
0x64: {  	_ =	shalt  }
0x65: {  	_ =	shalt  }
0x66: {  	_ =	shalt  }
0x67: {  	_ =	shalt  }
0x68: {  	_ =	shalt  }
0x69: {  	_ =	shalt  }
0x6a: {  	_ =	shalt  }
0x6b: {  	_ =	shalt  }
0x6c: {  	_ =	shalt  }
0x6d: {  	_ =	shalt  }
0x6e: {  	_ =	shalt  }
0x6f: {  	_ =	shalt  }
0x70: {  	_ =	shalt  }
0x71: {  	_ =	shalt  }
0x72: {  	_ =	shalt  }
0x73: {  	_ =	shalt  }
0x74: {  	_ =	shalt  }
0x75: {  	_ =	shalt  }
0x76: {  	_ =	shalt  }
0x77: {  	_ =	shalt  }
0x78: {  	_ =	shalt  }
0x79: {  	_ =	shalt  }
0x7a: {  	_ =	shalt  }
0x7b: {  	_ =	shalt  }
0x7c: {  	_ =	shalt  }
0x7d: {  	_ =	shalt  }
0x7e: {  	_ =	shalt  }
0x7f: {  	_ =	shalt  }
0x80: {  	_ =	shalt  }
0x81: {  	_ =	shalt  }
0x82: {  	_ =	shalt  }
0x83: {  	_ =	shalt  }
0x84: {  	_ =	shalt  }
0x85: {  	_ =	shalt  }
0x86: {  	_ =	shalt  }
0x87: {  	_ =	shalt  }
.Lfunc_end0:
.L_simem_size_0:
called_computation_lowered:
.L_overlay_start_0:
0x88: {  	s2 =	sld [smem:$0x3FD9]  }
0x89: {  	s3 =	sld [smem:$0x3FFE];
	_ =	sdelay $0x1  }
0x8a: {  	s1 =	srdreg.scid  }
0x8b: {  	s0 =	sand.u32 $0x1, s1  }
0x8c: {  	s17 =	sshll.u32 s0, $0xA;
	s2 =	sadd.s32 s3, s2  }
0x8d: {  	s2 =	sadd.s32 s2, s17  }
0x8e: {  	[smem:$0x3FC0] =	sst s2  }
0x8f: {  	_ = 	snop  }
0x90: {  	s2 =	sld [smem:$0x3FD0];
	(tm) =	ssettm $0x1  }
0x91: {  	s18 =	sld [smem:$0x3FFB];
	_ =	sdelay $0x3  }
0x92: {  	_ =	strace s18  }
0x93: {  	s3 =	sld [smem:$0x3FFC];
	_ =	sdelay $0x3  }
0x94: {  	_ =	strace s3  }
0x95: {  	s3 =	sld [smem:$0x3FFD];
	_ =	sdelay $0x3  }
0x96: {  	_ =	strace s3  }
0x97: {  	_ =	strace $0x8FFFFFFF  }
0x98: {  	s19 =	sld [smem:$0x3FDB];
	_ =	sdelay $0x1  }
0x99: {  	s4 =	simm.s32 $_scs_section_size  }
0x9a: {  	s5 =	simm.s32 $_size__tile_overlayer_lowered;
	s6 =	simm.s32 $_tile_overlayer_lowered  }
0x9b: {  	s22 =	simm.s32 $0x1BFF;
	s21 =	sshll.u32 s6, $0x1;
	s3 =	sadd.s32 s4, s19  }
0x9c: {  	s7 =	simm.s32 $0x0;
	s20 =	sshll.u32 s5, $0x1;
	s5 =	sadd.s32 s21, s3  }
0x9d: {  	[timem:s7], [sflag:s22] =	dma.local [hbm:s5], s20  }
0x9e: {  	_ =	swait.ge [sflag:s22], s20  }
0x9f: {  	s4 =	ssub.s32 $0x0, s20;
	[sflag:s22] =	ssyncset.done $0x0  }
0xa0: {  	[sflag:s22] =	ssyncadd.s32 s4;
	_ =	sdelay $0x1  }
0xa1: {  	s23 =	simm.s32 $0x1B8B  }
0xa2: {  	_ =	swait.ge [sflag:s23], $0x1  }
0xa3: {  	[sflag:s23] =	ssyncset.done $0x0  }
0xa4: {  	s25 =	simm.s32 $0x1B8E;
	s24 =	sld [smem:$0x3FFE];
	[sflag:s23] =	ssyncadd.s32 $0xFFFFFFFF  }
0xa5: {  	s26 =	simm.s32 $execute0_lowered;
	[smem:$0x3FD2] =	sst s25  }
0xa6: {  	s5 =	sshll.u32 s26, $0x1;
	_ =	strace $0x80000046;
	[dreg:$0x1] =	wrdreg $0xFFFFFFFF  }
0xa7: {  	s28 =	simm.s32 $_size_execute0_lowered;
	s3 =	sadd.s32 s3, s5;
	[dreg:$0x0] =	wrdreg $0x0  }
0xa8: {  	s5 =	sshll.u32 s28, $0x1;
	[dreg:$0x2] =	wrdreg s3  }
0xa9: {  	[dreg:$0x3] =	wrdreg s5  }
0xaa: {  	[dreg:$0x4] =	wrdreg $0xC0  }
0xab: {  	_ =	task [dreg:s7], $0x5FFFF  }
0xac: {  	[dreg:$0x1] =	wrdreg $0xFFFFFFFF  }
0xad: {  	[dreg:$0x0] =	wrdreg $0x60  }
0xae: {  	[dreg:$0x2] =	wrdreg s24  }
0xaf: {  	[dreg:$0x3] =	wrdreg s2  }
0xb0: {  	[dreg:$0x4] =	wrdreg $0x9  }
0xb1: {  	_ =	task.clear_ibuf [dreg:s7], $0x5FFFF;
	_ =	strace $0x90000046  }
0xb2: {  	s29 =	simm.s32 $0x9;
	_ =	strace $0x80000048  }
0xb3: {  	_ =	swait.ge [sflag:s29], $0x1  }
0xb4: {  	[sflag:s29] =	ssyncadd.s32 $0xFFFFFFFF  }
0xb5: {  	_ =	strace $0x90000048  }
0xb6: {  	_ =	sfence  }
0xb7: {  	s30 =	sld [smem:$0x0];
	_ =	sdelay $0x2  }
0xb8: {  	s31 =	sshll.u32 s1, $0xD;
	s1 =	sshrl.u32 s1, $0x2  }
0xb9: {  	s3 =	sand.u32 $0x4000, s31;
	s1 =	sadd.s32 s1, s30  }
0xba: {  	s0 =	sor.u32 s3, s0;
	s1 =	sshll.u32 s1, $0x11  }
0xbb: {  	s0 =	sor.u32 s1, s0  }
0xbc: {  	s0 =	sadd.s32 $0x8F2B, s0  }
0xbd: {  	[sflag:s0] =	ssyncadd.remote.s32 $0x1  }
0xbe: {  	_ =	sfence.sel $0xFFFF  }
0xbf: {  	[dreg:$0x0] =	wrdreg $0xFFFFFFFF;
	(pc) =	sbr.abs _section_cstart, $3  }
0xc0: {  	[dreg:$0x1] =	wrdreg $0xFFFFFFFF  }
0xc1: {  	_ =	task.clear_ibuf [dreg:s7], $0x2FFFF;
	_ =	strace $0x9FFFFFFF  }
0xc2: {  	(tm) =	ssettm $0x7FFFFFFF  }
0xc3: {  	_ =	shalt  }
tec
execute0_lowered:
.L_overlay_start_1:
0x0: {  	(tag) =	ssettag $0x1  }
0x1: {  	s0 =	srdreg.scid;
	s3 =	rddreg [dreg:$0x0]  }
0x2: {  	s13 =	rddreg [dreg:$0x1];
	s2 =	simm.s32 $0x0;
	s16 =	simm.s32 $0x400  }
0x3: {  	s17 =	simm.s32 $0x80;
	s18 =	simm.s32 $0x0;
	s4 =	sand.u32 $0x1, s0  }
0x4: {  	s0 =	stileid.u32;
	[smem:$0x7FF] =	sst s2;
	s1 =	sshll.u32 s4, $0x4  }
0x5: {  	s6 =	ssub.s32 $0x2, s4;
	s9 =	smul.u32 $0x28000, s4;
	s31 =	sshrl.u32 s0, $0x3  }
0x6: {  	s11 =	sshll.u32 s0, $0x7;
	s1 =	sor.u32 s0, s1;
	s10 =	smul.u32 $0x14000, s31  }
0x7: {  	s7 =	sshrl.u32 s6, $0x1;
	s11 =	sand.u32 $0x380, s11;
	s5 =	smul.u32 $0x2800, s1  }
0x8: {  	s1 =	rddreg [dreg:$0x2];
	_ =	strace $0x80000047;
	s15 =	sadd.s32 s9, s10  }
0x9: {  	s14 =	ssub.s32 s6, s7;
	s5 =	sshrl.u32 s5, $0x3;
	s15 =	sor.u32 s11, s15  }
0xa: {  	s14 =	smax.u32 s14, $0x1;
	s12 =	sadd.s32 s5, s3;
	s15 =	sshrl.u32 s15, $0x3  }
0xb: {  	s3 =	sadd.s32 $0x2A00, s12;
	s4 =	sadd.s32 $0x2A80, s12;
	s5 =	sadd.s32 $0x2B00, s12  }
0xc: {  	s6 =	sadd.s32 $0x2B80, s12;
	s7 =	sadd.s32 $0x2C00, s12;
	s8 =	sadd.s32 $0x2C80, s12  }
0xd: {  	s9 =	sadd.s32 $0x2D00, s12;
	s10 =	sadd.s32 $0x2D80, s12;
	s11 =	sadd.s32 $0x2E00, s12  }
0xe: {  	v0 =	vimm.f32 $0.0e+00;
	v1 =	vimm.f32 $1.000000000e+00;
	s12 =	sadd.s32 $0x2E80, s12;
	s13 =	sadd.s32 s13, s15;
	s15 =	simm.s32 $0x1  }
.LBB2_1:
0xf: {  	s19 =	simm.s32 $0x40;
	s20 =	simm.s32 $0x0  }
.LBB2_2:
0x10: {  	p0 =	sne.s32 s19, $0x9FC0;
	[tilespmem:s20+$0x400] =	vst v0;
	s20 =	smov.u32 s19;
	s19 =	sadd.s32 $0x40, s19  }
.Ltmp0:
0x11: {  	(pc) =	sbr.rel @p0 .LBB2_2-.Ltmp0, $2  }
0x12: {  	_ =	sdelay $0x2  }
0x13: {  	s20 =	sshra.s32 s20, $0x2  }
0x14: {  	[tilespmem:s20+$0x400] =	vst v0  }
0x15: {  	[tilespmem:s2], [sflag:$0x1] =	stream.linear.gather [hbm4b:s3+s2], $0x400, $0x38;
	[tilespmem:$0x2C00] =	vst v63  }
0x16: {  	_ =	swait.ge [sflag:s15], $0x400  }
0x17: {  	[sflag:s15] =	ssyncset.done $0x0  }
0x18: {  	[sflag:s15] =	ssyncadd.s32 $0xFFFFFC00  }
0x19: {  	v2 =	vld [tilespmem:$0x0];
	_ =	sdelay $0x7  }
0x1a: {  	[tilespmem:v2+s16+$0x0] =	vst.idx.add.f32.msk $0xffff, v1  }
0x1b: {  	v2 =	vld [tilespmem:$0x10];
	_ =	sdelay $0x7  }
0x1c: {  	[tilespmem:v2+s16+$0x0] =	vst.idx.add.f32.msk $0xffff, v1  }
0x1d: {  	v2 =	vld [tilespmem:$0x20];
	_ =	sdelay $0x7  }
0x1e: {  	[tilespmem:v2+s16+$0x0] =	vst.idx.add.f32.msk $0xffff, v1  }
0x1f: {  	v2 =	vld [tilespmem:$0x30];
	_ =	sdelay $0x7  }
0x20: {  	[tilespmem:v2+s16+$0x0] =	vst.idx.add.f32.msk $0xffff, v1  }
0x21: {  	v2 =	vld [tilespmem:$0x40];
	_ =	sdelay $0x7  }
0x22: {  	[tilespmem:v2+s16+$0x0] =	vst.idx.add.f32.msk $0xffff, v1  }
0x23: {  	v2 =	vld [tilespmem:$0x50];
	_ =	sdelay $0x7  }
0x24: {  	[tilespmem:v2+s16+$0x0] =	vst.idx.add.f32.msk $0xffff, v1  }
0x25: {  	v2 =	vld [tilespmem:$0x60];
	_ =	sdelay $0x7  }
0x26: {  	[tilespmem:v2+s16+$0x0] =	vst.idx.add.f32.msk $0xffff, v1  }
0x27: {  	v2 =	vld [tilespmem:$0x70];
	_ =	sdelay $0x7  }
0x28: {  	[tilespmem:v2+s16+$0x0] =	vst.idx.add.f32.msk $0xffff, v1  }
0x29: {  	v2 =	vld [tilespmem:$0x80];
	_ =	sdelay $0x7  }
0x2a: {  	[tilespmem:v2+s16+$0x0] =	vst.idx.add.f32.msk $0xffff, v1  }
0x2b: {  	v2 =	vld [tilespmem:$0x90];
	_ =	sdelay $0x7  }
0x2c: {  	[tilespmem:v2+s16+$0x0] =	vst.idx.add.f32.msk $0xffff, v1  }
0x2d: {  	v2 =	vld [tilespmem:$0xA0];
	_ =	sdelay $0x7  }
0x2e: {  	[tilespmem:v2+s16+$0x0] =	vst.idx.add.f32.msk $0xffff, v1  }
0x2f: {  	v2 =	vld [tilespmem:$0xB0];
	_ =	sdelay $0x7  }
0x30: {  	[tilespmem:v2+s16+$0x0] =	vst.idx.add.f32.msk $0xffff, v1  }
0x31: {  	v2 =	vld [tilespmem:$0xC0];
	_ =	sdelay $0x7  }
0x32: {  	[tilespmem:v2+s16+$0x0] =	vst.idx.add.f32.msk $0xffff, v1  }
0x33: {  	v2 =	vld [tilespmem:$0xD0];
	_ =	sdelay $0x7  }
0x34: {  	[tilespmem:v2+s16+$0x0] =	vst.idx.add.f32.msk $0xffff, v1  }
0x35: {  	v2 =	vld [tilespmem:$0xE0];
	_ =	sdelay $0x7  }
0x36: {  	[tilespmem:v2+s16+$0x0] =	vst.idx.add.f32.msk $0xffff, v1  }
0x37: {  	v2 =	vld [tilespmem:$0xF0];
	_ =	sdelay $0x7  }
0x38: {  	[tilespmem:v2+s16+$0x0] =	vst.idx.add.f32.msk $0xffff, v1  }
0x39: {  	v2 =	vld [tilespmem:$0x100];
	_ =	sdelay $0x7  }
0x3a: {  	[tilespmem:v2+s16+$0x0] =	vst.idx.add.f32.msk $0xffff, v1  }
0x3b: {  	v2 =	vld [tilespmem:$0x110];
	_ =	sdelay $0x7  }
0x3c: {  	[tilespmem:v2+s16+$0x0] =	vst.idx.add.f32.msk $0xffff, v1  }
0x3d: {  	v2 =	vld [tilespmem:$0x120];
	_ =	sdelay $0x7  }
0x3e: {  	[tilespmem:v2+s16+$0x0] =	vst.idx.add.f32.msk $0xffff, v1  }
0x3f: {  	v2 =	vld [tilespmem:$0x130];
	_ =	sdelay $0x7  }
0x40: {  	[tilespmem:v2+s16+$0x0] =	vst.idx.add.f32.msk $0xffff, v1  }
0x41: {  	v2 =	vld [tilespmem:$0x140];
	_ =	sdelay $0x7  }
0x42: {  	[tilespmem:v2+s16+$0x0] =	vst.idx.add.f32.msk $0xffff, v1  }
0x43: {  	v2 =	vld [tilespmem:$0x150];
	_ =	sdelay $0x7  }
0x44: {  	[tilespmem:v2+s16+$0x0] =	vst.idx.add.f32.msk $0xffff, v1  }
0x45: {  	v2 =	vld [tilespmem:$0x160];
	_ =	sdelay $0x7  }
0x46: {  	[tilespmem:v2+s16+$0x0] =	vst.idx.add.f32.msk $0xffff, v1  }
0x47: {  	v2 =	vld [tilespmem:$0x170];
	_ =	sdelay $0x7  }
0x48: {  	[tilespmem:v2+s16+$0x0] =	vst.idx.add.f32.msk $0xffff, v1  }
0x49: {  	v2 =	vld [tilespmem:$0x180];
	_ =	sdelay $0x7  }
0x4a: {  	[tilespmem:v2+s16+$0x0] =	vst.idx.add.f32.msk $0xffff, v1  }
0x4b: {  	v2 =	vld [tilespmem:$0x190];
	_ =	sdelay $0x7  }
0x4c: {  	[tilespmem:v2+s16+$0x0] =	vst.idx.add.f32.msk $0xffff, v1  }
0x4d: {  	v2 =	vld [tilespmem:$0x1A0];
	_ =	sdelay $0x7  }
0x4e: {  	[tilespmem:v2+s16+$0x0] =	vst.idx.add.f32.msk $0xffff, v1  }
0x4f: {  	v2 =	vld [tilespmem:$0x1B0];
	_ =	sdelay $0x7  }
0x50: {  	[tilespmem:v2+s16+$0x0] =	vst.idx.add.f32.msk $0xffff, v1  }
0x51: {  	v2 =	vld [tilespmem:$0x1C0];
	_ =	sdelay $0x7  }
0x52: {  	[tilespmem:v2+s16+$0x0] =	vst.idx.add.f32.msk $0xffff, v1  }
0x53: {  	v2 =	vld [tilespmem:$0x1D0];
	_ =	sdelay $0x7  }
0x54: {  	[tilespmem:v2+s16+$0x0] =	vst.idx.add.f32.msk $0xffff, v1  }
0x55: {  	v2 =	vld [tilespmem:$0x1E0];
	_ =	sdelay $0x7  }
0x56: {  	[tilespmem:v2+s16+$0x0] =	vst.idx.add.f32.msk $0xffff, v1  }
0x57: {  	v2 =	vld [tilespmem:$0x1F0];
	_ =	sdelay $0x7  }
0x58: {  	[tilespmem:v2+s16+$0x0] =	vst.idx.add.f32.msk $0xffff, v1  }
0x59: {  	v2 =	vld [tilespmem:$0x200];
	_ =	sdelay $0x7  }
0x5a: {  	[tilespmem:v2+s16+$0x0] =	vst.idx.add.f32.msk $0xffff, v1  }
0x5b: {  	v2 =	vld [tilespmem:$0x210];
	_ =	sdelay $0x7  }
0x5c: {  	[tilespmem:v2+s16+$0x0] =	vst.idx.add.f32.msk $0xffff, v1  }
0x5d: {  	v2 =	vld [tilespmem:$0x220];
	_ =	sdelay $0x7  }
0x5e: {  	[tilespmem:v2+s16+$0x0] =	vst.idx.add.f32.msk $0xffff, v1  }
0x5f: {  	v2 =	vld [tilespmem:$0x230];
	_ =	sdelay $0x7  }
0x60: {  	[tilespmem:v2+s16+$0x0] =	vst.idx.add.f32.msk $0xffff, v1  }
0x61: {  	v2 =	vld [tilespmem:$0x240];
	_ =	sdelay $0x7  }
0x62: {  	[tilespmem:v2+s16+$0x0] =	vst.idx.add.f32.msk $0xffff, v1  }
0x63: {  	v2 =	vld [tilespmem:$0x250];
	_ =	sdelay $0x7  }
0x64: {  	[tilespmem:v2+s16+$0x0] =	vst.idx.add.f32.msk $0xffff, v1  }
0x65: {  	v2 =	vld [tilespmem:$0x260];
	_ =	sdelay $0x7  }
0x66: {  	[tilespmem:v2+s16+$0x0] =	vst.idx.add.f32.msk $0xffff, v1  }
0x67: {  	v2 =	vld [tilespmem:$0x270];
	_ =	sdelay $0x7  }
0x68: {  	[tilespmem:v2+s16+$0x0] =	vst.idx.add.f32.msk $0xffff, v1  }
0x69: {  	v2 =	vld [tilespmem:$0x280];
	_ =	sdelay $0x7  }
0x6a: {  	[tilespmem:v2+s16+$0x0] =	vst.idx.add.f32.msk $0xffff, v1  }
0x6b: {  	v2 =	vld [tilespmem:$0x290];
	_ =	sdelay $0x7  }
0x6c: {  	[tilespmem:v2+s16+$0x0] =	vst.idx.add.f32.msk $0xffff, v1  }
0x6d: {  	v2 =	vld [tilespmem:$0x2A0];
	_ =	sdelay $0x7  }
0x6e: {  	[tilespmem:v2+s16+$0x0] =	vst.idx.add.f32.msk $0xffff, v1  }
0x6f: {  	v2 =	vld [tilespmem:$0x2B0];
	_ =	sdelay $0x7  }
0x70: {  	[tilespmem:v2+s16+$0x0] =	vst.idx.add.f32.msk $0xffff, v1  }
0x71: {  	v2 =	vld [tilespmem:$0x2C0];
	_ =	sdelay $0x7  }
0x72: {  	[tilespmem:v2+s16+$0x0] =	vst.idx.add.f32.msk $0xffff, v1  }
0x73: {  	v2 =	vld [tilespmem:$0x2D0];
	_ =	sdelay $0x7  }
0x74: {  	[tilespmem:v2+s16+$0x0] =	vst.idx.add.f32.msk $0xffff, v1  }
0x75: {  	v2 =	vld [tilespmem:$0x2E0];
	_ =	sdelay $0x7  }
0x76: {  	[tilespmem:v2+s16+$0x0] =	vst.idx.add.f32.msk $0xffff, v1  }
0x77: {  	v2 =	vld [tilespmem:$0x2F0];
	_ =	sdelay $0x7  }
0x78: {  	[tilespmem:v2+s16+$0x0] =	vst.idx.add.f32.msk $0xffff, v1  }
0x79: {  	v2 =	vld [tilespmem:$0x300];
	_ =	sdelay $0x7  }
0x7a: {  	[tilespmem:v2+s16+$0x0] =	vst.idx.add.f32.msk $0xffff, v1  }
0x7b: {  	v2 =	vld [tilespmem:$0x310];
	_ =	sdelay $0x7  }
0x7c: {  	[tilespmem:v2+s16+$0x0] =	vst.idx.add.f32.msk $0xffff, v1  }
0x7d: {  	v2 =	vld [tilespmem:$0x320];
	_ =	sdelay $0x7  }
0x7e: {  	[tilespmem:v2+s16+$0x0] =	vst.idx.add.f32.msk $0xffff, v1  }
0x7f: {  	v2 =	vld [tilespmem:$0x330];
	_ =	sdelay $0x7  }
0x80: {  	[tilespmem:v2+s16+$0x0] =	vst.idx.add.f32.msk $0xffff, v1  }
0x81: {  	v2 =	vld [tilespmem:$0x340];
	_ =	sdelay $0x7  }
0x82: {  	[tilespmem:v2+s16+$0x0] =	vst.idx.add.f32.msk $0xffff, v1  }
0x83: {  	v2 =	vld [tilespmem:$0x350];
	_ =	sdelay $0x7  }
0x84: {  	[tilespmem:v2+s16+$0x0] =	vst.idx.add.f32.msk $0xffff, v1  }
0x85: {  	v2 =	vld [tilespmem:$0x360];
	_ =	sdelay $0x7  }
0x86: {  	[tilespmem:v2+s16+$0x0] =	vst.idx.add.f32.msk $0xffff, v1  }
0x87: {  	v2 =	vld [tilespmem:$0x370];
	_ =	sdelay $0x7  }
0x88: {  	[tilespmem:v2+s16+$0x0] =	vst.idx.add.f32.msk $0xffff, v1  }
0x89: {  	v2 =	vld [tilespmem:$0x380];
	_ =	sdelay $0x7  }
0x8a: {  	[tilespmem:v2+s16+$0x0] =	vst.idx.add.f32.msk $0xffff, v1  }
0x8b: {  	v2 =	vld [tilespmem:$0x390];
	_ =	sdelay $0x7  }
0x8c: {  	[tilespmem:v2+s16+$0x0] =	vst.idx.add.f32.msk $0xffff, v1  }
0x8d: {  	v2 =	vld [tilespmem:$0x3A0];
	_ =	sdelay $0x7  }
0x8e: {  	[tilespmem:v2+s16+$0x0] =	vst.idx.add.f32.msk $0xffff, v1  }
0x8f: {  	v2 =	vld [tilespmem:$0x3B0];
	_ =	sdelay $0x7  }
0x90: {  	[tilespmem:v2+s16+$0x0] =	vst.idx.add.f32.msk $0xffff, v1  }
0x91: {  	v2 =	vld [tilespmem:$0x3C0];
	_ =	sdelay $0x7  }
0x92: {  	[tilespmem:v2+s16+$0x0] =	vst.idx.add.f32.msk $0xffff, v1  }
0x93: {  	v2 =	vld [tilespmem:$0x3D0];
	_ =	sdelay $0x7  }
0x94: {  	[tilespmem:v2+s16+$0x0] =	vst.idx.add.f32.msk $0xffff, v1  }
0x95: {  	v2 =	vld [tilespmem:$0x3E0];
	_ =	sdelay $0x7  }
0x96: {  	[tilespmem:v2+s16+$0x0] =	vst.idx.add.f32.msk $0xffff, v1  }
0x97: {  	v2 =	vld [tilespmem:$0x3F0];
	_ =	sdelay $0x7  }
0x98: {  	[tilespmem:v2+s16+$0x0] =	vst.idx.add.f32.msk $0xffff, v1  }
0x99: {  	[tilespmem:s2], [sflag:$0x1] =	stream.linear.gather [hbm4b:s4+s2], $0x400, $0x38;
	[tilespmem:$0x2C00] =	vst v63  }
0x9a: {  	_ =	swait.ge [sflag:s15], $0x400  }
0x9b: {  	[sflag:s15] =	ssyncset.done $0x0  }
0x9c: {  	[sflag:s15] =	ssyncadd.s32 $0xFFFFFC00  }
0x9d: {  	v2 =	vld [tilespmem:$0x0];
	_ =	sdelay $0x7  }
0x9e: {  	[tilespmem:v2+s16+$0x0] =	vst.idx.add.f32.msk $0xffff, v1  }
0x9f: {  	v2 =	vld [tilespmem:$0x10];
	_ =	sdelay $0x7  }
0xa0: {  	[tilespmem:v2+s16+$0x0] =	vst.idx.add.f32.msk $0xffff, v1  }
0xa1: {  	v2 =	vld [tilespmem:$0x20];
	_ =	sdelay $0x7  }
0xa2: {  	[tilespmem:v2+s16+$0x0] =	vst.idx.add.f32.msk $0xffff, v1  }
0xa3: {  	v2 =	vld [tilespmem:$0x30];
	_ =	sdelay $0x7  }
0xa4: {  	[tilespmem:v2+s16+$0x0] =	vst.idx.add.f32.msk $0xffff, v1  }
0xa5: {  	v2 =	vld [tilespmem:$0x40];
	_ =	sdelay $0x7  }
0xa6: {  	[tilespmem:v2+s16+$0x0] =	vst.idx.add.f32.msk $0xffff, v1  }
0xa7: {  	v2 =	vld [tilespmem:$0x50];
	_ =	sdelay $0x7  }
0xa8: {  	[tilespmem:v2+s16+$0x0] =	vst.idx.add.f32.msk $0xffff, v1  }
0xa9: {  	v2 =	vld [tilespmem:$0x60];
	_ =	sdelay $0x7  }
0xaa: {  	[tilespmem:v2+s16+$0x0] =	vst.idx.add.f32.msk $0xffff, v1  }
0xab: {  	v2 =	vld [tilespmem:$0x70];
	_ =	sdelay $0x7  }
0xac: {  	[tilespmem:v2+s16+$0x0] =	vst.idx.add.f32.msk $0xffff, v1  }
0xad: {  	v2 =	vld [tilespmem:$0x80];
	_ =	sdelay $0x7  }
0xae: {  	[tilespmem:v2+s16+$0x0] =	vst.idx.add.f32.msk $0xffff, v1  }
0xaf: {  	v2 =	vld [tilespmem:$0x90];
	_ =	sdelay $0x7  }
0xb0: {  	[tilespmem:v2+s16+$0x0] =	vst.idx.add.f32.msk $0xffff, v1  }
0xb1: {  	v2 =	vld [tilespmem:$0xA0];
	_ =	sdelay $0x7  }
0xb2: {  	[tilespmem:v2+s16+$0x0] =	vst.idx.add.f32.msk $0xffff, v1  }
0xb3: {  	v2 =	vld [tilespmem:$0xB0];
	_ =	sdelay $0x7  }
0xb4: {  	[tilespmem:v2+s16+$0x0] =	vst.idx.add.f32.msk $0xffff, v1  }
0xb5: {  	v2 =	vld [tilespmem:$0xC0];
	_ =	sdelay $0x7  }
0xb6: {  	[tilespmem:v2+s16+$0x0] =	vst.idx.add.f32.msk $0xffff, v1  }
0xb7: {  	v2 =	vld [tilespmem:$0xD0];
	_ =	sdelay $0x7  }
0xb8: {  	[tilespmem:v2+s16+$0x0] =	vst.idx.add.f32.msk $0xffff, v1  }
0xb9: {  	v2 =	vld [tilespmem:$0xE0];
	_ =	sdelay $0x7  }
0xba: {  	[tilespmem:v2+s16+$0x0] =	vst.idx.add.f32.msk $0xffff, v1  }
0xbb: {  	v2 =	vld [tilespmem:$0xF0];
	_ =	sdelay $0x7  }
0xbc: {  	[tilespmem:v2+s16+$0x0] =	vst.idx.add.f32.msk $0xffff, v1  }
0xbd: {  	v2 =	vld [tilespmem:$0x100];
	_ =	sdelay $0x7  }
0xbe: {  	[tilespmem:v2+s16+$0x0] =	vst.idx.add.f32.msk $0xffff, v1  }
0xbf: {  	v2 =	vld [tilespmem:$0x110];
	_ =	sdelay $0x7  }
0xc0: {  	[tilespmem:v2+s16+$0x0] =	vst.idx.add.f32.msk $0xffff, v1  }
0xc1: {  	v2 =	vld [tilespmem:$0x120];
	_ =	sdelay $0x7  }
0xc2: {  	[tilespmem:v2+s16+$0x0] =	vst.idx.add.f32.msk $0xffff, v1  }
0xc3: {  	v2 =	vld [tilespmem:$0x130];
	_ =	sdelay $0x7  }
0xc4: {  	[tilespmem:v2+s16+$0x0] =	vst.idx.add.f32.msk $0xffff, v1  }
0xc5: {  	v2 =	vld [tilespmem:$0x140];
	_ =	sdelay $0x7  }
0xc6: {  	[tilespmem:v2+s16+$0x0] =	vst.idx.add.f32.msk $0xffff, v1  }
0xc7: {  	v2 =	vld [tilespmem:$0x150];
	_ =	sdelay $0x7  }
0xc8: {  	[tilespmem:v2+s16+$0x0] =	vst.idx.add.f32.msk $0xffff, v1  }
0xc9: {  	v2 =	vld [tilespmem:$0x160];
	_ =	sdelay $0x7  }
0xca: {  	[tilespmem:v2+s16+$0x0] =	vst.idx.add.f32.msk $0xffff, v1  }
0xcb: {  	v2 =	vld [tilespmem:$0x170];
	_ =	sdelay $0x7  }
0xcc: {  	[tilespmem:v2+s16+$0x0] =	vst.idx.add.f32.msk $0xffff, v1  }
0xcd: {  	v2 =	vld [tilespmem:$0x180];
	_ =	sdelay $0x7  }
0xce: {  	[tilespmem:v2+s16+$0x0] =	vst.idx.add.f32.msk $0xffff, v1  }
0xcf: {  	v2 =	vld [tilespmem:$0x190];
	_ =	sdelay $0x7  }
0xd0: {  	[tilespmem:v2+s16+$0x0] =	vst.idx.add.f32.msk $0xffff, v1  }
0xd1: {  	v2 =	vld [tilespmem:$0x1A0];
	_ =	sdelay $0x7  }
0xd2: {  	[tilespmem:v2+s16+$0x0] =	vst.idx.add.f32.msk $0xffff, v1  }
0xd3: {  	v2 =	vld [tilespmem:$0x1B0];
	_ =	sdelay $0x7  }
0xd4: {  	[tilespmem:v2+s16+$0x0] =	vst.idx.add.f32.msk $0xffff, v1  }
0xd5: {  	v2 =	vld [tilespmem:$0x1C0];
	_ =	sdelay $0x7  }
0xd6: {  	[tilespmem:v2+s16+$0x0] =	vst.idx.add.f32.msk $0xffff, v1  }
0xd7: {  	v2 =	vld [tilespmem:$0x1D0];
	_ =	sdelay $0x7  }
0xd8: {  	[tilespmem:v2+s16+$0x0] =	vst.idx.add.f32.msk $0xffff, v1  }
0xd9: {  	v2 =	vld [tilespmem:$0x1E0];
	_ =	sdelay $0x7  }
0xda: {  	[tilespmem:v2+s16+$0x0] =	vst.idx.add.f32.msk $0xffff, v1  }
0xdb: {  	v2 =	vld [tilespmem:$0x1F0];
	_ =	sdelay $0x7  }
0xdc: {  	[tilespmem:v2+s16+$0x0] =	vst.idx.add.f32.msk $0xffff, v1  }
0xdd: {  	v2 =	vld [tilespmem:$0x200];
	_ =	sdelay $0x7  }
0xde: {  	[tilespmem:v2+s16+$0x0] =	vst.idx.add.f32.msk $0xffff, v1  }
0xdf: {  	v2 =	vld [tilespmem:$0x210];
	_ =	sdelay $0x7  }
0xe0: {  	[tilespmem:v2+s16+$0x0] =	vst.idx.add.f32.msk $0xffff, v1  }
0xe1: {  	v2 =	vld [tilespmem:$0x220];
	_ =	sdelay $0x7  }
0xe2: {  	[tilespmem:v2+s16+$0x0] =	vst.idx.add.f32.msk $0xffff, v1  }
0xe3: {  	v2 =	vld [tilespmem:$0x230];
	_ =	sdelay $0x7  }
0xe4: {  	[tilespmem:v2+s16+$0x0] =	vst.idx.add.f32.msk $0xffff, v1  }
0xe5: {  	v2 =	vld [tilespmem:$0x240];
	_ =	sdelay $0x7  }
0xe6: {  	[tilespmem:v2+s16+$0x0] =	vst.idx.add.f32.msk $0xffff, v1  }
0xe7: {  	v2 =	vld [tilespmem:$0x250];
	_ =	sdelay $0x7  }
0xe8: {  	[tilespmem:v2+s16+$0x0] =	vst.idx.add.f32.msk $0xffff, v1  }
0xe9: {  	v2 =	vld [tilespmem:$0x260];
	_ =	sdelay $0x7  }
0xea: {  	[tilespmem:v2+s16+$0x0] =	vst.idx.add.f32.msk $0xffff, v1  }
0xeb: {  	v2 =	vld [tilespmem:$0x270];
	_ =	sdelay $0x7  }
0xec: {  	[tilespmem:v2+s16+$0x0] =	vst.idx.add.f32.msk $0xffff, v1  }
0xed: {  	v2 =	vld [tilespmem:$0x280];
	_ =	sdelay $0x7  }
0xee: {  	[tilespmem:v2+s16+$0x0] =	vst.idx.add.f32.msk $0xffff, v1  }
0xef: {  	v2 =	vld [tilespmem:$0x290];
	_ =	sdelay $0x7  }
0xf0: {  	[tilespmem:v2+s16+$0x0] =	vst.idx.add.f32.msk $0xffff, v1  }
0xf1: {  	v2 =	vld [tilespmem:$0x2A0];
	_ =	sdelay $0x7  }
0xf2: {  	[tilespmem:v2+s16+$0x0] =	vst.idx.add.f32.msk $0xffff, v1  }
0xf3: {  	v2 =	vld [tilespmem:$0x2B0];
	_ =	sdelay $0x7  }
0xf4: {  	[tilespmem:v2+s16+$0x0] =	vst.idx.add.f32.msk $0xffff, v1  }
0xf5: {  	v2 =	vld [tilespmem:$0x2C0];
	_ =	sdelay $0x7  }
0xf6: {  	[tilespmem:v2+s16+$0x0] =	vst.idx.add.f32.msk $0xffff, v1  }
0xf7: {  	v2 =	vld [tilespmem:$0x2D0];
	_ =	sdelay $0x7  }
0xf8: {  	[tilespmem:v2+s16+$0x0] =	vst.idx.add.f32.msk $0xffff, v1  }
0xf9: {  	v2 =	vld [tilespmem:$0x2E0];
	_ =	sdelay $0x7  }
0xfa: {  	[tilespmem:v2+s16+$0x0] =	vst.idx.add.f32.msk $0xffff, v1  }
0xfb: {  	v2 =	vld [tilespmem:$0x2F0];
	_ =	sdelay $0x7  }
0xfc: {  	[tilespmem:v2+s16+$0x0] =	vst.idx.add.f32.msk $0xffff, v1  }
0xfd: {  	v2 =	vld [tilespmem:$0x300];
	_ =	sdelay $0x7  }
0xfe: {  	[tilespmem:v2+s16+$0x0] =	vst.idx.add.f32.msk $0xffff, v1  }
0xff: {  	v2 =	vld [tilespmem:$0x310];
	_ =	sdelay $0x7  }
0x100: {  	[tilespmem:v2+s16+$0x0] =	vst.idx.add.f32.msk $0xffff, v1  }
0x101: {  	v2 =	vld [tilespmem:$0x320];
	_ =	sdelay $0x7  }
0x102: {  	[tilespmem:v2+s16+$0x0] =	vst.idx.add.f32.msk $0xffff, v1  }
0x103: {  	v2 =	vld [tilespmem:$0x330];
	_ =	sdelay $0x7  }
0x104: {  	[tilespmem:v2+s16+$0x0] =	vst.idx.add.f32.msk $0xffff, v1  }
0x105: {  	v2 =	vld [tilespmem:$0x340];
	_ =	sdelay $0x7  }
0x106: {  	[tilespmem:v2+s16+$0x0] =	vst.idx.add.f32.msk $0xffff, v1  }
0x107: {  	v2 =	vld [tilespmem:$0x350];
	_ =	sdelay $0x7  }
0x108: {  	[tilespmem:v2+s16+$0x0] =	vst.idx.add.f32.msk $0xffff, v1  }
0x109: {  	v2 =	vld [tilespmem:$0x360];
	_ =	sdelay $0x7  }
0x10a: {  	[tilespmem:v2+s16+$0x0] =	vst.idx.add.f32.msk $0xffff, v1  }
0x10b: {  	v2 =	vld [tilespmem:$0x370];
	_ =	sdelay $0x7  }
0x10c: {  	[tilespmem:v2+s16+$0x0] =	vst.idx.add.f32.msk $0xffff, v1  }
0x10d: {  	v2 =	vld [tilespmem:$0x380];
	_ =	sdelay $0x7  }
0x10e: {  	[tilespmem:v2+s16+$0x0] =	vst.idx.add.f32.msk $0xffff, v1  }
0x10f: {  	v2 =	vld [tilespmem:$0x390];
	_ =	sdelay $0x7  }
0x110: {  	[tilespmem:v2+s16+$0x0] =	vst.idx.add.f32.msk $0xffff, v1  }
0x111: {  	v2 =	vld [tilespmem:$0x3A0];
	_ =	sdelay $0x7  }
0x112: {  	[tilespmem:v2+s16+$0x0] =	vst.idx.add.f32.msk $0xffff, v1  }
0x113: {  	v2 =	vld [tilespmem:$0x3B0];
	_ =	sdelay $0x7  }
0x114: {  	[tilespmem:v2+s16+$0x0] =	vst.idx.add.f32.msk $0xffff, v1  }
0x115: {  	v2 =	vld [tilespmem:$0x3C0];
	_ =	sdelay $0x7  }
0x116: {  	[tilespmem:v2+s16+$0x0] =	vst.idx.add.f32.msk $0xffff, v1  }
0x117: {  	v2 =	vld [tilespmem:$0x3D0];
	_ =	sdelay $0x7  }
0x118: {  	[tilespmem:v2+s16+$0x0] =	vst.idx.add.f32.msk $0xffff, v1  }
0x119: {  	v2 =	vld [tilespmem:$0x3E0];
	_ =	sdelay $0x7  }
0x11a: {  	[tilespmem:v2+s16+$0x0] =	vst.idx.add.f32.msk $0xffff, v1  }
0x11b: {  	v2 =	vld [tilespmem:$0x3F0];
	_ =	sdelay $0x7  }
0x11c: {  	[tilespmem:v2+s16+$0x0] =	vst.idx.add.f32.msk $0xffff, v1  }
0x11d: {  	[tilespmem:s2], [sflag:$0x1] =	stream.linear.gather [hbm4b:s5+s2], $0x400, $0x38;
	[tilespmem:$0x2C00] =	vst v63  }
0x11e: {  	_ =	swait.ge [sflag:s15], $0x400  }
0x11f: {  	[sflag:s15] =	ssyncset.done $0x0  }
0x120: {  	[sflag:s15] =	ssyncadd.s32 $0xFFFFFC00  }
0x121: {  	v2 =	vld [tilespmem:$0x0];
	_ =	sdelay $0x7  }
0x122: {  	[tilespmem:v2+s16+$0x0] =	vst.idx.add.f32.msk $0xffff, v1  }
0x123: {  	v2 =	vld [tilespmem:$0x10];
	_ =	sdelay $0x7  }
0x124: {  	[tilespmem:v2+s16+$0x0] =	vst.idx.add.f32.msk $0xffff, v1  }
0x125: {  	v2 =	vld [tilespmem:$0x20];
	_ =	sdelay $0x7  }
0x126: {  	[tilespmem:v2+s16+$0x0] =	vst.idx.add.f32.msk $0xffff, v1  }
0x127: {  	v2 =	vld [tilespmem:$0x30];
	_ =	sdelay $0x7  }
0x128: {  	[tilespmem:v2+s16+$0x0] =	vst.idx.add.f32.msk $0xffff, v1  }
0x129: {  	v2 =	vld [tilespmem:$0x40];
	_ =	sdelay $0x7  }
0x12a: {  	[tilespmem:v2+s16+$0x0] =	vst.idx.add.f32.msk $0xffff, v1  }
0x12b: {  	v2 =	vld [tilespmem:$0x50];
	_ =	sdelay $0x7  }
0x12c: {  	[tilespmem:v2+s16+$0x0] =	vst.idx.add.f32.msk $0xffff, v1  }
0x12d: {  	v2 =	vld [tilespmem:$0x60];
	_ =	sdelay $0x7  }
0x12e: {  	[tilespmem:v2+s16+$0x0] =	vst.idx.add.f32.msk $0xffff, v1  }
0x12f: {  	v2 =	vld [tilespmem:$0x70];
	_ =	sdelay $0x7  }
0x130: {  	[tilespmem:v2+s16+$0x0] =	vst.idx.add.f32.msk $0xffff, v1  }
0x131: {  	v2 =	vld [tilespmem:$0x80];
	_ =	sdelay $0x7  }
0x132: {  	[tilespmem:v2+s16+$0x0] =	vst.idx.add.f32.msk $0xffff, v1  }
0x133: {  	v2 =	vld [tilespmem:$0x90];
	_ =	sdelay $0x7  }
0x134: {  	[tilespmem:v2+s16+$0x0] =	vst.idx.add.f32.msk $0xffff, v1  }
0x135: {  	v2 =	vld [tilespmem:$0xA0];
	_ =	sdelay $0x7  }
0x136: {  	[tilespmem:v2+s16+$0x0] =	vst.idx.add.f32.msk $0xffff, v1  }
0x137: {  	v2 =	vld [tilespmem:$0xB0];
	_ =	sdelay $0x7  }
0x138: {  	[tilespmem:v2+s16+$0x0] =	vst.idx.add.f32.msk $0xffff, v1  }
0x139: {  	v2 =	vld [tilespmem:$0xC0];
	_ =	sdelay $0x7  }
0x13a: {  	[tilespmem:v2+s16+$0x0] =	vst.idx.add.f32.msk $0xffff, v1  }
0x13b: {  	v2 =	vld [tilespmem:$0xD0];
	_ =	sdelay $0x7  }
0x13c: {  	[tilespmem:v2+s16+$0x0] =	vst.idx.add.f32.msk $0xffff, v1  }
0x13d: {  	v2 =	vld [tilespmem:$0xE0];
	_ =	sdelay $0x7  }
0x13e: {  	[tilespmem:v2+s16+$0x0] =	vst.idx.add.f32.msk $0xffff, v1  }
0x13f: {  	v2 =	vld [tilespmem:$0xF0];
	_ =	sdelay $0x7  }
0x140: {  	[tilespmem:v2+s16+$0x0] =	vst.idx.add.f32.msk $0xffff, v1  }
0x141: {  	v2 =	vld [tilespmem:$0x100];
	_ =	sdelay $0x7  }
0x142: {  	[tilespmem:v2+s16+$0x0] =	vst.idx.add.f32.msk $0xffff, v1  }
0x143: {  	v2 =	vld [tilespmem:$0x110];
	_ =	sdelay $0x7  }
0x144: {  	[tilespmem:v2+s16+$0x0] =	vst.idx.add.f32.msk $0xffff, v1  }
0x145: {  	v2 =	vld [tilespmem:$0x120];
	_ =	sdelay $0x7  }
0x146: {  	[tilespmem:v2+s16+$0x0] =	vst.idx.add.f32.msk $0xffff, v1  }
0x147: {  	v2 =	vld [tilespmem:$0x130];
	_ =	sdelay $0x7  }
0x148: {  	[tilespmem:v2+s16+$0x0] =	vst.idx.add.f32.msk $0xffff, v1  }
0x149: {  	v2 =	vld [tilespmem:$0x140];
	_ =	sdelay $0x7  }
0x14a: {  	[tilespmem:v2+s16+$0x0] =	vst.idx.add.f32.msk $0xffff, v1  }
0x14b: {  	v2 =	vld [tilespmem:$0x150];
	_ =	sdelay $0x7  }
0x14c: {  	[tilespmem:v2+s16+$0x0] =	vst.idx.add.f32.msk $0xffff, v1  }
0x14d: {  	v2 =	vld [tilespmem:$0x160];
	_ =	sdelay $0x7  }
0x14e: {  	[tilespmem:v2+s16+$0x0] =	vst.idx.add.f32.msk $0xffff, v1  }
0x14f: {  	v2 =	vld [tilespmem:$0x170];
	_ =	sdelay $0x7  }
0x150: {  	[tilespmem:v2+s16+$0x0] =	vst.idx.add.f32.msk $0xffff, v1  }
0x151: {  	v2 =	vld [tilespmem:$0x180];
	_ =	sdelay $0x7  }
0x152: {  	[tilespmem:v2+s16+$0x0] =	vst.idx.add.f32.msk $0xffff, v1  }
0x153: {  	v2 =	vld [tilespmem:$0x190];
	_ =	sdelay $0x7  }
0x154: {  	[tilespmem:v2+s16+$0x0] =	vst.idx.add.f32.msk $0xffff, v1  }
0x155: {  	v2 =	vld [tilespmem:$0x1A0];
	_ =	sdelay $0x7  }
0x156: {  	[tilespmem:v2+s16+$0x0] =	vst.idx.add.f32.msk $0xffff, v1  }
0x157: {  	v2 =	vld [tilespmem:$0x1B0];
	_ =	sdelay $0x7  }
0x158: {  	[tilespmem:v2+s16+$0x0] =	vst.idx.add.f32.msk $0xffff, v1  }
0x159: {  	v2 =	vld [tilespmem:$0x1C0];
	_ =	sdelay $0x7  }
0x15a: {  	[tilespmem:v2+s16+$0x0] =	vst.idx.add.f32.msk $0xffff, v1  }
0x15b: {  	v2 =	vld [tilespmem:$0x1D0];
	_ =	sdelay $0x7  }
0x15c: {  	[tilespmem:v2+s16+$0x0] =	vst.idx.add.f32.msk $0xffff, v1  }
0x15d: {  	v2 =	vld [tilespmem:$0x1E0];
	_ =	sdelay $0x7  }
0x15e: {  	[tilespmem:v2+s16+$0x0] =	vst.idx.add.f32.msk $0xffff, v1  }
0x15f: {  	v2 =	vld [tilespmem:$0x1F0];
	_ =	sdelay $0x7  }
0x160: {  	[tilespmem:v2+s16+$0x0] =	vst.idx.add.f32.msk $0xffff, v1  }
0x161: {  	v2 =	vld [tilespmem:$0x200];
	_ =	sdelay $0x7  }
0x162: {  	[tilespmem:v2+s16+$0x0] =	vst.idx.add.f32.msk $0xffff, v1  }
0x163: {  	v2 =	vld [tilespmem:$0x210];
	_ =	sdelay $0x7  }
0x164: {  	[tilespmem:v2+s16+$0x0] =	vst.idx.add.f32.msk $0xffff, v1  }
0x165: {  	v2 =	vld [tilespmem:$0x220];
	_ =	sdelay $0x7  }
0x166: {  	[tilespmem:v2+s16+$0x0] =	vst.idx.add.f32.msk $0xffff, v1  }
0x167: {  	v2 =	vld [tilespmem:$0x230];
	_ =	sdelay $0x7  }
0x168: {  	[tilespmem:v2+s16+$0x0] =	vst.idx.add.f32.msk $0xffff, v1  }
0x169: {  	v2 =	vld [tilespmem:$0x240];
	_ =	sdelay $0x7  }
0x16a: {  	[tilespmem:v2+s16+$0x0] =	vst.idx.add.f32.msk $0xffff, v1  }
0x16b: {  	v2 =	vld [tilespmem:$0x250];
	_ =	sdelay $0x7  }
0x16c: {  	[tilespmem:v2+s16+$0x0] =	vst.idx.add.f32.msk $0xffff, v1  }
0x16d: {  	v2 =	vld [tilespmem:$0x260];
	_ =	sdelay $0x7  }
0x16e: {  	[tilespmem:v2+s16+$0x0] =	vst.idx.add.f32.msk $0xffff, v1  }
0x16f: {  	v2 =	vld [tilespmem:$0x270];
	_ =	sdelay $0x7  }
0x170: {  	[tilespmem:v2+s16+$0x0] =	vst.idx.add.f32.msk $0xffff, v1  }
0x171: {  	v2 =	vld [tilespmem:$0x280];
	_ =	sdelay $0x7  }
0x172: {  	[tilespmem:v2+s16+$0x0] =	vst.idx.add.f32.msk $0xffff, v1  }
0x173: {  	v2 =	vld [tilespmem:$0x290];
	_ =	sdelay $0x7  }
0x174: {  	[tilespmem:v2+s16+$0x0] =	vst.idx.add.f32.msk $0xffff, v1  }
0x175: {  	v2 =	vld [tilespmem:$0x2A0];
	_ =	sdelay $0x7  }
0x176: {  	[tilespmem:v2+s16+$0x0] =	vst.idx.add.f32.msk $0xffff, v1  }
0x177: {  	v2 =	vld [tilespmem:$0x2B0];
	_ =	sdelay $0x7  }
0x178: {  	[tilespmem:v2+s16+$0x0] =	vst.idx.add.f32.msk $0xffff, v1  }
0x179: {  	v2 =	vld [tilespmem:$0x2C0];
	_ =	sdelay $0x7  }
0x17a: {  	[tilespmem:v2+s16+$0x0] =	vst.idx.add.f32.msk $0xffff, v1  }
0x17b: {  	v2 =	vld [tilespmem:$0x2D0];
	_ =	sdelay $0x7  }
0x17c: {  	[tilespmem:v2+s16+$0x0] =	vst.idx.add.f32.msk $0xffff, v1  }
0x17d: {  	v2 =	vld [tilespmem:$0x2E0];
	_ =	sdelay $0x7  }
0x17e: {  	[tilespmem:v2+s16+$0x0] =	vst.idx.add.f32.msk $0xffff, v1  }
0x17f: {  	v2 =	vld [tilespmem:$0x2F0];
	_ =	sdelay $0x7  }
0x180: {  	[tilespmem:v2+s16+$0x0] =	vst.idx.add.f32.msk $0xffff, v1  }
0x181: {  	v2 =	vld [tilespmem:$0x300];
	_ =	sdelay $0x7  }
0x182: {  	[tilespmem:v2+s16+$0x0] =	vst.idx.add.f32.msk $0xffff, v1  }
0x183: {  	v2 =	vld [tilespmem:$0x310];
	_ =	sdelay $0x7  }
0x184: {  	[tilespmem:v2+s16+$0x0] =	vst.idx.add.f32.msk $0xffff, v1  }
0x185: {  	v2 =	vld [tilespmem:$0x320];
	_ =	sdelay $0x7  }
0x186: {  	[tilespmem:v2+s16+$0x0] =	vst.idx.add.f32.msk $0xffff, v1  }
0x187: {  	v2 =	vld [tilespmem:$0x330];
	_ =	sdelay $0x7  }
0x188: {  	[tilespmem:v2+s16+$0x0] =	vst.idx.add.f32.msk $0xffff, v1  }
0x189: {  	v2 =	vld [tilespmem:$0x340];
	_ =	sdelay $0x7  }
0x18a: {  	[tilespmem:v2+s16+$0x0] =	vst.idx.add.f32.msk $0xffff, v1  }
0x18b: {  	v2 =	vld [tilespmem:$0x350];
	_ =	sdelay $0x7  }
0x18c: {  	[tilespmem:v2+s16+$0x0] =	vst.idx.add.f32.msk $0xffff, v1  }
0x18d: {  	v2 =	vld [tilespmem:$0x360];
	_ =	sdelay $0x7  }
0x18e: {  	[tilespmem:v2+s16+$0x0] =	vst.idx.add.f32.msk $0xffff, v1  }
0x18f: {  	v2 =	vld [tilespmem:$0x370];
	_ =	sdelay $0x7  }
0x190: {  	[tilespmem:v2+s16+$0x0] =	vst.idx.add.f32.msk $0xffff, v1  }
0x191: {  	v2 =	vld [tilespmem:$0x380];
	_ =	sdelay $0x7  }
0x192: {  	[tilespmem:v2+s16+$0x0] =	vst.idx.add.f32.msk $0xffff, v1  }
0x193: {  	v2 =	vld [tilespmem:$0x390];
	_ =	sdelay $0x7  }
0x194: {  	[tilespmem:v2+s16+$0x0] =	vst.idx.add.f32.msk $0xffff, v1  }
0x195: {  	v2 =	vld [tilespmem:$0x3A0];
	_ =	sdelay $0x7  }
0x196: {  	[tilespmem:v2+s16+$0x0] =	vst.idx.add.f32.msk $0xffff, v1  }
0x197: {  	v2 =	vld [tilespmem:$0x3B0];
	_ =	sdelay $0x7  }
0x198: {  	[tilespmem:v2+s16+$0x0] =	vst.idx.add.f32.msk $0xffff, v1  }
0x199: {  	v2 =	vld [tilespmem:$0x3C0];
	_ =	sdelay $0x7  }
0x19a: {  	[tilespmem:v2+s16+$0x0] =	vst.idx.add.f32.msk $0xffff, v1  }
0x19b: {  	v2 =	vld [tilespmem:$0x3D0];
	_ =	sdelay $0x7  }
0x19c: {  	[tilespmem:v2+s16+$0x0] =	vst.idx.add.f32.msk $0xffff, v1  }
0x19d: {  	v2 =	vld [tilespmem:$0x3E0];
	_ =	sdelay $0x7  }
0x19e: {  	[tilespmem:v2+s16+$0x0] =	vst.idx.add.f32.msk $0xffff, v1  }
0x19f: {  	v2 =	vld [tilespmem:$0x3F0];
	_ =	sdelay $0x7  }
0x1a0: {  	[tilespmem:v2+s16+$0x0] =	vst.idx.add.f32.msk $0xffff, v1  }
0x1a1: {  	[tilespmem:s2], [sflag:$0x1] =	stream.linear.gather [hbm4b:s6+s2], $0x400, $0x38;
	[tilespmem:$0x2C00] =	vst v63  }
0x1a2: {  	_ =	swait.ge [sflag:s15], $0x400  }
0x1a3: {  	[sflag:s15] =	ssyncset.done $0x0  }
0x1a4: {  	[sflag:s15] =	ssyncadd.s32 $0xFFFFFC00  }
0x1a5: {  	v2 =	vld [tilespmem:$0x0];
	_ =	sdelay $0x7  }
0x1a6: {  	[tilespmem:v2+s16+$0x0] =	vst.idx.add.f32.msk $0xffff, v1  }
0x1a7: {  	v2 =	vld [tilespmem:$0x10];
	_ =	sdelay $0x7  }
0x1a8: {  	[tilespmem:v2+s16+$0x0] =	vst.idx.add.f32.msk $0xffff, v1  }
0x1a9: {  	v2 =	vld [tilespmem:$0x20];
	_ =	sdelay $0x7  }
0x1aa: {  	[tilespmem:v2+s16+$0x0] =	vst.idx.add.f32.msk $0xffff, v1  }
0x1ab: {  	v2 =	vld [tilespmem:$0x30];
	_ =	sdelay $0x7  }
0x1ac: {  	[tilespmem:v2+s16+$0x0] =	vst.idx.add.f32.msk $0xffff, v1  }
0x1ad: {  	v2 =	vld [tilespmem:$0x40];
	_ =	sdelay $0x7  }
0x1ae: {  	[tilespmem:v2+s16+$0x0] =	vst.idx.add.f32.msk $0xffff, v1  }
0x1af: {  	v2 =	vld [tilespmem:$0x50];
	_ =	sdelay $0x7  }
0x1b0: {  	[tilespmem:v2+s16+$0x0] =	vst.idx.add.f32.msk $0xffff, v1  }
0x1b1: {  	v2 =	vld [tilespmem:$0x60];
	_ =	sdelay $0x7  }
0x1b2: {  	[tilespmem:v2+s16+$0x0] =	vst.idx.add.f32.msk $0xffff, v1  }
0x1b3: {  	v2 =	vld [tilespmem:$0x70];
	_ =	sdelay $0x7  }
0x1b4: {  	[tilespmem:v2+s16+$0x0] =	vst.idx.add.f32.msk $0xffff, v1  }
0x1b5: {  	v2 =	vld [tilespmem:$0x80];
	_ =	sdelay $0x7  }
0x1b6: {  	[tilespmem:v2+s16+$0x0] =	vst.idx.add.f32.msk $0xffff, v1  }
0x1b7: {  	v2 =	vld [tilespmem:$0x90];
	_ =	sdelay $0x7  }
0x1b8: {  	[tilespmem:v2+s16+$0x0] =	vst.idx.add.f32.msk $0xffff, v1  }
0x1b9: {  	v2 =	vld [tilespmem:$0xA0];
	_ =	sdelay $0x7  }
0x1ba: {  	[tilespmem:v2+s16+$0x0] =	vst.idx.add.f32.msk $0xffff, v1  }
0x1bb: {  	v2 =	vld [tilespmem:$0xB0];
	_ =	sdelay $0x7  }
0x1bc: {  	[tilespmem:v2+s16+$0x0] =	vst.idx.add.f32.msk $0xffff, v1  }
0x1bd: {  	v2 =	vld [tilespmem:$0xC0];
	_ =	sdelay $0x7  }
0x1be: {  	[tilespmem:v2+s16+$0x0] =	vst.idx.add.f32.msk $0xffff, v1  }
0x1bf: {  	v2 =	vld [tilespmem:$0xD0];
	_ =	sdelay $0x7  }
0x1c0: {  	[tilespmem:v2+s16+$0x0] =	vst.idx.add.f32.msk $0xffff, v1  }
0x1c1: {  	v2 =	vld [tilespmem:$0xE0];
	_ =	sdelay $0x7  }
0x1c2: {  	[tilespmem:v2+s16+$0x0] =	vst.idx.add.f32.msk $0xffff, v1  }
0x1c3: {  	v2 =	vld [tilespmem:$0xF0];
	_ =	sdelay $0x7  }
0x1c4: {  	[tilespmem:v2+s16+$0x0] =	vst.idx.add.f32.msk $0xffff, v1  }
0x1c5: {  	v2 =	vld [tilespmem:$0x100];
	_ =	sdelay $0x7  }
0x1c6: {  	[tilespmem:v2+s16+$0x0] =	vst.idx.add.f32.msk $0xffff, v1  }
0x1c7: {  	v2 =	vld [tilespmem:$0x110];
	_ =	sdelay $0x7  }
0x1c8: {  	[tilespmem:v2+s16+$0x0] =	vst.idx.add.f32.msk $0xffff, v1  }
0x1c9: {  	v2 =	vld [tilespmem:$0x120];
	_ =	sdelay $0x7  }
0x1ca: {  	[tilespmem:v2+s16+$0x0] =	vst.idx.add.f32.msk $0xffff, v1  }
0x1cb: {  	v2 =	vld [tilespmem:$0x130];
	_ =	sdelay $0x7  }
0x1cc: {  	[tilespmem:v2+s16+$0x0] =	vst.idx.add.f32.msk $0xffff, v1  }
0x1cd: {  	v2 =	vld [tilespmem:$0x140];
	_ =	sdelay $0x7  }
0x1ce: {  	[tilespmem:v2+s16+$0x0] =	vst.idx.add.f32.msk $0xffff, v1  }
0x1cf: {  	v2 =	vld [tilespmem:$0x150];
	_ =	sdelay $0x7  }
0x1d0: {  	[tilespmem:v2+s16+$0x0] =	vst.idx.add.f32.msk $0xffff, v1  }
0x1d1: {  	v2 =	vld [tilespmem:$0x160];
	_ =	sdelay $0x7  }
0x1d2: {  	[tilespmem:v2+s16+$0x0] =	vst.idx.add.f32.msk $0xffff, v1  }
0x1d3: {  	v2 =	vld [tilespmem:$0x170];
	_ =	sdelay $0x7  }
0x1d4: {  	[tilespmem:v2+s16+$0x0] =	vst.idx.add.f32.msk $0xffff, v1  }
0x1d5: {  	v2 =	vld [tilespmem:$0x180];
	_ =	sdelay $0x7  }
0x1d6: {  	[tilespmem:v2+s16+$0x0] =	vst.idx.add.f32.msk $0xffff, v1  }
0x1d7: {  	v2 =	vld [tilespmem:$0x190];
	_ =	sdelay $0x7  }
0x1d8: {  	[tilespmem:v2+s16+$0x0] =	vst.idx.add.f32.msk $0xffff, v1  }
0x1d9: {  	v2 =	vld [tilespmem:$0x1A0];
	_ =	sdelay $0x7  }
0x1da: {  	[tilespmem:v2+s16+$0x0] =	vst.idx.add.f32.msk $0xffff, v1  }
0x1db: {  	v2 =	vld [tilespmem:$0x1B0];
	_ =	sdelay $0x7  }
0x1dc: {  	[tilespmem:v2+s16+$0x0] =	vst.idx.add.f32.msk $0xffff, v1  }
0x1dd: {  	v2 =	vld [tilespmem:$0x1C0];
	_ =	sdelay $0x7  }
0x1de: {  	[tilespmem:v2+s16+$0x0] =	vst.idx.add.f32.msk $0xffff, v1  }
0x1df: {  	v2 =	vld [tilespmem:$0x1D0];
	_ =	sdelay $0x7  }
0x1e0: {  	[tilespmem:v2+s16+$0x0] =	vst.idx.add.f32.msk $0xffff, v1  }
0x1e1: {  	v2 =	vld [tilespmem:$0x1E0];
	_ =	sdelay $0x7  }
0x1e2: {  	[tilespmem:v2+s16+$0x0] =	vst.idx.add.f32.msk $0xffff, v1  }
0x1e3: {  	v2 =	vld [tilespmem:$0x1F0];
	_ =	sdelay $0x7  }
0x1e4: {  	[tilespmem:v2+s16+$0x0] =	vst.idx.add.f32.msk $0xffff, v1  }
0x1e5: {  	v2 =	vld [tilespmem:$0x200];
	_ =	sdelay $0x7  }
0x1e6: {  	[tilespmem:v2+s16+$0x0] =	vst.idx.add.f32.msk $0xffff, v1  }
0x1e7: {  	v2 =	vld [tilespmem:$0x210];
	_ =	sdelay $0x7  }
0x1e8: {  	[tilespmem:v2+s16+$0x0] =	vst.idx.add.f32.msk $0xffff, v1  }
0x1e9: {  	v2 =	vld [tilespmem:$0x220];
	_ =	sdelay $0x7  }
0x1ea: {  	[tilespmem:v2+s16+$0x0] =	vst.idx.add.f32.msk $0xffff, v1  }
0x1eb: {  	v2 =	vld [tilespmem:$0x230];
	_ =	sdelay $0x7  }
0x1ec: {  	[tilespmem:v2+s16+$0x0] =	vst.idx.add.f32.msk $0xffff, v1  }
0x1ed: {  	v2 =	vld [tilespmem:$0x240];
	_ =	sdelay $0x7  }
0x1ee: {  	[tilespmem:v2+s16+$0x0] =	vst.idx.add.f32.msk $0xffff, v1  }
0x1ef: {  	v2 =	vld [tilespmem:$0x250];
	_ =	sdelay $0x7  }
0x1f0: {  	[tilespmem:v2+s16+$0x0] =	vst.idx.add.f32.msk $0xffff, v1  }
0x1f1: {  	v2 =	vld [tilespmem:$0x260];
	_ =	sdelay $0x7  }
0x1f2: {  	[tilespmem:v2+s16+$0x0] =	vst.idx.add.f32.msk $0xffff, v1  }
0x1f3: {  	v2 =	vld [tilespmem:$0x270];
	_ =	sdelay $0x7  }
0x1f4: {  	[tilespmem:v2+s16+$0x0] =	vst.idx.add.f32.msk $0xffff, v1  }
0x1f5: {  	v2 =	vld [tilespmem:$0x280];
	_ =	sdelay $0x7  }
0x1f6: {  	[tilespmem:v2+s16+$0x0] =	vst.idx.add.f32.msk $0xffff, v1  }
0x1f7: {  	v2 =	vld [tilespmem:$0x290];
	_ =	sdelay $0x7  }
0x1f8: {  	[tilespmem:v2+s16+$0x0] =	vst.idx.add.f32.msk $0xffff, v1  }
0x1f9: {  	v2 =	vld [tilespmem:$0x2A0];
	_ =	sdelay $0x7  }
0x1fa: {  	[tilespmem:v2+s16+$0x0] =	vst.idx.add.f32.msk $0xffff, v1  }
0x1fb: {  	v2 =	vld [tilespmem:$0x2B0];
	_ =	sdelay $0x7  }
0x1fc: {  	[tilespmem:v2+s16+$0x0] =	vst.idx.add.f32.msk $0xffff, v1  }
0x1fd: {  	v2 =	vld [tilespmem:$0x2C0];
	_ =	sdelay $0x7  }
0x1fe: {  	[tilespmem:v2+s16+$0x0] =	vst.idx.add.f32.msk $0xffff, v1  }
0x1ff: {  	v2 =	vld [tilespmem:$0x2D0];
	_ =	sdelay $0x7  }
0x200: {  	[tilespmem:v2+s16+$0x0] =	vst.idx.add.f32.msk $0xffff, v1  }
0x201: {  	v2 =	vld [tilespmem:$0x2E0];
	_ =	sdelay $0x7  }
0x202: {  	[tilespmem:v2+s16+$0x0] =	vst.idx.add.f32.msk $0xffff, v1  }
0x203: {  	v2 =	vld [tilespmem:$0x2F0];
	_ =	sdelay $0x7  }
0x204: {  	[tilespmem:v2+s16+$0x0] =	vst.idx.add.f32.msk $0xffff, v1  }
0x205: {  	v2 =	vld [tilespmem:$0x300];
	_ =	sdelay $0x7  }
0x206: {  	[tilespmem:v2+s16+$0x0] =	vst.idx.add.f32.msk $0xffff, v1  }
0x207: {  	v2 =	vld [tilespmem:$0x310];
	_ =	sdelay $0x7  }
0x208: {  	[tilespmem:v2+s16+$0x0] =	vst.idx.add.f32.msk $0xffff, v1  }
0x209: {  	v2 =	vld [tilespmem:$0x320];
	_ =	sdelay $0x7  }
0x20a: {  	[tilespmem:v2+s16+$0x0] =	vst.idx.add.f32.msk $0xffff, v1  }
0x20b: {  	v2 =	vld [tilespmem:$0x330];
	_ =	sdelay $0x7  }
0x20c: {  	[tilespmem:v2+s16+$0x0] =	vst.idx.add.f32.msk $0xffff, v1  }
0x20d: {  	v2 =	vld [tilespmem:$0x340];
	_ =	sdelay $0x7  }
0x20e: {  	[tilespmem:v2+s16+$0x0] =	vst.idx.add.f32.msk $0xffff, v1  }
0x20f: {  	v2 =	vld [tilespmem:$0x350];
	_ =	sdelay $0x7  }
0x210: {  	[tilespmem:v2+s16+$0x0] =	vst.idx.add.f32.msk $0xffff, v1  }
0x211: {  	v2 =	vld [tilespmem:$0x360];
	_ =	sdelay $0x7  }
0x212: {  	[tilespmem:v2+s16+$0x0] =	vst.idx.add.f32.msk $0xffff, v1  }
0x213: {  	v2 =	vld [tilespmem:$0x370];
	_ =	sdelay $0x7  }
0x214: {  	[tilespmem:v2+s16+$0x0] =	vst.idx.add.f32.msk $0xffff, v1  }
0x215: {  	v2 =	vld [tilespmem:$0x380];
	_ =	sdelay $0x7  }
0x216: {  	[tilespmem:v2+s16+$0x0] =	vst.idx.add.f32.msk $0xffff, v1  }
0x217: {  	v2 =	vld [tilespmem:$0x390];
	_ =	sdelay $0x7  }
0x218: {  	[tilespmem:v2+s16+$0x0] =	vst.idx.add.f32.msk $0xffff, v1  }
0x219: {  	v2 =	vld [tilespmem:$0x3A0];
	_ =	sdelay $0x7  }
0x21a: {  	[tilespmem:v2+s16+$0x0] =	vst.idx.add.f32.msk $0xffff, v1  }
0x21b: {  	v2 =	vld [tilespmem:$0x3B0];
	_ =	sdelay $0x7  }
0x21c: {  	[tilespmem:v2+s16+$0x0] =	vst.idx.add.f32.msk $0xffff, v1  }
0x21d: {  	v2 =	vld [tilespmem:$0x3C0];
	_ =	sdelay $0x7  }
0x21e: {  	[tilespmem:v2+s16+$0x0] =	vst.idx.add.f32.msk $0xffff, v1  }
0x21f: {  	v2 =	vld [tilespmem:$0x3D0];
	_ =	sdelay $0x7  }
0x220: {  	[tilespmem:v2+s16+$0x0] =	vst.idx.add.f32.msk $0xffff, v1  }
0x221: {  	v2 =	vld [tilespmem:$0x3E0];
	_ =	sdelay $0x7  }
0x222: {  	[tilespmem:v2+s16+$0x0] =	vst.idx.add.f32.msk $0xffff, v1  }
0x223: {  	v2 =	vld [tilespmem:$0x3F0];
	_ =	sdelay $0x7  }
0x224: {  	[tilespmem:v2+s16+$0x0] =	vst.idx.add.f32.msk $0xffff, v1  }
0x225: {  	[tilespmem:s2], [sflag:$0x1] =	stream.linear.gather [hbm4b:s7+s2], $0x400, $0x38;
	[tilespmem:$0x2C00] =	vst v63  }
0x226: {  	_ =	swait.ge [sflag:s15], $0x400  }
0x227: {  	[sflag:s15] =	ssyncset.done $0x0  }
0x228: {  	[sflag:s15] =	ssyncadd.s32 $0xFFFFFC00  }
0x229: {  	v2 =	vld [tilespmem:$0x0];
	_ =	sdelay $0x7  }
0x22a: {  	[tilespmem:v2+s16+$0x0] =	vst.idx.add.f32.msk $0xffff, v1  }
0x22b: {  	v2 =	vld [tilespmem:$0x10];
	_ =	sdelay $0x7  }
0x22c: {  	[tilespmem:v2+s16+$0x0] =	vst.idx.add.f32.msk $0xffff, v1  }
0x22d: {  	v2 =	vld [tilespmem:$0x20];
	_ =	sdelay $0x7  }
0x22e: {  	[tilespmem:v2+s16+$0x0] =	vst.idx.add.f32.msk $0xffff, v1  }
0x22f: {  	v2 =	vld [tilespmem:$0x30];
	_ =	sdelay $0x7  }
0x230: {  	[tilespmem:v2+s16+$0x0] =	vst.idx.add.f32.msk $0xffff, v1  }
0x231: {  	v2 =	vld [tilespmem:$0x40];
	_ =	sdelay $0x7  }
0x232: {  	[tilespmem:v2+s16+$0x0] =	vst.idx.add.f32.msk $0xffff, v1  }
0x233: {  	v2 =	vld [tilespmem:$0x50];
	_ =	sdelay $0x7  }
0x234: {  	[tilespmem:v2+s16+$0x0] =	vst.idx.add.f32.msk $0xffff, v1  }
0x235: {  	v2 =	vld [tilespmem:$0x60];
	_ =	sdelay $0x7  }
0x236: {  	[tilespmem:v2+s16+$0x0] =	vst.idx.add.f32.msk $0xffff, v1  }
0x237: {  	v2 =	vld [tilespmem:$0x70];
	_ =	sdelay $0x7  }
0x238: {  	[tilespmem:v2+s16+$0x0] =	vst.idx.add.f32.msk $0xffff, v1  }
0x239: {  	v2 =	vld [tilespmem:$0x80];
	_ =	sdelay $0x7  }
0x23a: {  	[tilespmem:v2+s16+$0x0] =	vst.idx.add.f32.msk $0xffff, v1  }
0x23b: {  	v2 =	vld [tilespmem:$0x90];
	_ =	sdelay $0x7  }
0x23c: {  	[tilespmem:v2+s16+$0x0] =	vst.idx.add.f32.msk $0xffff, v1  }
0x23d: {  	v2 =	vld [tilespmem:$0xA0];
	_ =	sdelay $0x7  }
0x23e: {  	[tilespmem:v2+s16+$0x0] =	vst.idx.add.f32.msk $0xffff, v1  }
0x23f: {  	v2 =	vld [tilespmem:$0xB0];
	_ =	sdelay $0x7  }
0x240: {  	[tilespmem:v2+s16+$0x0] =	vst.idx.add.f32.msk $0xffff, v1  }
0x241: {  	v2 =	vld [tilespmem:$0xC0];
	_ =	sdelay $0x7  }
0x242: {  	[tilespmem:v2+s16+$0x0] =	vst.idx.add.f32.msk $0xffff, v1  }
0x243: {  	v2 =	vld [tilespmem:$0xD0];
	_ =	sdelay $0x7  }
0x244: {  	[tilespmem:v2+s16+$0x0] =	vst.idx.add.f32.msk $0xffff, v1  }
0x245: {  	v2 =	vld [tilespmem:$0xE0];
	_ =	sdelay $0x7  }
0x246: {  	[tilespmem:v2+s16+$0x0] =	vst.idx.add.f32.msk $0xffff, v1  }
0x247: {  	v2 =	vld [tilespmem:$0xF0];
	_ =	sdelay $0x7  }
0x248: {  	[tilespmem:v2+s16+$0x0] =	vst.idx.add.f32.msk $0xffff, v1  }
0x249: {  	v2 =	vld [tilespmem:$0x100];
	_ =	sdelay $0x7  }
0x24a: {  	[tilespmem:v2+s16+$0x0] =	vst.idx.add.f32.msk $0xffff, v1  }
0x24b: {  	v2 =	vld [tilespmem:$0x110];
	_ =	sdelay $0x7  }
0x24c: {  	[tilespmem:v2+s16+$0x0] =	vst.idx.add.f32.msk $0xffff, v1  }
0x24d: {  	v2 =	vld [tilespmem:$0x120];
	_ =	sdelay $0x7  }
0x24e: {  	[tilespmem:v2+s16+$0x0] =	vst.idx.add.f32.msk $0xffff, v1  }
0x24f: {  	v2 =	vld [tilespmem:$0x130];
	_ =	sdelay $0x7  }
0x250: {  	[tilespmem:v2+s16+$0x0] =	vst.idx.add.f32.msk $0xffff, v1  }
0x251: {  	v2 =	vld [tilespmem:$0x140];
	_ =	sdelay $0x7  }
0x252: {  	[tilespmem:v2+s16+$0x0] =	vst.idx.add.f32.msk $0xffff, v1  }
0x253: {  	v2 =	vld [tilespmem:$0x150];
	_ =	sdelay $0x7  }
0x254: {  	[tilespmem:v2+s16+$0x0] =	vst.idx.add.f32.msk $0xffff, v1  }
0x255: {  	v2 =	vld [tilespmem:$0x160];
	_ =	sdelay $0x7  }
0x256: {  	[tilespmem:v2+s16+$0x0] =	vst.idx.add.f32.msk $0xffff, v1  }
0x257: {  	v2 =	vld [tilespmem:$0x170];
	_ =	sdelay $0x7  }
0x258: {  	[tilespmem:v2+s16+$0x0] =	vst.idx.add.f32.msk $0xffff, v1  }
0x259: {  	v2 =	vld [tilespmem:$0x180];
	_ =	sdelay $0x7  }
0x25a: {  	[tilespmem:v2+s16+$0x0] =	vst.idx.add.f32.msk $0xffff, v1  }
0x25b: {  	v2 =	vld [tilespmem:$0x190];
	_ =	sdelay $0x7  }
0x25c: {  	[tilespmem:v2+s16+$0x0] =	vst.idx.add.f32.msk $0xffff, v1  }
0x25d: {  	v2 =	vld [tilespmem:$0x1A0];
	_ =	sdelay $0x7  }
0x25e: {  	[tilespmem:v2+s16+$0x0] =	vst.idx.add.f32.msk $0xffff, v1  }
0x25f: {  	v2 =	vld [tilespmem:$0x1B0];
	_ =	sdelay $0x7  }
0x260: {  	[tilespmem:v2+s16+$0x0] =	vst.idx.add.f32.msk $0xffff, v1  }
0x261: {  	v2 =	vld [tilespmem:$0x1C0];
	_ =	sdelay $0x7  }
0x262: {  	[tilespmem:v2+s16+$0x0] =	vst.idx.add.f32.msk $0xffff, v1  }
0x263: {  	v2 =	vld [tilespmem:$0x1D0];
	_ =	sdelay $0x7  }
0x264: {  	[tilespmem:v2+s16+$0x0] =	vst.idx.add.f32.msk $0xffff, v1  }
0x265: {  	v2 =	vld [tilespmem:$0x1E0];
	_ =	sdelay $0x7  }
0x266: {  	[tilespmem:v2+s16+$0x0] =	vst.idx.add.f32.msk $0xffff, v1  }
0x267: {  	v2 =	vld [tilespmem:$0x1F0];
	_ =	sdelay $0x7  }
0x268: {  	[tilespmem:v2+s16+$0x0] =	vst.idx.add.f32.msk $0xffff, v1  }
0x269: {  	v2 =	vld [tilespmem:$0x200];
	_ =	sdelay $0x7  }
0x26a: {  	[tilespmem:v2+s16+$0x0] =	vst.idx.add.f32.msk $0xffff, v1  }
0x26b: {  	v2 =	vld [tilespmem:$0x210];
	_ =	sdelay $0x7  }
0x26c: {  	[tilespmem:v2+s16+$0x0] =	vst.idx.add.f32.msk $0xffff, v1  }
0x26d: {  	v2 =	vld [tilespmem:$0x220];
	_ =	sdelay $0x7  }
0x26e: {  	[tilespmem:v2+s16+$0x0] =	vst.idx.add.f32.msk $0xffff, v1  }
0x26f: {  	v2 =	vld [tilespmem:$0x230];
	_ =	sdelay $0x7  }
0x270: {  	[tilespmem:v2+s16+$0x0] =	vst.idx.add.f32.msk $0xffff, v1  }
0x271: {  	v2 =	vld [tilespmem:$0x240];
	_ =	sdelay $0x7  }
0x272: {  	[tilespmem:v2+s16+$0x0] =	vst.idx.add.f32.msk $0xffff, v1  }
0x273: {  	v2 =	vld [tilespmem:$0x250];
	_ =	sdelay $0x7  }
0x274: {  	[tilespmem:v2+s16+$0x0] =	vst.idx.add.f32.msk $0xffff, v1  }
0x275: {  	v2 =	vld [tilespmem:$0x260];
	_ =	sdelay $0x7  }
0x276: {  	[tilespmem:v2+s16+$0x0] =	vst.idx.add.f32.msk $0xffff, v1  }
0x277: {  	v2 =	vld [tilespmem:$0x270];
	_ =	sdelay $0x7  }
0x278: {  	[tilespmem:v2+s16+$0x0] =	vst.idx.add.f32.msk $0xffff, v1  }
0x279: {  	v2 =	vld [tilespmem:$0x280];
	_ =	sdelay $0x7  }
0x27a: {  	[tilespmem:v2+s16+$0x0] =	vst.idx.add.f32.msk $0xffff, v1  }
0x27b: {  	v2 =	vld [tilespmem:$0x290];
	_ =	sdelay $0x7  }
0x27c: {  	[tilespmem:v2+s16+$0x0] =	vst.idx.add.f32.msk $0xffff, v1  }
0x27d: {  	v2 =	vld [tilespmem:$0x2A0];
	_ =	sdelay $0x7  }
0x27e: {  	[tilespmem:v2+s16+$0x0] =	vst.idx.add.f32.msk $0xffff, v1  }
0x27f: {  	v2 =	vld [tilespmem:$0x2B0];
	_ =	sdelay $0x7  }
0x280: {  	[tilespmem:v2+s16+$0x0] =	vst.idx.add.f32.msk $0xffff, v1  }
0x281: {  	v2 =	vld [tilespmem:$0x2C0];
	_ =	sdelay $0x7  }
0x282: {  	[tilespmem:v2+s16+$0x0] =	vst.idx.add.f32.msk $0xffff, v1  }
0x283: {  	v2 =	vld [tilespmem:$0x2D0];
	_ =	sdelay $0x7  }
0x284: {  	[tilespmem:v2+s16+$0x0] =	vst.idx.add.f32.msk $0xffff, v1  }
0x285: {  	v2 =	vld [tilespmem:$0x2E0];
	_ =	sdelay $0x7  }
0x286: {  	[tilespmem:v2+s16+$0x0] =	vst.idx.add.f32.msk $0xffff, v1  }
0x287: {  	v2 =	vld [tilespmem:$0x2F0];
	_ =	sdelay $0x7  }
0x288: {  	[tilespmem:v2+s16+$0x0] =	vst.idx.add.f32.msk $0xffff, v1  }
0x289: {  	v2 =	vld [tilespmem:$0x300];
	_ =	sdelay $0x7  }
0x28a: {  	[tilespmem:v2+s16+$0x0] =	vst.idx.add.f32.msk $0xffff, v1  }
0x28b: {  	v2 =	vld [tilespmem:$0x310];
	_ =	sdelay $0x7  }
0x28c: {  	[tilespmem:v2+s16+$0x0] =	vst.idx.add.f32.msk $0xffff, v1  }
0x28d: {  	v2 =	vld [tilespmem:$0x320];
	_ =	sdelay $0x7  }
0x28e: {  	[tilespmem:v2+s16+$0x0] =	vst.idx.add.f32.msk $0xffff, v1  }
0x28f: {  	v2 =	vld [tilespmem:$0x330];
	_ =	sdelay $0x7  }
0x290: {  	[tilespmem:v2+s16+$0x0] =	vst.idx.add.f32.msk $0xffff, v1  }
0x291: {  	v2 =	vld [tilespmem:$0x340];
	_ =	sdelay $0x7  }
0x292: {  	[tilespmem:v2+s16+$0x0] =	vst.idx.add.f32.msk $0xffff, v1  }
0x293: {  	v2 =	vld [tilespmem:$0x350];
	_ =	sdelay $0x7  }
0x294: {  	[tilespmem:v2+s16+$0x0] =	vst.idx.add.f32.msk $0xffff, v1  }
0x295: {  	v2 =	vld [tilespmem:$0x360];
	_ =	sdelay $0x7  }
0x296: {  	[tilespmem:v2+s16+$0x0] =	vst.idx.add.f32.msk $0xffff, v1  }
0x297: {  	v2 =	vld [tilespmem:$0x370];
	_ =	sdelay $0x7  }
0x298: {  	[tilespmem:v2+s16+$0x0] =	vst.idx.add.f32.msk $0xffff, v1  }
0x299: {  	v2 =	vld [tilespmem:$0x380];
	_ =	sdelay $0x7  }
0x29a: {  	[tilespmem:v2+s16+$0x0] =	vst.idx.add.f32.msk $0xffff, v1  }
0x29b: {  	v2 =	vld [tilespmem:$0x390];
	_ =	sdelay $0x7  }
0x29c: {  	[tilespmem:v2+s16+$0x0] =	vst.idx.add.f32.msk $0xffff, v1  }
0x29d: {  	v2 =	vld [tilespmem:$0x3A0];
	_ =	sdelay $0x7  }
0x29e: {  	[tilespmem:v2+s16+$0x0] =	vst.idx.add.f32.msk $0xffff, v1  }
0x29f: {  	v2 =	vld [tilespmem:$0x3B0];
	_ =	sdelay $0x7  }
0x2a0: {  	[tilespmem:v2+s16+$0x0] =	vst.idx.add.f32.msk $0xffff, v1  }
0x2a1: {  	v2 =	vld [tilespmem:$0x3C0];
	_ =	sdelay $0x7  }
0x2a2: {  	[tilespmem:v2+s16+$0x0] =	vst.idx.add.f32.msk $0xffff, v1  }
0x2a3: {  	v2 =	vld [tilespmem:$0x3D0];
	_ =	sdelay $0x7  }
0x2a4: {  	[tilespmem:v2+s16+$0x0] =	vst.idx.add.f32.msk $0xffff, v1  }
0x2a5: {  	v2 =	vld [tilespmem:$0x3E0];
	_ =	sdelay $0x7  }
0x2a6: {  	[tilespmem:v2+s16+$0x0] =	vst.idx.add.f32.msk $0xffff, v1  }
0x2a7: {  	v2 =	vld [tilespmem:$0x3F0];
	_ =	sdelay $0x7  }
0x2a8: {  	[tilespmem:v2+s16+$0x0] =	vst.idx.add.f32.msk $0xffff, v1  }
0x2a9: {  	[tilespmem:s2], [sflag:$0x1] =	stream.linear.gather [hbm4b:s8+s2], $0x400, $0x38;
	[tilespmem:$0x2C00] =	vst v63  }
0x2aa: {  	_ =	swait.ge [sflag:s15], $0x400  }
0x2ab: {  	[sflag:s15] =	ssyncset.done $0x0  }
0x2ac: {  	[sflag:s15] =	ssyncadd.s32 $0xFFFFFC00  }
0x2ad: {  	v2 =	vld [tilespmem:$0x0];
	_ =	sdelay $0x7  }
0x2ae: {  	[tilespmem:v2+s16+$0x0] =	vst.idx.add.f32.msk $0xffff, v1  }
0x2af: {  	v2 =	vld [tilespmem:$0x10];
	_ =	sdelay $0x7  }
0x2b0: {  	[tilespmem:v2+s16+$0x0] =	vst.idx.add.f32.msk $0xffff, v1  }
0x2b1: {  	v2 =	vld [tilespmem:$0x20];
	_ =	sdelay $0x7  }
0x2b2: {  	[tilespmem:v2+s16+$0x0] =	vst.idx.add.f32.msk $0xffff, v1  }
0x2b3: {  	v2 =	vld [tilespmem:$0x30];
	_ =	sdelay $0x7  }
0x2b4: {  	[tilespmem:v2+s16+$0x0] =	vst.idx.add.f32.msk $0xffff, v1  }
0x2b5: {  	v2 =	vld [tilespmem:$0x40];
	_ =	sdelay $0x7  }
0x2b6: {  	[tilespmem:v2+s16+$0x0] =	vst.idx.add.f32.msk $0xffff, v1  }
0x2b7: {  	v2 =	vld [tilespmem:$0x50];
	_ =	sdelay $0x7  }
0x2b8: {  	[tilespmem:v2+s16+$0x0] =	vst.idx.add.f32.msk $0xffff, v1  }
0x2b9: {  	v2 =	vld [tilespmem:$0x60];
	_ =	sdelay $0x7  }
0x2ba: {  	[tilespmem:v2+s16+$0x0] =	vst.idx.add.f32.msk $0xffff, v1  }
0x2bb: {  	v2 =	vld [tilespmem:$0x70];
	_ =	sdelay $0x7  }
0x2bc: {  	[tilespmem:v2+s16+$0x0] =	vst.idx.add.f32.msk $0xffff, v1  }
0x2bd: {  	v2 =	vld [tilespmem:$0x80];
	_ =	sdelay $0x7  }
0x2be: {  	[tilespmem:v2+s16+$0x0] =	vst.idx.add.f32.msk $0xffff, v1  }
0x2bf: {  	v2 =	vld [tilespmem:$0x90];
	_ =	sdelay $0x7  }
0x2c0: {  	[tilespmem:v2+s16+$0x0] =	vst.idx.add.f32.msk $0xffff, v1  }
0x2c1: {  	v2 =	vld [tilespmem:$0xA0];
	_ =	sdelay $0x7  }
0x2c2: {  	[tilespmem:v2+s16+$0x0] =	vst.idx.add.f32.msk $0xffff, v1  }
0x2c3: {  	v2 =	vld [tilespmem:$0xB0];
	_ =	sdelay $0x7  }
0x2c4: {  	[tilespmem:v2+s16+$0x0] =	vst.idx.add.f32.msk $0xffff, v1  }
0x2c5: {  	v2 =	vld [tilespmem:$0xC0];
	_ =	sdelay $0x7  }
0x2c6: {  	[tilespmem:v2+s16+$0x0] =	vst.idx.add.f32.msk $0xffff, v1  }
0x2c7: {  	v2 =	vld [tilespmem:$0xD0];
	_ =	sdelay $0x7  }
0x2c8: {  	[tilespmem:v2+s16+$0x0] =	vst.idx.add.f32.msk $0xffff, v1  }
0x2c9: {  	v2 =	vld [tilespmem:$0xE0];
	_ =	sdelay $0x7  }
0x2ca: {  	[tilespmem:v2+s16+$0x0] =	vst.idx.add.f32.msk $0xffff, v1  }
0x2cb: {  	v2 =	vld [tilespmem:$0xF0];
	_ =	sdelay $0x7  }
0x2cc: {  	[tilespmem:v2+s16+$0x0] =	vst.idx.add.f32.msk $0xffff, v1  }
0x2cd: {  	v2 =	vld [tilespmem:$0x100];
	_ =	sdelay $0x7  }
0x2ce: {  	[tilespmem:v2+s16+$0x0] =	vst.idx.add.f32.msk $0xffff, v1  }
0x2cf: {  	v2 =	vld [tilespmem:$0x110];
	_ =	sdelay $0x7  }
0x2d0: {  	[tilespmem:v2+s16+$0x0] =	vst.idx.add.f32.msk $0xffff, v1  }
0x2d1: {  	v2 =	vld [tilespmem:$0x120];
	_ =	sdelay $0x7  }
0x2d2: {  	[tilespmem:v2+s16+$0x0] =	vst.idx.add.f32.msk $0xffff, v1  }
0x2d3: {  	v2 =	vld [tilespmem:$0x130];
	_ =	sdelay $0x7  }
0x2d4: {  	[tilespmem:v2+s16+$0x0] =	vst.idx.add.f32.msk $0xffff, v1  }
0x2d5: {  	v2 =	vld [tilespmem:$0x140];
	_ =	sdelay $0x7  }
0x2d6: {  	[tilespmem:v2+s16+$0x0] =	vst.idx.add.f32.msk $0xffff, v1  }
0x2d7: {  	v2 =	vld [tilespmem:$0x150];
	_ =	sdelay $0x7  }
0x2d8: {  	[tilespmem:v2+s16+$0x0] =	vst.idx.add.f32.msk $0xffff, v1  }
0x2d9: {  	v2 =	vld [tilespmem:$0x160];
	_ =	sdelay $0x7  }
0x2da: {  	[tilespmem:v2+s16+$0x0] =	vst.idx.add.f32.msk $0xffff, v1  }
0x2db: {  	v2 =	vld [tilespmem:$0x170];
	_ =	sdelay $0x7  }
0x2dc: {  	[tilespmem:v2+s16+$0x0] =	vst.idx.add.f32.msk $0xffff, v1  }
0x2dd: {  	v2 =	vld [tilespmem:$0x180];
	_ =	sdelay $0x7  }
0x2de: {  	[tilespmem:v2+s16+$0x0] =	vst.idx.add.f32.msk $0xffff, v1  }
0x2df: {  	v2 =	vld [tilespmem:$0x190];
	_ =	sdelay $0x7  }
0x2e0: {  	[tilespmem:v2+s16+$0x0] =	vst.idx.add.f32.msk $0xffff, v1  }
0x2e1: {  	v2 =	vld [tilespmem:$0x1A0];
	_ =	sdelay $0x7  }
0x2e2: {  	[tilespmem:v2+s16+$0x0] =	vst.idx.add.f32.msk $0xffff, v1  }
0x2e3: {  	v2 =	vld [tilespmem:$0x1B0];
	_ =	sdelay $0x7  }
0x2e4: {  	[tilespmem:v2+s16+$0x0] =	vst.idx.add.f32.msk $0xffff, v1  }
0x2e5: {  	v2 =	vld [tilespmem:$0x1C0];
	_ =	sdelay $0x7  }
0x2e6: {  	[tilespmem:v2+s16+$0x0] =	vst.idx.add.f32.msk $0xffff, v1  }
0x2e7: {  	v2 =	vld [tilespmem:$0x1D0];
	_ =	sdelay $0x7  }
0x2e8: {  	[tilespmem:v2+s16+$0x0] =	vst.idx.add.f32.msk $0xffff, v1  }
0x2e9: {  	v2 =	vld [tilespmem:$0x1E0];
	_ =	sdelay $0x7  }
0x2ea: {  	[tilespmem:v2+s16+$0x0] =	vst.idx.add.f32.msk $0xffff, v1  }
0x2eb: {  	v2 =	vld [tilespmem:$0x1F0];
	_ =	sdelay $0x7  }
0x2ec: {  	[tilespmem:v2+s16+$0x0] =	vst.idx.add.f32.msk $0xffff, v1  }
0x2ed: {  	v2 =	vld [tilespmem:$0x200];
	_ =	sdelay $0x7  }
0x2ee: {  	[tilespmem:v2+s16+$0x0] =	vst.idx.add.f32.msk $0xffff, v1  }
0x2ef: {  	v2 =	vld [tilespmem:$0x210];
	_ =	sdelay $0x7  }
0x2f0: {  	[tilespmem:v2+s16+$0x0] =	vst.idx.add.f32.msk $0xffff, v1  }
0x2f1: {  	v2 =	vld [tilespmem:$0x220];
	_ =	sdelay $0x7  }
0x2f2: {  	[tilespmem:v2+s16+$0x0] =	vst.idx.add.f32.msk $0xffff, v1  }
0x2f3: {  	v2 =	vld [tilespmem:$0x230];
	_ =	sdelay $0x7  }
0x2f4: {  	[tilespmem:v2+s16+$0x0] =	vst.idx.add.f32.msk $0xffff, v1  }
0x2f5: {  	v2 =	vld [tilespmem:$0x240];
	_ =	sdelay $0x7  }
0x2f6: {  	[tilespmem:v2+s16+$0x0] =	vst.idx.add.f32.msk $0xffff, v1  }
0x2f7: {  	v2 =	vld [tilespmem:$0x250];
	_ =	sdelay $0x7  }
0x2f8: {  	[tilespmem:v2+s16+$0x0] =	vst.idx.add.f32.msk $0xffff, v1  }
0x2f9: {  	v2 =	vld [tilespmem:$0x260];
	_ =	sdelay $0x7  }
0x2fa: {  	[tilespmem:v2+s16+$0x0] =	vst.idx.add.f32.msk $0xffff, v1  }
0x2fb: {  	v2 =	vld [tilespmem:$0x270];
	_ =	sdelay $0x7  }
0x2fc: {  	[tilespmem:v2+s16+$0x0] =	vst.idx.add.f32.msk $0xffff, v1  }
0x2fd: {  	v2 =	vld [tilespmem:$0x280];
	_ =	sdelay $0x7  }
0x2fe: {  	[tilespmem:v2+s16+$0x0] =	vst.idx.add.f32.msk $0xffff, v1  }
0x2ff: {  	v2 =	vld [tilespmem:$0x290];
	_ =	sdelay $0x7  }
0x300: {  	[tilespmem:v2+s16+$0x0] =	vst.idx.add.f32.msk $0xffff, v1  }
0x301: {  	v2 =	vld [tilespmem:$0x2A0];
	_ =	sdelay $0x7  }
0x302: {  	[tilespmem:v2+s16+$0x0] =	vst.idx.add.f32.msk $0xffff, v1  }
0x303: {  	v2 =	vld [tilespmem:$0x2B0];
	_ =	sdelay $0x7  }
0x304: {  	[tilespmem:v2+s16+$0x0] =	vst.idx.add.f32.msk $0xffff, v1  }
0x305: {  	v2 =	vld [tilespmem:$0x2C0];
	_ =	sdelay $0x7  }
0x306: {  	[tilespmem:v2+s16+$0x0] =	vst.idx.add.f32.msk $0xffff, v1  }
0x307: {  	v2 =	vld [tilespmem:$0x2D0];
	_ =	sdelay $0x7  }
0x308: {  	[tilespmem:v2+s16+$0x0] =	vst.idx.add.f32.msk $0xffff, v1  }
0x309: {  	v2 =	vld [tilespmem:$0x2E0];
	_ =	sdelay $0x7  }
0x30a: {  	[tilespmem:v2+s16+$0x0] =	vst.idx.add.f32.msk $0xffff, v1  }
0x30b: {  	v2 =	vld [tilespmem:$0x2F0];
	_ =	sdelay $0x7  }
0x30c: {  	[tilespmem:v2+s16+$0x0] =	vst.idx.add.f32.msk $0xffff, v1  }
0x30d: {  	v2 =	vld [tilespmem:$0x300];
	_ =	sdelay $0x7  }
0x30e: {  	[tilespmem:v2+s16+$0x0] =	vst.idx.add.f32.msk $0xffff, v1  }
0x30f: {  	v2 =	vld [tilespmem:$0x310];
	_ =	sdelay $0x7  }
0x310: {  	[tilespmem:v2+s16+$0x0] =	vst.idx.add.f32.msk $0xffff, v1  }
0x311: {  	v2 =	vld [tilespmem:$0x320];
	_ =	sdelay $0x7  }
0x312: {  	[tilespmem:v2+s16+$0x0] =	vst.idx.add.f32.msk $0xffff, v1  }
0x313: {  	v2 =	vld [tilespmem:$0x330];
	_ =	sdelay $0x7  }
0x314: {  	[tilespmem:v2+s16+$0x0] =	vst.idx.add.f32.msk $0xffff, v1  }
0x315: {  	v2 =	vld [tilespmem:$0x340];
	_ =	sdelay $0x7  }
0x316: {  	[tilespmem:v2+s16+$0x0] =	vst.idx.add.f32.msk $0xffff, v1  }
0x317: {  	v2 =	vld [tilespmem:$0x350];
	_ =	sdelay $0x7  }
0x318: {  	[tilespmem:v2+s16+$0x0] =	vst.idx.add.f32.msk $0xffff, v1  }
0x319: {  	v2 =	vld [tilespmem:$0x360];
	_ =	sdelay $0x7  }
0x31a: {  	[tilespmem:v2+s16+$0x0] =	vst.idx.add.f32.msk $0xffff, v1  }
0x31b: {  	v2 =	vld [tilespmem:$0x370];
	_ =	sdelay $0x7  }
0x31c: {  	[tilespmem:v2+s16+$0x0] =	vst.idx.add.f32.msk $0xffff, v1  }
0x31d: {  	v2 =	vld [tilespmem:$0x380];
	_ =	sdelay $0x7  }
0x31e: {  	[tilespmem:v2+s16+$0x0] =	vst.idx.add.f32.msk $0xffff, v1  }
0x31f: {  	v2 =	vld [tilespmem:$0x390];
	_ =	sdelay $0x7  }
0x320: {  	[tilespmem:v2+s16+$0x0] =	vst.idx.add.f32.msk $0xffff, v1  }
0x321: {  	v2 =	vld [tilespmem:$0x3A0];
	_ =	sdelay $0x7  }
0x322: {  	[tilespmem:v2+s16+$0x0] =	vst.idx.add.f32.msk $0xffff, v1  }
0x323: {  	v2 =	vld [tilespmem:$0x3B0];
	_ =	sdelay $0x7  }
0x324: {  	[tilespmem:v2+s16+$0x0] =	vst.idx.add.f32.msk $0xffff, v1  }
0x325: {  	v2 =	vld [tilespmem:$0x3C0];
	_ =	sdelay $0x7  }
0x326: {  	[tilespmem:v2+s16+$0x0] =	vst.idx.add.f32.msk $0xffff, v1  }
0x327: {  	v2 =	vld [tilespmem:$0x3D0];
	_ =	sdelay $0x7  }
0x328: {  	[tilespmem:v2+s16+$0x0] =	vst.idx.add.f32.msk $0xffff, v1  }
0x329: {  	v2 =	vld [tilespmem:$0x3E0];
	_ =	sdelay $0x7  }
0x32a: {  	[tilespmem:v2+s16+$0x0] =	vst.idx.add.f32.msk $0xffff, v1  }
0x32b: {  	v2 =	vld [tilespmem:$0x3F0];
	_ =	sdelay $0x7  }
0x32c: {  	[tilespmem:v2+s16+$0x0] =	vst.idx.add.f32.msk $0xffff, v1  }
0x32d: {  	[tilespmem:s2], [sflag:$0x1] =	stream.linear.gather [hbm4b:s9+s2], $0x400, $0x38;
	[tilespmem:$0x2C00] =	vst v63  }
0x32e: {  	_ =	swait.ge [sflag:s15], $0x400  }
0x32f: {  	[sflag:s15] =	ssyncset.done $0x0  }
0x330: {  	[sflag:s15] =	ssyncadd.s32 $0xFFFFFC00  }
0x331: {  	v2 =	vld [tilespmem:$0x0];
	_ =	sdelay $0x7  }
0x332: {  	[tilespmem:v2+s16+$0x0] =	vst.idx.add.f32.msk $0xffff, v1  }
0x333: {  	v2 =	vld [tilespmem:$0x10];
	_ =	sdelay $0x7  }
0x334: {  	[tilespmem:v2+s16+$0x0] =	vst.idx.add.f32.msk $0xffff, v1  }
0x335: {  	v2 =	vld [tilespmem:$0x20];
	_ =	sdelay $0x7  }
0x336: {  	[tilespmem:v2+s16+$0x0] =	vst.idx.add.f32.msk $0xffff, v1  }
0x337: {  	v2 =	vld [tilespmem:$0x30];
	_ =	sdelay $0x7  }
0x338: {  	[tilespmem:v2+s16+$0x0] =	vst.idx.add.f32.msk $0xffff, v1  }
0x339: {  	v2 =	vld [tilespmem:$0x40];
	_ =	sdelay $0x7  }
0x33a: {  	[tilespmem:v2+s16+$0x0] =	vst.idx.add.f32.msk $0xffff, v1  }
0x33b: {  	v2 =	vld [tilespmem:$0x50];
	_ =	sdelay $0x7  }
0x33c: {  	[tilespmem:v2+s16+$0x0] =	vst.idx.add.f32.msk $0xffff, v1  }
0x33d: {  	v2 =	vld [tilespmem:$0x60];
	_ =	sdelay $0x7  }
0x33e: {  	[tilespmem:v2+s16+$0x0] =	vst.idx.add.f32.msk $0xffff, v1  }
0x33f: {  	v2 =	vld [tilespmem:$0x70];
	_ =	sdelay $0x7  }
0x340: {  	[tilespmem:v2+s16+$0x0] =	vst.idx.add.f32.msk $0xffff, v1  }
0x341: {  	v2 =	vld [tilespmem:$0x80];
	_ =	sdelay $0x7  }
0x342: {  	[tilespmem:v2+s16+$0x0] =	vst.idx.add.f32.msk $0xffff, v1  }
0x343: {  	v2 =	vld [tilespmem:$0x90];
	_ =	sdelay $0x7  }
0x344: {  	[tilespmem:v2+s16+$0x0] =	vst.idx.add.f32.msk $0xffff, v1  }
0x345: {  	v2 =	vld [tilespmem:$0xA0];
	_ =	sdelay $0x7  }
0x346: {  	[tilespmem:v2+s16+$0x0] =	vst.idx.add.f32.msk $0xffff, v1  }
0x347: {  	v2 =	vld [tilespmem:$0xB0];
	_ =	sdelay $0x7  }
0x348: {  	[tilespmem:v2+s16+$0x0] =	vst.idx.add.f32.msk $0xffff, v1  }
0x349: {  	v2 =	vld [tilespmem:$0xC0];
	_ =	sdelay $0x7  }
0x34a: {  	[tilespmem:v2+s16+$0x0] =	vst.idx.add.f32.msk $0xffff, v1  }
0x34b: {  	v2 =	vld [tilespmem:$0xD0];
	_ =	sdelay $0x7  }
0x34c: {  	[tilespmem:v2+s16+$0x0] =	vst.idx.add.f32.msk $0xffff, v1  }
0x34d: {  	v2 =	vld [tilespmem:$0xE0];
	_ =	sdelay $0x7  }
0x34e: {  	[tilespmem:v2+s16+$0x0] =	vst.idx.add.f32.msk $0xffff, v1  }
0x34f: {  	v2 =	vld [tilespmem:$0xF0];
	_ =	sdelay $0x7  }
0x350: {  	[tilespmem:v2+s16+$0x0] =	vst.idx.add.f32.msk $0xffff, v1  }
0x351: {  	v2 =	vld [tilespmem:$0x100];
	_ =	sdelay $0x7  }
0x352: {  	[tilespmem:v2+s16+$0x0] =	vst.idx.add.f32.msk $0xffff, v1  }
0x353: {  	v2 =	vld [tilespmem:$0x110];
	_ =	sdelay $0x7  }
0x354: {  	[tilespmem:v2+s16+$0x0] =	vst.idx.add.f32.msk $0xffff, v1  }
0x355: {  	v2 =	vld [tilespmem:$0x120];
	_ =	sdelay $0x7  }
0x356: {  	[tilespmem:v2+s16+$0x0] =	vst.idx.add.f32.msk $0xffff, v1  }
0x357: {  	v2 =	vld [tilespmem:$0x130];
	_ =	sdelay $0x7  }
0x358: {  	[tilespmem:v2+s16+$0x0] =	vst.idx.add.f32.msk $0xffff, v1  }
0x359: {  	v2 =	vld [tilespmem:$0x140];
	_ =	sdelay $0x7  }
0x35a: {  	[tilespmem:v2+s16+$0x0] =	vst.idx.add.f32.msk $0xffff, v1  }
0x35b: {  	v2 =	vld [tilespmem:$0x150];
	_ =	sdelay $0x7  }
0x35c: {  	[tilespmem:v2+s16+$0x0] =	vst.idx.add.f32.msk $0xffff, v1  }
0x35d: {  	v2 =	vld [tilespmem:$0x160];
	_ =	sdelay $0x7  }
0x35e: {  	[tilespmem:v2+s16+$0x0] =	vst.idx.add.f32.msk $0xffff, v1  }
0x35f: {  	v2 =	vld [tilespmem:$0x170];
	_ =	sdelay $0x7  }
0x360: {  	[tilespmem:v2+s16+$0x0] =	vst.idx.add.f32.msk $0xffff, v1  }
0x361: {  	v2 =	vld [tilespmem:$0x180];
	_ =	sdelay $0x7  }
0x362: {  	[tilespmem:v2+s16+$0x0] =	vst.idx.add.f32.msk $0xffff, v1  }
0x363: {  	v2 =	vld [tilespmem:$0x190];
	_ =	sdelay $0x7  }
0x364: {  	[tilespmem:v2+s16+$0x0] =	vst.idx.add.f32.msk $0xffff, v1  }
0x365: {  	v2 =	vld [tilespmem:$0x1A0];
	_ =	sdelay $0x7  }
0x366: {  	[tilespmem:v2+s16+$0x0] =	vst.idx.add.f32.msk $0xffff, v1  }
0x367: {  	v2 =	vld [tilespmem:$0x1B0];
	_ =	sdelay $0x7  }
0x368: {  	[tilespmem:v2+s16+$0x0] =	vst.idx.add.f32.msk $0xffff, v1  }
0x369: {  	v2 =	vld [tilespmem:$0x1C0];
	_ =	sdelay $0x7  }
0x36a: {  	[tilespmem:v2+s16+$0x0] =	vst.idx.add.f32.msk $0xffff, v1  }
0x36b: {  	v2 =	vld [tilespmem:$0x1D0];
	_ =	sdelay $0x7  }
0x36c: {  	[tilespmem:v2+s16+$0x0] =	vst.idx.add.f32.msk $0xffff, v1  }
0x36d: {  	v2 =	vld [tilespmem:$0x1E0];
	_ =	sdelay $0x7  }
0x36e: {  	[tilespmem:v2+s16+$0x0] =	vst.idx.add.f32.msk $0xffff, v1  }
0x36f: {  	v2 =	vld [tilespmem:$0x1F0];
	_ =	sdelay $0x7  }
0x370: {  	[tilespmem:v2+s16+$0x0] =	vst.idx.add.f32.msk $0xffff, v1  }
0x371: {  	v2 =	vld [tilespmem:$0x200];
	_ =	sdelay $0x7  }
0x372: {  	[tilespmem:v2+s16+$0x0] =	vst.idx.add.f32.msk $0xffff, v1  }
0x373: {  	v2 =	vld [tilespmem:$0x210];
	_ =	sdelay $0x7  }
0x374: {  	[tilespmem:v2+s16+$0x0] =	vst.idx.add.f32.msk $0xffff, v1  }
0x375: {  	v2 =	vld [tilespmem:$0x220];
	_ =	sdelay $0x7  }
0x376: {  	[tilespmem:v2+s16+$0x0] =	vst.idx.add.f32.msk $0xffff, v1  }
0x377: {  	v2 =	vld [tilespmem:$0x230];
	_ =	sdelay $0x7  }
0x378: {  	[tilespmem:v2+s16+$0x0] =	vst.idx.add.f32.msk $0xffff, v1  }
0x379: {  	v2 =	vld [tilespmem:$0x240];
	_ =	sdelay $0x7  }
0x37a: {  	[tilespmem:v2+s16+$0x0] =	vst.idx.add.f32.msk $0xffff, v1  }
0x37b: {  	v2 =	vld [tilespmem:$0x250];
	_ =	sdelay $0x7  }
0x37c: {  	[tilespmem:v2+s16+$0x0] =	vst.idx.add.f32.msk $0xffff, v1  }
0x37d: {  	v2 =	vld [tilespmem:$0x260];
	_ =	sdelay $0x7  }
0x37e: {  	[tilespmem:v2+s16+$0x0] =	vst.idx.add.f32.msk $0xffff, v1  }
0x37f: {  	v2 =	vld [tilespmem:$0x270];
	_ =	sdelay $0x7  }
0x380: {  	[tilespmem:v2+s16+$0x0] =	vst.idx.add.f32.msk $0xffff, v1  }
0x381: {  	v2 =	vld [tilespmem:$0x280];
	_ =	sdelay $0x7  }
0x382: {  	[tilespmem:v2+s16+$0x0] =	vst.idx.add.f32.msk $0xffff, v1  }
0x383: {  	v2 =	vld [tilespmem:$0x290];
	_ =	sdelay $0x7  }
0x384: {  	[tilespmem:v2+s16+$0x0] =	vst.idx.add.f32.msk $0xffff, v1  }
0x385: {  	v2 =	vld [tilespmem:$0x2A0];
	_ =	sdelay $0x7  }
0x386: {  	[tilespmem:v2+s16+$0x0] =	vst.idx.add.f32.msk $0xffff, v1  }
0x387: {  	v2 =	vld [tilespmem:$0x2B0];
	_ =	sdelay $0x7  }
0x388: {  	[tilespmem:v2+s16+$0x0] =	vst.idx.add.f32.msk $0xffff, v1  }
0x389: {  	v2 =	vld [tilespmem:$0x2C0];
	_ =	sdelay $0x7  }
0x38a: {  	[tilespmem:v2+s16+$0x0] =	vst.idx.add.f32.msk $0xffff, v1  }
0x38b: {  	v2 =	vld [tilespmem:$0x2D0];
	_ =	sdelay $0x7  }
0x38c: {  	[tilespmem:v2+s16+$0x0] =	vst.idx.add.f32.msk $0xffff, v1  }
0x38d: {  	v2 =	vld [tilespmem:$0x2E0];
	_ =	sdelay $0x7  }
0x38e: {  	[tilespmem:v2+s16+$0x0] =	vst.idx.add.f32.msk $0xffff, v1  }
0x38f: {  	v2 =	vld [tilespmem:$0x2F0];
	_ =	sdelay $0x7  }
0x390: {  	[tilespmem:v2+s16+$0x0] =	vst.idx.add.f32.msk $0xffff, v1  }
0x391: {  	v2 =	vld [tilespmem:$0x300];
	_ =	sdelay $0x7  }
0x392: {  	[tilespmem:v2+s16+$0x0] =	vst.idx.add.f32.msk $0xffff, v1  }
0x393: {  	v2 =	vld [tilespmem:$0x310];
	_ =	sdelay $0x7  }
0x394: {  	[tilespmem:v2+s16+$0x0] =	vst.idx.add.f32.msk $0xffff, v1  }
0x395: {  	v2 =	vld [tilespmem:$0x320];
	_ =	sdelay $0x7  }
0x396: {  	[tilespmem:v2+s16+$0x0] =	vst.idx.add.f32.msk $0xffff, v1  }
0x397: {  	v2 =	vld [tilespmem:$0x330];
	_ =	sdelay $0x7  }
0x398: {  	[tilespmem:v2+s16+$0x0] =	vst.idx.add.f32.msk $0xffff, v1  }
0x399: {  	v2 =	vld [tilespmem:$0x340];
	_ =	sdelay $0x7  }
0x39a: {  	[tilespmem:v2+s16+$0x0] =	vst.idx.add.f32.msk $0xffff, v1  }
0x39b: {  	v2 =	vld [tilespmem:$0x350];
	_ =	sdelay $0x7  }
0x39c: {  	[tilespmem:v2+s16+$0x0] =	vst.idx.add.f32.msk $0xffff, v1  }
0x39d: {  	v2 =	vld [tilespmem:$0x360];
	_ =	sdelay $0x7  }
0x39e: {  	[tilespmem:v2+s16+$0x0] =	vst.idx.add.f32.msk $0xffff, v1  }
0x39f: {  	v2 =	vld [tilespmem:$0x370];
	_ =	sdelay $0x7  }
0x3a0: {  	[tilespmem:v2+s16+$0x0] =	vst.idx.add.f32.msk $0xffff, v1  }
0x3a1: {  	v2 =	vld [tilespmem:$0x380];
	_ =	sdelay $0x7  }
0x3a2: {  	[tilespmem:v2+s16+$0x0] =	vst.idx.add.f32.msk $0xffff, v1  }
0x3a3: {  	v2 =	vld [tilespmem:$0x390];
	_ =	sdelay $0x7  }
0x3a4: {  	[tilespmem:v2+s16+$0x0] =	vst.idx.add.f32.msk $0xffff, v1  }
0x3a5: {  	v2 =	vld [tilespmem:$0x3A0];
	_ =	sdelay $0x7  }
0x3a6: {  	[tilespmem:v2+s16+$0x0] =	vst.idx.add.f32.msk $0xffff, v1  }
0x3a7: {  	v2 =	vld [tilespmem:$0x3B0];
	_ =	sdelay $0x7  }
0x3a8: {  	[tilespmem:v2+s16+$0x0] =	vst.idx.add.f32.msk $0xffff, v1  }
0x3a9: {  	v2 =	vld [tilespmem:$0x3C0];
	_ =	sdelay $0x7  }
0x3aa: {  	[tilespmem:v2+s16+$0x0] =	vst.idx.add.f32.msk $0xffff, v1  }
0x3ab: {  	v2 =	vld [tilespmem:$0x3D0];
	_ =	sdelay $0x7  }
0x3ac: {  	[tilespmem:v2+s16+$0x0] =	vst.idx.add.f32.msk $0xffff, v1  }
0x3ad: {  	v2 =	vld [tilespmem:$0x3E0];
	_ =	sdelay $0x7  }
0x3ae: {  	[tilespmem:v2+s16+$0x0] =	vst.idx.add.f32.msk $0xffff, v1  }
0x3af: {  	v2 =	vld [tilespmem:$0x3F0];
	_ =	sdelay $0x7  }
0x3b0: {  	[tilespmem:v2+s16+$0x0] =	vst.idx.add.f32.msk $0xffff, v1  }
0x3b1: {  	[tilespmem:s2], [sflag:$0x1] =	stream.linear.gather [hbm4b:s10+s2], $0x400, $0x38;
	[tilespmem:$0x2C00] =	vst v63  }
0x3b2: {  	_ =	swait.ge [sflag:s15], $0x400  }
0x3b3: {  	[sflag:s15] =	ssyncset.done $0x0  }
0x3b4: {  	[sflag:s15] =	ssyncadd.s32 $0xFFFFFC00  }
0x3b5: {  	v2 =	vld [tilespmem:$0x0];
	_ =	sdelay $0x7  }
0x3b6: {  	[tilespmem:v2+s16+$0x0] =	vst.idx.add.f32.msk $0xffff, v1  }
0x3b7: {  	v2 =	vld [tilespmem:$0x10];
	_ =	sdelay $0x7  }
0x3b8: {  	[tilespmem:v2+s16+$0x0] =	vst.idx.add.f32.msk $0xffff, v1  }
0x3b9: {  	v2 =	vld [tilespmem:$0x20];
	_ =	sdelay $0x7  }
0x3ba: {  	[tilespmem:v2+s16+$0x0] =	vst.idx.add.f32.msk $0xffff, v1  }
0x3bb: {  	v2 =	vld [tilespmem:$0x30];
	_ =	sdelay $0x7  }
0x3bc: {  	[tilespmem:v2+s16+$0x0] =	vst.idx.add.f32.msk $0xffff, v1  }
0x3bd: {  	v2 =	vld [tilespmem:$0x40];
	_ =	sdelay $0x7  }
0x3be: {  	[tilespmem:v2+s16+$0x0] =	vst.idx.add.f32.msk $0xffff, v1  }
0x3bf: {  	v2 =	vld [tilespmem:$0x50];
	_ =	sdelay $0x7  }
0x3c0: {  	[tilespmem:v2+s16+$0x0] =	vst.idx.add.f32.msk $0xffff, v1  }
0x3c1: {  	v2 =	vld [tilespmem:$0x60];
	_ =	sdelay $0x7  }
0x3c2: {  	[tilespmem:v2+s16+$0x0] =	vst.idx.add.f32.msk $0xffff, v1  }
0x3c3: {  	v2 =	vld [tilespmem:$0x70];
	_ =	sdelay $0x7  }
0x3c4: {  	[tilespmem:v2+s16+$0x0] =	vst.idx.add.f32.msk $0xffff, v1  }
0x3c5: {  	v2 =	vld [tilespmem:$0x80];
	_ =	sdelay $0x7  }
0x3c6: {  	[tilespmem:v2+s16+$0x0] =	vst.idx.add.f32.msk $0xffff, v1  }
0x3c7: {  	v2 =	vld [tilespmem:$0x90];
	_ =	sdelay $0x7  }
0x3c8: {  	[tilespmem:v2+s16+$0x0] =	vst.idx.add.f32.msk $0xffff, v1  }
0x3c9: {  	v2 =	vld [tilespmem:$0xA0];
	_ =	sdelay $0x7  }
0x3ca: {  	[tilespmem:v2+s16+$0x0] =	vst.idx.add.f32.msk $0xffff, v1  }
0x3cb: {  	v2 =	vld [tilespmem:$0xB0];
	_ =	sdelay $0x7  }
0x3cc: {  	[tilespmem:v2+s16+$0x0] =	vst.idx.add.f32.msk $0xffff, v1  }
0x3cd: {  	v2 =	vld [tilespmem:$0xC0];
	_ =	sdelay $0x7  }
0x3ce: {  	[tilespmem:v2+s16+$0x0] =	vst.idx.add.f32.msk $0xffff, v1  }
0x3cf: {  	v2 =	vld [tilespmem:$0xD0];
	_ =	sdelay $0x7  }
0x3d0: {  	[tilespmem:v2+s16+$0x0] =	vst.idx.add.f32.msk $0xffff, v1  }
0x3d1: {  	v2 =	vld [tilespmem:$0xE0];
	_ =	sdelay $0x7  }
0x3d2: {  	[tilespmem:v2+s16+$0x0] =	vst.idx.add.f32.msk $0xffff, v1  }
0x3d3: {  	v2 =	vld [tilespmem:$0xF0];
	_ =	sdelay $0x7  }
0x3d4: {  	[tilespmem:v2+s16+$0x0] =	vst.idx.add.f32.msk $0xffff, v1  }
0x3d5: {  	v2 =	vld [tilespmem:$0x100];
	_ =	sdelay $0x7  }
0x3d6: {  	[tilespmem:v2+s16+$0x0] =	vst.idx.add.f32.msk $0xffff, v1  }
0x3d7: {  	v2 =	vld [tilespmem:$0x110];
	_ =	sdelay $0x7  }
0x3d8: {  	[tilespmem:v2+s16+$0x0] =	vst.idx.add.f32.msk $0xffff, v1  }
0x3d9: {  	v2 =	vld [tilespmem:$0x120];
	_ =	sdelay $0x7  }
0x3da: {  	[tilespmem:v2+s16+$0x0] =	vst.idx.add.f32.msk $0xffff, v1  }
0x3db: {  	v2 =	vld [tilespmem:$0x130];
	_ =	sdelay $0x7  }
0x3dc: {  	[tilespmem:v2+s16+$0x0] =	vst.idx.add.f32.msk $0xffff, v1  }
0x3dd: {  	v2 =	vld [tilespmem:$0x140];
	_ =	sdelay $0x7  }
0x3de: {  	[tilespmem:v2+s16+$0x0] =	vst.idx.add.f32.msk $0xffff, v1  }
0x3df: {  	v2 =	vld [tilespmem:$0x150];
	_ =	sdelay $0x7  }
0x3e0: {  	[tilespmem:v2+s16+$0x0] =	vst.idx.add.f32.msk $0xffff, v1  }
0x3e1: {  	v2 =	vld [tilespmem:$0x160];
	_ =	sdelay $0x7  }
0x3e2: {  	[tilespmem:v2+s16+$0x0] =	vst.idx.add.f32.msk $0xffff, v1  }
0x3e3: {  	v2 =	vld [tilespmem:$0x170];
	_ =	sdelay $0x7  }
0x3e4: {  	[tilespmem:v2+s16+$0x0] =	vst.idx.add.f32.msk $0xffff, v1  }
0x3e5: {  	v2 =	vld [tilespmem:$0x180];
	_ =	sdelay $0x7  }
0x3e6: {  	[tilespmem:v2+s16+$0x0] =	vst.idx.add.f32.msk $0xffff, v1  }
0x3e7: {  	v2 =	vld [tilespmem:$0x190];
	_ =	sdelay $0x7  }
0x3e8: {  	[tilespmem:v2+s16+$0x0] =	vst.idx.add.f32.msk $0xffff, v1  }
0x3e9: {  	v2 =	vld [tilespmem:$0x1A0];
	_ =	sdelay $0x7  }
0x3ea: {  	[tilespmem:v2+s16+$0x0] =	vst.idx.add.f32.msk $0xffff, v1  }
0x3eb: {  	v2 =	vld [tilespmem:$0x1B0];
	_ =	sdelay $0x7  }
0x3ec: {  	[tilespmem:v2+s16+$0x0] =	vst.idx.add.f32.msk $0xffff, v1  }
0x3ed: {  	v2 =	vld [tilespmem:$0x1C0];
	_ =	sdelay $0x7  }
0x3ee: {  	[tilespmem:v2+s16+$0x0] =	vst.idx.add.f32.msk $0xffff, v1  }
0x3ef: {  	v2 =	vld [tilespmem:$0x1D0];
	_ =	sdelay $0x7  }
0x3f0: {  	[tilespmem:v2+s16+$0x0] =	vst.idx.add.f32.msk $0xffff, v1  }
0x3f1: {  	v2 =	vld [tilespmem:$0x1E0];
	_ =	sdelay $0x7  }
0x3f2: {  	[tilespmem:v2+s16+$0x0] =	vst.idx.add.f32.msk $0xffff, v1  }
0x3f3: {  	v2 =	vld [tilespmem:$0x1F0];
	_ =	sdelay $0x7  }
0x3f4: {  	[tilespmem:v2+s16+$0x0] =	vst.idx.add.f32.msk $0xffff, v1  }
0x3f5: {  	v2 =	vld [tilespmem:$0x200];
	_ =	sdelay $0x7  }
0x3f6: {  	[tilespmem:v2+s16+$0x0] =	vst.idx.add.f32.msk $0xffff, v1  }
0x3f7: {  	v2 =	vld [tilespmem:$0x210];
	_ =	sdelay $0x7  }
0x3f8: {  	[tilespmem:v2+s16+$0x0] =	vst.idx.add.f32.msk $0xffff, v1  }
0x3f9: {  	v2 =	vld [tilespmem:$0x220];
	_ =	sdelay $0x7  }
0x3fa: {  	[tilespmem:v2+s16+$0x0] =	vst.idx.add.f32.msk $0xffff, v1  }
0x3fb: {  	v2 =	vld [tilespmem:$0x230];
	_ =	sdelay $0x7  }
0x3fc: {  	[tilespmem:v2+s16+$0x0] =	vst.idx.add.f32.msk $0xffff, v1  }
0x3fd: {  	v2 =	vld [tilespmem:$0x240];
	_ =	sdelay $0x7  }
0x3fe: {  	[tilespmem:v2+s16+$0x0] =	vst.idx.add.f32.msk $0xffff, v1  }
0x3ff: {  	v2 =	vld [tilespmem:$0x250];
	_ =	sdelay $0x7  }
0x400: {  	[tilespmem:v2+s16+$0x0] =	vst.idx.add.f32.msk $0xffff, v1  }
0x401: {  	v2 =	vld [tilespmem:$0x260];
	_ =	sdelay $0x7  }
0x402: {  	[tilespmem:v2+s16+$0x0] =	vst.idx.add.f32.msk $0xffff, v1  }
0x403: {  	v2 =	vld [tilespmem:$0x270];
	_ =	sdelay $0x7  }
0x404: {  	[tilespmem:v2+s16+$0x0] =	vst.idx.add.f32.msk $0xffff, v1  }
0x405: {  	v2 =	vld [tilespmem:$0x280];
	_ =	sdelay $0x7  }
0x406: {  	[tilespmem:v2+s16+$0x0] =	vst.idx.add.f32.msk $0xffff, v1  }
0x407: {  	v2 =	vld [tilespmem:$0x290];
	_ =	sdelay $0x7  }
0x408: {  	[tilespmem:v2+s16+$0x0] =	vst.idx.add.f32.msk $0xffff, v1  }
0x409: {  	v2 =	vld [tilespmem:$0x2A0];
	_ =	sdelay $0x7  }
0x40a: {  	[tilespmem:v2+s16+$0x0] =	vst.idx.add.f32.msk $0xffff, v1  }
0x40b: {  	v2 =	vld [tilespmem:$0x2B0];
	_ =	sdelay $0x7  }
0x40c: {  	[tilespmem:v2+s16+$0x0] =	vst.idx.add.f32.msk $0xffff, v1  }
0x40d: {  	v2 =	vld [tilespmem:$0x2C0];
	_ =	sdelay $0x7  }
0x40e: {  	[tilespmem:v2+s16+$0x0] =	vst.idx.add.f32.msk $0xffff, v1  }
0x40f: {  	v2 =	vld [tilespmem:$0x2D0];
	_ =	sdelay $0x7  }
0x410: {  	[tilespmem:v2+s16+$0x0] =	vst.idx.add.f32.msk $0xffff, v1  }
0x411: {  	v2 =	vld [tilespmem:$0x2E0];
	_ =	sdelay $0x7  }
0x412: {  	[tilespmem:v2+s16+$0x0] =	vst.idx.add.f32.msk $0xffff, v1  }
0x413: {  	v2 =	vld [tilespmem:$0x2F0];
	_ =	sdelay $0x7  }
0x414: {  	[tilespmem:v2+s16+$0x0] =	vst.idx.add.f32.msk $0xffff, v1  }
0x415: {  	v2 =	vld [tilespmem:$0x300];
	_ =	sdelay $0x7  }
0x416: {  	[tilespmem:v2+s16+$0x0] =	vst.idx.add.f32.msk $0xffff, v1  }
0x417: {  	v2 =	vld [tilespmem:$0x310];
	_ =	sdelay $0x7  }
0x418: {  	[tilespmem:v2+s16+$0x0] =	vst.idx.add.f32.msk $0xffff, v1  }
0x419: {  	v2 =	vld [tilespmem:$0x320];
	_ =	sdelay $0x7  }
0x41a: {  	[tilespmem:v2+s16+$0x0] =	vst.idx.add.f32.msk $0xffff, v1  }
0x41b: {  	v2 =	vld [tilespmem:$0x330];
	_ =	sdelay $0x7  }
0x41c: {  	[tilespmem:v2+s16+$0x0] =	vst.idx.add.f32.msk $0xffff, v1  }
0x41d: {  	v2 =	vld [tilespmem:$0x340];
	_ =	sdelay $0x7  }
0x41e: {  	[tilespmem:v2+s16+$0x0] =	vst.idx.add.f32.msk $0xffff, v1  }
0x41f: {  	v2 =	vld [tilespmem:$0x350];
	_ =	sdelay $0x7  }
0x420: {  	[tilespmem:v2+s16+$0x0] =	vst.idx.add.f32.msk $0xffff, v1  }
0x421: {  	v2 =	vld [tilespmem:$0x360];
	_ =	sdelay $0x7  }
0x422: {  	[tilespmem:v2+s16+$0x0] =	vst.idx.add.f32.msk $0xffff, v1  }
0x423: {  	v2 =	vld [tilespmem:$0x370];
	_ =	sdelay $0x7  }
0x424: {  	[tilespmem:v2+s16+$0x0] =	vst.idx.add.f32.msk $0xffff, v1  }
0x425: {  	v2 =	vld [tilespmem:$0x380];
	_ =	sdelay $0x7  }
0x426: {  	[tilespmem:v2+s16+$0x0] =	vst.idx.add.f32.msk $0xffff, v1  }
0x427: {  	v2 =	vld [tilespmem:$0x390];
	_ =	sdelay $0x7  }
0x428: {  	[tilespmem:v2+s16+$0x0] =	vst.idx.add.f32.msk $0xffff, v1  }
0x429: {  	v2 =	vld [tilespmem:$0x3A0];
	_ =	sdelay $0x7  }
0x42a: {  	[tilespmem:v2+s16+$0x0] =	vst.idx.add.f32.msk $0xffff, v1  }
0x42b: {  	v2 =	vld [tilespmem:$0x3B0];
	_ =	sdelay $0x7  }
0x42c: {  	[tilespmem:v2+s16+$0x0] =	vst.idx.add.f32.msk $0xffff, v1  }
0x42d: {  	v2 =	vld [tilespmem:$0x3C0];
	_ =	sdelay $0x7  }
0x42e: {  	[tilespmem:v2+s16+$0x0] =	vst.idx.add.f32.msk $0xffff, v1  }
0x42f: {  	v2 =	vld [tilespmem:$0x3D0];
	_ =	sdelay $0x7  }
0x430: {  	[tilespmem:v2+s16+$0x0] =	vst.idx.add.f32.msk $0xffff, v1  }
0x431: {  	v2 =	vld [tilespmem:$0x3E0];
	_ =	sdelay $0x7  }
0x432: {  	[tilespmem:v2+s16+$0x0] =	vst.idx.add.f32.msk $0xffff, v1  }
0x433: {  	v2 =	vld [tilespmem:$0x3F0];
	_ =	sdelay $0x7  }
0x434: {  	[tilespmem:v2+s16+$0x0] =	vst.idx.add.f32.msk $0xffff, v1  }
0x435: {  	[tilespmem:s2], [sflag:$0x1] =	stream.linear.gather [hbm4b:s11+s2], $0x400, $0x38;
	[tilespmem:$0x2C00] =	vst v63  }
0x436: {  	_ =	swait.ge [sflag:s15], $0x400  }
0x437: {  	[sflag:s15] =	ssyncset.done $0x0  }
0x438: {  	[sflag:s15] =	ssyncadd.s32 $0xFFFFFC00  }
0x439: {  	v2 =	vld [tilespmem:$0x0];
	_ =	sdelay $0x7  }
0x43a: {  	[tilespmem:v2+s16+$0x0] =	vst.idx.add.f32.msk $0xffff, v1  }
0x43b: {  	v2 =	vld [tilespmem:$0x10];
	_ =	sdelay $0x7  }
0x43c: {  	[tilespmem:v2+s16+$0x0] =	vst.idx.add.f32.msk $0xffff, v1  }
0x43d: {  	v2 =	vld [tilespmem:$0x20];
	_ =	sdelay $0x7  }
0x43e: {  	[tilespmem:v2+s16+$0x0] =	vst.idx.add.f32.msk $0xffff, v1  }
0x43f: {  	v2 =	vld [tilespmem:$0x30];
	_ =	sdelay $0x7  }
0x440: {  	[tilespmem:v2+s16+$0x0] =	vst.idx.add.f32.msk $0xffff, v1  }
0x441: {  	v2 =	vld [tilespmem:$0x40];
	_ =	sdelay $0x7  }
0x442: {  	[tilespmem:v2+s16+$0x0] =	vst.idx.add.f32.msk $0xffff, v1  }
0x443: {  	v2 =	vld [tilespmem:$0x50];
	_ =	sdelay $0x7  }
0x444: {  	[tilespmem:v2+s16+$0x0] =	vst.idx.add.f32.msk $0xffff, v1  }
0x445: {  	v2 =	vld [tilespmem:$0x60];
	_ =	sdelay $0x7  }
0x446: {  	[tilespmem:v2+s16+$0x0] =	vst.idx.add.f32.msk $0xffff, v1  }
0x447: {  	v2 =	vld [tilespmem:$0x70];
	_ =	sdelay $0x7  }
0x448: {  	[tilespmem:v2+s16+$0x0] =	vst.idx.add.f32.msk $0xffff, v1  }
0x449: {  	v2 =	vld [tilespmem:$0x80];
	_ =	sdelay $0x7  }
0x44a: {  	[tilespmem:v2+s16+$0x0] =	vst.idx.add.f32.msk $0xffff, v1  }
0x44b: {  	v2 =	vld [tilespmem:$0x90];
	_ =	sdelay $0x7  }
0x44c: {  	[tilespmem:v2+s16+$0x0] =	vst.idx.add.f32.msk $0xffff, v1  }
0x44d: {  	v2 =	vld [tilespmem:$0xA0];
	_ =	sdelay $0x7  }
0x44e: {  	[tilespmem:v2+s16+$0x0] =	vst.idx.add.f32.msk $0xffff, v1  }
0x44f: {  	v2 =	vld [tilespmem:$0xB0];
	_ =	sdelay $0x7  }
0x450: {  	[tilespmem:v2+s16+$0x0] =	vst.idx.add.f32.msk $0xffff, v1  }
0x451: {  	v2 =	vld [tilespmem:$0xC0];
	_ =	sdelay $0x7  }
0x452: {  	[tilespmem:v2+s16+$0x0] =	vst.idx.add.f32.msk $0xffff, v1  }
0x453: {  	v2 =	vld [tilespmem:$0xD0];
	_ =	sdelay $0x7  }
0x454: {  	[tilespmem:v2+s16+$0x0] =	vst.idx.add.f32.msk $0xffff, v1  }
0x455: {  	v2 =	vld [tilespmem:$0xE0];
	_ =	sdelay $0x7  }
0x456: {  	[tilespmem:v2+s16+$0x0] =	vst.idx.add.f32.msk $0xffff, v1  }
0x457: {  	v2 =	vld [tilespmem:$0xF0];
	_ =	sdelay $0x7  }
0x458: {  	[tilespmem:v2+s16+$0x0] =	vst.idx.add.f32.msk $0xffff, v1  }
0x459: {  	v2 =	vld [tilespmem:$0x100];
	_ =	sdelay $0x7  }
0x45a: {  	[tilespmem:v2+s16+$0x0] =	vst.idx.add.f32.msk $0xffff, v1  }
0x45b: {  	v2 =	vld [tilespmem:$0x110];
	_ =	sdelay $0x7  }
0x45c: {  	[tilespmem:v2+s16+$0x0] =	vst.idx.add.f32.msk $0xffff, v1  }
0x45d: {  	v2 =	vld [tilespmem:$0x120];
	_ =	sdelay $0x7  }
0x45e: {  	[tilespmem:v2+s16+$0x0] =	vst.idx.add.f32.msk $0xffff, v1  }
0x45f: {  	v2 =	vld [tilespmem:$0x130];
	_ =	sdelay $0x7  }
0x460: {  	[tilespmem:v2+s16+$0x0] =	vst.idx.add.f32.msk $0xffff, v1  }
0x461: {  	v2 =	vld [tilespmem:$0x140];
	_ =	sdelay $0x7  }
0x462: {  	[tilespmem:v2+s16+$0x0] =	vst.idx.add.f32.msk $0xffff, v1  }
0x463: {  	v2 =	vld [tilespmem:$0x150];
	_ =	sdelay $0x7  }
0x464: {  	[tilespmem:v2+s16+$0x0] =	vst.idx.add.f32.msk $0xffff, v1  }
0x465: {  	v2 =	vld [tilespmem:$0x160];
	_ =	sdelay $0x7  }
0x466: {  	[tilespmem:v2+s16+$0x0] =	vst.idx.add.f32.msk $0xffff, v1  }
0x467: {  	v2 =	vld [tilespmem:$0x170];
	_ =	sdelay $0x7  }
0x468: {  	[tilespmem:v2+s16+$0x0] =	vst.idx.add.f32.msk $0xffff, v1  }
0x469: {  	v2 =	vld [tilespmem:$0x180];
	_ =	sdelay $0x7  }
0x46a: {  	[tilespmem:v2+s16+$0x0] =	vst.idx.add.f32.msk $0xffff, v1  }
0x46b: {  	v2 =	vld [tilespmem:$0x190];
	_ =	sdelay $0x7  }
0x46c: {  	[tilespmem:v2+s16+$0x0] =	vst.idx.add.f32.msk $0xffff, v1  }
0x46d: {  	v2 =	vld [tilespmem:$0x1A0];
	_ =	sdelay $0x7  }
0x46e: {  	[tilespmem:v2+s16+$0x0] =	vst.idx.add.f32.msk $0xffff, v1  }
0x46f: {  	v2 =	vld [tilespmem:$0x1B0];
	_ =	sdelay $0x7  }
0x470: {  	[tilespmem:v2+s16+$0x0] =	vst.idx.add.f32.msk $0xffff, v1  }
0x471: {  	v2 =	vld [tilespmem:$0x1C0];
	_ =	sdelay $0x7  }
0x472: {  	[tilespmem:v2+s16+$0x0] =	vst.idx.add.f32.msk $0xffff, v1  }
0x473: {  	v2 =	vld [tilespmem:$0x1D0];
	_ =	sdelay $0x7  }
0x474: {  	[tilespmem:v2+s16+$0x0] =	vst.idx.add.f32.msk $0xffff, v1  }
0x475: {  	v2 =	vld [tilespmem:$0x1E0];
	_ =	sdelay $0x7  }
0x476: {  	[tilespmem:v2+s16+$0x0] =	vst.idx.add.f32.msk $0xffff, v1  }
0x477: {  	v2 =	vld [tilespmem:$0x1F0];
	_ =	sdelay $0x7  }
0x478: {  	[tilespmem:v2+s16+$0x0] =	vst.idx.add.f32.msk $0xffff, v1  }
0x479: {  	v2 =	vld [tilespmem:$0x200];
	_ =	sdelay $0x7  }
0x47a: {  	[tilespmem:v2+s16+$0x0] =	vst.idx.add.f32.msk $0xffff, v1  }
0x47b: {  	v2 =	vld [tilespmem:$0x210];
	_ =	sdelay $0x7  }
0x47c: {  	[tilespmem:v2+s16+$0x0] =	vst.idx.add.f32.msk $0xffff, v1  }
0x47d: {  	v2 =	vld [tilespmem:$0x220];
	_ =	sdelay $0x7  }
0x47e: {  	[tilespmem:v2+s16+$0x0] =	vst.idx.add.f32.msk $0xffff, v1  }
0x47f: {  	v2 =	vld [tilespmem:$0x230];
	_ =	sdelay $0x7  }
0x480: {  	[tilespmem:v2+s16+$0x0] =	vst.idx.add.f32.msk $0xffff, v1  }
0x481: {  	v2 =	vld [tilespmem:$0x240];
	_ =	sdelay $0x7  }
0x482: {  	[tilespmem:v2+s16+$0x0] =	vst.idx.add.f32.msk $0xffff, v1  }
0x483: {  	v2 =	vld [tilespmem:$0x250];
	_ =	sdelay $0x7  }
0x484: {  	[tilespmem:v2+s16+$0x0] =	vst.idx.add.f32.msk $0xffff, v1  }
0x485: {  	v2 =	vld [tilespmem:$0x260];
	_ =	sdelay $0x7  }
0x486: {  	[tilespmem:v2+s16+$0x0] =	vst.idx.add.f32.msk $0xffff, v1  }
0x487: {  	v2 =	vld [tilespmem:$0x270];
	_ =	sdelay $0x7  }
0x488: {  	[tilespmem:v2+s16+$0x0] =	vst.idx.add.f32.msk $0xffff, v1  }
0x489: {  	v2 =	vld [tilespmem:$0x280];
	_ =	sdelay $0x7  }
0x48a: {  	[tilespmem:v2+s16+$0x0] =	vst.idx.add.f32.msk $0xffff, v1  }
0x48b: {  	v2 =	vld [tilespmem:$0x290];
	_ =	sdelay $0x7  }
0x48c: {  	[tilespmem:v2+s16+$0x0] =	vst.idx.add.f32.msk $0xffff, v1  }
0x48d: {  	v2 =	vld [tilespmem:$0x2A0];
	_ =	sdelay $0x7  }
0x48e: {  	[tilespmem:v2+s16+$0x0] =	vst.idx.add.f32.msk $0xffff, v1  }
0x48f: {  	v2 =	vld [tilespmem:$0x2B0];
	_ =	sdelay $0x7  }
0x490: {  	[tilespmem:v2+s16+$0x0] =	vst.idx.add.f32.msk $0xffff, v1  }
0x491: {  	v2 =	vld [tilespmem:$0x2C0];
	_ =	sdelay $0x7  }
0x492: {  	[tilespmem:v2+s16+$0x0] =	vst.idx.add.f32.msk $0xffff, v1  }
0x493: {  	v2 =	vld [tilespmem:$0x2D0];
	_ =	sdelay $0x7  }
0x494: {  	[tilespmem:v2+s16+$0x0] =	vst.idx.add.f32.msk $0xffff, v1  }
0x495: {  	v2 =	vld [tilespmem:$0x2E0];
	_ =	sdelay $0x7  }
0x496: {  	[tilespmem:v2+s16+$0x0] =	vst.idx.add.f32.msk $0xffff, v1  }
0x497: {  	v2 =	vld [tilespmem:$0x2F0];
	_ =	sdelay $0x7  }
0x498: {  	[tilespmem:v2+s16+$0x0] =	vst.idx.add.f32.msk $0xffff, v1  }
0x499: {  	v2 =	vld [tilespmem:$0x300];
	_ =	sdelay $0x7  }
0x49a: {  	[tilespmem:v2+s16+$0x0] =	vst.idx.add.f32.msk $0xffff, v1  }
0x49b: {  	v2 =	vld [tilespmem:$0x310];
	_ =	sdelay $0x7  }
0x49c: {  	[tilespmem:v2+s16+$0x0] =	vst.idx.add.f32.msk $0xffff, v1  }
0x49d: {  	v2 =	vld [tilespmem:$0x320];
	_ =	sdelay $0x7  }
0x49e: {  	[tilespmem:v2+s16+$0x0] =	vst.idx.add.f32.msk $0xffff, v1  }
0x49f: {  	v2 =	vld [tilespmem:$0x330];
	_ =	sdelay $0x7  }
0x4a0: {  	[tilespmem:v2+s16+$0x0] =	vst.idx.add.f32.msk $0xffff, v1  }
0x4a1: {  	v2 =	vld [tilespmem:$0x340];
	_ =	sdelay $0x7  }
0x4a2: {  	[tilespmem:v2+s16+$0x0] =	vst.idx.add.f32.msk $0xffff, v1  }
0x4a3: {  	v2 =	vld [tilespmem:$0x350];
	_ =	sdelay $0x7  }
0x4a4: {  	[tilespmem:v2+s16+$0x0] =	vst.idx.add.f32.msk $0xffff, v1  }
0x4a5: {  	v2 =	vld [tilespmem:$0x360];
	_ =	sdelay $0x7  }
0x4a6: {  	[tilespmem:v2+s16+$0x0] =	vst.idx.add.f32.msk $0xffff, v1  }
0x4a7: {  	v2 =	vld [tilespmem:$0x370];
	_ =	sdelay $0x7  }
0x4a8: {  	[tilespmem:v2+s16+$0x0] =	vst.idx.add.f32.msk $0xffff, v1  }
0x4a9: {  	v2 =	vld [tilespmem:$0x380];
	_ =	sdelay $0x7  }
0x4aa: {  	[tilespmem:v2+s16+$0x0] =	vst.idx.add.f32.msk $0xffff, v1  }
0x4ab: {  	v2 =	vld [tilespmem:$0x390];
	_ =	sdelay $0x7  }
0x4ac: {  	[tilespmem:v2+s16+$0x0] =	vst.idx.add.f32.msk $0xffff, v1  }
0x4ad: {  	v2 =	vld [tilespmem:$0x3A0];
	_ =	sdelay $0x7  }
0x4ae: {  	[tilespmem:v2+s16+$0x0] =	vst.idx.add.f32.msk $0xffff, v1  }
0x4af: {  	v2 =	vld [tilespmem:$0x3B0];
	_ =	sdelay $0x7  }
0x4b0: {  	[tilespmem:v2+s16+$0x0] =	vst.idx.add.f32.msk $0xffff, v1  }
0x4b1: {  	v2 =	vld [tilespmem:$0x3C0];
	_ =	sdelay $0x7  }
0x4b2: {  	[tilespmem:v2+s16+$0x0] =	vst.idx.add.f32.msk $0xffff, v1  }
0x4b3: {  	v2 =	vld [tilespmem:$0x3D0];
	_ =	sdelay $0x7  }
0x4b4: {  	[tilespmem:v2+s16+$0x0] =	vst.idx.add.f32.msk $0xffff, v1  }
0x4b5: {  	v2 =	vld [tilespmem:$0x3E0];
	_ =	sdelay $0x7  }
0x4b6: {  	[tilespmem:v2+s16+$0x0] =	vst.idx.add.f32.msk $0xffff, v1  }
0x4b7: {  	v2 =	vld [tilespmem:$0x3F0];
	_ =	sdelay $0x7  }
0x4b8: {  	[tilespmem:v2+s16+$0x0] =	vst.idx.add.f32.msk $0xffff, v1  }
0x4b9: {  	[tilespmem:s2], [sflag:$0x1] =	stream.linear.gather [hbm4b:s12+s2], $0x400, $0x38;
	[tilespmem:$0x2C00] =	vst v63  }
0x4ba: {  	_ =	swait.ge [sflag:s15], $0x400  }
0x4bb: {  	[sflag:s15] =	ssyncset.done $0x0  }
0x4bc: {  	[sflag:s15] =	ssyncadd.s32 $0xFFFFFC00  }
0x4bd: {  	v2 =	vld [tilespmem:$0x0];
	_ =	sdelay $0x7  }
0x4be: {  	[tilespmem:v2+s16+$0x0] =	vst.idx.add.f32.msk $0xffff, v1  }
0x4bf: {  	v2 =	vld [tilespmem:$0x10];
	_ =	sdelay $0x7  }
0x4c0: {  	[tilespmem:v2+s16+$0x0] =	vst.idx.add.f32.msk $0xffff, v1  }
0x4c1: {  	v2 =	vld [tilespmem:$0x20];
	_ =	sdelay $0x7  }
0x4c2: {  	[tilespmem:v2+s16+$0x0] =	vst.idx.add.f32.msk $0xffff, v1  }
0x4c3: {  	v2 =	vld [tilespmem:$0x30];
	_ =	sdelay $0x7  }
0x4c4: {  	[tilespmem:v2+s16+$0x0] =	vst.idx.add.f32.msk $0xffff, v1  }
0x4c5: {  	v2 =	vld [tilespmem:$0x40];
	_ =	sdelay $0x7  }
0x4c6: {  	[tilespmem:v2+s16+$0x0] =	vst.idx.add.f32.msk $0xffff, v1  }
0x4c7: {  	v2 =	vld [tilespmem:$0x50];
	_ =	sdelay $0x7  }
0x4c8: {  	[tilespmem:v2+s16+$0x0] =	vst.idx.add.f32.msk $0xffff, v1  }
0x4c9: {  	v2 =	vld [tilespmem:$0x60];
	_ =	sdelay $0x7  }
0x4ca: {  	[tilespmem:v2+s16+$0x0] =	vst.idx.add.f32.msk $0xffff, v1  }
0x4cb: {  	v2 =	vld [tilespmem:$0x70];
	_ =	sdelay $0x7  }
0x4cc: {  	[tilespmem:v2+s16+$0x0] =	vst.idx.add.f32.msk $0xffff, v1  }
0x4cd: {  	v2 =	vld [tilespmem:$0x80];
	_ =	sdelay $0x7  }
0x4ce: {  	[tilespmem:v2+s16+$0x0] =	vst.idx.add.f32.msk $0xffff, v1  }
0x4cf: {  	v2 =	vld [tilespmem:$0x90];
	_ =	sdelay $0x7  }
0x4d0: {  	[tilespmem:v2+s16+$0x0] =	vst.idx.add.f32.msk $0xffff, v1  }
0x4d1: {  	v2 =	vld [tilespmem:$0xA0];
	_ =	sdelay $0x7  }
0x4d2: {  	[tilespmem:v2+s16+$0x0] =	vst.idx.add.f32.msk $0xffff, v1  }
0x4d3: {  	v2 =	vld [tilespmem:$0xB0];
	_ =	sdelay $0x7  }
0x4d4: {  	[tilespmem:v2+s16+$0x0] =	vst.idx.add.f32.msk $0xffff, v1  }
0x4d5: {  	v2 =	vld [tilespmem:$0xC0];
	_ =	sdelay $0x7  }
0x4d6: {  	[tilespmem:v2+s16+$0x0] =	vst.idx.add.f32.msk $0xffff, v1  }
0x4d7: {  	v2 =	vld [tilespmem:$0xD0];
	_ =	sdelay $0x7  }
0x4d8: {  	[tilespmem:v2+s16+$0x0] =	vst.idx.add.f32.msk $0xffff, v1  }
0x4d9: {  	v2 =	vld [tilespmem:$0xE0];
	_ =	sdelay $0x7  }
0x4da: {  	[tilespmem:v2+s16+$0x0] =	vst.idx.add.f32.msk $0xffff, v1  }
0x4db: {  	v2 =	vld [tilespmem:$0xF0];
	_ =	sdelay $0x7  }
0x4dc: {  	[tilespmem:v2+s16+$0x0] =	vst.idx.add.f32.msk $0xffff, v1  }
0x4dd: {  	v2 =	vld [tilespmem:$0x100];
	_ =	sdelay $0x7  }
0x4de: {  	[tilespmem:v2+s16+$0x0] =	vst.idx.add.f32.msk $0xffff, v1  }
0x4df: {  	v2 =	vld [tilespmem:$0x110];
	_ =	sdelay $0x7  }
0x4e0: {  	[tilespmem:v2+s16+$0x0] =	vst.idx.add.f32.msk $0xffff, v1  }
0x4e1: {  	v2 =	vld [tilespmem:$0x120];
	_ =	sdelay $0x7  }
0x4e2: {  	[tilespmem:v2+s16+$0x0] =	vst.idx.add.f32.msk $0xffff, v1  }
0x4e3: {  	v2 =	vld [tilespmem:$0x130];
	_ =	sdelay $0x7  }
0x4e4: {  	[tilespmem:v2+s16+$0x0] =	vst.idx.add.f32.msk $0xffff, v1  }
0x4e5: {  	v2 =	vld [tilespmem:$0x140];
	_ =	sdelay $0x7  }
0x4e6: {  	[tilespmem:v2+s16+$0x0] =	vst.idx.add.f32.msk $0xffff, v1  }
0x4e7: {  	v2 =	vld [tilespmem:$0x150];
	_ =	sdelay $0x7  }
0x4e8: {  	[tilespmem:v2+s16+$0x0] =	vst.idx.add.f32.msk $0xffff, v1  }
0x4e9: {  	v2 =	vld [tilespmem:$0x160];
	_ =	sdelay $0x7  }
0x4ea: {  	[tilespmem:v2+s16+$0x0] =	vst.idx.add.f32.msk $0xffff, v1  }
0x4eb: {  	v2 =	vld [tilespmem:$0x170];
	_ =	sdelay $0x7  }
0x4ec: {  	[tilespmem:v2+s16+$0x0] =	vst.idx.add.f32.msk $0xffff, v1  }
0x4ed: {  	v2 =	vld [tilespmem:$0x180];
	_ =	sdelay $0x7  }
0x4ee: {  	[tilespmem:v2+s16+$0x0] =	vst.idx.add.f32.msk $0xffff, v1  }
0x4ef: {  	v2 =	vld [tilespmem:$0x190];
	_ =	sdelay $0x7  }
0x4f0: {  	[tilespmem:v2+s16+$0x0] =	vst.idx.add.f32.msk $0xffff, v1  }
0x4f1: {  	v2 =	vld [tilespmem:$0x1A0];
	_ =	sdelay $0x7  }
0x4f2: {  	[tilespmem:v2+s16+$0x0] =	vst.idx.add.f32.msk $0xffff, v1  }
0x4f3: {  	v2 =	vld [tilespmem:$0x1B0];
	_ =	sdelay $0x7  }
0x4f4: {  	[tilespmem:v2+s16+$0x0] =	vst.idx.add.f32.msk $0xffff, v1  }
0x4f5: {  	v2 =	vld [tilespmem:$0x1C0];
	_ =	sdelay $0x7  }
0x4f6: {  	[tilespmem:v2+s16+$0x0] =	vst.idx.add.f32.msk $0xffff, v1  }
0x4f7: {  	v2 =	vld [tilespmem:$0x1D0];
	_ =	sdelay $0x7  }
0x4f8: {  	[tilespmem:v2+s16+$0x0] =	vst.idx.add.f32.msk $0xffff, v1  }
0x4f9: {  	v2 =	vld [tilespmem:$0x1E0];
	_ =	sdelay $0x7  }
0x4fa: {  	[tilespmem:v2+s16+$0x0] =	vst.idx.add.f32.msk $0xffff, v1  }
0x4fb: {  	v2 =	vld [tilespmem:$0x1F0];
	_ =	sdelay $0x7  }
0x4fc: {  	[tilespmem:v2+s16+$0x0] =	vst.idx.add.f32.msk $0xffff, v1  }
0x4fd: {  	v2 =	vld [tilespmem:$0x200];
	_ =	sdelay $0x7  }
0x4fe: {  	[tilespmem:v2+s16+$0x0] =	vst.idx.add.f32.msk $0xffff, v1  }
0x4ff: {  	v2 =	vld [tilespmem:$0x210];
	_ =	sdelay $0x7  }
0x500: {  	[tilespmem:v2+s16+$0x0] =	vst.idx.add.f32.msk $0xffff, v1  }
0x501: {  	v2 =	vld [tilespmem:$0x220];
	_ =	sdelay $0x7  }
0x502: {  	[tilespmem:v2+s16+$0x0] =	vst.idx.add.f32.msk $0xffff, v1  }
0x503: {  	v2 =	vld [tilespmem:$0x230];
	_ =	sdelay $0x7  }
0x504: {  	[tilespmem:v2+s16+$0x0] =	vst.idx.add.f32.msk $0xffff, v1  }
0x505: {  	v2 =	vld [tilespmem:$0x240];
	_ =	sdelay $0x7  }
0x506: {  	[tilespmem:v2+s16+$0x0] =	vst.idx.add.f32.msk $0xffff, v1  }
0x507: {  	v2 =	vld [tilespmem:$0x250];
	_ =	sdelay $0x7  }
0x508: {  	[tilespmem:v2+s16+$0x0] =	vst.idx.add.f32.msk $0xffff, v1  }
0x509: {  	v2 =	vld [tilespmem:$0x260];
	_ =	sdelay $0x7  }
0x50a: {  	[tilespmem:v2+s16+$0x0] =	vst.idx.add.f32.msk $0xffff, v1  }
0x50b: {  	v2 =	vld [tilespmem:$0x270];
	_ =	sdelay $0x7  }
0x50c: {  	[tilespmem:v2+s16+$0x0] =	vst.idx.add.f32.msk $0xffff, v1  }
0x50d: {  	v2 =	vld [tilespmem:$0x280];
	_ =	sdelay $0x7  }
0x50e: {  	[tilespmem:v2+s16+$0x0] =	vst.idx.add.f32.msk $0xffff, v1  }
0x50f: {  	v2 =	vld [tilespmem:$0x290];
	_ =	sdelay $0x7  }
0x510: {  	[tilespmem:v2+s16+$0x0] =	vst.idx.add.f32.msk $0xffff, v1  }
0x511: {  	v2 =	vld [tilespmem:$0x2A0];
	_ =	sdelay $0x7  }
0x512: {  	[tilespmem:v2+s16+$0x0] =	vst.idx.add.f32.msk $0xffff, v1  }
0x513: {  	v2 =	vld [tilespmem:$0x2B0];
	_ =	sdelay $0x7  }
0x514: {  	[tilespmem:v2+s16+$0x0] =	vst.idx.add.f32.msk $0xffff, v1  }
0x515: {  	v2 =	vld [tilespmem:$0x2C0];
	_ =	sdelay $0x7  }
0x516: {  	[tilespmem:v2+s16+$0x0] =	vst.idx.add.f32.msk $0xffff, v1  }
0x517: {  	v2 =	vld [tilespmem:$0x2D0];
	_ =	sdelay $0x7  }
0x518: {  	[tilespmem:v2+s16+$0x0] =	vst.idx.add.f32.msk $0xffff, v1  }
0x519: {  	v2 =	vld [tilespmem:$0x2E0];
	_ =	sdelay $0x7  }
0x51a: {  	[tilespmem:v2+s16+$0x0] =	vst.idx.add.f32.msk $0xffff, v1  }
0x51b: {  	v2 =	vld [tilespmem:$0x2F0];
	_ =	sdelay $0x7  }
0x51c: {  	[tilespmem:v2+s16+$0x0] =	vst.idx.add.f32.msk $0xffff, v1  }
0x51d: {  	v2 =	vld [tilespmem:$0x300];
	_ =	sdelay $0x7  }
0x51e: {  	[tilespmem:v2+s16+$0x0] =	vst.idx.add.f32.msk $0xffff, v1  }
0x51f: {  	v2 =	vld [tilespmem:$0x310];
	_ =	sdelay $0x7  }
0x520: {  	[tilespmem:v2+s16+$0x0] =	vst.idx.add.f32.msk $0xffff, v1  }
0x521: {  	v2 =	vld [tilespmem:$0x320];
	_ =	sdelay $0x7  }
0x522: {  	[tilespmem:v2+s16+$0x0] =	vst.idx.add.f32.msk $0xffff, v1  }
0x523: {  	v2 =	vld [tilespmem:$0x330];
	_ =	sdelay $0x7  }
0x524: {  	[tilespmem:v2+s16+$0x0] =	vst.idx.add.f32.msk $0xffff, v1  }
0x525: {  	v2 =	vld [tilespmem:$0x340];
	_ =	sdelay $0x7  }
0x526: {  	[tilespmem:v2+s16+$0x0] =	vst.idx.add.f32.msk $0xffff, v1  }
0x527: {  	v2 =	vld [tilespmem:$0x350];
	_ =	sdelay $0x7  }
0x528: {  	[tilespmem:v2+s16+$0x0] =	vst.idx.add.f32.msk $0xffff, v1  }
0x529: {  	v2 =	vld [tilespmem:$0x360];
	_ =	sdelay $0x7  }
0x52a: {  	[tilespmem:v2+s16+$0x0] =	vst.idx.add.f32.msk $0xffff, v1  }
0x52b: {  	v2 =	vld [tilespmem:$0x370];
	_ =	sdelay $0x7  }
0x52c: {  	[tilespmem:v2+s16+$0x0] =	vst.idx.add.f32.msk $0xffff, v1  }
0x52d: {  	v2 =	vld [tilespmem:$0x380];
	_ =	sdelay $0x7  }
0x52e: {  	[tilespmem:v2+s16+$0x0] =	vst.idx.add.f32.msk $0xffff, v1  }
0x52f: {  	v2 =	vld [tilespmem:$0x390];
	_ =	sdelay $0x7  }
0x530: {  	[tilespmem:v2+s16+$0x0] =	vst.idx.add.f32.msk $0xffff, v1  }
0x531: {  	v2 =	vld [tilespmem:$0x3A0];
	_ =	sdelay $0x7  }
0x532: {  	[tilespmem:v2+s16+$0x0] =	vst.idx.add.f32.msk $0xffff, v1  }
0x533: {  	v2 =	vld [tilespmem:$0x3B0];
	_ =	sdelay $0x7  }
0x534: {  	[tilespmem:v2+s16+$0x0] =	vst.idx.add.f32.msk $0xffff, v1  }
0x535: {  	v2 =	vld [tilespmem:$0x3C0];
	_ =	sdelay $0x7  }
0x536: {  	[tilespmem:v2+s16+$0x0] =	vst.idx.add.f32.msk $0xffff, v1  }
0x537: {  	v2 =	vld [tilespmem:$0x3D0];
	_ =	sdelay $0x7  }
0x538: {  	[tilespmem:v2+s16+$0x0] =	vst.idx.add.f32.msk $0xffff, v1  }
0x539: {  	v2 =	vld [tilespmem:$0x3E0];
	_ =	sdelay $0x7  }
0x53a: {  	[tilespmem:v2+s16+$0x0] =	vst.idx.add.f32.msk $0xffff, v1  }
0x53b: {  	v2 =	vld [tilespmem:$0x3F0];
	_ =	sdelay $0x5  }
0x53c: {  	s18 =	sadd.s32 $0x1, s18  }
0x53d: {  	p0 =	sne.s32 s18, s14  }
.Ltmp1:
0x53e: {  	[tilespmem:v2+s16+$0x0] =	vst.idx.add.f32.msk $0xffff, v1;
	(pc) =	sbr.rel @p0 .LBB2_1-.Ltmp1, $4  }
0x53f: {  	[hbm4b:s13+s17] =	stream.strided.scatter [tilespmem:s16], [sflag:$0x1], $0x2800, s16, s17, $0x38;
	[tilespmem:$0x2C00] =	vst v63  }
0x540: {  	_ =	swait.ge [sflag:s15], $0x2800  }
0x541: {  	[sflag:s15] =	ssyncset.done $0x0  }
0x542: {  	[sflag:s15] =	ssyncadd.s32 $0xFFFFD800  }
0x543: {  	_ =	sfence.sel $0x180000  }
0x544: {  	[bflag:$0x0] =	sbarrier.arrive $0xFFFF  }
0x545: {  	p0 =	sne.s32 s0, $0x0;
	_ =	strace $0x90000047  }
0x546: {  	s0 =	sadd.s32 @!p0 $0x100000, s1;
	[bflag:$0x2] =	sbarrier.arrive $0xFFFF  }
0x547: {  	[sflag:s0] =	ssyncadd.tile.s32 @!p0 $0x1;
	_ =	shalt  }
.Lfunc_end2:
_tile_overlayer_lowered:
.L_overlay_start_2:
0x548: {  	(tag) =	ssettag $0x2  }
0x549: {  	s0 =	rddreg [dreg:$0x0];
	s2 =	stileid.u32  }
0x54a: {  	s1 =	rddreg [dreg:$0x1];
	p0 =	sne.s32 s2, $0x0  }
0x54b: {  	s3 =	rddreg [dreg:$0x2];
	[bflag:$0x3] =	sbarrier.arrive $0xFFFF;
	s2 =	simm.s32 @!p0 $0x1C01  }
0x54c: {  	[timem:s3], [sflag:s2] =	dma.local @!p0 [hbm:s0], s1  }
0x54d: {  	s0 =	simm.s32 @!p0 $0x1  }
0x54e: {  	_ =	swait.ge @!p0 [sflag:s0], s1  }
0x54f: {  	s1 =	ssub.s32 @!p0 $0x0, s1;
	[sflag:s0] =	ssyncset.done @!p0 $0x0  }
0x550: {  	[sflag:s0] =	ssyncadd.s32 @!p0 s1  }
0x551: {  	[bflag:$0x3] =	sbarrier.arrive $0xFFFF  }
0x552: {  	_ =	shalt  }

// kernel: kernel.13.cloned.1.call-start
scs
__scs_entry_jumppad:
0x0: {  	(pc) =	sbr.rel $0x88, $3  }
0x1: {  	(tag) =	ssettag $0x0;
	lr =	simm.s32 $0x1  }
0x2: {  	[smem:$0x3F99] =	sst lr;
	_ =	strace $0xD0000000  }
0x3: {  	_ = 	snop  }
0x4: {  	_ = 	snop  }
0x5: {  	_ = 	snop  }
0x6: {  	_ = 	snop  }
0x7: {  	_ = 	snop  }
__scs_overlays_trampoline_lowered:
0x8: {  	[smem:$0x3FA8] =	sst s0  }
0x9: {  	[smem:$0x3FA9] =	sst s1  }
0xa: {  	[smem:$0x3FAA] =	sst s2  }
0xb: {  	[smem:$0x3FAB] =	sst s3  }
0xc: {  	[smem:$0x3FAC] =	sst s4  }
0xd: {  	[smem:$0x3FAD] =	sst s5  }
0xe: {  	[smem:$0x3FAE] =	sst s6  }
0xf: {  	[smem:$0x3FAF] =	sst s7  }
0x10: {  	[smem:$0x3FB0] =	sst s8  }
0x11: {  	[smem:$0x3FB1] =	sst s9;
	s0 =	simm.s32 @!p0 $0x0  }
0x12: {  	s1 =	sld [smem:$0x3F97];
	s0 =	simm.s32 @p0 $0x1  }
0x13: {  	[smem:$0x3FB2] =	sst s0;
	s0 =	simm.s32 @!p1 $0x0  }
0x14: {  	s2 =	sld [smem:$0x3F96];
	s0 =	simm.s32 @p1 $0x1  }
0x15: {  	[smem:$0x3FB3] =	sst s0;
	s0 =	simm.s32 @!p2 $0x0  }
0x16: {  	s3 =	sld [smem:$0x3FDB];
	s0 =	simm.s32 @p2 $0x1  }
0x17: {  	s4 =	simm.s32 $0x1BF5;
	[smem:$0x3FB5] =	sst s0  }
0x18: {  	s0 =	sld [smem:$0x3F98];
	_ =	swait.ge [sflag:s4], $0x0  }
0x19: {  	s7 =	sld [smem:$0x3F99]  }
0x1a: {  	s8 =	sadd.s32 $0xFFFFE003, lr  }
0x1b: {  	s9 =	sadd.s32 $0xFFFFFEF7, lr;
	s5 =	simm.s32 $0xFFFFFFFF;
	p2 =	slt.u32 s8, $0xFFFFF086  }
0x1c: {  	p1 =	slt.u32 s9, $0xF7A;
	s5 =	simm.s32 @!p2 $0x0  }
0x1d: {  	s5 =	simm.s32 @p1 $0x1;
	p0 =	seq.s32 s7, s2  }
0x1e: {  	s7 =	smul.u32 @!p0 $0xF7A, s2;
	p2 =	seq.s32 @!p0 s5, $0x0  }
0x1f: {  	s9 =	smul.u32 $0xF7A, s1;
	s8 =	simm.s32 @!p0 $0x1BF5;
	p2 =	por !p2, p0  }
0x20: {  	[sflag:s8] =	ssyncset.s32 @!p0 $0xFFFFF086;
	s6 =	sadd.s32 @!p0 s3, s7;
	s7 =	simm.s32 @!p0 $0x108  }
0x21: {  	s3 =	sadd.s32 s3, s9;
	s6 =	sadd.s32 @!p0 $0x88, s6;
	s7 =	simm.s32 @p2 $0x1082  }
0x22: {  	[simem:s7], [sflag:s8] =	dma.local @!p0 [hbm:s6], $0xF7A  }
0x23: {  	s9 =	sor.u32 $0xD0000000, s2;
	s6 =	simm.s32 $0x108;
	_ =	swait.ge @!p0 [sflag:s8], $0x0  }
0x24: {  	s3 =	sadd.s32 $0x88, s3;
	s6 =	simm.s32 @!p1 $0x1082;
	[sflag:s4] =	ssyncset.s32 $0xFFFFF086  }
0x25: {  	[simem:s6], [sflag:s4] =	dma.local [hbm:s3], $0xF7A  }
0x26: {  	[smem:$0x3F99] =	sst s1;
	(tag) =	ssettag s2;
	_ =	strace s9  }
0x27: {  	s1 =	sld [smem:$0x3FA9]  }
0x28: {  	s2 =	sld [smem:$0x3FAA]  }
0x29: {  	s4 =	sld [smem:$0x3FAC]  }
0x2a: {  	p0 =	seq.s32 s5, $0x0;
	s5 =	sld [smem:$0x3FAD]  }
0x2b: {  	s6 =	sld [smem:$0x3FAE]  }
0x2c: {  	s7 =	sld [smem:$0x3FAF]  }
0x2d: {  	s3 =	simm.s32 $0x108;
	s8 =	sld [smem:$0x3FB0]  }
0x2e: {  	s3 =	simm.s32 @!p0 $0x1082;
	s9 =	sld [smem:$0x3FB1]  }
0x2f: {  	lr =	sadd.s32 s0, s3;
	s0 =	sld [smem:$0x3FA8]  }
0x30: {  	s3 =	sld [smem:$0x3FAB]  }
0x31: {  	[smem:$0x3FB4] =	sst s10  }
0x32: {  	s10 =	sld [smem:$0x3FB2];
	_ =	sdelay $0x3  }
0x33: {  	p0 =	seq.s32 s10, $0x1;
	s10 =	sld [smem:$0x3FB4];
	_ =	sdelay $0x3  }
0x34: {  	[smem:$0x3FB4] =	sst s10  }
0x35: {  	s10 =	sld [smem:$0x3FB3];
	_ =	sdelay $0x3  }
0x36: {  	p1 =	seq.s32 s10, $0x1;
	s10 =	sld [smem:$0x3FB4];
	_ =	sdelay $0x3  }
0x37: {  	[smem:$0x3FB4] =	sst s10  }
0x38: {  	s10 =	sld [smem:$0x3FB5]  }
0x39: {  	_ = 	snop;
	(pc) =	sbr.ind lr, $3  }
0x3a: {  	_ = 	snop  }
0x3b: {  	_ = 	snop  }
0x3c: {  	p2 =	seq.s32 s10, $0x1;
	s10 =	sld [smem:$0x3FB4]  }
0x3d: {  	_ =	shalt  }
0x3e: {  	_ =	shalt  }
0x3f: {  	_ =	shalt  }
0x40: {  	_ =	shalt  }
0x41: {  	_ =	shalt  }
0x42: {  	_ =	shalt  }
0x43: {  	_ =	shalt  }
0x44: {  	_ =	shalt  }
0x45: {  	_ =	shalt  }
0x46: {  	_ =	shalt  }
0x47: {  	_ =	shalt  }
0x48: {  	_ =	shalt  }
0x49: {  	_ =	shalt  }
0x4a: {  	_ =	shalt  }
0x4b: {  	_ =	shalt  }
0x4c: {  	_ =	shalt  }
0x4d: {  	_ =	shalt  }
0x4e: {  	_ =	shalt  }
0x4f: {  	_ =	shalt  }
0x50: {  	_ =	shalt  }
0x51: {  	_ =	shalt  }
0x52: {  	_ =	shalt  }
0x53: {  	_ =	shalt  }
0x54: {  	_ =	shalt  }
0x55: {  	_ =	shalt  }
0x56: {  	_ =	shalt  }
0x57: {  	_ =	shalt  }
0x58: {  	_ =	shalt  }
0x59: {  	_ =	shalt  }
0x5a: {  	_ =	shalt  }
0x5b: {  	_ =	shalt  }
0x5c: {  	_ =	shalt  }
0x5d: {  	_ =	shalt  }
0x5e: {  	_ =	shalt  }
0x5f: {  	_ =	shalt  }
0x60: {  	_ =	shalt  }
0x61: {  	_ =	shalt  }
0x62: {  	_ =	shalt  }
0x63: {  	_ =	shalt  }
0x64: {  	_ =	shalt  }
0x65: {  	_ =	shalt  }
0x66: {  	_ =	shalt  }
0x67: {  	_ =	shalt  }
0x68: {  	_ =	shalt  }
0x69: {  	_ =	shalt  }
0x6a: {  	_ =	shalt  }
0x6b: {  	_ =	shalt  }
0x6c: {  	_ =	shalt  }
0x6d: {  	_ =	shalt  }
0x6e: {  	_ =	shalt  }
0x6f: {  	_ =	shalt  }
0x70: {  	_ =	shalt  }
0x71: {  	_ =	shalt  }
0x72: {  	_ =	shalt  }
0x73: {  	_ =	shalt  }
0x74: {  	_ =	shalt  }
0x75: {  	_ =	shalt  }
0x76: {  	_ =	shalt  }
0x77: {  	_ =	shalt  }
0x78: {  	_ =	shalt  }
0x79: {  	_ =	shalt  }
0x7a: {  	_ =	shalt  }
0x7b: {  	_ =	shalt  }
0x7c: {  	_ =	shalt  }
0x7d: {  	_ =	shalt  }
0x7e: {  	_ =	shalt  }
0x7f: {  	_ =	shalt  }
0x80: {  	_ =	shalt  }
0x81: {  	_ =	shalt  }
0x82: {  	_ =	shalt  }
0x83: {  	_ =	shalt  }
0x84: {  	_ =	shalt  }
0x85: {  	_ =	shalt  }
0x86: {  	_ =	shalt  }
0x87: {  	_ =	shalt  }
.Lfunc_end0:
.L_simem_size_0:
called_computation.1_lowered:
.L_overlay_start_0:
0x88: {  	s2 =	sld [smem:$0x3FD9]  }
0x89: {  	s3 =	sld [smem:$0x3FFE];
	_ =	sdelay $0x1  }
0x8a: {  	s1 =	srdreg.scid  }
0x8b: {  	s0 =	sand.u32 $0x1, s1  }
0x8c: {  	s17 =	sshll.u32 s0, $0xA;
	s2 =	sadd.s32 s3, s2  }
0x8d: {  	s2 =	sadd.s32 s2, s17  }
0x8e: {  	[smem:$0x3FC0] =	sst s2  }
0x8f: {  	_ = 	snop  }
0x90: {  	s2 =	sld [smem:$0x3FD0];
	(tm) =	ssettm $0x1  }
0x91: {  	s18 =	sld [smem:$0x3FFB];
	_ =	sdelay $0x3  }
0x92: {  	_ =	strace s18  }
0x93: {  	s3 =	sld [smem:$0x3FFC];
	_ =	sdelay $0x3  }
0x94: {  	_ =	strace s3  }
0x95: {  	s3 =	sld [smem:$0x3FFD];
	_ =	sdelay $0x3  }
0x96: {  	_ =	strace s3  }
0x97: {  	_ =	strace $0x8FFFFFFF  }
0x98: {  	s19 =	sld [smem:$0x3FDB];
	_ =	sdelay $0x1  }
0x99: {  	s4 =	simm.s32 $_scs_section_size  }
0x9a: {  	s5 =	simm.s32 $_size__tile_overlayer_lowered;
	s6 =	simm.s32 $_tile_overlayer_lowered  }
0x9b: {  	s22 =	simm.s32 $0x1BFF;
	s21 =	sshll.u32 s6, $0x1;
	s3 =	sadd.s32 s4, s19  }
0x9c: {  	s7 =	simm.s32 $0x0;
	s20 =	sshll.u32 s5, $0x1;
	s5 =	sadd.s32 s21, s3  }
0x9d: {  	[timem:s7], [sflag:s22] =	dma.local [hbm:s5], s20  }
0x9e: {  	_ =	swait.ge [sflag:s22], s20  }
0x9f: {  	s4 =	ssub.s32 $0x0, s20;
	[sflag:s22] =	ssyncset.done $0x0  }
0xa0: {  	[sflag:s22] =	ssyncadd.s32 s4;
	_ =	sdelay $0x1  }
0xa1: {  	s23 =	simm.s32 $0x1B8B  }
0xa2: {  	_ =	swait.ge [sflag:s23], $0x1  }
0xa3: {  	[sflag:s23] =	ssyncset.done $0x0  }
0xa4: {  	s25 =	simm.s32 $0x1B8E;
	s24 =	sld [smem:$0x3FFE];
	[sflag:s23] =	ssyncadd.s32 $0xFFFFFFFF  }
0xa5: {  	s26 =	simm.s32 $execute0_lowered;
	[smem:$0x3FD2] =	sst s25  }
0xa6: {  	s5 =	sshll.u32 s26, $0x1;
	_ =	strace $0x80000049;
	[dreg:$0x1] =	wrdreg $0xFFFFFFFF  }
0xa7: {  	s28 =	simm.s32 $_size_execute0_lowered;
	s3 =	sadd.s32 s3, s5;
	[dreg:$0x0] =	wrdreg $0x0  }
0xa8: {  	s5 =	sshll.u32 s28, $0x1;
	[dreg:$0x2] =	wrdreg s3  }
0xa9: {  	[dreg:$0x3] =	wrdreg s5  }
0xaa: {  	[dreg:$0x4] =	wrdreg $0xC0  }
0xab: {  	_ =	task [dreg:s7], $0x5FFFF  }
0xac: {  	[dreg:$0x1] =	wrdreg $0xFFFFFFFF  }
0xad: {  	[dreg:$0x0] =	wrdreg $0x60  }
0xae: {  	[dreg:$0x2] =	wrdreg s2  }
0xaf: {  	[dreg:$0x3] =	wrdreg s24  }
0xb0: {  	[dreg:$0x4] =	wrdreg $0x84000  }
0xb1: {  	[dreg:$0x5] =	wrdreg $0x9  }
0xb2: {  	_ =	task.clear_ibuf [dreg:s7], $0x6FFFF;
	_ =	strace $0x90000049  }
0xb3: {  	s29 =	simm.s32 $0x9;
	_ =	strace $0x8000004B  }
0xb4: {  	_ =	swait.ge [sflag:s29], $0x1  }
0xb5: {  	[sflag:s29] =	ssyncadd.s32 $0xFFFFFFFF  }
0xb6: {  	_ =	strace $0x9000004B  }
0xb7: {  	_ =	sfence  }
0xb8: {  	s30 =	sld [smem:$0x0];
	_ =	sdelay $0x2  }
0xb9: {  	s31 =	sshll.u32 s1, $0xD;
	s1 =	sshrl.u32 s1, $0x2  }
0xba: {  	s3 =	sand.u32 $0x4000, s31;
	s1 =	sadd.s32 s1, s30  }
0xbb: {  	s0 =	sor.u32 s3, s0;
	s1 =	sshll.u32 s1, $0x11  }
0xbc: {  	s0 =	sor.u32 s1, s0  }
0xbd: {  	s0 =	sadd.s32 $0x8F2B, s0  }
0xbe: {  	[sflag:s0] =	ssyncadd.remote.s32 $0x1  }
0xbf: {  	_ =	sfence.sel $0xFFFF  }
0xc0: {  	[dreg:$0x0] =	wrdreg $0xFFFFFFFF;
	(pc) =	sbr.abs _section_cstart, $3  }
0xc1: {  	[dreg:$0x1] =	wrdreg $0xFFFFFFFF  }
0xc2: {  	_ =	task.clear_ibuf [dreg:s7], $0x2FFFF;
	_ =	strace $0x9FFFFFFF  }
0xc3: {  	(tm) =	ssettm $0x7FFFFFFF  }
tec
execute0_lowered:
.L_overlay_start_1:
0x0: {  	(tag) =	ssettag $0x1  }
0x1: {  	s1 =	rddreg [dreg:$0x0]  }
0x2: {  	s0 =	rddreg [dreg:$0x1]  }
0x3: {  	s2 =	rddreg [dreg:$0x2]  }
0x4: {  	s3 =	srdreg.scid;
	s10 =	stileid.u32  }
0x5: {  	s4 =	simm.s32 $0x0;
	s21 =	simm.s32 $0x4400;
	s7 =	smul.u32 $0x14000, s10  }
0x6: {  	s22 =	simm.s32 $0x5;
	s23 =	simm.s32 $0x80;
	s9 =	smul.u32 $0x2800, s10  }
0x7: {  	s28 =	simm.s32 $0x3;
	s3 =	sand.u32 $0x1, s3;
	s10 =	smul.u32 $0x50000, s10  }
0x8: {  	s29 =	simm.s32 $0x4;
	s31 =	simm.s32 $0x1;
	s6 =	smul.u32 $0x140000, s3  }
0x9: {  	[smem:$0x7FF] =	sst s4;
	s8 =	smul.u32 $0x28000, s3;
	s3 =	ssub.s32 $0x2, s3  }
0xa: {  	s5 =	sadd.s32 $0xCA00, s0;
	_ =	strace $0x8000004A;
	s24 =	sshrl.u32 s3, $0x1  }
0xb: {  	s25 =	sshrl.u32 s10, $0x2;
	s7 =	sadd.s32 s7, s6;
	s3 =	ssub.s32 s3, s24  }
0xc: {  	s6 =	sadd.s32 $0x2A00, s0;
	s7 =	sshrl.u32 s7, $0x3;
	s16 =	smax.u32 s3, $0x1  }
0xd: {  	s0 =	sadd.s32 s7, s0;
	s7 =	sadd.s32 s9, s8;
	s8 =	sadd.s32 s25, s2  }
0xe: {  	s11 =	sshrl.u32 s7, $0x3;
	s15 =	sadd.s32 $0x16A00, s0;
	s17 =	sadd.s32 $0x4000, s8  }
.Ltmp0:
0xf: {  	s18 =	sadd.s32 $0x8000, s8;
	s19 =	sadd.s32 $0xC000, s8;
	(pc) =	sbr.rel .LBB2_1-.Ltmp0, $4  }
0x10: {  	s20 =	sadd.s32 $0x10000, s8;
	s0 =	simm.s32 $0x2;
	s26 =	sadd.s32 s5, s11  }
0x11: {  	s30 =	sadd.s32 s6, s11;
	s12 =	sor.u32 $0x10, s11;
	[dreg:$0x4] =	wrdreg s26  }
0x12: {  	s14 =	sor.u32 $0x20, s11;
	[dreg:$0x5] =	wrdreg s30;
	s11 =	sadd.s32 s5, s12  }
0x13: {  	v0 =	vimm.f32 $0.0e+00;
	s12 =	sadd.s32 s6, s12;
	s13 =	sadd.s32 s5, s14;
	s14 =	sadd.s32 s6, s14  }
.LBB2_6:
0x14: {  	_ =	swait.ge [sflag:s0], $0x4000;
	s3 =	stileid.u32  }
0x15: {  	s9 =	sshrl.u32 s8, $0x3;
	s4 =	sadd.s32 $0x1, s4;
	[sflag:s0] =	ssyncset.done $0x0  }
0x16: {  	s3 =	sshll.u32 s3, $0x6;
	p0 =	sne.s32 s4, s16;
	[sflag:s0] =	ssyncadd.s32 $0xFFFFC000  }
.Ltmp1:
0x17: {  	s3 =	sor.u32 $0x1C05, s3;
	[bflag:$0x0] =	sbarrier.arrive $0xFFFF;
	(pc) =	sbr.rel @!p0 .LBB2_7-.Ltmp1, $4  }
0x18: {  	[hbm:s15], [sflag:s3] =	dma.local [spmem:s9], $0x2800  }
0x19: {  	_ =	swait.ge [sflag:s22], $0x2800  }
0x1a: {  	[sflag:s22] =	ssyncset.done $0x0  }
0x1b: {  	[sflag:s22] =	ssyncadd.s32 $0xFFFFD800  }
.LBB2_1:
0x1c: {  	s3 =	simm.s32 $0x0;
	s24 =	simm.s32 $0x200  }
.LBB2_2:
0x1d: {  	p0 =	sne.s32 s24, $0xFE00;
	[tilespmem:s3+$0x4470] =	vst v0  }
0x1e: {  	[tilespmem:s3+$0x4400] =	vst v0  }
0x1f: {  	[tilespmem:s3+$0x4410] =	vst v0  }
.Ltmp2:
0x20: {  	[tilespmem:s3+$0x4420] =	vst v0;
	(pc) =	sbr.rel @p0 .LBB2_2-.Ltmp2, $4  }
0x21: {  	[tilespmem:s3+$0x4430] =	vst v0  }
0x22: {  	[tilespmem:s3+$0x4440] =	vst v0  }
0x23: {  	[tilespmem:s3+$0x4450] =	vst v0  }
0x24: {  	[tilespmem:s3+$0x4460] =	vst v0;
	s3 =	sshra.s32 s24, $0x2;
	s24 =	sadd.s32 $0x200, s24  }
0x25: {  	[tilespmem:s3+$0x4470] =	vst v0  }
0x26: {  	[tilespmem:s3+$0x4400] =	vst v0  }
0x27: {  	[tilespmem:s3+$0x4410] =	vst v0  }
0x28: {  	[tilespmem:s3+$0x4420] =	vst v0  }
0x29: {  	[tilespmem:s3+$0x4430] =	vst v0  }
0x2a: {  	[tilespmem:s3+$0x4440] =	vst v0  }
0x2b: {  	[tilespmem:s3+$0x4450] =	vst v0  }
0x2c: {  	[tilespmem:s3+$0x4460] =	vst v0  }
0x2d: {  	[spmem:s8] =	stream.linear.scatter [tilespmem:s21], [sflag:$0x5], $0x4000, $0x38;
	[tilespmem:$0x1C400] =	vst v63  }
0x2e: {  	_ =	swait.ge [sflag:s22], $0x4000  }
0x2f: {  	[sflag:s22] =	ssyncset.done $0x0  }
0x30: {  	[sflag:s22] =	ssyncadd.s32 $0xFFFFC000  }
0x31: {  	[spmem:s17] =	stream.linear.scatter [tilespmem:s21], [sflag:$0x5], $0x4000, $0x38;
	[tilespmem:$0x1C400] =	vst v63  }
0x32: {  	_ =	swait.ge [sflag:s22], $0x4000  }
0x33: {  	[sflag:s22] =	ssyncset.done $0x0  }
0x34: {  	[sflag:s22] =	ssyncadd.s32 $0xFFFFC000  }
0x35: {  	[spmem:s18] =	stream.linear.scatter [tilespmem:s21], [sflag:$0x5], $0x4000, $0x38;
	[tilespmem:$0x1C400] =	vst v63  }
0x36: {  	_ =	swait.ge [sflag:s22], $0x4000  }
0x37: {  	[sflag:s22] =	ssyncset.done $0x0  }
0x38: {  	[sflag:s22] =	ssyncadd.s32 $0xFFFFC000  }
0x39: {  	[spmem:s19] =	stream.linear.scatter [tilespmem:s21], [sflag:$0x5], $0x4000, $0x38;
	[tilespmem:$0x1C400] =	vst v63  }
0x3a: {  	_ =	swait.ge [sflag:s22], $0x4000  }
0x3b: {  	[sflag:s22] =	ssyncset.done $0x0  }
0x3c: {  	[sflag:s22] =	ssyncadd.s32 $0xFFFFC000  }
0x3d: {  	[spmem:s20] =	stream.linear.scatter [tilespmem:s21], [sflag:$0x5], $0x4000, $0x38;
	[tilespmem:$0x1C400] =	vst v63  }
0x3e: {  	_ =	swait.ge [sflag:s22], $0x4000  }
0x3f: {  	[sflag:s22] =	ssyncset.done $0x0  }
0x40: {  	[sflag:s22] =	ssyncadd.s32 $0xFFFFC000  }
0x41: {  	[bflag:$0x0] =	sbarrier.arrive $0xFFFF  }
0x42: {  	s3 =	simm.s32 $0x0;
	s9 =	rddreg [dreg:$0x4]  }
0x43: {  	[tilespmem:s3], [sflag:$0x3] =	stream.linear.gather [hbm4b:s9+s3], $0x80, $0x38;
	[tilespmem:$0x1C400] =	vst v63  }
0x44: {  	s24 =	simm.s32 $0x200;
	s30 =	rddreg [dreg:$0x5]  }
0x45: {  	[tilespmem:s24], [sflag:$0x4] =	stream.linear.gather [hbm4b:s30+s3], $0x80, $0x38;
	[tilespmem:$0x1C400] =	vst v63  }
0x46: {  	_ = 	snop  }
0x47: {  	[tilespmem:s23], [sflag:$0x3] =	stream.linear.gather [hbm4b:s11+s3], $0x80, $0x38;
	[tilespmem:$0x1C400] =	vst v63  }
0x48: {  	s10 =	simm.s32 $0x280  }
0x49: {  	[tilespmem:s10], [sflag:$0x4] =	stream.linear.gather [hbm4b:s12+s3], $0x80, $0x38;
	[tilespmem:$0x1C400] =	vst v63  }
0x4a: {  	s25 =	simm.s32 $0x100  }
0x4b: {  	[tilespmem:s25], [sflag:$0x3] =	stream.linear.gather [hbm4b:s13+s3], $0x80, $0x38;
	[tilespmem:$0x1C400] =	vst v63  }
0x4c: {  	s26 =	simm.s32 $0x300  }
0x4d: {  	[tilespmem:s26], [sflag:$0x4] =	stream.linear.gather [hbm4b:s14+s3], $0x80, $0x38;
	[tilespmem:$0x1C400] =	vst v63  }
0x4e: {  	_ =	swait.ge [sflag:s28], $0x80  }
0x4f: {  	[sflag:s28] =	ssyncset.done $0x0  }
0x50: {  	[sflag:s28] =	ssyncadd.s32 $0xFFFFFF80  }
0x51: {  	_ =	swait.ge [sflag:s29], $0x80  }
0x52: {  	[sflag:s29] =	ssyncset.done $0x0  }
0x53: {  	s30 =	simm.s32 $0x400;
	s25 =	simm.s32 $0x180;
	[sflag:s29] =	ssyncadd.s32 $0xFFFFFF80  }
0x54: {  	[tilespmem:s30], [sflag:$0x1] =	stream.indirect.gather [hbm4b:s1+s23], $0x80, s3, s23, $0xb8;
	[tilespmem:$0x1C400] =	vst v63  }
.LBB2_4:
0x55: {  	s26 =	sadd.s32 $0xFFFFFE00, s24  }
0x56: {  	s30 =	sand.u32 $0x1, s3;
	_ =	swait.ge [sflag:s31], $0x4000;
	p0 =	seq.s32 s3, $0x0  }
0x57: {  	s9 =	sand.u32 $0x600, s26;
	s26 =	sshll.u32 s30, $0xE;
	[sflag:s31] =	ssyncset.done $0x0  }
0x58: {  	p1 =	seq.s32 @!p0 s3, $0x4F;
	s9 =	sshrl.u32 s9, $0x2;
	s30 =	sor.u32 $0x400, s26  }
0x59: {  	[sflag:s31] =	ssyncadd.s32 $0xFFFFC000;
	p1 =	por p0, !p1;
	s9 =	sor.u32 $0x200, s9  }
0x5a: {  	[spmem:s2] =	stream.indirect.scatter.add.f32 [tilespmem:s30], [sflag:$0x2], $0x80, s9, s23, $0xb8;
	[tilespmem:$0x1C400] =	vst v63  }
.Ltmp3:
0x5b: {  	_ = 	snop;
	(pc) =	sbr.rel @!p1 .LBB2_6-.Ltmp3, $4  }
0x5c: {  	s9 =	simm.s32 @!p0 $0x2  }
0x5d: {  	_ =	swait.ge @!p0 [sflag:s9], $0x4000  }
0x5e: {  	[sflag:s9] =	ssyncset.done @!p0 $0x0  }
0x5f: {  	[sflag:s9] =	ssyncadd.s32 @!p0 $0xFFFFC000  }
0x60: {  	_ =	swait.ge [sflag:s28], $0x80  }
0x61: {  	[sflag:s28] =	ssyncset.done $0x0  }
0x62: {  	[sflag:s28] =	ssyncadd.s32 $0xFFFFFF80  }
0x63: {  	_ =	swait.ge [sflag:s29], $0x80  }
0x64: {  	s9 =	sand.u32 $0x600, s24;
	s26 =	sxor.u32 $0x4400, s26;
	[sflag:s29] =	ssyncset.done $0x0  }
0x65: {  	p0 =	sgt.u32 s3, $0x4C;
	s9 =	sshrl.u32 s9, $0x2;
	[sflag:s29] =	ssyncadd.s32 $0xFFFFFF80  }
0x66: {  	[tilespmem:s26], [sflag:$0x1] =	stream.indirect.gather [hbm4b:s1+s23], $0x80, s9, s23, $0xb8;
	[tilespmem:$0x1C400] =	vst v63  }
0x67: {  	s9 =	sand.u32 @!p0 $0x7C00, s25  }
0x68: {  	s26 =	sand.u32 @!p0 $0x380, s25;
	s9 =	sadd.s32 @!p0 s7, s9  }
0x69: {  	s24 =	sadd.s32 $0x200, s24;
	s9 =	sor.u32 @!p0 s26, s9  }
.Ltmp4:
0x6a: {  	s3 =	sadd.s32 $0x1, s3;
	s9 =	sshrl.u32 @!p0 s9, $0x3;
	(pc) =	sbr.rel .LBB2_4-.Ltmp4, $4  }
0x6b: {  	s10 =	simm.s32 @!p0 $0x0;
	s26 =	sand.u32 @!p0 $0x180, s25;
	s30 =	sadd.s32 @!p0 s5, s9  }
0x6c: {  	[tilespmem:s26], [sflag:$0x3] =	stream.linear.gather @!p0 [hbm4b:s30+s10], $0x80, $0x38;
	[tilespmem:$0x1C400] =	vst v63  }
0x6d: {  	s25 =	sadd.s32 $0x80, s25;
	s9 =	sadd.s32 @!p0 s6, s9;
	s26 =	sor.u32 @!p0 $0x200, s26  }
0x6e: {  	[tilespmem:s26], [sflag:$0x4] =	stream.linear.gather @!p0 [hbm4b:s9+s10], $0x80, $0x38;
	[tilespmem:$0x1C400] =	vst v63  }
.LBB2_7:
0x6f: {  	_ =	sfence.sel $0x180000  }
0x70: {  	[bflag:$0x0] =	sbarrier.arrive $0xFFFF  }
0x71: {  	_ =	strace $0x9000004A  }
0x72: {  	s0 =	stileid.u32;
	[bflag:$0x2] =	sbarrier.arrive $0xFFFF  }
0x73: {  	p0 =	sne.s32 s0, $0x0;
	s0 =	rddreg [dreg:$0x3]  }
0x74: {  	s0 =	sadd.s32 @!p0 $0x100000, s0  }
0x75: {  	[sflag:s0] =	ssyncadd.tile.s32 @!p0 $0x1;
	_ =	shalt  }
.Lfunc_end2:
_tile_overlayer_lowered:
.L_overlay_start_2:
0x76: {  	(tag) =	ssettag $0x2  }
0x77: {  	s0 =	rddreg [dreg:$0x0];
	s2 =	stileid.u32  }
0x78: {  	s1 =	rddreg [dreg:$0x1];
	p0 =	sne.s32 s2, $0x0  }
0x79: {  	s3 =	rddreg [dreg:$0x2];
	[bflag:$0x3] =	sbarrier.arrive $0xFFFF;
	s2 =	simm.s32 @!p0 $0x1C05  }
0x7a: {  	[timem:s3], [sflag:s2] =	dma.local @!p0 [hbm:s0], s1  }
0x7b: {  	s0 =	simm.s32 @!p0 $0x5  }
0x7c: {  	_ =	swait.ge @!p0 [sflag:s0], s1  }
0x7d: {  	s1 =	ssub.s32 @!p0 $0x0, s1;
	[sflag:s0] =	ssyncset.done @!p0 $0x0  }
0x7e: {  	[sflag:s0] =	ssyncadd.s32 @!p0 s1  }
0x7f: {  	[bflag:$0x3] =	sbarrier.arrive $0xFFFF  }
0x80: {  	_ =	shalt  }

// kernel: kernel.16.cloned.1.call-start
scs
__scs_entry_jumppad:
0x0: {  	(pc) =	sbr.rel $0x88, $3  }
0x1: {  	(tag) =	ssettag $0x0;
	lr =	simm.s32 $0x1  }
0x2: {  	[smem:$0x3F99] =	sst lr;
	_ =	strace $0xD0000000  }
0x3: {  	_ = 	snop  }
0x4: {  	_ = 	snop  }
0x5: {  	_ = 	snop  }
0x6: {  	_ = 	snop  }
0x7: {  	_ = 	snop  }
__scs_overlays_trampoline_lowered:
0x8: {  	[smem:$0x3FA8] =	sst s0  }
0x9: {  	[smem:$0x3FA9] =	sst s1  }
0xa: {  	[smem:$0x3FAA] =	sst s2  }
0xb: {  	[smem:$0x3FAB] =	sst s3  }
0xc: {  	[smem:$0x3FAC] =	sst s4  }
0xd: {  	[smem:$0x3FAD] =	sst s5  }
0xe: {  	[smem:$0x3FAE] =	sst s6  }
0xf: {  	[smem:$0x3FAF] =	sst s7  }
0x10: {  	[smem:$0x3FB0] =	sst s8  }
0x11: {  	[smem:$0x3FB1] =	sst s9;
	s0 =	simm.s32 @!p0 $0x0  }
0x12: {  	s1 =	sld [smem:$0x3F97];
	s0 =	simm.s32 @p0 $0x1  }
0x13: {  	[smem:$0x3FB2] =	sst s0;
	s0 =	simm.s32 @!p1 $0x0  }
0x14: {  	s2 =	sld [smem:$0x3F96];
	s0 =	simm.s32 @p1 $0x1  }
0x15: {  	[smem:$0x3FB3] =	sst s0;
	s0 =	simm.s32 @!p2 $0x0  }
0x16: {  	s3 =	sld [smem:$0x3FDB];
	s0 =	simm.s32 @p2 $0x1  }
0x17: {  	s4 =	simm.s32 $0x1BF5;
	[smem:$0x3FB5] =	sst s0  }
0x18: {  	s0 =	sld [smem:$0x3F98];
	_ =	swait.ge [sflag:s4], $0x0  }
0x19: {  	s7 =	sld [smem:$0x3F99]  }
0x1a: {  	s8 =	sadd.s32 $0xFFFFE003, lr  }
0x1b: {  	s9 =	sadd.s32 $0xFFFFFEF7, lr;
	s5 =	simm.s32 $0xFFFFFFFF;
	p2 =	slt.u32 s8, $0xFFFFF086  }
0x1c: {  	p1 =	slt.u32 s9, $0xF7A;
	s5 =	simm.s32 @!p2 $0x0  }
0x1d: {  	s5 =	simm.s32 @p1 $0x1;
	p0 =	seq.s32 s7, s2  }
0x1e: {  	s7 =	smul.u32 @!p0 $0xF7A, s2;
	p2 =	seq.s32 @!p0 s5, $0x0  }
0x1f: {  	s9 =	smul.u32 $0xF7A, s1;
	s8 =	simm.s32 @!p0 $0x1BF5;
	p2 =	por !p2, p0  }
0x20: {  	[sflag:s8] =	ssyncset.s32 @!p0 $0xFFFFF086;
	s6 =	sadd.s32 @!p0 s3, s7;
	s7 =	simm.s32 @!p0 $0x108  }
0x21: {  	s3 =	sadd.s32 s3, s9;
	s6 =	sadd.s32 @!p0 $0x88, s6;
	s7 =	simm.s32 @p2 $0x1082  }
0x22: {  	[simem:s7], [sflag:s8] =	dma.local @!p0 [hbm:s6], $0xF7A  }
0x23: {  	s9 =	sor.u32 $0xD0000000, s2;
	s6 =	simm.s32 $0x108;
	_ =	swait.ge @!p0 [sflag:s8], $0x0  }
0x24: {  	s3 =	sadd.s32 $0x88, s3;
	s6 =	simm.s32 @!p1 $0x1082;
	[sflag:s4] =	ssyncset.s32 $0xFFFFF086  }
0x25: {  	[simem:s6], [sflag:s4] =	dma.local [hbm:s3], $0xF7A  }
0x26: {  	[smem:$0x3F99] =	sst s1;
	(tag) =	ssettag s2;
	_ =	strace s9  }
0x27: {  	s1 =	sld [smem:$0x3FA9]  }
0x28: {  	s2 =	sld [smem:$0x3FAA]  }
0x29: {  	s4 =	sld [smem:$0x3FAC]  }
0x2a: {  	p0 =	seq.s32 s5, $0x0;
	s5 =	sld [smem:$0x3FAD]  }
0x2b: {  	s6 =	sld [smem:$0x3FAE]  }
0x2c: {  	s7 =	sld [smem:$0x3FAF]  }
0x2d: {  	s3 =	simm.s32 $0x108;
	s8 =	sld [smem:$0x3FB0]  }
0x2e: {  	s3 =	simm.s32 @!p0 $0x1082;
	s9 =	sld [smem:$0x3FB1]  }
0x2f: {  	lr =	sadd.s32 s0, s3;
	s0 =	sld [smem:$0x3FA8]  }
0x30: {  	s3 =	sld [smem:$0x3FAB]  }
0x31: {  	[smem:$0x3FB4] =	sst s10  }
0x32: {  	s10 =	sld [smem:$0x3FB2];
	_ =	sdelay $0x3  }
0x33: {  	p0 =	seq.s32 s10, $0x1;
	s10 =	sld [smem:$0x3FB4];
	_ =	sdelay $0x3  }
0x34: {  	[smem:$0x3FB4] =	sst s10  }
0x35: {  	s10 =	sld [smem:$0x3FB3];
	_ =	sdelay $0x3  }
0x36: {  	p1 =	seq.s32 s10, $0x1;
	s10 =	sld [smem:$0x3FB4];
	_ =	sdelay $0x3  }
0x37: {  	[smem:$0x3FB4] =	sst s10  }
0x38: {  	s10 =	sld [smem:$0x3FB5]  }
0x39: {  	_ = 	snop;
	(pc) =	sbr.ind lr, $3  }
0x3a: {  	_ = 	snop  }
0x3b: {  	_ = 	snop  }
0x3c: {  	p2 =	seq.s32 s10, $0x1;
	s10 =	sld [smem:$0x3FB4]  }
0x3d: {  	_ =	shalt  }
0x3e: {  	_ =	shalt  }
0x3f: {  	_ =	shalt  }
0x40: {  	_ =	shalt  }
0x41: {  	_ =	shalt  }
0x42: {  	_ =	shalt  }
0x43: {  	_ =	shalt  }
0x44: {  	_ =	shalt  }
0x45: {  	_ =	shalt  }
0x46: {  	_ =	shalt  }
0x47: {  	_ =	shalt  }
0x48: {  	_ =	shalt  }
0x49: {  	_ =	shalt  }
0x4a: {  	_ =	shalt  }
0x4b: {  	_ =	shalt  }
0x4c: {  	_ =	shalt  }
0x4d: {  	_ =	shalt  }
0x4e: {  	_ =	shalt  }
0x4f: {  	_ =	shalt  }
0x50: {  	_ =	shalt  }
0x51: {  	_ =	shalt  }
0x52: {  	_ =	shalt  }
0x53: {  	_ =	shalt  }
0x54: {  	_ =	shalt  }
0x55: {  	_ =	shalt  }
0x56: {  	_ =	shalt  }
0x57: {  	_ =	shalt  }
0x58: {  	_ =	shalt  }
0x59: {  	_ =	shalt  }
0x5a: {  	_ =	shalt  }
0x5b: {  	_ =	shalt  }
0x5c: {  	_ =	shalt  }
0x5d: {  	_ =	shalt  }
0x5e: {  	_ =	shalt  }
0x5f: {  	_ =	shalt  }
0x60: {  	_ =	shalt  }
0x61: {  	_ =	shalt  }
0x62: {  	_ =	shalt  }
0x63: {  	_ =	shalt  }
0x64: {  	_ =	shalt  }
0x65: {  	_ =	shalt  }
0x66: {  	_ =	shalt  }
0x67: {  	_ =	shalt  }
0x68: {  	_ =	shalt  }
0x69: {  	_ =	shalt  }
0x6a: {  	_ =	shalt  }
0x6b: {  	_ =	shalt  }
0x6c: {  	_ =	shalt  }
0x6d: {  	_ =	shalt  }
0x6e: {  	_ =	shalt  }
0x6f: {  	_ =	shalt  }
0x70: {  	_ =	shalt  }
0x71: {  	_ =	shalt  }
0x72: {  	_ =	shalt  }
0x73: {  	_ =	shalt  }
0x74: {  	_ =	shalt  }
0x75: {  	_ =	shalt  }
0x76: {  	_ =	shalt  }
0x77: {  	_ =	shalt  }
0x78: {  	_ =	shalt  }
0x79: {  	_ =	shalt  }
0x7a: {  	_ =	shalt  }
0x7b: {  	_ =	shalt  }
0x7c: {  	_ =	shalt  }
0x7d: {  	_ =	shalt  }
0x7e: {  	_ =	shalt  }
0x7f: {  	_ =	shalt  }
0x80: {  	_ =	shalt  }
0x81: {  	_ =	shalt  }
0x82: {  	_ =	shalt  }
0x83: {  	_ =	shalt  }
0x84: {  	_ =	shalt  }
0x85: {  	_ =	shalt  }
0x86: {  	_ =	shalt  }
0x87: {  	_ =	shalt  }
.Lfunc_end0:
.L_simem_size_0:
called_computation.2_lowered:
.L_overlay_start_0:
0x88: {  	s2 =	sld [smem:$0x3FD9]  }
0x89: {  	s3 =	sld [smem:$0x3FFE];
	_ =	sdelay $0x1  }
0x8a: {  	s1 =	srdreg.scid  }
0x8b: {  	s0 =	sand.u32 $0x1, s1  }
0x8c: {  	s17 =	sshll.u32 s0, $0xA;
	s2 =	sadd.s32 s3, s2  }
0x8d: {  	s2 =	sadd.s32 s2, s17  }
0x8e: {  	[smem:$0x3FC0] =	sst s2  }
0x8f: {  	_ = 	snop  }
0x90: {  	s2 =	sld [smem:$0x3FD0];
	(tm) =	ssettm $0x1  }
0x91: {  	s18 =	sld [smem:$0x3FFB];
	_ =	sdelay $0x3  }
0x92: {  	_ =	strace s18  }
0x93: {  	s3 =	sld [smem:$0x3FFC];
	_ =	sdelay $0x3  }
0x94: {  	_ =	strace s3  }
0x95: {  	s3 =	sld [smem:$0x3FFD];
	_ =	sdelay $0x3  }
0x96: {  	_ =	strace s3  }
0x97: {  	_ =	strace $0x8FFFFFFF  }
0x98: {  	s19 =	sld [smem:$0x3FDB];
	_ =	sdelay $0x1  }
0x99: {  	s4 =	simm.s32 $_scs_section_size  }
0x9a: {  	s5 =	simm.s32 $_size__tile_overlayer_lowered;
	s6 =	simm.s32 $_tile_overlayer_lowered  }
0x9b: {  	s22 =	simm.s32 $0x1BFF;
	s21 =	sshll.u32 s6, $0x1;
	s3 =	sadd.s32 s4, s19  }
0x9c: {  	s7 =	simm.s32 $0x0;
	s20 =	sshll.u32 s5, $0x1;
	s5 =	sadd.s32 s21, s3  }
0x9d: {  	[timem:s7], [sflag:s22] =	dma.local [hbm:s5], s20  }
0x9e: {  	_ =	swait.ge [sflag:s22], s20  }
0x9f: {  	s4 =	ssub.s32 $0x0, s20;
	[sflag:s22] =	ssyncset.done $0x0  }
0xa0: {  	[sflag:s22] =	ssyncadd.s32 s4;
	_ =	sdelay $0x1  }
0xa1: {  	s23 =	simm.s32 $0x1B8B  }
0xa2: {  	_ =	swait.ge [sflag:s23], $0x1  }
0xa3: {  	[sflag:s23] =	ssyncset.done $0x0  }
0xa4: {  	s25 =	simm.s32 $0x1B8E;
	s24 =	sld [smem:$0x3FFE];
	[sflag:s23] =	ssyncadd.s32 $0xFFFFFFFF  }
0xa5: {  	s26 =	simm.s32 $execute0_lowered;
	[smem:$0x3FD2] =	sst s25  }
0xa6: {  	s5 =	sshll.u32 s26, $0x1;
	_ =	strace $0x8000004C;
	[dreg:$0x1] =	wrdreg $0xFFFFFFFF  }
0xa7: {  	s28 =	simm.s32 $_size_execute0_lowered;
	s3 =	sadd.s32 s3, s5;
	[dreg:$0x0] =	wrdreg $0x0  }
0xa8: {  	s5 =	sshll.u32 s28, $0x1;
	[dreg:$0x2] =	wrdreg s3  }
0xa9: {  	[dreg:$0x3] =	wrdreg s5  }
0xaa: {  	[dreg:$0x4] =	wrdreg $0xC0  }
0xab: {  	_ =	task [dreg:s7], $0x5FFFF  }
0xac: {  	[dreg:$0x1] =	wrdreg $0xFFFFFFFF  }
0xad: {  	[dreg:$0x0] =	wrdreg $0x60  }
0xae: {  	[dreg:$0x2] =	wrdreg s2  }
0xaf: {  	[dreg:$0x3] =	wrdreg s24  }
0xb0: {  	[dreg:$0x4] =	wrdreg $0x84000  }
0xb1: {  	[dreg:$0x5] =	wrdreg $0x9  }
0xb2: {  	_ =	task.clear_ibuf [dreg:s7], $0x6FFFF;
	_ =	strace $0x9000004C  }
0xb3: {  	s29 =	simm.s32 $0x9;
	_ =	strace $0x8000004E  }
0xb4: {  	_ =	swait.ge [sflag:s29], $0x1  }
0xb5: {  	[sflag:s29] =	ssyncadd.s32 $0xFFFFFFFF  }
0xb6: {  	_ =	strace $0x9000004E  }
0xb7: {  	_ =	sfence  }
0xb8: {  	s30 =	sld [smem:$0x0];
	_ =	sdelay $0x2  }
0xb9: {  	s31 =	sshll.u32 s1, $0xD;
	s1 =	sshrl.u32 s1, $0x2  }
0xba: {  	s3 =	sand.u32 $0x4000, s31;
	s1 =	sadd.s32 s1, s30  }
0xbb: {  	s0 =	sor.u32 s3, s0;
	s1 =	sshll.u32 s1, $0x11  }
0xbc: {  	s0 =	sor.u32 s1, s0  }
0xbd: {  	s0 =	sadd.s32 $0x8F2B, s0  }
0xbe: {  	[sflag:s0] =	ssyncadd.remote.s32 $0x1  }
0xbf: {  	_ =	sfence.sel $0xFFFF  }
0xc0: {  	[dreg:$0x0] =	wrdreg $0xFFFFFFFF;
	(pc) =	sbr.abs _section_cstart, $3  }
0xc1: {  	[dreg:$0x1] =	wrdreg $0xFFFFFFFF  }
0xc2: {  	_ =	task.clear_ibuf [dreg:s7], $0x2FFFF;
	_ =	strace $0x9FFFFFFF  }
0xc3: {  	(tm) =	ssettm $0x7FFFFFFF  }
tec
execute0_lowered:
.L_overlay_start_1:
0x0: {  	(tag) =	ssettag $0x1  }
0x1: {  	s1 =	rddreg [dreg:$0x0]  }
0x2: {  	s0 =	rddreg [dreg:$0x1]  }
0x3: {  	s2 =	rddreg [dreg:$0x2]  }
0x4: {  	s3 =	srdreg.scid;
	s10 =	stileid.u32  }
0x5: {  	s4 =	simm.s32 $0x0;
	s21 =	simm.s32 $0x4400;
	s7 =	smul.u32 $0x14000, s10  }
0x6: {  	s22 =	simm.s32 $0x5;
	s23 =	simm.s32 $0x80;
	s9 =	smul.u32 $0x2800, s10  }
0x7: {  	s28 =	simm.s32 $0x3;
	s3 =	sand.u32 $0x1, s3;
	s10 =	smul.u32 $0x50000, s10  }
0x8: {  	s29 =	simm.s32 $0x4;
	s31 =	simm.s32 $0x1;
	s6 =	smul.u32 $0x140000, s3  }
0x9: {  	[smem:$0x7FF] =	sst s4;
	s8 =	smul.u32 $0x28000, s3;
	s3 =	ssub.s32 $0x2, s3  }
0xa: {  	s5 =	sadd.s32 $0xCA00, s0;
	_ =	strace $0x8000004D;
	s24 =	sshrl.u32 s3, $0x1  }
0xb: {  	s25 =	sshrl.u32 s10, $0x2;
	s7 =	sadd.s32 s7, s6;
	s3 =	ssub.s32 s3, s24  }
0xc: {  	s6 =	sadd.s32 $0x2A00, s0;
	s7 =	sshrl.u32 s7, $0x3;
	s16 =	smax.u32 s3, $0x1  }
0xd: {  	s0 =	sadd.s32 s7, s0;
	s7 =	sadd.s32 s9, s8;
	s8 =	sadd.s32 s25, s2  }
0xe: {  	s11 =	sshrl.u32 s7, $0x3;
	s15 =	sadd.s32 $0x16A00, s0;
	s17 =	sadd.s32 $0x4000, s8  }
.Ltmp0:
0xf: {  	s18 =	sadd.s32 $0x8000, s8;
	s19 =	sadd.s32 $0xC000, s8;
	(pc) =	sbr.rel .LBB2_1-.Ltmp0, $4  }
0x10: {  	s20 =	sadd.s32 $0x10000, s8;
	s0 =	simm.s32 $0x2;
	s26 =	sadd.s32 s5, s11  }
0x11: {  	s30 =	sadd.s32 s6, s11;
	s12 =	sor.u32 $0x10, s11;
	[dreg:$0x4] =	wrdreg s26  }
0x12: {  	s14 =	sor.u32 $0x20, s11;
	[dreg:$0x5] =	wrdreg s30;
	s11 =	sadd.s32 s5, s12  }
0x13: {  	v0 =	vimm.f32 $0.0e+00;
	s12 =	sadd.s32 s6, s12;
	s13 =	sadd.s32 s5, s14;
	s14 =	sadd.s32 s6, s14  }
.LBB2_6:
0x14: {  	_ =	swait.ge [sflag:s0], $0x4000;
	s3 =	stileid.u32  }
0x15: {  	s9 =	sshrl.u32 s8, $0x3;
	s4 =	sadd.s32 $0x1, s4;
	[sflag:s0] =	ssyncset.done $0x0  }
0x16: {  	s3 =	sshll.u32 s3, $0x6;
	p0 =	sne.s32 s4, s16;
	[sflag:s0] =	ssyncadd.s32 $0xFFFFC000  }
.Ltmp1:
0x17: {  	s3 =	sor.u32 $0x1C05, s3;
	[bflag:$0x0] =	sbarrier.arrive $0xFFFF;
	(pc) =	sbr.rel @!p0 .LBB2_7-.Ltmp1, $4  }
0x18: {  	[hbm:s15], [sflag:s3] =	dma.local [spmem:s9], $0x2800  }
0x19: {  	_ =	swait.ge [sflag:s22], $0x2800  }
0x1a: {  	[sflag:s22] =	ssyncset.done $0x0  }
0x1b: {  	[sflag:s22] =	ssyncadd.s32 $0xFFFFD800  }
.LBB2_1:
0x1c: {  	s3 =	simm.s32 $0x0;
	s24 =	simm.s32 $0x200  }
.LBB2_2:
0x1d: {  	p0 =	sne.s32 s24, $0xFE00;
	[tilespmem:s3+$0x4470] =	vst v0  }
0x1e: {  	[tilespmem:s3+$0x4400] =	vst v0  }
0x1f: {  	[tilespmem:s3+$0x4410] =	vst v0  }
.Ltmp2:
0x20: {  	[tilespmem:s3+$0x4420] =	vst v0;
	(pc) =	sbr.rel @p0 .LBB2_2-.Ltmp2, $4  }
0x21: {  	[tilespmem:s3+$0x4430] =	vst v0  }
0x22: {  	[tilespmem:s3+$0x4440] =	vst v0  }
0x23: {  	[tilespmem:s3+$0x4450] =	vst v0  }
0x24: {  	[tilespmem:s3+$0x4460] =	vst v0;
	s3 =	sshra.s32 s24, $0x2;
	s24 =	sadd.s32 $0x200, s24  }
0x25: {  	[tilespmem:s3+$0x4470] =	vst v0  }
0x26: {  	[tilespmem:s3+$0x4400] =	vst v0  }
0x27: {  	[tilespmem:s3+$0x4410] =	vst v0  }
0x28: {  	[tilespmem:s3+$0x4420] =	vst v0  }
0x29: {  	[tilespmem:s3+$0x4430] =	vst v0  }
0x2a: {  	[tilespmem:s3+$0x4440] =	vst v0  }
0x2b: {  	[tilespmem:s3+$0x4450] =	vst v0  }
0x2c: {  	[tilespmem:s3+$0x4460] =	vst v0  }
0x2d: {  	[spmem:s8] =	stream.linear.scatter [tilespmem:s21], [sflag:$0x5], $0x4000, $0x38;
	[tilespmem:$0x1C400] =	vst v63  }
0x2e: {  	_ =	swait.ge [sflag:s22], $0x4000  }
0x2f: {  	[sflag:s22] =	ssyncset.done $0x0  }
0x30: {  	[sflag:s22] =	ssyncadd.s32 $0xFFFFC000  }
0x31: {  	[spmem:s17] =	stream.linear.scatter [tilespmem:s21], [sflag:$0x5], $0x4000, $0x38;
	[tilespmem:$0x1C400] =	vst v63  }
0x32: {  	_ =	swait.ge [sflag:s22], $0x4000  }
0x33: {  	[sflag:s22] =	ssyncset.done $0x0  }
0x34: {  	[sflag:s22] =	ssyncadd.s32 $0xFFFFC000  }
0x35: {  	[spmem:s18] =	stream.linear.scatter [tilespmem:s21], [sflag:$0x5], $0x4000, $0x38;
	[tilespmem:$0x1C400] =	vst v63  }
0x36: {  	_ =	swait.ge [sflag:s22], $0x4000  }
0x37: {  	[sflag:s22] =	ssyncset.done $0x0  }
0x38: {  	[sflag:s22] =	ssyncadd.s32 $0xFFFFC000  }
0x39: {  	[spmem:s19] =	stream.linear.scatter [tilespmem:s21], [sflag:$0x5], $0x4000, $0x38;
	[tilespmem:$0x1C400] =	vst v63  }
0x3a: {  	_ =	swait.ge [sflag:s22], $0x4000  }
0x3b: {  	[sflag:s22] =	ssyncset.done $0x0  }
0x3c: {  	[sflag:s22] =	ssyncadd.s32 $0xFFFFC000  }
0x3d: {  	[spmem:s20] =	stream.linear.scatter [tilespmem:s21], [sflag:$0x5], $0x4000, $0x38;
	[tilespmem:$0x1C400] =	vst v63  }
0x3e: {  	_ =	swait.ge [sflag:s22], $0x4000  }
0x3f: {  	[sflag:s22] =	ssyncset.done $0x0  }
0x40: {  	[sflag:s22] =	ssyncadd.s32 $0xFFFFC000  }
0x41: {  	[bflag:$0x0] =	sbarrier.arrive $0xFFFF  }
0x42: {  	s3 =	simm.s32 $0x0;
	s9 =	rddreg [dreg:$0x4]  }
0x43: {  	[tilespmem:s3], [sflag:$0x3] =	stream.linear.gather [hbm4b:s9+s3], $0x80, $0x38;
	[tilespmem:$0x1C400] =	vst v63  }
0x44: {  	s24 =	simm.s32 $0x200;
	s30 =	rddreg [dreg:$0x5]  }
0x45: {  	[tilespmem:s24], [sflag:$0x4] =	stream.linear.gather [hbm4b:s30+s3], $0x80, $0x38;
	[tilespmem:$0x1C400] =	vst v63  }
0x46: {  	_ = 	snop  }
0x47: {  	[tilespmem:s23], [sflag:$0x3] =	stream.linear.gather [hbm4b:s11+s3], $0x80, $0x38;
	[tilespmem:$0x1C400] =	vst v63  }
0x48: {  	s10 =	simm.s32 $0x280  }
0x49: {  	[tilespmem:s10], [sflag:$0x4] =	stream.linear.gather [hbm4b:s12+s3], $0x80, $0x38;
	[tilespmem:$0x1C400] =	vst v63  }
0x4a: {  	s25 =	simm.s32 $0x100  }
0x4b: {  	[tilespmem:s25], [sflag:$0x3] =	stream.linear.gather [hbm4b:s13+s3], $0x80, $0x38;
	[tilespmem:$0x1C400] =	vst v63  }
0x4c: {  	s26 =	simm.s32 $0x300  }
0x4d: {  	[tilespmem:s26], [sflag:$0x4] =	stream.linear.gather [hbm4b:s14+s3], $0x80, $0x38;
	[tilespmem:$0x1C400] =	vst v63  }
0x4e: {  	_ =	swait.ge [sflag:s28], $0x80  }
0x4f: {  	[sflag:s28] =	ssyncset.done $0x0  }
0x50: {  	[sflag:s28] =	ssyncadd.s32 $0xFFFFFF80  }
0x51: {  	_ =	swait.ge [sflag:s29], $0x80  }
0x52: {  	[sflag:s29] =	ssyncset.done $0x0  }
0x53: {  	s30 =	simm.s32 $0x400;
	s25 =	simm.s32 $0x180;
	[sflag:s29] =	ssyncadd.s32 $0xFFFFFF80  }
0x54: {  	[tilespmem:s30], [sflag:$0x1] =	stream.indirect.gather [hbm4b:s1+s23], $0x80, s3, s23, $0xb8;
	[tilespmem:$0x1C400] =	vst v63  }
.LBB2_4:
0x55: {  	s26 =	sadd.s32 $0xFFFFFE00, s24  }
0x56: {  	s30 =	sand.u32 $0x1, s3;
	_ =	swait.ge [sflag:s31], $0x4000;
	p0 =	seq.s32 s3, $0x0  }
0x57: {  	s9 =	sand.u32 $0x600, s26;
	s26 =	sshll.u32 s30, $0xE;
	[sflag:s31] =	ssyncset.done $0x0  }
0x58: {  	p1 =	seq.s32 @!p0 s3, $0x4F;
	s9 =	sshrl.u32 s9, $0x2;
	s30 =	sor.u32 $0x400, s26  }
0x59: {  	[sflag:s31] =	ssyncadd.s32 $0xFFFFC000;
	p1 =	por p0, !p1;
	s9 =	sor.u32 $0x200, s9  }
0x5a: {  	[spmem:s2] =	stream.indirect.scatter.add.f32 [tilespmem:s30], [sflag:$0x2], $0x80, s9, s23, $0xb8;
	[tilespmem:$0x1C400] =	vst v63  }
.Ltmp3:
0x5b: {  	_ = 	snop;
	(pc) =	sbr.rel @!p1 .LBB2_6-.Ltmp3, $4  }
0x5c: {  	s9 =	simm.s32 @!p0 $0x2  }
0x5d: {  	_ =	swait.ge @!p0 [sflag:s9], $0x4000  }
0x5e: {  	[sflag:s9] =	ssyncset.done @!p0 $0x0  }
0x5f: {  	[sflag:s9] =	ssyncadd.s32 @!p0 $0xFFFFC000  }
0x60: {  	_ =	swait.ge [sflag:s28], $0x80  }
0x61: {  	[sflag:s28] =	ssyncset.done $0x0  }
0x62: {  	[sflag:s28] =	ssyncadd.s32 $0xFFFFFF80  }
0x63: {  	_ =	swait.ge [sflag:s29], $0x80  }
0x64: {  	s9 =	sand.u32 $0x600, s24;
	s26 =	sxor.u32 $0x4400, s26;
	[sflag:s29] =	ssyncset.done $0x0  }
0x65: {  	p0 =	sgt.u32 s3, $0x4C;
	s9 =	sshrl.u32 s9, $0x2;
	[sflag:s29] =	ssyncadd.s32 $0xFFFFFF80  }
0x66: {  	[tilespmem:s26], [sflag:$0x1] =	stream.indirect.gather [hbm4b:s1+s23], $0x80, s9, s23, $0xb8;
	[tilespmem:$0x1C400] =	vst v63  }
0x67: {  	s9 =	sand.u32 @!p0 $0x7C00, s25  }
0x68: {  	s26 =	sand.u32 @!p0 $0x380, s25;
	s9 =	sadd.s32 @!p0 s7, s9  }
0x69: {  	s24 =	sadd.s32 $0x200, s24;
	s9 =	sor.u32 @!p0 s26, s9  }
.Ltmp4:
0x6a: {  	s3 =	sadd.s32 $0x1, s3;
	s9 =	sshrl.u32 @!p0 s9, $0x3;
	(pc) =	sbr.rel .LBB2_4-.Ltmp4, $4  }
0x6b: {  	s10 =	simm.s32 @!p0 $0x0;
	s26 =	sand.u32 @!p0 $0x180, s25;
	s30 =	sadd.s32 @!p0 s5, s9  }
0x6c: {  	[tilespmem:s26], [sflag:$0x3] =	stream.linear.gather @!p0 [hbm4b:s30+s10], $0x80, $0x38;
	[tilespmem:$0x1C400] =	vst v63  }
0x6d: {  	s25 =	sadd.s32 $0x80, s25;
	s9 =	sadd.s32 @!p0 s6, s9;
	s26 =	sor.u32 @!p0 $0x200, s26  }
0x6e: {  	[tilespmem:s26], [sflag:$0x4] =	stream.linear.gather @!p0 [hbm4b:s9+s10], $0x80, $0x38;
	[tilespmem:$0x1C400] =	vst v63  }
.LBB2_7:
0x6f: {  	_ =	sfence.sel $0x180000  }
0x70: {  	[bflag:$0x0] =	sbarrier.arrive $0xFFFF  }
0x71: {  	_ =	strace $0x9000004D  }
0x72: {  	s0 =	stileid.u32;
	[bflag:$0x2] =	sbarrier.arrive $0xFFFF  }
0x73: {  	p0 =	sne.s32 s0, $0x0;
	s0 =	rddreg [dreg:$0x3]  }
0x74: {  	s0 =	sadd.s32 @!p0 $0x100000, s0  }
0x75: {  	[sflag:s0] =	ssyncadd.tile.s32 @!p0 $0x1;
	_ =	shalt  }
.Lfunc_end2:
_tile_overlayer_lowered:
.L_overlay_start_2:
0x76: {  	(tag) =	ssettag $0x2  }
0x77: {  	s0 =	rddreg [dreg:$0x0];
	s2 =	stileid.u32  }
0x78: {  	s1 =	rddreg [dreg:$0x1];
	p0 =	sne.s32 s2, $0x0  }
0x79: {  	s3 =	rddreg [dreg:$0x2];
	[bflag:$0x3] =	sbarrier.arrive $0xFFFF;
	s2 =	simm.s32 @!p0 $0x1C05  }
0x7a: {  	[timem:s3], [sflag:s2] =	dma.local @!p0 [hbm:s0], s1  }
0x7b: {  	s0 =	simm.s32 @!p0 $0x5  }
0x7c: {  	_ =	swait.ge @!p0 [sflag:s0], s1  }
0x7d: {  	s1 =	ssub.s32 @!p0 $0x0, s1;
	[sflag:s0] =	ssyncset.done @!p0 $0x0  }
0x7e: {  	[sflag:s0] =	ssyncadd.s32 @!p0 s1  }
0x7f: {  	[bflag:$0x3] =	sbarrier.arrive $0xFFFF  }
0x80: {  	_ =	shalt  }

</sc_bundles>
